<compile_context>
chip_gen: v7x
topology: tpu7x:2x2x1
jax: 0.10.2.dev20260603
libtpu: 0.0.44.dev20260713+nightly
codegen_flags: <defaults>
</compile_context>

<pallas_src>
import functools

import jax
import jax.numpy as jnp
from jax import lax
from jax.experimental import pallas as pl
from jax.experimental.pallas import tpu as pltpu
from jax.experimental.pallas import tpu_sc as plsc

N = 10000
NP = 10240
E = 320000
DF = 128
DH = 16
NCLS = 40

NC = 2
NS = 16
NT = NC * NS
BW = 128
NB = 80
EP = NT * NB * BW
STRIPE = NP // NS

_MESH = plsc.VectorSubcoreMesh(core_axis_name="c", subcore_axis_name="s")


def _splat16(v, lane):
    idx = jnp.full((16, 1), lane, jnp.int32)
    dn = lax.GatherDimensionNumbers(
        offset_dims=(), collapsed_slice_dims=(0,), start_index_map=(0,))
    return lax.gather(v, idx, dn, (1,),
                      mode=lax.GatherScatterMode.PROMISE_IN_BOUNDS)


def _zero_rows(ref, nrows):
    def body(i, _):
        ref[i, :] = jnp.zeros((DH,), jnp.float32)
        return 0
    lax.fori_loop(0, nrows, body, 0)


def _agg_loop(row2d, col2d, norm2d, tbl_h, acc_sh, gbufs, sbufs, gsems, ssems):
    for j in range(3):
        pltpu.async_copy(tbl_h.at[row2d.at[j]], gbufs[j], gsems[j])

    def body(j4, _):
        for b in range(4):
            j = j4 * 4 + b
            gb, gs = gbufs[b], gsems[b]
            sb, ss = sbufs[b], ssems[b]
            pltpu.make_async_copy(tbl_h.at[row2d.at[j]], gb, gs).wait()
            nb = (b + 3) % 4
            if b == 0:
                pltpu.async_copy(tbl_h.at[row2d.at[j + 3]], gbufs[nb], gsems[nb])
            else:
                @pl.when(j4 < NB // 4 - 1)
                def _():
                    pltpu.async_copy(tbl_h.at[row2d.at[j + 3]],
                                     gbufs[nb], gsems[nb])
            @pl.when(j4 >= 1)
            def _():
                pltpu.make_async_copy(sb, acc_sh.at[col2d.at[j]], ss).wait()

            def scale(k, _2):
                nv = norm2d[j, pl.ds(k * 16, 16)]
                for l in range(16):
                    m = k * 16 + l
                    sb[m, :] = gb[m, :] * nv[l]
                return 0
            lax.fori_loop(0, BW // 16, scale, 0)

            pltpu.async_copy(sb, acc_sh.at[col2d.at[j]], ss, add=True)
        return 0

    lax.fori_loop(0, NB // 4, body, 0)
    for j in range(NB - 4, NB):
        b = j % 4
        pltpu.make_async_copy(sbufs[b], acc_sh.at[col2d.at[j]], ssems[b]).wait()


@functools.partial(
    pl.kernel,
    out_type=(
        jax.ShapeDtypeStruct((NC, NP, DH), jnp.float32),
        jax.ShapeDtypeStruct((NP // 16, 16), jnp.float32),
        jax.ShapeDtypeStruct((NT, NB, BW), jnp.float32),
    ),
    mesh=_MESH,
    compiler_params=pltpu.CompilerParams(needs_layout_passes=False, use_tc_tiling_on_sc=False),
    scratch_types=[
        pltpu.VMEM_SHARED((NP, DH), jnp.float32),
        pltpu.VMEM_SHARED((NP, DH), jnp.float32),
        pltpu.VMEM_SHARED((NP // 16, 16), jnp.float32),
        pltpu.VMEM_SHARED((NP // 16, 16), jnp.float32),
        pltpu.VMEM((NB, BW), jnp.int32),
        pltpu.VMEM((NB, BW), jnp.int32),
        pltpu.VMEM((NB, BW), jnp.float32),
        pltpu.VMEM((8, BW), jnp.int32),
        pltpu.VMEM((8, BW), jnp.float32),
        pltpu.VMEM((STRIPE // 16, 16), jnp.float32),
        pltpu.VMEM((NP // 16, 16), jnp.float32),
        pltpu.VMEM((5, BW), jnp.int32),
        pltpu.VMEM((BW, DH), jnp.float32),
        pltpu.VMEM((BW, DH), jnp.float32),
        pltpu.VMEM((BW, DH), jnp.float32),
        pltpu.VMEM((BW, DH), jnp.float32),
        pltpu.VMEM((BW, DH), jnp.float32),
        pltpu.VMEM((BW, DH), jnp.float32),
        pltpu.VMEM((BW, DH), jnp.float32),
        pltpu.VMEM((BW, DH), jnp.float32),
        pltpu.SemaphoreType.DMA,
        pltpu.SemaphoreType.DMA,
        pltpu.SemaphoreType.DMA,
        pltpu.SemaphoreType.DMA,
        pltpu.SemaphoreType.DMA,
        pltpu.SemaphoreType.DMA,
        pltpu.SemaphoreType.DMA,
        pltpu.SemaphoreType.DMA,
        pltpu.SemaphoreType.DMA,
    ],
)
def _sc_layer1(row_h, col_h, ew_h, h0_h, p_h, dis_h, norm_h,
               acc_sh, h_sh, deg_sh, dis_sh,
               row2d, col2d, ew2d, col_w, ew_w,
               degb, disf, idb, gb0, gb1, gb2, gb3, sb0, sb1, sb2, sb3,
               gsem0, gsem1, gsem2, gsem3, ssem0, ssem1, ssem2, ssem3,
               hsem):
    c = lax.axis_index("c")
    s = lax.axis_index("s")
    wid = s * 2 + c
    owid = s * 2 + (1 - c)
    st = s * STRIPE

    pltpu.sync_copy(row_h.at[wid], row2d)
    pltpu.sync_copy(col_h.at[wid], col2d)
    pltpu.sync_copy(ew_h.at[wid], ew2d)
    pltpu.sync_copy(h0_h.at[pl.ds(st, STRIPE)], h_sh.at[pl.ds(st, STRIPE)])
    _zero_rows(gb0, BW)
    for k in range(STRIPE // BW):
        pltpu.sync_copy(gb0, acc_sh.at[pl.ds(st + k * BW, BW)])
    def ones(i, _):
        degb[i, :] = jnp.full((16,), 1.0, jnp.float32)
        return 0
    lax.fori_loop(0, STRIPE // 16, ones, 0)
    pltpu.sync_copy(degb, deg_sh.at[pl.ds(s * (STRIPE // 16), STRIPE // 16)])
    def idz(g, _):
        def inner(k, _2):
            idb[g, pl.ds(k * 16, 16)] = (
                lax.iota(jnp.int32, 16) + (g * BW + k * 16))
            return 0
        lax.fori_loop(0, BW // 16, inner, 0)
        return 0
    lax.fori_loop(0, 5, idz, 0)
    def hz(i, _):
        disf[i, :] = jnp.zeros((16,), jnp.float32)
        return 0
    lax.fori_loop(0, NP // 16, hz, 0)
    plsc.subcore_barrier()

    def hist_mine(j, _):
        def inner(k, _2):
            sl = pl.ds(k * 16, 16)
            idx = col2d[j, sl]
            plsc.addupdate_scatter(disf, [idx >> 4, idx & 15], ew2d[j, sl])
            return 0
        lax.fori_loop(0, BW // 16, inner, 0)
        return 0
    lax.fori_loop(0, NB, hist_mine, 0)

    def hist_part(o, _):
        pltpu.sync_copy(col_h.at[owid].at[pl.ds(o * 8, 8)], col_w)
        pltpu.sync_copy(ew_h.at[owid].at[pl.ds(o * 8, 8)], ew_w)
        def win(i, _2):
            def inner(k, _3):
                sl = pl.ds(k * 16, 16)
                idx = col_w[i, sl]
                plsc.addupdate_scatter(disf, [idx >> 4, idx & 15],
                                       ew_w[i, sl])
                return 0
            lax.fori_loop(0, BW // 16, inner, 0)
            return 0
        lax.fori_loop(0, 8, win, 0)
        return 0
    lax.fori_loop(0, NB // 8, hist_part, 0)
    for g in range(5):
        pltpu.async_copy(disf.at[pl.ds(g * BW, BW)], deg_sh.at[idb.at[g]],
                         hsem, add=True)
    for g in range(5):
        pltpu.make_async_copy(disf.at[pl.ds(g * BW, BW)],
                              deg_sh.at[idb.at[g]], hsem).wait()
    plsc.subcore_barrier()

    nst = s * (STRIPE // 16)
    pltpu.sync_copy(deg_sh.at[pl.ds(nst, STRIPE // 16)], degb)

    def newton(v, _):
        dv = degb[v, :]
        bits = lax.bitcast_convert_type(dv, jnp.int32)
        y = lax.bitcast_convert_type(
            jnp.full((16,), 0x5F3759DF, jnp.int32) - (bits >> 1), jnp.float32)
        half = dv * 0.5
        for _i in range(4):
            y = y * (1.5 - half * y * y)
        degb[v, :] = y
        return 0
    lax.fori_loop(0, STRIPE // 16, newton, 0)
    pltpu.sync_copy(degb, dis_sh.at[pl.ds(nst, STRIPE // 16)])

    @pl.when(c == 0)
    def _():
        pltpu.sync_copy(degb, dis_h.at[pl.ds(nst, STRIPE // 16)])
    plsc.subcore_barrier()

    pltpu.sync_copy(dis_sh, disf)

    def nrm(j, _):
        def inner(k, _2):
            sl = pl.ds(k * 16, 16)
            r = row2d[j, sl]
            cc = col2d[j, sl]
            dr = plsc.load_gather(disf, [r >> 4, r & 15])
            dc = plsc.load_gather(disf, [cc >> 4, cc & 15])
            ew2d[j, sl] = dr * ew2d[j, sl] * dc
            return 0
        lax.fori_loop(0, BW // 16, inner, 0)
        return 0
    lax.fori_loop(0, NB, nrm, 0)
    pltpu.sync_copy(ew2d, norm_h.at[wid])

    _agg_loop(row2d, col2d, ew2d, h_sh, acc_sh,
              (gb0, gb1, gb2, gb3), (sb0, sb1, sb2, sb3),
              (gsem0, gsem1, gsem2, gsem3), (ssem0, ssem1, ssem2, ssem3))
    plsc.subcore_barrier()
    pltpu.sync_copy(acc_sh.at[pl.ds(st, STRIPE)],
                    p_h.at[c].at[pl.ds(st, STRIPE)])


@functools.partial(
    pl.kernel,
    out_type=jax.ShapeDtypeStruct((NC, NP, DH), jnp.float32),
    mesh=_MESH,
    compiler_params=pltpu.CompilerParams(needs_layout_passes=False, use_tc_tiling_on_sc=False),
    scratch_types=[
        pltpu.VMEM_SHARED((NP, DH), jnp.float32),
        pltpu.VMEM_SHARED((NP, DH), jnp.float32),
        pltpu.VMEM((NB, BW), jnp.int32),
        pltpu.VMEM((NB, BW), jnp.int32),
        pltpu.VMEM((NB, BW), jnp.float32),
        pltpu.VMEM((BW, DH), jnp.float32),
        pltpu.VMEM((BW, DH), jnp.float32),
        pltpu.VMEM((BW, DH), jnp.float32),
        pltpu.VMEM((BW, DH), jnp.float32),
        pltpu.VMEM((BW, DH), jnp.float32),
        pltpu.VMEM((BW, DH), jnp.float32),
        pltpu.VMEM((BW, DH), jnp.float32),
        pltpu.VMEM((BW, DH), jnp.float32),
        pltpu.SemaphoreType.DMA,
        pltpu.SemaphoreType.DMA,
        pltpu.SemaphoreType.DMA,
        pltpu.SemaphoreType.DMA,
        pltpu.SemaphoreType.DMA,
        pltpu.SemaphoreType.DMA,
        pltpu.SemaphoreType.DMA,
        pltpu.SemaphoreType.DMA,
        pltpu.SemaphoreType.DMA,
    ],
)
def _sc_layer2(row_h, col_h, norm_h, h1_h, q_h,
               acc_sh, h_sh, row2d, col2d, norm2d,
               gb0, gb1, gb2, gb3, sb0, sb1, sb2, sb3,
               gsem0, gsem1, gsem2, gsem3, ssem0, ssem1, ssem2, ssem3,
               hsem):
    c = lax.axis_index("c")
    s = lax.axis_index("s")
    wid = s * 2 + c
    st = s * STRIPE

    pltpu.sync_copy(row_h.at[wid], row2d)
    pltpu.sync_copy(col_h.at[wid], col2d)
    pltpu.sync_copy(norm_h.at[wid], norm2d)
    pltpu.sync_copy(h1_h.at[pl.ds(st, STRIPE)], h_sh.at[pl.ds(st, STRIPE)])
    _zero_rows(gb0, BW)
    for k in range(STRIPE // BW):
        pltpu.sync_copy(gb0, acc_sh.at[pl.ds(st + k * BW, BW)])
    plsc.subcore_barrier()

    _agg_loop(row2d, col2d, norm2d, h_sh, acc_sh,
              (gb0, gb1, gb2, gb3), (sb0, sb1, sb2, sb3),
              (gsem0, gsem1, gsem2, gsem3), (ssem0, ssem1, ssem2, ssem3))
    plsc.subcore_barrier()
    pltpu.sync_copy(acc_sh.at[pl.ds(st, STRIPE)],
                    q_h.at[c].at[pl.ds(st, STRIPE)])


def _mm_body(x_ref, w_ref, o_ref):
    o_ref[...] = jnp.dot(x_ref[...], w_ref[...],
                         preferred_element_type=jnp.float32)


_tc_matmul = pl.pallas_call(
    _mm_body,
    out_shape=jax.ShapeDtypeStruct((NP, DH), jnp.float32),
)


def _comb_body(p_ref, dis_ref, h0_ref, o_ref):
    d2 = dis_ref[...] * dis_ref[...]
    o_ref[...] = p_ref[0] + p_ref[1] + d2 * h0_ref[...]


_tc_combine = pl.pallas_call(
    _comb_body,
    out_shape=jax.ShapeDtypeStruct((NP, DH), jnp.float32),
)


def _final_body(q_ref, h1_ref, dis_ref, w2_ref, o_ref):
    d2 = dis_ref[...] * dis_ref[...]
    h2 = q_ref[0] + q_ref[1] + d2 * h1_ref[...]
    logits = jnp.dot(h2, w2_ref[...], preferred_element_type=jnp.float32)
    m = jnp.max(logits, axis=-1, keepdims=True)
    sh = logits - m
    lse = jnp.log(jnp.sum(jnp.exp(sh), axis=-1, keepdims=True))
    o_ref[...] = sh - lse


_tc_final = pl.pallas_call(
    _final_body,
    out_shape=jax.ShapeDtypeStruct((NP, NCLS), jnp.float32),
)


def kernel(x, edge_index, edge_weight, W1, W2):
    row = edge_index[0].astype(jnp.int32)
    col = edge_index[1].astype(jnp.int32)
    pad = EP - E
    rowp = jnp.concatenate([row, jnp.zeros((pad,), jnp.int32)]).reshape(NT, NB, BW)
    colp = jnp.concatenate([col, jnp.zeros((pad,), jnp.int32)]).reshape(NT, NB, BW)
    ewp = jnp.concatenate(
        [edge_weight.astype(jnp.float32), jnp.zeros((pad,), jnp.float32)]
    ).reshape(NT, NB, BW)
    xp = jnp.pad(x.astype(jnp.float32), ((0, NP - N), (0, 0)))

    h0 = _tc_matmul(xp, W1)
    p, dis, normv = _sc_layer1(rowp, colp, ewp, h0)
    dis2d = dis.reshape(NP, 1)
    h1 = _tc_combine(p, dis2d, h0)
    q = _sc_layer2(rowp, colp, normv, h1)
    out = _tc_final(q, h1, dis2d, W2)
    return out[:N]

# --- scband reference (transcript-rebuilt; emitter-appended) ---
"""Pipeline reference for scband-sgcnet-40020505264386 (READ-ONLY COPY).

The authoritative reference and input builder live on the scoring server;
editing this copy changes nothing except your own understanding.
"""

import jax, jax.numpy as jnp
import numpy as np

N_NODES = 10000
N_EDGES = 320000
D_FEAT = 128
D_HID = 16
N_CLASSES = 40


def glorot(key, shape):
    fan_in, fan_out = shape[0], shape[1]
    limit = jnp.sqrt(6.0 / (fan_in + fan_out))
    return jax.random.uniform(key, shape, jnp.float32, -limit, limit)


def setup_inputs(seed: int = 0) -> dict:
    key = jax.random.key(seed)
    k1, k2, k3, k4, k5 = jax.random.split(key, 5)
    x = jax.random.normal(k1, (N_NODES, D_FEAT), dtype=jnp.float32)
    edge_index = jax.random.randint(k2, (2, N_EDGES), 0, N_NODES, dtype=jnp.int64 if jax.config.jax_enable_x64 else jnp.int32).astype(jnp.int32)
    edge_weight = jax.random.uniform(k3, (N_EDGES,), dtype=jnp.float32)
    W1 = glorot(k4, (D_FEAT, D_HID))
    W2 = glorot(k5, (D_HID, N_CLASSES))
    return {"x": x, "edge_index": edge_index, "edge_weight": edge_weight, "W1": W1, "W2": W2}


def _sgc_layer(x, edge_index, edge_weight, W):
    # SGConv with K=1, add_self_loops=True, bias=False:
    # x' = D^{-1/2} (A + I) D^{-1/2} x, then linear projection.
    N = x.shape[0]
    row = edge_index[0]
    col = edge_index[1]
    loop = jnp.arange(N, dtype=row.dtype)
    row = jnp.concatenate([row, loop])
    col = jnp.concatenate([col, loop])
    ew = jnp.concatenate([edge_weight, jnp.ones((N,), dtype=edge_weight.dtype)])
    # GCN normalization (degree computed on destination with edge weights)
    deg = jnp.zeros((N,), dtype=ew.dtype).at[col].add(ew)
    deg_inv_sqrt = jnp.where(deg > 0, jax.lax.rsqrt(deg), 0.0)
    norm = deg_inv_sqrt[row] * ew * deg_inv_sqrt[col]
    # message passing: gather source features, scale, scatter-add to destination
    msgs = norm[:, None] * jnp.take(x, row, axis=0)
    agg = jnp.zeros_like(x).at[col].add(msgs)
    return agg @ W


def reference(x, edge_index, edge_weight, W1, W2):
    # forward_once semantics (full-graph 2-layer SGC); dropout is identity in eval mode
    h = _sgc_layer(x, edge_index, edge_weight, W1)
    h = _sgc_layer(h, edge_index, edge_weight, W2)
    return jax.nn.log_softmax(h, axis=-1)

if __name__ == "__main__":
    import jax
    _d = setup_inputs()
    print(jax.jit(kernel)(*tuple(_d.values())))

</pallas_src>

<mosaic_0001>
#map = affine_map<(d0, d1) -> (0, 0, 0)>
#map1 = affine_map<(d0, d1) -> (0, 0)>
module attributes {stable_mosaic.version = 14 : i64} {
  func.func @_sc_layer1(%arg0: i32, %arg1: i32, %arg2: memref<32x80x128xi32, #tpu.memory_space<hbm>>, %arg3: memref<32x80x128xi32, #tpu.memory_space<hbm>>, %arg4: memref<32x80x128xf32, #tpu.memory_space<hbm>>, %arg5: memref<10240x16xf32, #tpu.memory_space<hbm>>, %arg6: memref<2x10240x16xf32, #tpu.memory_space<hbm>>, %arg7: memref<640x16xf32, #tpu.memory_space<hbm>>, %arg8: memref<32x80x128xf32, #tpu.memory_space<hbm>>, %arg9: memref<10240x16xf32, #tpu.memory_space<vmem_shared>>, %arg10: memref<10240x16xf32, #tpu.memory_space<vmem_shared>>, %arg11: memref<640x16xf32, #tpu.memory_space<vmem_shared>>, %arg12: memref<640x16xf32, #tpu.memory_space<vmem_shared>>, %arg13: memref<80x128xi32, #tpu.memory_space<vmem>>, %arg14: memref<80x128xi32, #tpu.memory_space<vmem>>, %arg15: memref<80x128xf32, #tpu.memory_space<vmem>>, %arg16: memref<8x128xi32, #tpu.memory_space<vmem>>, %arg17: memref<8x128xf32, #tpu.memory_space<vmem>>, %arg18: memref<40x16xf32, #tpu.memory_space<vmem>>, %arg19: memref<640x16xf32, #tpu.memory_space<vmem>>, %arg20: memref<5x128xi32, #tpu.memory_space<vmem>>, %arg21: memref<128x16xf32, #tpu.memory_space<vmem>>, %arg22: memref<128x16xf32, #tpu.memory_space<vmem>>, %arg23: memref<128x16xf32, #tpu.memory_space<vmem>>, %arg24: memref<128x16xf32, #tpu.memory_space<vmem>>, %arg25: memref<128x16xf32, #tpu.memory_space<vmem>>, %arg26: memref<128x16xf32, #tpu.memory_space<vmem>>, %arg27: memref<128x16xf32, #tpu.memory_space<vmem>>, %arg28: memref<128x16xf32, #tpu.memory_space<vmem>>, %arg29: memref<!tpu.dma_semaphore, #tpu.memory_space<semaphore_mem>>, %arg30: memref<!tpu.dma_semaphore, #tpu.memory_space<semaphore_mem>>, %arg31: memref<!tpu.dma_semaphore, #tpu.memory_space<semaphore_mem>>, %arg32: memref<!tpu.dma_semaphore, #tpu.memory_space<semaphore_mem>>, %arg33: memref<!tpu.dma_semaphore, #tpu.memory_space<semaphore_mem>>, %arg34: memref<!tpu.dma_semaphore, #tpu.memory_space<semaphore_mem>>, %arg35: memref<!tpu.dma_semaphore, #tpu.memory_space<semaphore_mem>>, %arg36: memref<!tpu.dma_semaphore, #tpu.memory_space<semaphore_mem>>, %arg37: memref<!tpu.dma_semaphore, #tpu.memory_space<semaphore_mem>>) attributes {dimension_semantics = [#tpu.dimension_semantics<core_parallel>, #tpu.dimension_semantics<subcore_parallel>], iteration_bounds = array<i64: 2, 16>, scalar_prefetch = 0 : i64, scratch_operands = 29 : i64, tpu.core_type = #tpu.core_type<sc_vector_subcore>, window_params = [{transform_indices = #map}, {transform_indices = #map}, {transform_indices = #map}, {transform_indices = #map1}, {transform_indices = #map}, {transform_indices = #map1}, {transform_indices = #map}]} {
    %mul3A = arith.constant 2 : i32
    %mul3A_0 = arith.muli %arg1, %mul3A : i32
    %add3A = arith.addi %mul3A_0, %arg0 : i32
    %mul3A_1 = arith.constant 2 : i32
    %mul3A_2 = arith.muli %arg1, %mul3A_1 : i32
    %sub3A = arith.constant 1 : i32
    %sub3A_3 = arith.subi %sub3A, %arg0 : i32
    %add3A_4 = arith.addi %mul3A_2, %sub3A_3 : i32
    %mul3A_5 = arith.constant 640 : i32
    %mul3A_6 = arith.muli %arg1, %mul3A_5 : i32
    "tpu.region"() ({
      %run_scoped3A = tpu.sem_alloc : memref<!tpu.dma_semaphore, #tpu.memory_space<semaphore_mem>>
      %dma_start3A_235 = arith.constant 0 : i32
      %dma_start3A_236 = arith.constant 0 : i32
      %dma_start3A_237 = tpu.memref_slice %arg2[%add3A, %dma_start3A_235, %dma_start3A_236] : memref<32x80x128xi32, #tpu.memory_space<hbm>> -> memref<1x80x128xi32, #tpu.memory_space<hbm>>
      %dma_start3A_238 = tpu.memref_squeeze %dma_start3A_237 : memref<1x80x128xi32, #tpu.memory_space<hbm>> -> memref<80x128xi32, #tpu.memory_space<hbm>>
      %dma_start3A_239 = arith.constant 0 : i32
      %dma_start3A_240 = arith.constant 0 : i32
      %dma_start3A_241 = tpu.memref_slice %arg2[%add3A, %dma_start3A_239, %dma_start3A_240] : memref<32x80x128xi32, #tpu.memory_space<hbm>> -> memref<1x80x128xi32, #tpu.memory_space<hbm>>
      %dma_start3A_242 = tpu.memref_squeeze %dma_start3A_241 : memref<1x80x128xi32, #tpu.memory_space<hbm>> -> memref<80x128xi32, #tpu.memory_space<hbm>>
      tpu.enqueue_dma source(%dma_start3A_242 : memref<80x128xi32, #tpu.memory_space<hbm>>) target(%arg13 : memref<80x128xi32, #tpu.memory_space<vmem>>) target_semaphore(%run_scoped3A : memref<!tpu.dma_semaphore, #tpu.memory_space<semaphore_mem>>)
      %dma_wait3A_243 = arith.constant 0 : i32
      %dma_wait3A_244 = arith.constant 0 : i32
      %dma_wait3A_245 = tpu.memref_slice %arg2[%add3A, %dma_wait3A_243, %dma_wait3A_244] : memref<32x80x128xi32, #tpu.memory_space<hbm>> -> memref<1x80x128xi32, #tpu.memory_space<hbm>>
      %dma_wait3A_246 = tpu.memref_squeeze %dma_wait3A_245 : memref<1x80x128xi32, #tpu.memory_space<hbm>> -> memref<80x128xi32, #tpu.memory_space<hbm>>
      %dma_wait3A_247 = arith.constant 0 : i32
      %dma_wait3A_248 = arith.constant 0 : i32
      %dma_wait3A_249 = tpu.memref_slice %arg2[%add3A, %dma_wait3A_247, %dma_wait3A_248] : memref<32x80x128xi32, #tpu.memory_space<hbm>> -> memref<1x80x128xi32, #tpu.memory_space<hbm>>
      %dma_wait3A_250 = tpu.memref_squeeze %dma_wait3A_249 : memref<1x80x128xi32, #tpu.memory_space<hbm>> -> memref<80x128xi32, #tpu.memory_space<hbm>>
      tpu.wait_dma2 semaphore(%run_scoped3A : memref<!tpu.dma_semaphore, #tpu.memory_space<semaphore_mem>>) src(%dma_wait3A_250 : memref<80x128xi32, #tpu.memory_space<hbm>>) dst(%arg13 : memref<80x128xi32, #tpu.memory_space<vmem>>)
      tpu.yield
    }) : () -> ()
    "tpu.region"() ({
      %run_scoped3A = tpu.sem_alloc : memref<!tpu.dma_semaphore, #tpu.memory_space<semaphore_mem>>
      %dma_start3A_235 = arith.constant 0 : i32
      %dma_start3A_236 = arith.constant 0 : i32
      %dma_start3A_237 = tpu.memref_slice %arg3[%add3A, %dma_start3A_235, %dma_start3A_236] : memref<32x80x128xi32, #tpu.memory_space<hbm>> -> memref<1x80x128xi32, #tpu.memory_space<hbm>>
      %dma_start3A_238 = tpu.memref_squeeze %dma_start3A_237 : memref<1x80x128xi32, #tpu.memory_space<hbm>> -> memref<80x128xi32, #tpu.memory_space<hbm>>
      %dma_start3A_239 = arith.constant 0 : i32
      %dma_start3A_240 = arith.constant 0 : i32
      %dma_start3A_241 = tpu.memref_slice %arg3[%add3A, %dma_start3A_239, %dma_start3A_240] : memref<32x80x128xi32, #tpu.memory_space<hbm>> -> memref<1x80x128xi32, #tpu.memory_space<hbm>>
      %dma_start3A_242 = tpu.memref_squeeze %dma_start3A_241 : memref<1x80x128xi32, #tpu.memory_space<hbm>> -> memref<80x128xi32, #tpu.memory_space<hbm>>
      tpu.enqueue_dma source(%dma_start3A_242 : memref<80x128xi32, #tpu.memory_space<hbm>>) target(%arg14 : memref<80x128xi32, #tpu.memory_space<vmem>>) target_semaphore(%run_scoped3A : memref<!tpu.dma_semaphore, #tpu.memory_space<semaphore_mem>>)
      %dma_wait3A_243 = arith.constant 0 : i32
      %dma_wait3A_244 = arith.constant 0 : i32
      %dma_wait3A_245 = tpu.memref_slice %arg3[%add3A, %dma_wait3A_243, %dma_wait3A_244] : memref<32x80x128xi32, #tpu.memory_space<hbm>> -> memref<1x80x128xi32, #tpu.memory_space<hbm>>
      %dma_wait3A_246 = tpu.memref_squeeze %dma_wait3A_245 : memref<1x80x128xi32, #tpu.memory_space<hbm>> -> memref<80x128xi32, #tpu.memory_space<hbm>>
      %dma_wait3A_247 = arith.constant 0 : i32
      %dma_wait3A_248 = arith.constant 0 : i32
      %dma_wait3A_249 = tpu.memref_slice %arg3[%add3A, %dma_wait3A_247, %dma_wait3A_248] : memref<32x80x128xi32, #tpu.memory_space<hbm>> -> memref<1x80x128xi32, #tpu.memory_space<hbm>>
      %dma_wait3A_250 = tpu.memref_squeeze %dma_wait3A_249 : memref<1x80x128xi32, #tpu.memory_space<hbm>> -> memref<80x128xi32, #tpu.memory_space<hbm>>
      tpu.wait_dma2 semaphore(%run_scoped3A : memref<!tpu.dma_semaphore, #tpu.memory_space<semaphore_mem>>) src(%dma_wait3A_250 : memref<80x128xi32, #tpu.memory_space<hbm>>) dst(%arg14 : memref<80x128xi32, #tpu.memory_space<vmem>>)
      tpu.yield
    }) : () -> ()
    "tpu.region"() ({
      %run_scoped3A = tpu.sem_alloc : memref<!tpu.dma_semaphore, #tpu.memory_space<semaphore_mem>>
      %dma_start3A_235 = arith.constant 0 : i32
      %dma_start3A_236 = arith.constant 0 : i32
      %dma_start3A_237 = tpu.memref_slice %arg4[%add3A, %dma_start3A_235, %dma_start3A_236] : memref<32x80x128xf32, #tpu.memory_space<hbm>> -> memref<1x80x128xf32, #tpu.memory_space<hbm>>
      %dma_start3A_238 = tpu.memref_squeeze %dma_start3A_237 : memref<1x80x128xf32, #tpu.memory_space<hbm>> -> memref<80x128xf32, #tpu.memory_space<hbm>>
      %dma_start3A_239 = arith.constant 0 : i32
      %dma_start3A_240 = arith.constant 0 : i32
      %dma_start3A_241 = tpu.memref_slice %arg4[%add3A, %dma_start3A_239, %dma_start3A_240] : memref<32x80x128xf32, #tpu.memory_space<hbm>> -> memref<1x80x128xf32, #tpu.memory_space<hbm>>
      %dma_start3A_242 = tpu.memref_squeeze %dma_start3A_241 : memref<1x80x128xf32, #tpu.memory_space<hbm>> -> memref<80x128xf32, #tpu.memory_space<hbm>>
      tpu.enqueue_dma source(%dma_start3A_242 : memref<80x128xf32, #tpu.memory_space<hbm>>) target(%arg15 : memref<80x128xf32, #tpu.memory_space<vmem>>) target_semaphore(%run_scoped3A : memref<!tpu.dma_semaphore, #tpu.memory_space<semaphore_mem>>)
      %dma_wait3A_243 = arith.constant 0 : i32
      %dma_wait3A_244 = arith.constant 0 : i32
      %dma_wait3A_245 = tpu.memref_slice %arg4[%add3A, %dma_wait3A_243, %dma_wait3A_244] : memref<32x80x128xf32, #tpu.memory_space<hbm>> -> memref<1x80x128xf32, #tpu.memory_space<hbm>>
      %dma_wait3A_246 = tpu.memref_squeeze %dma_wait3A_245 : memref<1x80x128xf32, #tpu.memory_space<hbm>> -> memref<80x128xf32, #tpu.memory_space<hbm>>
      %dma_wait3A_247 = arith.constant 0 : i32
      %dma_wait3A_248 = arith.constant 0 : i32
      %dma_wait3A_249 = tpu.memref_slice %arg4[%add3A, %dma_wait3A_247, %dma_wait3A_248] : memref<32x80x128xf32, #tpu.memory_space<hbm>> -> memref<1x80x128xf32, #tpu.memory_space<hbm>>
      %dma_wait3A_250 = tpu.memref_squeeze %dma_wait3A_249 : memref<1x80x128xf32, #tpu.memory_space<hbm>> -> memref<80x128xf32, #tpu.memory_space<hbm>>
      tpu.wait_dma2 semaphore(%run_scoped3A : memref<!tpu.dma_semaphore, #tpu.memory_space<semaphore_mem>>) src(%dma_wait3A_250 : memref<80x128xf32, #tpu.memory_space<hbm>>) dst(%arg15 : memref<80x128xf32, #tpu.memory_space<vmem>>)
      tpu.yield
    }) : () -> ()
    "tpu.region"() ({
      %run_scoped3A = tpu.sem_alloc : memref<!tpu.dma_semaphore, #tpu.memory_space<semaphore_mem>>
      %dma_start3A_235 = arith.constant 0 : i32
      %dma_start3A_236 = tpu.memref_slice %arg10[%mul3A_6, %dma_start3A_235] : memref<10240x16xf32, #tpu.memory_space<vmem_shared>> -> memref<640x16xf32, #tpu.memory_space<vmem_shared>>
      %dma_start3A_237 = arith.constant 0 : i32
      %dma_start3A_238 = tpu.memref_slice %arg5[%mul3A_6, %dma_start3A_237] : memref<10240x16xf32, #tpu.memory_space<hbm>> -> memref<640x16xf32, #tpu.memory_space<hbm>>
      tpu.enqueue_dma source(%dma_start3A_238 : memref<640x16xf32, #tpu.memory_space<hbm>>) target(%dma_start3A_236 : memref<640x16xf32, #tpu.memory_space<vmem_shared>>) target_semaphore(%run_scoped3A : memref<!tpu.dma_semaphore, #tpu.memory_space<semaphore_mem>>)
      %dma_wait3A_239 = arith.constant 0 : i32
      %dma_wait3A_240 = tpu.memref_slice %arg10[%mul3A_6, %dma_wait3A_239] : memref<10240x16xf32, #tpu.memory_space<vmem_shared>> -> memref<640x16xf32, #tpu.memory_space<vmem_shared>>
      %dma_wait3A_241 = arith.constant 0 : i32
      %dma_wait3A_242 = tpu.memref_slice %arg5[%mul3A_6, %dma_wait3A_241] : memref<10240x16xf32, #tpu.memory_space<hbm>> -> memref<640x16xf32, #tpu.memory_space<hbm>>
      tpu.wait_dma2 semaphore(%run_scoped3A : memref<!tpu.dma_semaphore, #tpu.memory_space<semaphore_mem>>) src(%dma_wait3A_242 : memref<640x16xf32, #tpu.memory_space<hbm>>) dst(%dma_wait3A_240 : memref<640x16xf32, #tpu.memory_space<vmem_shared>>)
      tpu.yield
    }) : () -> ()
    %scan3A = arith.constant 0 : i32
    %scan3A_7 = arith.constant 0 : i32
    %scan3A_8 = arith.constant 128 : i32
    %scan3A_9 = arith.addi %scan3A_7, %scan3A_8 : i32
    %scan3A_10 = arith.constant 1 : i32
    %scan3A_11 = scf.for %scan3A_235 = %scan3A_7 to %scan3A_9 step %scan3A_10 iter_args(%scan3A_236 = %scan3A) -> (i32)  : i32 {
      %broadcast_in_dim3A = arith.constant 0.000000e+00 : f32
      %broadcast_in_dim3A_237 = vector.broadcast %broadcast_in_dim3A : f32 to vector<16xf32>
      %swap3A = arith.index_cast %scan3A_235 : i32 to index
      %swap3A_238 = arith.constant 0 : index
      %swap3A_239 = tpu.vector_load %arg21[%swap3A, %swap3A_238] {strides = array<i32>} : memref<128x16xf32, #tpu.memory_space<vmem>>, vector<16xf32>,
      tpu.vector_store %arg21[%swap3A, %swap3A_238], %broadcast_in_dim3A_237 {strides = array<i32>} : memref<128x16xf32, #tpu.memory_space<vmem>>, vector<16xf32>,
      %scan3A_240 = arith.constant 0 : i32
      scf.yield %scan3A_240 : i32
    }
    %scan3A_12 = arith.constant 128 : i32
    %add3A_13 = arith.constant 0 : i32
    %add3A_14 = arith.addi %mul3A_6, %add3A_13 : i32
    "tpu.region"() ({
      %run_scoped3A = tpu.sem_alloc : memref<!tpu.dma_semaphore, #tpu.memory_space<semaphore_mem>>
      %dma_start3A_235 = arith.constant 0 : i32
      %dma_start3A_236 = tpu.memref_slice %arg9[%add3A_14, %dma_start3A_235] : memref<10240x16xf32, #tpu.memory_space<vmem_shared>> -> memref<128x16xf32, #tpu.memory_space<vmem_shared>>
      %dma_start3A_237 = arith.constant 0 : i32
      %dma_start3A_238 = tpu.memref_slice %arg9[%add3A_14, %dma_start3A_237] : memref<10240x16xf32, #tpu.memory_space<vmem_shared>> -> memref<128x16xf32, #tpu.memory_space<vmem_shared>>
      tpu.enqueue_dma source(%arg21 : memref<128x16xf32, #tpu.memory_space<vmem>>) target(%dma_start3A_238 : memref<128x16xf32, #tpu.memory_space<vmem_shared>>) target_semaphore(%run_scoped3A : memref<!tpu.dma_semaphore, #tpu.memory_space<semaphore_mem>>)
      %dma_wait3A_239 = arith.constant 0 : i32
      %dma_wait3A_240 = tpu.memref_slice %arg9[%add3A_14, %dma_wait3A_239] : memref<10240x16xf32, #tpu.memory_space<vmem_shared>> -> memref<128x16xf32, #tpu.memory_space<vmem_shared>>
      %dma_wait3A_241 = arith.constant 0 : i32
      %dma_wait3A_242 = tpu.memref_slice %arg9[%add3A_14, %dma_wait3A_241] : memref<10240x16xf32, #tpu.memory_space<vmem_shared>> -> memref<128x16xf32, #tpu.memory_space<vmem_shared>>
      tpu.wait_dma2 semaphore(%run_scoped3A : memref<!tpu.dma_semaphore, #tpu.memory_space<semaphore_mem>>) src(%arg21 : memref<128x16xf32, #tpu.memory_space<vmem>>) dst(%dma_wait3A_242 : memref<128x16xf32, #tpu.memory_space<vmem_shared>>)
      tpu.yield
    }) : () -> ()
    %add3A_15 = arith.constant 128 : i32
    %add3A_16 = arith.addi %mul3A_6, %add3A_15 : i32
    "tpu.region"() ({
      %run_scoped3A = tpu.sem_alloc : memref<!tpu.dma_semaphore, #tpu.memory_space<semaphore_mem>>
      %dma_start3A_235 = arith.constant 0 : i32
      %dma_start3A_236 = tpu.memref_slice %arg9[%add3A_16, %dma_start3A_235] : memref<10240x16xf32, #tpu.memory_space<vmem_shared>> -> memref<128x16xf32, #tpu.memory_space<vmem_shared>>
      %dma_start3A_237 = arith.constant 0 : i32
      %dma_start3A_238 = tpu.memref_slice %arg9[%add3A_16, %dma_start3A_237] : memref<10240x16xf32, #tpu.memory_space<vmem_shared>> -> memref<128x16xf32, #tpu.memory_space<vmem_shared>>
      tpu.enqueue_dma source(%arg21 : memref<128x16xf32, #tpu.memory_space<vmem>>) target(%dma_start3A_238 : memref<128x16xf32, #tpu.memory_space<vmem_shared>>) target_semaphore(%run_scoped3A : memref<!tpu.dma_semaphore, #tpu.memory_space<semaphore_mem>>)
      %dma_wait3A_239 = arith.constant 0 : i32
      %dma_wait3A_240 = tpu.memref_slice %arg9[%add3A_16, %dma_wait3A_239] : memref<10240x16xf32, #tpu.memory_space<vmem_shared>> -> memref<128x16xf32, #tpu.memory_space<vmem_shared>>
      %dma_wait3A_241 = arith.constant 0 : i32
      %dma_wait3A_242 = tpu.memref_slice %arg9[%add3A_16, %dma_wait3A_241] : memref<10240x16xf32, #tpu.memory_space<vmem_shared>> -> memref<128x16xf32, #tpu.memory_space<vmem_shared>>
      tpu.wait_dma2 semaphore(%run_scoped3A : memref<!tpu.dma_semaphore, #tpu.memory_space<semaphore_mem>>) src(%arg21 : memref<128x16xf32, #tpu.memory_space<vmem>>) dst(%dma_wait3A_242 : memref<128x16xf32, #tpu.memory_space<vmem_shared>>)
      tpu.yield
    }) : () -> ()
    %add3A_17 = arith.constant 256 : i32
    %add3A_18 = arith.addi %mul3A_6, %add3A_17 : i32
    "tpu.region"() ({
      %run_scoped3A = tpu.sem_alloc : memref<!tpu.dma_semaphore, #tpu.memory_space<semaphore_mem>>
      %dma_start3A_235 = arith.constant 0 : i32
      %dma_start3A_236 = tpu.memref_slice %arg9[%add3A_18, %dma_start3A_235] : memref<10240x16xf32, #tpu.memory_space<vmem_shared>> -> memref<128x16xf32, #tpu.memory_space<vmem_shared>>
      %dma_start3A_237 = arith.constant 0 : i32
      %dma_start3A_238 = tpu.memref_slice %arg9[%add3A_18, %dma_start3A_237] : memref<10240x16xf32, #tpu.memory_space<vmem_shared>> -> memref<128x16xf32, #tpu.memory_space<vmem_shared>>
      tpu.enqueue_dma source(%arg21 : memref<128x16xf32, #tpu.memory_space<vmem>>) target(%dma_start3A_238 : memref<128x16xf32, #tpu.memory_space<vmem_shared>>) target_semaphore(%run_scoped3A : memref<!tpu.dma_semaphore, #tpu.memory_space<semaphore_mem>>)
      %dma_wait3A_239 = arith.constant 0 : i32
      %dma_wait3A_240 = tpu.memref_slice %arg9[%add3A_18, %dma_wait3A_239] : memref<10240x16xf32, #tpu.memory_space<vmem_shared>> -> memref<128x16xf32, #tpu.memory_space<vmem_shared>>
      %dma_wait3A_241 = arith.constant 0 : i32
      %dma_wait3A_242 = tpu.memref_slice %arg9[%add3A_18, %dma_wait3A_241] : memref<10240x16xf32, #tpu.memory_space<vmem_shared>> -> memref<128x16xf32, #tpu.memory_space<vmem_shared>>
      tpu.wait_dma2 semaphore(%run_scoped3A : memref<!tpu.dma_semaphore, #tpu.memory_space<semaphore_mem>>) src(%arg21 : memref<128x16xf32, #tpu.memory_space<vmem>>) dst(%dma_wait3A_242 : memref<128x16xf32, #tpu.memory_space<vmem_shared>>)
      tpu.yield
    }) : () -> ()
    %add3A_19 = arith.constant 384 : i32
    %add3A_20 = arith.addi %mul3A_6, %add3A_19 : i32
    "tpu.region"() ({
      %run_scoped3A = tpu.sem_alloc : memref<!tpu.dma_semaphore, #tpu.memory_space<semaphore_mem>>
      %dma_start3A_235 = arith.constant 0 : i32
      %dma_start3A_236 = tpu.memref_slice %arg9[%add3A_20, %dma_start3A_235] : memref<10240x16xf32, #tpu.memory_space<vmem_shared>> -> memref<128x16xf32, #tpu.memory_space<vmem_shared>>
      %dma_start3A_237 = arith.constant 0 : i32
      %dma_start3A_238 = tpu.memref_slice %arg9[%add3A_20, %dma_start3A_237] : memref<10240x16xf32, #tpu.memory_space<vmem_shared>> -> memref<128x16xf32, #tpu.memory_space<vmem_shared>>
      tpu.enqueue_dma source(%arg21 : memref<128x16xf32, #tpu.memory_space<vmem>>) target(%dma_start3A_238 : memref<128x16xf32, #tpu.memory_space<vmem_shared>>) target_semaphore(%run_scoped3A : memref<!tpu.dma_semaphore, #tpu.memory_space<semaphore_mem>>)
      %dma_wait3A_239 = arith.constant 0 : i32
      %dma_wait3A_240 = tpu.memref_slice %arg9[%add3A_20, %dma_wait3A_239] : memref<10240x16xf32, #tpu.memory_space<vmem_shared>> -> memref<128x16xf32, #tpu.memory_space<vmem_shared>>
      %dma_wait3A_241 = arith.constant 0 : i32
      %dma_wait3A_242 = tpu.memref_slice %arg9[%add3A_20, %dma_wait3A_241] : memref<10240x16xf32, #tpu.memory_space<vmem_shared>> -> memref<128x16xf32, #tpu.memory_space<vmem_shared>>
      tpu.wait_dma2 semaphore(%run_scoped3A : memref<!tpu.dma_semaphore, #tpu.memory_space<semaphore_mem>>) src(%arg21 : memref<128x16xf32, #tpu.memory_space<vmem>>) dst(%dma_wait3A_242 : memref<128x16xf32, #tpu.memory_space<vmem_shared>>)
      tpu.yield
    }) : () -> ()
    %add3A_21 = arith.constant 512 : i32
    %add3A_22 = arith.addi %mul3A_6, %add3A_21 : i32
    "tpu.region"() ({
      %run_scoped3A = tpu.sem_alloc : memref<!tpu.dma_semaphore, #tpu.memory_space<semaphore_mem>>
      %dma_start3A_235 = arith.constant 0 : i32
      %dma_start3A_236 = tpu.memref_slice %arg9[%add3A_22, %dma_start3A_235] : memref<10240x16xf32, #tpu.memory_space<vmem_shared>> -> memref<128x16xf32, #tpu.memory_space<vmem_shared>>
      %dma_start3A_237 = arith.constant 0 : i32
      %dma_start3A_238 = tpu.memref_slice %arg9[%add3A_22, %dma_start3A_237] : memref<10240x16xf32, #tpu.memory_space<vmem_shared>> -> memref<128x16xf32, #tpu.memory_space<vmem_shared>>
      tpu.enqueue_dma source(%arg21 : memref<128x16xf32, #tpu.memory_space<vmem>>) target(%dma_start3A_238 : memref<128x16xf32, #tpu.memory_space<vmem_shared>>) target_semaphore(%run_scoped3A : memref<!tpu.dma_semaphore, #tpu.memory_space<semaphore_mem>>)
      %dma_wait3A_239 = arith.constant 0 : i32
      %dma_wait3A_240 = tpu.memref_slice %arg9[%add3A_22, %dma_wait3A_239] : memref<10240x16xf32, #tpu.memory_space<vmem_shared>> -> memref<128x16xf32, #tpu.memory_space<vmem_shared>>
      %dma_wait3A_241 = arith.constant 0 : i32
      %dma_wait3A_242 = tpu.memref_slice %arg9[%add3A_22, %dma_wait3A_241] : memref<10240x16xf32, #tpu.memory_space<vmem_shared>> -> memref<128x16xf32, #tpu.memory_space<vmem_shared>>
      tpu.wait_dma2 semaphore(%run_scoped3A : memref<!tpu.dma_semaphore, #tpu.memory_space<semaphore_mem>>) src(%arg21 : memref<128x16xf32, #tpu.memory_space<vmem>>) dst(%dma_wait3A_242 : memref<128x16xf32, #tpu.memory_space<vmem_shared>>)
      tpu.yield
    }) : () -> ()
    %scan3A_23 = arith.constant 0 : i32
    %scan3A_24 = arith.constant 0 : i32
    %scan3A_25 = arith.constant 40 : i32
    %scan3A_26 = arith.addi %scan3A_24, %scan3A_25 : i32
    %scan3A_27 = arith.constant 1 : i32
    %scan3A_28 = scf.for %scan3A_235 = %scan3A_24 to %scan3A_26 step %scan3A_27 iter_args(%scan3A_236 = %scan3A_23) -> (i32)  : i32 {
      %broadcast_in_dim3A = arith.constant 1.000000e+00 : f32
      %broadcast_in_dim3A_237 = vector.broadcast %broadcast_in_dim3A : f32 to vector<16xf32>
      %swap3A = arith.index_cast %scan3A_235 : i32 to index
      %swap3A_238 = arith.constant 0 : index
      %swap3A_239 = tpu.vector_load %arg18[%swap3A, %swap3A_238] {strides = array<i32>} : memref<40x16xf32, #tpu.memory_space<vmem>>, vector<16xf32>,
      tpu.vector_store %arg18[%swap3A, %swap3A_238], %broadcast_in_dim3A_237 {strides = array<i32>} : memref<40x16xf32, #tpu.memory_space<vmem>>, vector<16xf32>,
      %scan3A_240 = arith.constant 0 : i32
      scf.yield %scan3A_240 : i32
    }
    %scan3A_29 = arith.constant 40 : i32
    %mul3A_30 = arith.constant 40 : i32
    %mul3A_31 = arith.muli %arg1, %mul3A_30 : i32
    "tpu.region"() ({
      %run_scoped3A = tpu.sem_alloc : memref<!tpu.dma_semaphore, #tpu.memory_space<semaphore_mem>>
      %dma_start3A_235 = arith.constant 0 : i32
      %dma_start3A_236 = tpu.memref_slice %arg11[%mul3A_31, %dma_start3A_235] : memref<640x16xf32, #tpu.memory_space<vmem_shared>> -> memref<40x16xf32, #tpu.memory_space<vmem_shared>>
      %dma_start3A_237 = arith.constant 0 : i32
      %dma_start3A_238 = tpu.memref_slice %arg11[%mul3A_31, %dma_start3A_237] : memref<640x16xf32, #tpu.memory_space<vmem_shared>> -> memref<40x16xf32, #tpu.memory_space<vmem_shared>>
      tpu.enqueue_dma source(%arg18 : memref<40x16xf32, #tpu.memory_space<vmem>>) target(%dma_start3A_238 : memref<40x16xf32, #tpu.memory_space<vmem_shared>>) target_semaphore(%run_scoped3A : memref<!tpu.dma_semaphore, #tpu.memory_space<semaphore_mem>>)
      %dma_wait3A_239 = arith.constant 0 : i32
      %dma_wait3A_240 = tpu.memref_slice %arg11[%mul3A_31, %dma_wait3A_239] : memref<640x16xf32, #tpu.memory_space<vmem_shared>> -> memref<40x16xf32, #tpu.memory_space<vmem_shared>>
      %dma_wait3A_241 = arith.constant 0 : i32
      %dma_wait3A_242 = tpu.memref_slice %arg11[%mul3A_31, %dma_wait3A_241] : memref<640x16xf32, #tpu.memory_space<vmem_shared>> -> memref<40x16xf32, #tpu.memory_space<vmem_shared>>
      tpu.wait_dma2 semaphore(%run_scoped3A : memref<!tpu.dma_semaphore, #tpu.memory_space<semaphore_mem>>) src(%arg18 : memref<40x16xf32, #tpu.memory_space<vmem>>) dst(%dma_wait3A_242 : memref<40x16xf32, #tpu.memory_space<vmem_shared>>)
      tpu.yield
    }) : () -> ()
    %scan3A_32 = arith.constant 0 : i32
    %scan3A_33 = arith.constant 0 : i32
    %scan3A_34 = arith.constant 5 : i32
    %scan3A_35 = arith.addi %scan3A_33, %scan3A_34 : i32
    %scan3A_36 = arith.constant 1 : i32
    %scan3A_37 = scf.for %scan3A_235 = %scan3A_33 to %scan3A_35 step %scan3A_36 iter_args(%scan3A_236 = %scan3A_32) -> (i32)  : i32 {
      %scan3A_237 = arith.constant 0 : i32
      %scan3A_238 = arith.constant 0 : i32
      %scan3A_239 = arith.constant 8 : i32
      %scan3A_240 = arith.addi %scan3A_238, %scan3A_239 : i32
      %scan3A_241 = arith.constant 1 : i32
      %scan3A_242 = scf.for %scan3A_245 = %scan3A_238 to %scan3A_240 step %scan3A_241 iter_args(%scan3A_246 = %scan3A_237) -> (i32)  : i32 {
        %iota3A = tpu.iota {dimensions = array<i32: 0>} : vector<16xi32>
        %mul3A_247 = arith.constant 128 : i32
        %mul3A_248 = arith.muli %scan3A_235, %mul3A_247 : i32
        %mul3A_249 = arith.constant 16 : i32
        %mul3A_250 = arith.muli %scan3A_245, %mul3A_249 : i32
        %add3A_251 = arith.addi %mul3A_248, %mul3A_250 : i32
        %add3A_252 = vector.broadcast %add3A_251 : i32 to vector<16xi32>
        %add3A_253 = arith.addi %iota3A, %add3A_252 : vector<16xi32>
        %mul3A_254 = arith.constant 16 : i32
        %mul3A_255 = arith.muli %scan3A_245, %mul3A_254 : i32
        %swap3A = arith.index_cast %scan3A_235 : i32 to index
        %swap3A_256 = arith.index_cast %mul3A_255 : i32 to index
        %swap3A_257 = tpu.vector_load %arg20[%swap3A, %swap3A_256] {strides = array<i32>} : memref<5x128xi32, #tpu.memory_space<vmem>>, vector<16xi32>,
        tpu.vector_store %arg20[%swap3A, %swap3A_256], %add3A_253 {strides = array<i32>} : memref<5x128xi32, #tpu.memory_space<vmem>>, vector<16xi32>,
        %scan3A_258 = arith.constant 0 : i32
        scf.yield %scan3A_258 : i32
      }
      %scan3A_243 = arith.constant 8 : i32
      %scan3A_244 = arith.constant 0 : i32
      scf.yield %scan3A_244 : i32
    }
    %scan3A_38 = arith.constant 5 : i32
    %scan3A_39 = arith.constant 0 : i32
    %scan3A_40 = arith.constant 0 : i32
    %scan3A_41 = arith.constant 640 : i32
    %scan3A_42 = arith.addi %scan3A_40, %scan3A_41 : i32
    %scan3A_43 = arith.constant 1 : i32
    %scan3A_44 = scf.for %scan3A_235 = %scan3A_40 to %scan3A_42 step %scan3A_43 iter_args(%scan3A_236 = %scan3A_39) -> (i32)  : i32 {
      %broadcast_in_dim3A = arith.constant 0.000000e+00 : f32
      %broadcast_in_dim3A_237 = vector.broadcast %broadcast_in_dim3A : f32 to vector<16xf32>
      %swap3A = arith.index_cast %scan3A_235 : i32 to index
      %swap3A_238 = arith.constant 0 : index
      %swap3A_239 = tpu.vector_load %arg19[%swap3A, %swap3A_238] {strides = array<i32>} : memref<640x16xf32, #tpu.memory_space<vmem>>, vector<16xf32>,
      tpu.vector_store %arg19[%swap3A, %swap3A_238], %broadcast_in_dim3A_237 {strides = array<i32>} : memref<640x16xf32, #tpu.memory_space<vmem>>, vector<16xf32>,
      %scan3A_240 = arith.constant 0 : i32
      scf.yield %scan3A_240 : i32
    }
    %scan3A_45 = arith.constant 640 : i32
    %barrier3A = arith.constant 0 : index
    tpu.barrier barrier_id(%barrier3A)
    %scan3A_46 = arith.constant 0 : i32
    %scan3A_47 = arith.constant 0 : i32
    %scan3A_48 = arith.constant 80 : i32
    %scan3A_49 = arith.addi %scan3A_47, %scan3A_48 : i32
    %scan3A_50 = arith.constant 1 : i32
    %scan3A_51 = scf.for %scan3A_235 = %scan3A_47 to %scan3A_49 step %scan3A_50 iter_args(%scan3A_236 = %scan3A_46) -> (i32)  : i32 {
      %scan3A_237 = arith.constant 0 : i32
      %scan3A_238 = arith.constant 0 : i32
      %scan3A_239 = arith.constant 8 : i32
      %scan3A_240 = arith.addi %scan3A_238, %scan3A_239 : i32
      %scan3A_241 = arith.constant 1 : i32
      %scan3A_242 = scf.for %scan3A_245 = %scan3A_238 to %scan3A_240 step %scan3A_241 iter_args(%scan3A_246 = %scan3A_237) -> (i32)  : i32 {
        %mul3A_247 = arith.constant 16 : i32
        %mul3A_248 = arith.muli %scan3A_245, %mul3A_247 : i32
        %get3A = arith.index_cast %scan3A_235 : i32 to index
        %get3A_249 = arith.index_cast %mul3A_248 : i32 to index
        %get3A_250 = tpu.vector_load %arg14[%get3A, %get3A_249] {strides = array<i32>} : memref<80x128xi32, #tpu.memory_space<vmem>>, vector<16xi32>,
        %shift_right_arithmetic3A = arith.constant 4 : i32
        %shift_right_arithmetic3A_251 = vector.broadcast %shift_right_arithmetic3A : i32 to vector<16xi32>
        %shift_right_arithmetic3A_252 = arith.shrsi %get3A_250, %shift_right_arithmetic3A_251 : vector<16xi32>
        %and3A = arith.constant 15 : i32
        %and3A_253 = vector.broadcast %and3A : i32 to vector<16xi32>
        %and3A_254 = arith.andi %get3A_250, %and3A_253 : vector<16xi32>
        %get3A_255 = arith.index_cast %scan3A_235 : i32 to index
        %get3A_256 = arith.index_cast %mul3A_248 : i32 to index
        %get3A_257 = tpu.vector_load %arg15[%get3A_255, %get3A_256] {strides = array<i32>} : memref<80x128xf32, #tpu.memory_space<vmem>>, vector<16xf32>,
        tpu.vector_store_idx %arg19[%shift_right_arithmetic3A_252, %and3A_254], %get3A_257 {add = true} : memref<640x16xf32, #tpu.memory_space<vmem>>[vector<16xi32>, vector<16xi32>], vector<16xf32>,
        %scan3A_258 = arith.constant 0 : i32
        scf.yield %scan3A_258 : i32
      }
      %scan3A_243 = arith.constant 8 : i32
      %scan3A_244 = arith.constant 0 : i32
      scf.yield %scan3A_244 : i32
    }
    %scan3A_52 = arith.constant 80 : i32
    %scan3A_53 = arith.constant 0 : i32
    %scan3A_54 = arith.constant 0 : i32
    %scan3A_55 = arith.constant 10 : i32
    %scan3A_56 = arith.addi %scan3A_54, %scan3A_55 : i32
    %scan3A_57 = arith.constant 1 : i32
    %scan3A_58 = scf.for %scan3A_235 = %scan3A_54 to %scan3A_56 step %scan3A_57 iter_args(%scan3A_236 = %scan3A_53) -> (i32)  : i32 {
      %mul3A_237 = arith.constant 8 : i32
      %mul3A_238 = arith.muli %scan3A_235, %mul3A_237 : i32
      "tpu.region"() ({
        %run_scoped3A = tpu.sem_alloc : memref<!tpu.dma_semaphore, #tpu.memory_space<semaphore_mem>>
        %dma_start3A_249 = arith.constant 0 : i32
        %dma_start3A_250 = arith.constant 0 : i32
        %dma_start3A_251 = tpu.memref_slice %arg3[%add3A_4, %dma_start3A_249, %dma_start3A_250] : memref<32x80x128xi32, #tpu.memory_space<hbm>> -> memref<1x80x128xi32, #tpu.memory_space<hbm>>
        %dma_start3A_252 = tpu.memref_squeeze %dma_start3A_251 : memref<1x80x128xi32, #tpu.memory_space<hbm>> -> memref<80x128xi32, #tpu.memory_space<hbm>>
        %dma_start3A_253 = arith.constant 0 : i32
        %dma_start3A_254 = tpu.memref_slice %dma_start3A_252[%mul3A_238, %dma_start3A_253] : memref<80x128xi32, #tpu.memory_space<hbm>> -> memref<8x128xi32, #tpu.memory_space<hbm>>
        %dma_start3A_255 = arith.constant 0 : i32
        %dma_start3A_256 = arith.constant 0 : i32
        %dma_start3A_257 = tpu.memref_slice %arg3[%add3A_4, %dma_start3A_255, %dma_start3A_256] : memref<32x80x128xi32, #tpu.memory_space<hbm>> -> memref<1x80x128xi32, #tpu.memory_space<hbm>>
        %dma_start3A_258 = tpu.memref_squeeze %dma_start3A_257 : memref<1x80x128xi32, #tpu.memory_space<hbm>> -> memref<80x128xi32, #tpu.memory_space<hbm>>
        %dma_start3A_259 = arith.constant 0 : i32
        %dma_start3A_260 = tpu.memref_slice %dma_start3A_258[%mul3A_238, %dma_start3A_259] : memref<80x128xi32, #tpu.memory_space<hbm>> -> memref<8x128xi32, #tpu.memory_space<hbm>>
        tpu.enqueue_dma source(%dma_start3A_260 : memref<8x128xi32, #tpu.memory_space<hbm>>) target(%arg16 : memref<8x128xi32, #tpu.memory_space<vmem>>) target_semaphore(%run_scoped3A : memref<!tpu.dma_semaphore, #tpu.memory_space<semaphore_mem>>)
        %dma_wait3A_261 = arith.constant 0 : i32
        %dma_wait3A_262 = arith.constant 0 : i32
        %dma_wait3A_263 = tpu.memref_slice %arg3[%add3A_4, %dma_wait3A_261, %dma_wait3A_262] : memref<32x80x128xi32, #tpu.memory_space<hbm>> -> memref<1x80x128xi32, #tpu.memory_space<hbm>>
        %dma_wait3A_264 = tpu.memref_squeeze %dma_wait3A_263 : memref<1x80x128xi32, #tpu.memory_space<hbm>> -> memref<80x128xi32, #tpu.memory_space<hbm>>
        %dma_wait3A_265 = arith.constant 0 : i32
        %dma_wait3A_266 = tpu.memref_slice %dma_wait3A_264[%mul3A_238, %dma_wait3A_265] : memref<80x128xi32, #tpu.memory_space<hbm>> -> memref<8x128xi32, #tpu.memory_space<hbm>>
        %dma_wait3A_267 = arith.constant 0 : i32
        %dma_wait3A_268 = arith.constant 0 : i32
        %dma_wait3A_269 = tpu.memref_slice %arg3[%add3A_4, %dma_wait3A_267, %dma_wait3A_268] : memref<32x80x128xi32, #tpu.memory_space<hbm>> -> memref<1x80x128xi32, #tpu.memory_space<hbm>>
        %dma_wait3A_270 = tpu.memref_squeeze %dma_wait3A_269 : memref<1x80x128xi32, #tpu.memory_space<hbm>> -> memref<80x128xi32, #tpu.memory_space<hbm>>
        %dma_wait3A_271 = arith.constant 0 : i32
        %dma_wait3A_272 = tpu.memref_slice %dma_wait3A_270[%mul3A_238, %dma_wait3A_271] : memref<80x128xi32, #tpu.memory_space<hbm>> -> memref<8x128xi32, #tpu.memory_space<hbm>>
        tpu.wait_dma2 semaphore(%run_scoped3A : memref<!tpu.dma_semaphore, #tpu.memory_space<semaphore_mem>>) src(%dma_wait3A_272 : memref<8x128xi32, #tpu.memory_space<hbm>>) dst(%arg16 : memref<8x128xi32, #tpu.memory_space<vmem>>)
        tpu.yield
      }) : () -> ()
      %mul3A_239 = arith.constant 8 : i32
      %mul3A_240 = arith.muli %scan3A_235, %mul3A_239 : i32
      "tpu.region"() ({
        %run_scoped3A = tpu.sem_alloc : memref<!tpu.dma_semaphore, #tpu.memory_space<semaphore_mem>>
        %dma_start3A_249 = arith.constant 0 : i32
        %dma_start3A_250 = arith.constant 0 : i32
        %dma_start3A_251 = tpu.memref_slice %arg4[%add3A_4, %dma_start3A_249, %dma_start3A_250] : memref<32x80x128xf32, #tpu.memory_space<hbm>> -> memref<1x80x128xf32, #tpu.memory_space<hbm>>
        %dma_start3A_252 = tpu.memref_squeeze %dma_start3A_251 : memref<1x80x128xf32, #tpu.memory_space<hbm>> -> memref<80x128xf32, #tpu.memory_space<hbm>>
        %dma_start3A_253 = arith.constant 0 : i32
        %dma_start3A_254 = tpu.memref_slice %dma_start3A_252[%mul3A_240, %dma_start3A_253] : memref<80x128xf32, #tpu.memory_space<hbm>> -> memref<8x128xf32, #tpu.memory_space<hbm>>
        %dma_start3A_255 = arith.constant 0 : i32
        %dma_start3A_256 = arith.constant 0 : i32
        %dma_start3A_257 = tpu.memref_slice %arg4[%add3A_4, %dma_start3A_255, %dma_start3A_256] : memref<32x80x128xf32, #tpu.memory_space<hbm>> -> memref<1x80x128xf32, #tpu.memory_space<hbm>>
        %dma_start3A_258 = tpu.memref_squeeze %dma_start3A_257 : memref<1x80x128xf32, #tpu.memory_space<hbm>> -> memref<80x128xf32, #tpu.memory_space<hbm>>
        %dma_start3A_259 = arith.constant 0 : i32
        %dma_start3A_260 = tpu.memref_slice %dma_start3A_258[%mul3A_240, %dma_start3A_259] : memref<80x128xf32, #tpu.memory_space<hbm>> -> memref<8x128xf32, #tpu.memory_space<hbm>>
        tpu.enqueue_dma source(%dma_start3A_260 : memref<8x128xf32, #tpu.memory_space<hbm>>) target(%arg17 : memref<8x128xf32, #tpu.memory_space<vmem>>) target_semaphore(%run_scoped3A : memref<!tpu.dma_semaphore, #tpu.memory_space<semaphore_mem>>)
        %dma_wait3A_261 = arith.constant 0 : i32
        %dma_wait3A_262 = arith.constant 0 : i32
        %dma_wait3A_263 = tpu.memref_slice %arg4[%add3A_4, %dma_wait3A_261, %dma_wait3A_262] : memref<32x80x128xf32, #tpu.memory_space<hbm>> -> memref<1x80x128xf32, #tpu.memory_space<hbm>>
        %dma_wait3A_264 = tpu.memref_squeeze %dma_wait3A_263 : memref<1x80x128xf32, #tpu.memory_space<hbm>> -> memref<80x128xf32, #tpu.memory_space<hbm>>
        %dma_wait3A_265 = arith.constant 0 : i32
        %dma_wait3A_266 = tpu.memref_slice %dma_wait3A_264[%mul3A_240, %dma_wait3A_265] : memref<80x128xf32, #tpu.memory_space<hbm>> -> memref<8x128xf32, #tpu.memory_space<hbm>>
        %dma_wait3A_267 = arith.constant 0 : i32
        %dma_wait3A_268 = arith.constant 0 : i32
        %dma_wait3A_269 = tpu.memref_slice %arg4[%add3A_4, %dma_wait3A_267, %dma_wait3A_268] : memref<32x80x128xf32, #tpu.memory_space<hbm>> -> memref<1x80x128xf32, #tpu.memory_space<hbm>>
        %dma_wait3A_270 = tpu.memref_squeeze %dma_wait3A_269 : memref<1x80x128xf32, #tpu.memory_space<hbm>> -> memref<80x128xf32, #tpu.memory_space<hbm>>
        %dma_wait3A_271 = arith.constant 0 : i32
        %dma_wait3A_272 = tpu.memref_slice %dma_wait3A_270[%mul3A_240, %dma_wait3A_271] : memref<80x128xf32, #tpu.memory_space<hbm>> -> memref<8x128xf32, #tpu.memory_space<hbm>>
        tpu.wait_dma2 semaphore(%run_scoped3A : memref<!tpu.dma_semaphore, #tpu.memory_space<semaphore_mem>>) src(%dma_wait3A_272 : memref<8x128xf32, #tpu.memory_space<hbm>>) dst(%arg17 : memref<8x128xf32, #tpu.memory_space<vmem>>)
        tpu.yield
      }) : () -> ()
      %scan3A_241 = arith.constant 0 : i32
      %scan3A_242 = arith.constant 0 : i32
      %scan3A_243 = arith.constant 8 : i32
      %scan3A_244 = arith.addi %scan3A_242, %scan3A_243 : i32
      %scan3A_245 = arith.constant 1 : i32
      %scan3A_246 = scf.for %scan3A_249 = %scan3A_242 to %scan3A_244 step %scan3A_245 iter_args(%scan3A_250 = %scan3A_241) -> (i32)  : i32 {
        %scan3A_251 = arith.constant 0 : i32
        %scan3A_252 = arith.constant 0 : i32
        %scan3A_253 = arith.constant 8 : i32
        %scan3A_254 = arith.addi %scan3A_252, %scan3A_253 : i32
        %scan3A_255 = arith.constant 1 : i32
        %scan3A_256 = scf.for %scan3A_259 = %scan3A_252 to %scan3A_254 step %scan3A_255 iter_args(%scan3A_260 = %scan3A_251) -> (i32)  : i32 {
          %mul3A_261 = arith.constant 16 : i32
          %mul3A_262 = arith.muli %scan3A_259, %mul3A_261 : i32
          %get3A = arith.index_cast %scan3A_249 : i32 to index
          %get3A_263 = arith.index_cast %mul3A_262 : i32 to index
          %get3A_264 = tpu.vector_load %arg16[%get3A, %get3A_263] {strides = array<i32>} : memref<8x128xi32, #tpu.memory_space<vmem>>, vector<16xi32>,
          %shift_right_arithmetic3A = arith.constant 4 : i32
          %shift_right_arithmetic3A_265 = vector.broadcast %shift_right_arithmetic3A : i32 to vector<16xi32>
          %shift_right_arithmetic3A_266 = arith.shrsi %get3A_264, %shift_right_arithmetic3A_265 : vector<16xi32>
          %and3A = arith.constant 15 : i32
          %and3A_267 = vector.broadcast %and3A : i32 to vector<16xi32>
          %and3A_268 = arith.andi %get3A_264, %and3A_267 : vector<16xi32>
          %get3A_269 = arith.index_cast %scan3A_249 : i32 to index
          %get3A_270 = arith.index_cast %mul3A_262 : i32 to index
          %get3A_271 = tpu.vector_load %arg17[%get3A_269, %get3A_270] {strides = array<i32>} : memref<8x128xf32, #tpu.memory_space<vmem>>, vector<16xf32>,
          tpu.vector_store_idx %arg19[%shift_right_arithmetic3A_266, %and3A_268], %get3A_271 {add = true} : memref<640x16xf32, #tpu.memory_space<vmem>>[vector<16xi32>, vector<16xi32>], vector<16xf32>,
          %scan3A_272 = arith.constant 0 : i32
          scf.yield %scan3A_272 : i32
        }
        %scan3A_257 = arith.constant 8 : i32
        %scan3A_258 = arith.constant 0 : i32
        scf.yield %scan3A_258 : i32
      }
      %scan3A_247 = arith.constant 8 : i32
      %scan3A_248 = arith.constant 0 : i32
      scf.yield %scan3A_248 : i32
    }
    %scan3A_59 = arith.constant 10 : i32
    %dma_start3A = arith.constant 0 : i32
    %dma_start3A_60 = arith.constant 0 : i32
    %dma_start3A_61 = arith.constant 0 : i32
    %dma_start3A_62 = tpu.memref_slice %arg19[%dma_start3A_60, %dma_start3A_61] : memref<640x16xf32, #tpu.memory_space<vmem>> -> memref<128x16xf32, #tpu.memory_space<vmem>>
    %dma_start3A_63 = arith.constant 0 : i32
    %dma_start3A_64 = tpu.memref_slice %arg20[%dma_start3A, %dma_start3A_63] : memref<5x128xi32, #tpu.memory_space<vmem>> -> memref<1x128xi32, #tpu.memory_space<vmem>>
    %dma_start3A_65 = tpu.memref_squeeze %dma_start3A_64 : memref<1x128xi32, #tpu.memory_space<vmem>> -> memref<128xi32, #tpu.memory_space<vmem>>
    %dma_start3A_66 = arith.constant 0 : i32
    %dma_start3A_67 = arith.constant 0 : i32
    %dma_start3A_68 = tpu.memref_slice %arg11[%dma_start3A_66, %dma_start3A_67] : memref<640x16xf32, #tpu.memory_space<vmem_shared>> -> memref<640x16xf32, #tpu.memory_space<vmem_shared>>
    tpu.enqueue_indirect_dma source(%dma_start3A_62 : memref<128x16xf32, #tpu.memory_space<vmem>>) target(%dma_start3A_68 : memref<640x16xf32, #tpu.memory_space<vmem_shared>>) offsets(%dma_start3A_65 : memref<128xi32, #tpu.memory_space<vmem>>) semaphore(%arg37 : memref<!tpu.dma_semaphore, #tpu.memory_space<semaphore_mem>>) {add = true}
    %dma_start3A_69 = arith.constant 1 : i32
    %dma_start3A_70 = arith.constant 128 : i32
    %dma_start3A_71 = arith.constant 0 : i32
    %dma_start3A_72 = tpu.memref_slice %arg19[%dma_start3A_70, %dma_start3A_71] : memref<640x16xf32, #tpu.memory_space<vmem>> -> memref<128x16xf32, #tpu.memory_space<vmem>>
    %dma_start3A_73 = arith.constant 0 : i32
    %dma_start3A_74 = tpu.memref_slice %arg20[%dma_start3A_69, %dma_start3A_73] : memref<5x128xi32, #tpu.memory_space<vmem>> -> memref<1x128xi32, #tpu.memory_space<vmem>>
    %dma_start3A_75 = tpu.memref_squeeze %dma_start3A_74 : memref<1x128xi32, #tpu.memory_space<vmem>> -> memref<128xi32, #tpu.memory_space<vmem>>
    %dma_start3A_76 = arith.constant 0 : i32
    %dma_start3A_77 = arith.constant 0 : i32
    %dma_start3A_78 = tpu.memref_slice %arg11[%dma_start3A_76, %dma_start3A_77] : memref<640x16xf32, #tpu.memory_space<vmem_shared>> -> memref<640x16xf32, #tpu.memory_space<vmem_shared>>
    tpu.enqueue_indirect_dma source(%dma_start3A_72 : memref<128x16xf32, #tpu.memory_space<vmem>>) target(%dma_start3A_78 : memref<640x16xf32, #tpu.memory_space<vmem_shared>>) offsets(%dma_start3A_75 : memref<128xi32, #tpu.memory_space<vmem>>) semaphore(%arg37 : memref<!tpu.dma_semaphore, #tpu.memory_space<semaphore_mem>>) {add = true}
    %dma_start3A_79 = arith.constant 2 : i32
    %dma_start3A_80 = arith.constant 256 : i32
    %dma_start3A_81 = arith.constant 0 : i32
    %dma_start3A_82 = tpu.memref_slice %arg19[%dma_start3A_80, %dma_start3A_81] : memref<640x16xf32, #tpu.memory_space<vmem>> -> memref<128x16xf32, #tpu.memory_space<vmem>>
    %dma_start3A_83 = arith.constant 0 : i32
    %dma_start3A_84 = tpu.memref_slice %arg20[%dma_start3A_79, %dma_start3A_83] : memref<5x128xi32, #tpu.memory_space<vmem>> -> memref<1x128xi32, #tpu.memory_space<vmem>>
    %dma_start3A_85 = tpu.memref_squeeze %dma_start3A_84 : memref<1x128xi32, #tpu.memory_space<vmem>> -> memref<128xi32, #tpu.memory_space<vmem>>
    %dma_start3A_86 = arith.constant 0 : i32
    %dma_start3A_87 = arith.constant 0 : i32
    %dma_start3A_88 = tpu.memref_slice %arg11[%dma_start3A_86, %dma_start3A_87] : memref<640x16xf32, #tpu.memory_space<vmem_shared>> -> memref<640x16xf32, #tpu.memory_space<vmem_shared>>
    tpu.enqueue_indirect_dma source(%dma_start3A_82 : memref<128x16xf32, #tpu.memory_space<vmem>>) target(%dma_start3A_88 : memref<640x16xf32, #tpu.memory_space<vmem_shared>>) offsets(%dma_start3A_85 : memref<128xi32, #tpu.memory_space<vmem>>) semaphore(%arg37 : memref<!tpu.dma_semaphore, #tpu.memory_space<semaphore_mem>>) {add = true}
    %dma_start3A_89 = arith.constant 3 : i32
    %dma_start3A_90 = arith.constant 384 : i32
    %dma_start3A_91 = arith.constant 0 : i32
    %dma_start3A_92 = tpu.memref_slice %arg19[%dma_start3A_90, %dma_start3A_91] : memref<640x16xf32, #tpu.memory_space<vmem>> -> memref<128x16xf32, #tpu.memory_space<vmem>>
    %dma_start3A_93 = arith.constant 0 : i32
    %dma_start3A_94 = tpu.memref_slice %arg20[%dma_start3A_89, %dma_start3A_93] : memref<5x128xi32, #tpu.memory_space<vmem>> -> memref<1x128xi32, #tpu.memory_space<vmem>>
    %dma_start3A_95 = tpu.memref_squeeze %dma_start3A_94 : memref<1x128xi32, #tpu.memory_space<vmem>> -> memref<128xi32, #tpu.memory_space<vmem>>
    %dma_start3A_96 = arith.constant 0 : i32
    %dma_start3A_97 = arith.constant 0 : i32
    %dma_start3A_98 = tpu.memref_slice %arg11[%dma_start3A_96, %dma_start3A_97] : memref<640x16xf32, #tpu.memory_space<vmem_shared>> -> memref<640x16xf32, #tpu.memory_space<vmem_shared>>
    tpu.enqueue_indirect_dma source(%dma_start3A_92 : memref<128x16xf32, #tpu.memory_space<vmem>>) target(%dma_start3A_98 : memref<640x16xf32, #tpu.memory_space<vmem_shared>>) offsets(%dma_start3A_95 : memref<128xi32, #tpu.memory_space<vmem>>) semaphore(%arg37 : memref<!tpu.dma_semaphore, #tpu.memory_space<semaphore_mem>>) {add = true}
    %dma_start3A_99 = arith.constant 4 : i32
    %dma_start3A_100 = arith.constant 512 : i32
    %dma_start3A_101 = arith.constant 0 : i32
    %dma_start3A_102 = tpu.memref_slice %arg19[%dma_start3A_100, %dma_start3A_101] : memref<640x16xf32, #tpu.memory_space<vmem>> -> memref<128x16xf32, #tpu.memory_space<vmem>>
    %dma_start3A_103 = arith.constant 0 : i32
    %dma_start3A_104 = tpu.memref_slice %arg20[%dma_start3A_99, %dma_start3A_103] : memref<5x128xi32, #tpu.memory_space<vmem>> -> memref<1x128xi32, #tpu.memory_space<vmem>>
    %dma_start3A_105 = tpu.memref_squeeze %dma_start3A_104 : memref<1x128xi32, #tpu.memory_space<vmem>> -> memref<128xi32, #tpu.memory_space<vmem>>
    %dma_start3A_106 = arith.constant 0 : i32
    %dma_start3A_107 = arith.constant 0 : i32
    %dma_start3A_108 = tpu.memref_slice %arg11[%dma_start3A_106, %dma_start3A_107] : memref<640x16xf32, #tpu.memory_space<vmem_shared>> -> memref<640x16xf32, #tpu.memory_space<vmem_shared>>
    tpu.enqueue_indirect_dma source(%dma_start3A_102 : memref<128x16xf32, #tpu.memory_space<vmem>>) target(%dma_start3A_108 : memref<640x16xf32, #tpu.memory_space<vmem_shared>>) offsets(%dma_start3A_105 : memref<128xi32, #tpu.memory_space<vmem>>) semaphore(%arg37 : memref<!tpu.dma_semaphore, #tpu.memory_space<semaphore_mem>>) {add = true}
    %dma_wait3A = arith.constant 0 : i32
    %dma_wait3A_109 = arith.constant 0 : i32
    %dma_wait3A_110 = arith.constant 0 : i32
    %dma_wait3A_111 = tpu.memref_slice %arg19[%dma_wait3A_109, %dma_wait3A_110] : memref<640x16xf32, #tpu.memory_space<vmem>> -> memref<128x16xf32, #tpu.memory_space<vmem>>
    %dma_wait3A_112 = arith.constant 0 : i32
    %dma_wait3A_113 = tpu.memref_slice %arg20[%dma_wait3A, %dma_wait3A_112] : memref<5x128xi32, #tpu.memory_space<vmem>> -> memref<1x128xi32, #tpu.memory_space<vmem>>
    %dma_wait3A_114 = tpu.memref_squeeze %dma_wait3A_113 : memref<1x128xi32, #tpu.memory_space<vmem>> -> memref<128xi32, #tpu.memory_space<vmem>>
    %dma_wait3A_115 = arith.constant 0 : i32
    %dma_wait3A_116 = arith.constant 0 : i32
    %dma_wait3A_117 = tpu.memref_slice %arg11[%dma_wait3A_115, %dma_wait3A_116] : memref<640x16xf32, #tpu.memory_space<vmem_shared>> -> memref<640x16xf32, #tpu.memory_space<vmem_shared>>
    tpu.wait_indirect_dma semaphore(%arg37 : memref<!tpu.dma_semaphore, #tpu.memory_space<semaphore_mem>>) src(%dma_wait3A_111 : memref<128x16xf32, #tpu.memory_space<vmem>>) dst(%dma_wait3A_117 : memref<640x16xf32, #tpu.memory_space<vmem_shared>>)
    %dma_wait3A_118 = arith.constant 1 : i32
    %dma_wait3A_119 = arith.constant 128 : i32
    %dma_wait3A_120 = arith.constant 0 : i32
    %dma_wait3A_121 = tpu.memref_slice %arg19[%dma_wait3A_119, %dma_wait3A_120] : memref<640x16xf32, #tpu.memory_space<vmem>> -> memref<128x16xf32, #tpu.memory_space<vmem>>
    %dma_wait3A_122 = arith.constant 0 : i32
    %dma_wait3A_123 = tpu.memref_slice %arg20[%dma_wait3A_118, %dma_wait3A_122] : memref<5x128xi32, #tpu.memory_space<vmem>> -> memref<1x128xi32, #tpu.memory_space<vmem>>
    %dma_wait3A_124 = tpu.memref_squeeze %dma_wait3A_123 : memref<1x128xi32, #tpu.memory_space<vmem>> -> memref<128xi32, #tpu.memory_space<vmem>>
    %dma_wait3A_125 = arith.constant 0 : i32
    %dma_wait3A_126 = arith.constant 0 : i32
    %dma_wait3A_127 = tpu.memref_slice %arg11[%dma_wait3A_125, %dma_wait3A_126] : memref<640x16xf32, #tpu.memory_space<vmem_shared>> -> memref<640x16xf32, #tpu.memory_space<vmem_shared>>
    tpu.wait_indirect_dma semaphore(%arg37 : memref<!tpu.dma_semaphore, #tpu.memory_space<semaphore_mem>>) src(%dma_wait3A_121 : memref<128x16xf32, #tpu.memory_space<vmem>>) dst(%dma_wait3A_127 : memref<640x16xf32, #tpu.memory_space<vmem_shared>>)
    %dma_wait3A_128 = arith.constant 2 : i32
    %dma_wait3A_129 = arith.constant 256 : i32
    %dma_wait3A_130 = arith.constant 0 : i32
    %dma_wait3A_131 = tpu.memref_slice %arg19[%dma_wait3A_129, %dma_wait3A_130] : memref<640x16xf32, #tpu.memory_space<vmem>> -> memref<128x16xf32, #tpu.memory_space<vmem>>
    %dma_wait3A_132 = arith.constant 0 : i32
    %dma_wait3A_133 = tpu.memref_slice %arg20[%dma_wait3A_128, %dma_wait3A_132] : memref<5x128xi32, #tpu.memory_space<vmem>> -> memref<1x128xi32, #tpu.memory_space<vmem>>
    %dma_wait3A_134 = tpu.memref_squeeze %dma_wait3A_133 : memref<1x128xi32, #tpu.memory_space<vmem>> -> memref<128xi32, #tpu.memory_space<vmem>>
    %dma_wait3A_135 = arith.constant 0 : i32
    %dma_wait3A_136 = arith.constant 0 : i32
    %dma_wait3A_137 = tpu.memref_slice %arg11[%dma_wait3A_135, %dma_wait3A_136] : memref<640x16xf32, #tpu.memory_space<vmem_shared>> -> memref<640x16xf32, #tpu.memory_space<vmem_shared>>
    tpu.wait_indirect_dma semaphore(%arg37 : memref<!tpu.dma_semaphore, #tpu.memory_space<semaphore_mem>>) src(%dma_wait3A_131 : memref<128x16xf32, #tpu.memory_space<vmem>>) dst(%dma_wait3A_137 : memref<640x16xf32, #tpu.memory_space<vmem_shared>>)
    %dma_wait3A_138 = arith.constant 3 : i32
    %dma_wait3A_139 = arith.constant 384 : i32
    %dma_wait3A_140 = arith.constant 0 : i32
    %dma_wait3A_141 = tpu.memref_slice %arg19[%dma_wait3A_139, %dma_wait3A_140] : memref<640x16xf32, #tpu.memory_space<vmem>> -> memref<128x16xf32, #tpu.memory_space<vmem>>
    %dma_wait3A_142 = arith.constant 0 : i32
    %dma_wait3A_143 = tpu.memref_slice %arg20[%dma_wait3A_138, %dma_wait3A_142] : memref<5x128xi32, #tpu.memory_space<vmem>> -> memref<1x128xi32, #tpu.memory_space<vmem>>
    %dma_wait3A_144 = tpu.memref_squeeze %dma_wait3A_143 : memref<1x128xi32, #tpu.memory_space<vmem>> -> memref<128xi32, #tpu.memory_space<vmem>>
    %dma_wait3A_145 = arith.constant 0 : i32
    %dma_wait3A_146 = arith.constant 0 : i32
    %dma_wait3A_147 = tpu.memref_slice %arg11[%dma_wait3A_145, %dma_wait3A_146] : memref<640x16xf32, #tpu.memory_space<vmem_shared>> -> memref<640x16xf32, #tpu.memory_space<vmem_shared>>
    tpu.wait_indirect_dma semaphore(%arg37 : memref<!tpu.dma_semaphore, #tpu.memory_space<semaphore_mem>>) src(%dma_wait3A_141 : memref<128x16xf32, #tpu.memory_space<vmem>>) dst(%dma_wait3A_147 : memref<640x16xf32, #tpu.memory_space<vmem_shared>>)
    %dma_wait3A_148 = arith.constant 4 : i32
    %dma_wait3A_149 = arith.constant 512 : i32
    %dma_wait3A_150 = arith.constant 0 : i32
    %dma_wait3A_151 = tpu.memref_slice %arg19[%dma_wait3A_149, %dma_wait3A_150] : memref<640x16xf32, #tpu.memory_space<vmem>> -> memref<128x16xf32, #tpu.memory_space<vmem>>
    %dma_wait3A_152 = arith.constant 0 : i32
    %dma_wait3A_153 = tpu.memref_slice %arg20[%dma_wait3A_148, %dma_wait3A_152] : memref<5x128xi32, #tpu.memory_space<vmem>> -> memref<1x128xi32, #tpu.memory_space<vmem>>
    %dma_wait3A_154 = tpu.memref_squeeze %dma_wait3A_153 : memref<1x128xi32, #tpu.memory_space<vmem>> -> memref<128xi32, #tpu.memory_space<vmem>>
    %dma_wait3A_155 = arith.constant 0 : i32
    %dma_wait3A_156 = arith.constant 0 : i32
    %dma_wait3A_157 = tpu.memref_slice %arg11[%dma_wait3A_155, %dma_wait3A_156] : memref<640x16xf32, #tpu.memory_space<vmem_shared>> -> memref<640x16xf32, #tpu.memory_space<vmem_shared>>
    tpu.wait_indirect_dma semaphore(%arg37 : memref<!tpu.dma_semaphore, #tpu.memory_space<semaphore_mem>>) src(%dma_wait3A_151 : memref<128x16xf32, #tpu.memory_space<vmem>>) dst(%dma_wait3A_157 : memref<640x16xf32, #tpu.memory_space<vmem_shared>>)
    %barrier3A_158 = arith.constant 0 : index
    tpu.barrier barrier_id(%barrier3A_158)
    %mul3A_159 = arith.constant 40 : i32
    %mul3A_160 = arith.muli %arg1, %mul3A_159 : i32
    "tpu.region"() ({
      %run_scoped3A = tpu.sem_alloc : memref<!tpu.dma_semaphore, #tpu.memory_space<semaphore_mem>>
      %dma_start3A_235 = arith.constant 0 : i32
      %dma_start3A_236 = tpu.memref_slice %arg11[%mul3A_160, %dma_start3A_235] : memref<640x16xf32, #tpu.memory_space<vmem_shared>> -> memref<40x16xf32, #tpu.memory_space<vmem_shared>>
      %dma_start3A_237 = arith.constant 0 : i32
      %dma_start3A_238 = tpu.memref_slice %arg11[%mul3A_160, %dma_start3A_237] : memref<640x16xf32, #tpu.memory_space<vmem_shared>> -> memref<40x16xf32, #tpu.memory_space<vmem_shared>>
      tpu.enqueue_dma source(%dma_start3A_238 : memref<40x16xf32, #tpu.memory_space<vmem_shared>>) target(%arg18 : memref<40x16xf32, #tpu.memory_space<vmem>>) target_semaphore(%run_scoped3A : memref<!tpu.dma_semaphore, #tpu.memory_space<semaphore_mem>>)
      %dma_wait3A_239 = arith.constant 0 : i32
      %dma_wait3A_240 = tpu.memref_slice %arg11[%mul3A_160, %dma_wait3A_239] : memref<640x16xf32, #tpu.memory_space<vmem_shared>> -> memref<40x16xf32, #tpu.memory_space<vmem_shared>>
      %dma_wait3A_241 = arith.constant 0 : i32
      %dma_wait3A_242 = tpu.memref_slice %arg11[%mul3A_160, %dma_wait3A_241] : memref<640x16xf32, #tpu.memory_space<vmem_shared>> -> memref<40x16xf32, #tpu.memory_space<vmem_shared>>
      tpu.wait_dma2 semaphore(%run_scoped3A : memref<!tpu.dma_semaphore, #tpu.memory_space<semaphore_mem>>) src(%dma_wait3A_242 : memref<40x16xf32, #tpu.memory_space<vmem_shared>>) dst(%arg18 : memref<40x16xf32, #tpu.memory_space<vmem>>)
      tpu.yield
    }) : () -> ()
    %scan3A_161 = arith.constant 0 : i32
    %scan3A_162 = arith.constant 0 : i32
    %scan3A_163 = arith.constant 40 : i32
    %scan3A_164 = arith.addi %scan3A_162, %scan3A_163 : i32
    %scan3A_165 = arith.constant 1 : i32
    %scan3A_166 = scf.for %scan3A_235 = %scan3A_162 to %scan3A_164 step %scan3A_165 iter_args(%scan3A_236 = %scan3A_161) -> (i32)  : i32 {
      %get3A = arith.index_cast %scan3A_235 : i32 to index
      %get3A_237 = arith.constant 0 : index
      %get3A_238 = tpu.vector_load %arg18[%get3A, %get3A_237] {strides = array<i32>} : memref<40x16xf32, #tpu.memory_space<vmem>>, vector<16xf32>,
      %bitcast_convert_type3A = tpu.bitcast %get3A_238 : vector<16xf32> -> vector<16xi32>
      %broadcast_in_dim3A = arith.constant 1597463007 : i32
      %broadcast_in_dim3A_239 = vector.broadcast %broadcast_in_dim3A : i32 to vector<16xi32>
      %shift_right_arithmetic3A = arith.constant 1 : i32
      %shift_right_arithmetic3A_240 = vector.broadcast %shift_right_arithmetic3A : i32 to vector<16xi32>
      %shift_right_arithmetic3A_241 = arith.shrsi %bitcast_convert_type3A, %shift_right_arithmetic3A_240 : vector<16xi32>
      %sub3A_242 = arith.subi %broadcast_in_dim3A_239, %shift_right_arithmetic3A_241 : vector<16xi32>
      %bitcast_convert_type3A_243 = tpu.bitcast %sub3A_242 : vector<16xi32> -> vector<16xf32>
      %mul3A_244 = arith.constant 5.000000e-01 : f32
      %mul3A_245 = vector.broadcast %mul3A_244 : f32 to vector<16xf32>
      %mul3A_246 = arith.mulf %get3A_238, %mul3A_245 : vector<16xf32>
      %mul3A_247 = arith.mulf %mul3A_246, %bitcast_convert_type3A_243 : vector<16xf32>
      %mul3A_248 = arith.mulf %mul3A_247, %bitcast_convert_type3A_243 : vector<16xf32>
      %sub3A_249 = arith.constant 1.500000e+00 : f32
      %sub3A_250 = vector.broadcast %sub3A_249 : f32 to vector<16xf32>
      %sub3A_251 = arith.subf %sub3A_250, %mul3A_248 : vector<16xf32>
      %mul3A_252 = arith.mulf %bitcast_convert_type3A_243, %sub3A_251 : vector<16xf32>
      %mul3A_253 = arith.mulf %mul3A_246, %mul3A_252 : vector<16xf32>
      %mul3A_254 = arith.mulf %mul3A_253, %mul3A_252 : vector<16xf32>
      %sub3A_255 = arith.constant 1.500000e+00 : f32
      %sub3A_256 = vector.broadcast %sub3A_255 : f32 to vector<16xf32>
      %sub3A_257 = arith.subf %sub3A_256, %mul3A_254 : vector<16xf32>
      %mul3A_258 = arith.mulf %mul3A_252, %sub3A_257 : vector<16xf32>
      %mul3A_259 = arith.mulf %mul3A_246, %mul3A_258 : vector<16xf32>
      %mul3A_260 = arith.mulf %mul3A_259, %mul3A_258 : vector<16xf32>
      %sub3A_261 = arith.constant 1.500000e+00 : f32
      %sub3A_262 = vector.broadcast %sub3A_261 : f32 to vector<16xf32>
      %sub3A_263 = arith.subf %sub3A_262, %mul3A_260 : vector<16xf32>
      %mul3A_264 = arith.mulf %mul3A_258, %sub3A_263 : vector<16xf32>
      %mul3A_265 = arith.mulf %mul3A_246, %mul3A_264 : vector<16xf32>
      %mul3A_266 = arith.mulf %mul3A_265, %mul3A_264 : vector<16xf32>
      %sub3A_267 = arith.constant 1.500000e+00 : f32
      %sub3A_268 = vector.broadcast %sub3A_267 : f32 to vector<16xf32>
      %sub3A_269 = arith.subf %sub3A_268, %mul3A_266 : vector<16xf32>
      %mul3A_270 = arith.mulf %mul3A_264, %sub3A_269 : vector<16xf32>
      %swap3A = arith.index_cast %scan3A_235 : i32 to index
      %swap3A_271 = arith.constant 0 : index
      %swap3A_272 = tpu.vector_load %arg18[%swap3A, %swap3A_271] {strides = array<i32>} : memref<40x16xf32, #tpu.memory_space<vmem>>, vector<16xf32>,
      tpu.vector_store %arg18[%swap3A, %swap3A_271], %mul3A_270 {strides = array<i32>} : memref<40x16xf32, #tpu.memory_space<vmem>>, vector<16xf32>,
      %scan3A_273 = arith.constant 0 : i32
      scf.yield %scan3A_273 : i32
    }
    %scan3A_167 = arith.constant 40 : i32
    "tpu.region"() ({
      %run_scoped3A = tpu.sem_alloc : memref<!tpu.dma_semaphore, #tpu.memory_space<semaphore_mem>>
      %dma_start3A_235 = arith.constant 0 : i32
      %dma_start3A_236 = tpu.memref_slice %arg12[%mul3A_160, %dma_start3A_235] : memref<640x16xf32, #tpu.memory_space<vmem_shared>> -> memref<40x16xf32, #tpu.memory_space<vmem_shared>>
      %dma_start3A_237 = arith.constant 0 : i32
      %dma_start3A_238 = tpu.memref_slice %arg12[%mul3A_160, %dma_start3A_237] : memref<640x16xf32, #tpu.memory_space<vmem_shared>> -> memref<40x16xf32, #tpu.memory_space<vmem_shared>>
      tpu.enqueue_dma source(%arg18 : memref<40x16xf32, #tpu.memory_space<vmem>>) target(%dma_start3A_238 : memref<40x16xf32, #tpu.memory_space<vmem_shared>>) target_semaphore(%run_scoped3A : memref<!tpu.dma_semaphore, #tpu.memory_space<semaphore_mem>>)
      %dma_wait3A_239 = arith.constant 0 : i32
      %dma_wait3A_240 = tpu.memref_slice %arg12[%mul3A_160, %dma_wait3A_239] : memref<640x16xf32, #tpu.memory_space<vmem_shared>> -> memref<40x16xf32, #tpu.memory_space<vmem_shared>>
      %dma_wait3A_241 = arith.constant 0 : i32
      %dma_wait3A_242 = tpu.memref_slice %arg12[%mul3A_160, %dma_wait3A_241] : memref<640x16xf32, #tpu.memory_space<vmem_shared>> -> memref<40x16xf32, #tpu.memory_space<vmem_shared>>
      tpu.wait_dma2 semaphore(%run_scoped3A : memref<!tpu.dma_semaphore, #tpu.memory_space<semaphore_mem>>) src(%arg18 : memref<40x16xf32, #tpu.memory_space<vmem>>) dst(%dma_wait3A_242 : memref<40x16xf32, #tpu.memory_space<vmem_shared>>)
      tpu.yield
    }) : () -> ()
    %eq3A = arith.constant 0 : i32
    %eq3A_168 = arith.cmpi eq, %arg0, %eq3A : i32
    %convert_element_type3A = arith.extui %eq3A_168 : i1 to i32
    %cond3A = arith.constant 0 : i32
    %cond3A_169 = arith.cmpi ne, %convert_element_type3A, %cond3A : i32
    scf.if %cond3A_169 {
      "tpu.region"() ({
        %run_scoped3A = tpu.sem_alloc : memref<!tpu.dma_semaphore, #tpu.memory_space<semaphore_mem>>
        %dma_start3A_235 = arith.constant 0 : i32
        %dma_start3A_236 = tpu.memref_slice %arg7[%mul3A_160, %dma_start3A_235] : memref<640x16xf32, #tpu.memory_space<hbm>> -> memref<40x16xf32, #tpu.memory_space<hbm>>
        %dma_start3A_237 = arith.constant 0 : i32
        %dma_start3A_238 = tpu.memref_slice %arg7[%mul3A_160, %dma_start3A_237] : memref<640x16xf32, #tpu.memory_space<hbm>> -> memref<40x16xf32, #tpu.memory_space<hbm>>
        tpu.enqueue_dma source(%arg18 : memref<40x16xf32, #tpu.memory_space<vmem>>) target(%dma_start3A_238 : memref<40x16xf32, #tpu.memory_space<hbm>>) target_semaphore(%run_scoped3A : memref<!tpu.dma_semaphore, #tpu.memory_space<semaphore_mem>>)
        %dma_wait3A_239 = arith.constant 0 : i32
        %dma_wait3A_240 = tpu.memref_slice %arg7[%mul3A_160, %dma_wait3A_239] : memref<640x16xf32, #tpu.memory_space<hbm>> -> memref<40x16xf32, #tpu.memory_space<hbm>>
        %dma_wait3A_241 = arith.constant 0 : i32
        %dma_wait3A_242 = tpu.memref_slice %arg7[%mul3A_160, %dma_wait3A_241] : memref<640x16xf32, #tpu.memory_space<hbm>> -> memref<40x16xf32, #tpu.memory_space<hbm>>
        tpu.wait_dma2 semaphore(%run_scoped3A : memref<!tpu.dma_semaphore, #tpu.memory_space<semaphore_mem>>) src(%arg18 : memref<40x16xf32, #tpu.memory_space<vmem>>) dst(%dma_wait3A_242 : memref<40x16xf32, #tpu.memory_space<hbm>>)
        tpu.yield
      }) : () -> ()
    } else {
    }
    %barrier3A_170 = arith.constant 0 : index
    tpu.barrier barrier_id(%barrier3A_170)
    "tpu.region"() ({
      %run_scoped3A = tpu.sem_alloc : memref<!tpu.dma_semaphore, #tpu.memory_space<semaphore_mem>>
      tpu.enqueue_dma source(%arg12 : memref<640x16xf32, #tpu.memory_space<vmem_shared>>) target(%arg19 : memref<640x16xf32, #tpu.memory_space<vmem>>) target_semaphore(%run_scoped3A : memref<!tpu.dma_semaphore, #tpu.memory_space<semaphore_mem>>)
      tpu.wait_dma2 semaphore(%run_scoped3A : memref<!tpu.dma_semaphore, #tpu.memory_space<semaphore_mem>>) src(%arg12 : memref<640x16xf32, #tpu.memory_space<vmem_shared>>) dst(%arg19 : memref<640x16xf32, #tpu.memory_space<vmem>>)
      tpu.yield
    }) : () -> ()
    %scan3A_171 = arith.constant 0 : i32
    %scan3A_172 = arith.constant 0 : i32
    %scan3A_173 = arith.constant 80 : i32
    %scan3A_174 = arith.addi %scan3A_172, %scan3A_173 : i32
    %scan3A_175 = arith.constant 1 : i32
    %scan3A_176 = scf.for %scan3A_235 = %scan3A_172 to %scan3A_174 step %scan3A_175 iter_args(%scan3A_236 = %scan3A_171) -> (i32)  : i32 {
      %scan3A_237 = arith.constant 0 : i32
      %scan3A_238 = arith.constant 0 : i32
      %scan3A_239 = arith.constant 8 : i32
      %scan3A_240 = arith.addi %scan3A_238, %scan3A_239 : i32
      %scan3A_241 = arith.constant 1 : i32
      %scan3A_242 = scf.for %scan3A_245 = %scan3A_238 to %scan3A_240 step %scan3A_241 iter_args(%scan3A_246 = %scan3A_237) -> (i32)  : i32 {
        %mul3A_247 = arith.constant 16 : i32
        %mul3A_248 = arith.muli %scan3A_245, %mul3A_247 : i32
        %get3A = arith.index_cast %scan3A_235 : i32 to index
        %get3A_249 = arith.index_cast %mul3A_248 : i32 to index
        %get3A_250 = tpu.vector_load %arg13[%get3A, %get3A_249] {strides = array<i32>} : memref<80x128xi32, #tpu.memory_space<vmem>>, vector<16xi32>,
        %get3A_251 = arith.index_cast %scan3A_235 : i32 to index
        %get3A_252 = arith.index_cast %mul3A_248 : i32 to index
        %get3A_253 = tpu.vector_load %arg14[%get3A_251, %get3A_252] {strides = array<i32>} : memref<80x128xi32, #tpu.memory_space<vmem>>, vector<16xi32>,
        %shift_right_arithmetic3A = arith.constant 4 : i32
        %shift_right_arithmetic3A_254 = vector.broadcast %shift_right_arithmetic3A : i32 to vector<16xi32>
        %shift_right_arithmetic3A_255 = arith.shrsi %get3A_250, %shift_right_arithmetic3A_254 : vector<16xi32>
        %and3A = arith.constant 15 : i32
        %and3A_256 = vector.broadcast %and3A : i32 to vector<16xi32>
        %and3A_257 = arith.andi %get3A_250, %and3A_256 : vector<16xi32>
        %gather3A = tpu.vector_load_idx %arg19[%shift_right_arithmetic3A_255, %and3A_257] : memref<640x16xf32, #tpu.memory_space<vmem>>[vector<16xi32>, vector<16xi32>], vector<16xf32>,
        %shift_right_arithmetic3A_258 = arith.constant 4 : i32
        %shift_right_arithmetic3A_259 = vector.broadcast %shift_right_arithmetic3A_258 : i32 to vector<16xi32>
        %shift_right_arithmetic3A_260 = arith.shrsi %get3A_253, %shift_right_arithmetic3A_259 : vector<16xi32>
        %and3A_261 = arith.constant 15 : i32
        %and3A_262 = vector.broadcast %and3A_261 : i32 to vector<16xi32>
        %and3A_263 = arith.andi %get3A_253, %and3A_262 : vector<16xi32>
        %gather3A_264 = tpu.vector_load_idx %arg19[%shift_right_arithmetic3A_260, %and3A_263] : memref<640x16xf32, #tpu.memory_space<vmem>>[vector<16xi32>, vector<16xi32>], vector<16xf32>,
        %get3A_265 = arith.index_cast %scan3A_235 : i32 to index
        %get3A_266 = arith.index_cast %mul3A_248 : i32 to index
        %get3A_267 = tpu.vector_load %arg15[%get3A_265, %get3A_266] {strides = array<i32>} : memref<80x128xf32, #tpu.memory_space<vmem>>, vector<16xf32>,
        %mul3A_268 = arith.mulf %gather3A, %get3A_267 : vector<16xf32>
        %mul3A_269 = arith.mulf %mul3A_268, %gather3A_264 : vector<16xf32>
        %swap3A = arith.index_cast %scan3A_235 : i32 to index
        %swap3A_270 = arith.index_cast %mul3A_248 : i32 to index
        %swap3A_271 = tpu.vector_load %arg15[%swap3A, %swap3A_270] {strides = array<i32>} : memref<80x128xf32, #tpu.memory_space<vmem>>, vector<16xf32>,
        tpu.vector_store %arg15[%swap3A, %swap3A_270], %mul3A_269 {strides = array<i32>} : memref<80x128xf32, #tpu.memory_space<vmem>>, vector<16xf32>,
        %scan3A_272 = arith.constant 0 : i32
        scf.yield %scan3A_272 : i32
      }
      %scan3A_243 = arith.constant 8 : i32
      %scan3A_244 = arith.constant 0 : i32
      scf.yield %scan3A_244 : i32
    }
    %scan3A_177 = arith.constant 80 : i32
    "tpu.region"() ({
      %run_scoped3A = tpu.sem_alloc : memref<!tpu.dma_semaphore, #tpu.memory_space<semaphore_mem>>
      %dma_start3A_235 = arith.constant 0 : i32
      %dma_start3A_236 = arith.constant 0 : i32
      %dma_start3A_237 = tpu.memref_slice %arg8[%add3A, %dma_start3A_235, %dma_start3A_236] : memref<32x80x128xf32, #tpu.memory_space<hbm>> -> memref<1x80x128xf32, #tpu.memory_space<hbm>>
      %dma_start3A_238 = tpu.memref_squeeze %dma_start3A_237 : memref<1x80x128xf32, #tpu.memory_space<hbm>> -> memref<80x128xf32, #tpu.memory_space<hbm>>
      %dma_start3A_239 = arith.constant 0 : i32
      %dma_start3A_240 = arith.constant 0 : i32
      %dma_start3A_241 = tpu.memref_slice %arg8[%add3A, %dma_start3A_239, %dma_start3A_240] : memref<32x80x128xf32, #tpu.memory_space<hbm>> -> memref<1x80x128xf32, #tpu.memory_space<hbm>>
      %dma_start3A_242 = tpu.memref_squeeze %dma_start3A_241 : memref<1x80x128xf32, #tpu.memory_space<hbm>> -> memref<80x128xf32, #tpu.memory_space<hbm>>
      tpu.enqueue_dma source(%arg15 : memref<80x128xf32, #tpu.memory_space<vmem>>) target(%dma_start3A_242 : memref<80x128xf32, #tpu.memory_space<hbm>>) target_semaphore(%run_scoped3A : memref<!tpu.dma_semaphore, #tpu.memory_space<semaphore_mem>>)
      %dma_wait3A_243 = arith.constant 0 : i32
      %dma_wait3A_244 = arith.constant 0 : i32
      %dma_wait3A_245 = tpu.memref_slice %arg8[%add3A, %dma_wait3A_243, %dma_wait3A_244] : memref<32x80x128xf32, #tpu.memory_space<hbm>> -> memref<1x80x128xf32, #tpu.memory_space<hbm>>
      %dma_wait3A_246 = tpu.memref_squeeze %dma_wait3A_245 : memref<1x80x128xf32, #tpu.memory_space<hbm>> -> memref<80x128xf32, #tpu.memory_space<hbm>>
      %dma_wait3A_247 = arith.constant 0 : i32
      %dma_wait3A_248 = arith.constant 0 : i32
      %dma_wait3A_249 = tpu.memref_slice %arg8[%add3A, %dma_wait3A_247, %dma_wait3A_248] : memref<32x80x128xf32, #tpu.memory_space<hbm>> -> memref<1x80x128xf32, #tpu.memory_space<hbm>>
      %dma_wait3A_250 = tpu.memref_squeeze %dma_wait3A_249 : memref<1x80x128xf32, #tpu.memory_space<hbm>> -> memref<80x128xf32, #tpu.memory_space<hbm>>
      tpu.wait_dma2 semaphore(%run_scoped3A : memref<!tpu.dma_semaphore, #tpu.memory_space<semaphore_mem>>) src(%arg15 : memref<80x128xf32, #tpu.memory_space<vmem>>) dst(%dma_wait3A_250 : memref<80x128xf32, #tpu.memory_space<hbm>>)
      tpu.yield
    }) : () -> ()
    %dma_start3A_178 = arith.constant 0 : i32
    %dma_start3A_179 = arith.constant 0 : i32
    %dma_start3A_180 = tpu.memref_slice %arg13[%dma_start3A_178, %dma_start3A_179] : memref<80x128xi32, #tpu.memory_space<vmem>> -> memref<1x128xi32, #tpu.memory_space<vmem>>
    %dma_start3A_181 = tpu.memref_squeeze %dma_start3A_180 : memref<1x128xi32, #tpu.memory_space<vmem>> -> memref<128xi32, #tpu.memory_space<vmem>>
    %dma_start3A_182 = arith.constant 0 : i32
    %dma_start3A_183 = arith.constant 0 : i32
    %dma_start3A_184 = tpu.memref_slice %arg10[%dma_start3A_182, %dma_start3A_183] : memref<10240x16xf32, #tpu.memory_space<vmem_shared>> -> memref<10240x16xf32, #tpu.memory_space<vmem_shared>>
    tpu.enqueue_indirect_dma source(%dma_start3A_184 : memref<10240x16xf32, #tpu.memory_space<vmem_shared>>) target(%arg21 : memref<128x16xf32, #tpu.memory_space<vmem>>) offsets(%dma_start3A_181 : memref<128xi32, #tpu.memory_space<vmem>>) semaphore(%arg29 : memref<!tpu.dma_semaphore, #tpu.memory_space<semaphore_mem>>)
    %dma_start3A_185 = arith.constant 1 : i32
    %dma_start3A_186 = arith.constant 0 : i32
    %dma_start3A_187 = tpu.memref_slice %arg13[%dma_start3A_185, %dma_start3A_186] : memref<80x128xi32, #tpu.memory_space<vmem>> -> memref<1x128xi32, #tpu.memory_space<vmem>>
    %dma_start3A_188 = tpu.memref_squeeze %dma_start3A_187 : memref<1x128xi32, #tpu.memory_space<vmem>> -> memref<128xi32, #tpu.memory_space<vmem>>
    %dma_start3A_189 = arith.constant 0 : i32
    %dma_start3A_190 = arith.constant 0 : i32
    %dma_start3A_191 = tpu.memref_slice %arg10[%dma_start3A_189, %dma_start3A_190] : memref<10240x16xf32, #tpu.memory_space<vmem_shared>> -> memref<10240x16xf32, #tpu.memory_space<vmem_shared>>
    tpu.enqueue_indirect_dma source(%dma_start3A_191 : memref<10240x16xf32, #tpu.memory_space<vmem_shared>>) target(%arg22 : memref<128x16xf32, #tpu.memory_space<vmem>>) offsets(%dma_start3A_188 : memref<128xi32, #tpu.memory_space<vmem>>) semaphore(%arg30 : memref<!tpu.dma_semaphore, #tpu.memory_space<semaphore_mem>>)
    %dma_start3A_192 = arith.constant 2 : i32
    %dma_start3A_193 = arith.constant 0 : i32
    %dma_start3A_194 = tpu.memref_slice %arg13[%dma_start3A_192, %dma_start3A_193] : memref<80x128xi32, #tpu.memory_space<vmem>> -> memref<1x128xi32, #tpu.memory_space<vmem>>
    %dma_start3A_195 = tpu.memref_squeeze %dma_start3A_194 : memref<1x128xi32, #tpu.memory_space<vmem>> -> memref<128xi32, #tpu.memory_space<vmem>>
    %dma_start3A_196 = arith.constant 0 : i32
    %dma_start3A_197 = arith.constant 0 : i32
    %dma_start3A_198 = tpu.memref_slice %arg10[%dma_start3A_196, %dma_start3A_197] : memref<10240x16xf32, #tpu.memory_space<vmem_shared>> -> memref<10240x16xf32, #tpu.memory_space<vmem_shared>>
    tpu.enqueue_indirect_dma source(%dma_start3A_198 : memref<10240x16xf32, #tpu.memory_space<vmem_shared>>) target(%arg23 : memref<128x16xf32, #tpu.memory_space<vmem>>) offsets(%dma_start3A_195 : memref<128xi32, #tpu.memory_space<vmem>>) semaphore(%arg31 : memref<!tpu.dma_semaphore, #tpu.memory_space<semaphore_mem>>)
    %scan3A_199 = arith.constant 0 : i32
    %scan3A_200 = arith.constant 0 : i32
    %scan3A_201 = arith.constant 20 : i32
    %scan3A_202 = arith.addi %scan3A_200, %scan3A_201 : i32
    %scan3A_203 = arith.constant 1 : i32
    %scan3A_204 = scf.for %scan3A_235 = %scan3A_200 to %scan3A_202 step %scan3A_203 iter_args(%scan3A_236 = %scan3A_199) -> (i32)  : i32 {
      %mul3A_237 = arith.constant 4 : i32
      %mul3A_238 = arith.muli %scan3A_235, %mul3A_237 : i32
      %add3A_239 = arith.constant 0 : i32
      %add3A_240 = arith.addi %mul3A_238, %add3A_239 : i32
      %dma_wait3A_241 = arith.constant 0 : i32
      %dma_wait3A_242 = tpu.memref_slice %arg13[%add3A_240, %dma_wait3A_241] : memref<80x128xi32, #tpu.memory_space<vmem>> -> memref<1x128xi32, #tpu.memory_space<vmem>>
      %dma_wait3A_243 = tpu.memref_squeeze %dma_wait3A_242 : memref<1x128xi32, #tpu.memory_space<vmem>> -> memref<128xi32, #tpu.memory_space<vmem>>
      %dma_wait3A_244 = arith.constant 0 : i32
      %dma_wait3A_245 = arith.constant 0 : i32
      %dma_wait3A_246 = tpu.memref_slice %arg10[%dma_wait3A_244, %dma_wait3A_245] : memref<10240x16xf32, #tpu.memory_space<vmem_shared>> -> memref<10240x16xf32, #tpu.memory_space<vmem_shared>>
      tpu.wait_indirect_dma semaphore(%arg29 : memref<!tpu.dma_semaphore, #tpu.memory_space<semaphore_mem>>) src(%dma_wait3A_246 : memref<10240x16xf32, #tpu.memory_space<vmem_shared>>) dst(%arg21 : memref<128x16xf32, #tpu.memory_space<vmem>>)
      %add3A_247 = arith.constant 3 : i32
      %add3A_248 = arith.addi %add3A_240, %add3A_247 : i32
      %dma_start3A_249 = arith.constant 0 : i32
      %dma_start3A_250 = tpu.memref_slice %arg13[%add3A_248, %dma_start3A_249] : memref<80x128xi32, #tpu.memory_space<vmem>> -> memref<1x128xi32, #tpu.memory_space<vmem>>
      %dma_start3A_251 = tpu.memref_squeeze %dma_start3A_250 : memref<1x128xi32, #tpu.memory_space<vmem>> -> memref<128xi32, #tpu.memory_space<vmem>>
      %dma_start3A_252 = arith.constant 0 : i32
      %dma_start3A_253 = arith.constant 0 : i32
      %dma_start3A_254 = tpu.memref_slice %arg10[%dma_start3A_252, %dma_start3A_253] : memref<10240x16xf32, #tpu.memory_space<vmem_shared>> -> memref<10240x16xf32, #tpu.memory_space<vmem_shared>>
      tpu.enqueue_indirect_dma source(%dma_start3A_254 : memref<10240x16xf32, #tpu.memory_space<vmem_shared>>) target(%arg24 : memref<128x16xf32, #tpu.memory_space<vmem>>) offsets(%dma_start3A_251 : memref<128xi32, #tpu.memory_space<vmem>>) semaphore(%arg32 : memref<!tpu.dma_semaphore, #tpu.memory_space<semaphore_mem>>)
      %ge3A = arith.constant 1 : i32
      %ge3A_255 = arith.cmpi sge, %scan3A_235, %ge3A : i32
      %convert_element_type3A_256 = arith.extui %ge3A_255 : i1 to i32
      %cond3A_257 = arith.constant 0 : i32
      %cond3A_258 = arith.cmpi ne, %convert_element_type3A_256, %cond3A_257 : i32
      scf.if %cond3A_258 {
        %dma_wait3A_371 = arith.constant 0 : i32
        %dma_wait3A_372 = tpu.memref_slice %arg14[%add3A_240, %dma_wait3A_371] : memref<80x128xi32, #tpu.memory_space<vmem>> -> memref<1x128xi32, #tpu.memory_space<vmem>>
        %dma_wait3A_373 = tpu.memref_squeeze %dma_wait3A_372 : memref<1x128xi32, #tpu.memory_space<vmem>> -> memref<128xi32, #tpu.memory_space<vmem>>
        %dma_wait3A_374 = arith.constant 0 : i32
        %dma_wait3A_375 = arith.constant 0 : i32
        %dma_wait3A_376 = tpu.memref_slice %arg9[%dma_wait3A_374, %dma_wait3A_375] : memref<10240x16xf32, #tpu.memory_space<vmem_shared>> -> memref<10240x16xf32, #tpu.memory_space<vmem_shared>>
        tpu.wait_indirect_dma semaphore(%arg33 : memref<!tpu.dma_semaphore, #tpu.memory_space<semaphore_mem>>) src(%arg25 : memref<128x16xf32, #tpu.memory_space<vmem>>) dst(%dma_wait3A_376 : memref<10240x16xf32, #tpu.memory_space<vmem_shared>>)
      } else {
      }
      %scan3A_259 = arith.constant 0 : i32
      %scan3A_260 = arith.constant 0 : i32
      %scan3A_261 = arith.constant 8 : i32
      %scan3A_262 = arith.addi %scan3A_260, %scan3A_261 : i32
      %scan3A_263 = arith.constant 1 : i32
      %scan3A_264 = scf.for %scan3A_371 = %scan3A_260 to %scan3A_262 step %scan3A_263 iter_args(%scan3A_372 = %scan3A_259) -> (i32)  : i32 {
        %mul3A_373 = arith.constant 16 : i32
        %mul3A_374 = arith.muli %scan3A_371, %mul3A_373 : i32
        %get3A = arith.index_cast %add3A_240 : i32 to index
        %get3A_375 = arith.index_cast %mul3A_374 : i32 to index
        %get3A_376 = tpu.vector_load %arg15[%get3A, %get3A_375] {strides = array<i32>} : memref<80x128xf32, #tpu.memory_space<vmem>>, vector<16xf32>,
        %mul3A_377 = arith.constant 16 : i32
        %mul3A_378 = arith.muli %scan3A_371, %mul3A_377 : i32
        %add3A_379 = arith.constant 0 : i32
        %add3A_380 = arith.addi %mul3A_378, %add3A_379 : i32
        %get3A_381 = arith.index_cast %add3A_380 : i32 to index
        %get3A_382 = arith.constant 0 : index
        %get3A_383 = tpu.vector_load %arg21[%get3A_381, %get3A_382] {strides = array<i32>} : memref<128x16xf32, #tpu.memory_space<vmem>>, vector<16xf32>,
        %slice3A = vector.extract_strided_slice %get3A_376 {offsets = [0], sizes = [1], strides = [1]} : vector<16xf32> to vector<1xf32>
        %squeeze3A = vector.extract %slice3A[0] : f32 from vector<1xf32>
        %mul3A_384 = vector.broadcast %squeeze3A : f32 to vector<16xf32>
        %mul3A_385 = arith.mulf %get3A_383, %mul3A_384 : vector<16xf32>
        %swap3A = arith.index_cast %add3A_380 : i32 to index
        %swap3A_386 = arith.constant 0 : index
        %swap3A_387 = tpu.vector_load %arg25[%swap3A, %swap3A_386] {strides = array<i32>} : memref<128x16xf32, #tpu.memory_space<vmem>>, vector<16xf32>,
        tpu.vector_store %arg25[%swap3A, %swap3A_386], %mul3A_385 {strides = array<i32>} : memref<128x16xf32, #tpu.memory_space<vmem>>, vector<16xf32>,
        %mul3A_388 = arith.constant 16 : i32
        %mul3A_389 = arith.muli %scan3A_371, %mul3A_388 : i32
        %add3A_390 = arith.constant 1 : i32
        %add3A_391 = arith.addi %mul3A_389, %add3A_390 : i32
        %get3A_392 = arith.index_cast %add3A_391 : i32 to index
        %get3A_393 = arith.constant 0 : index
        %get3A_394 = tpu.vector_load %arg21[%get3A_392, %get3A_393] {strides = array<i32>} : memref<128x16xf32, #tpu.memory_space<vmem>>, vector<16xf32>,
        %slice3A_395 = vector.extract_strided_slice %get3A_376 {offsets = [1], sizes = [1], strides = [1]} : vector<16xf32> to vector<1xf32>
        %squeeze3A_396 = vector.extract %slice3A_395[0] : f32 from vector<1xf32>
        %mul3A_397 = vector.broadcast %squeeze3A_396 : f32 to vector<16xf32>
        %mul3A_398 = arith.mulf %get3A_394, %mul3A_397 : vector<16xf32>
        %swap3A_399 = arith.index_cast %add3A_391 : i32 to index
        %swap3A_400 = arith.constant 0 : index
        %swap3A_401 = tpu.vector_load %arg25[%swap3A_399, %swap3A_400] {strides = array<i32>} : memref<128x16xf32, #tpu.memory_space<vmem>>, vector<16xf32>,
        tpu.vector_store %arg25[%swap3A_399, %swap3A_400], %mul3A_398 {strides = array<i32>} : memref<128x16xf32, #tpu.memory_space<vmem>>, vector<16xf32>,
        %mul3A_402 = arith.constant 16 : i32
        %mul3A_403 = arith.muli %scan3A_371, %mul3A_402 : i32
        %add3A_404 = arith.constant 2 : i32
        %add3A_405 = arith.addi %mul3A_403, %add3A_404 : i32
        %get3A_406 = arith.index_cast %add3A_405 : i32 to index
        %get3A_407 = arith.constant 0 : index
        %get3A_408 = tpu.vector_load %arg21[%get3A_406, %get3A_407] {strides = array<i32>} : memref<128x16xf32, #tpu.memory_space<vmem>>, vector<16xf32>,
        %slice3A_409 = vector.extract_strided_slice %get3A_376 {offsets = [2], sizes = [1], strides = [1]} : vector<16xf32> to vector<1xf32>
        %squeeze3A_410 = vector.extract %slice3A_409[0] : f32 from vector<1xf32>
        %mul3A_411 = vector.broadcast %squeeze3A_410 : f32 to vector<16xf32>
        %mul3A_412 = arith.mulf %get3A_408, %mul3A_411 : vector<16xf32>
        %swap3A_413 = arith.index_cast %add3A_405 : i32 to index
        %swap3A_414 = arith.constant 0 : index
        %swap3A_415 = tpu.vector_load %arg25[%swap3A_413, %swap3A_414] {strides = array<i32>} : memref<128x16xf32, #tpu.memory_space<vmem>>, vector<16xf32>,
        tpu.vector_store %arg25[%swap3A_413, %swap3A_414], %mul3A_412 {strides = array<i32>} : memref<128x16xf32, #tpu.memory_space<vmem>>, vector<16xf32>,
        %mul3A_416 = arith.constant 16 : i32
        %mul3A_417 = arith.muli %scan3A_371, %mul3A_416 : i32
        %add3A_418 = arith.constant 3 : i32
        %add3A_419 = arith.addi %mul3A_417, %add3A_418 : i32
        %get3A_420 = arith.index_cast %add3A_419 : i32 to index
        %get3A_421 = arith.constant 0 : index
        %get3A_422 = tpu.vector_load %arg21[%get3A_420, %get3A_421] {strides = array<i32>} : memref<128x16xf32, #tpu.memory_space<vmem>>, vector<16xf32>,
        %slice3A_423 = vector.extract_strided_slice %get3A_376 {offsets = [3], sizes = [1], strides = [1]} : vector<16xf32> to vector<1xf32>
        %squeeze3A_424 = vector.extract %slice3A_423[0] : f32 from vector<1xf32>
        %mul3A_425 = vector.broadcast %squeeze3A_424 : f32 to vector<16xf32>
        %mul3A_426 = arith.mulf %get3A_422, %mul3A_425 : vector<16xf32>
        %swap3A_427 = arith.index_cast %add3A_419 : i32 to index
        %swap3A_428 = arith.constant 0 : index
        %swap3A_429 = tpu.vector_load %arg25[%swap3A_427, %swap3A_428] {strides = array<i32>} : memref<128x16xf32, #tpu.memory_space<vmem>>, vector<16xf32>,
        tpu.vector_store %arg25[%swap3A_427, %swap3A_428], %mul3A_426 {strides = array<i32>} : memref<128x16xf32, #tpu.memory_space<vmem>>, vector<16xf32>,
        %mul3A_430 = arith.constant 16 : i32
        %mul3A_431 = arith.muli %scan3A_371, %mul3A_430 : i32
        %add3A_432 = arith.constant 4 : i32
        %add3A_433 = arith.addi %mul3A_431, %add3A_432 : i32
        %get3A_434 = arith.index_cast %add3A_433 : i32 to index
        %get3A_435 = arith.constant 0 : index
        %get3A_436 = tpu.vector_load %arg21[%get3A_434, %get3A_435] {strides = array<i32>} : memref<128x16xf32, #tpu.memory_space<vmem>>, vector<16xf32>,
        %slice3A_437 = vector.extract_strided_slice %get3A_376 {offsets = [4], sizes = [1], strides = [1]} : vector<16xf32> to vector<1xf32>
        %squeeze3A_438 = vector.extract %slice3A_437[0] : f32 from vector<1xf32>
        %mul3A_439 = vector.broadcast %squeeze3A_438 : f32 to vector<16xf32>
        %mul3A_440 = arith.mulf %get3A_436, %mul3A_439 : vector<16xf32>
        %swap3A_441 = arith.index_cast %add3A_433 : i32 to index
        %swap3A_442 = arith.constant 0 : index
        %swap3A_443 = tpu.vector_load %arg25[%swap3A_441, %swap3A_442] {strides = array<i32>} : memref<128x16xf32, #tpu.memory_space<vmem>>, vector<16xf32>,
        tpu.vector_store %arg25[%swap3A_441, %swap3A_442], %mul3A_440 {strides = array<i32>} : memref<128x16xf32, #tpu.memory_space<vmem>>, vector<16xf32>,
        %mul3A_444 = arith.constant 16 : i32
        %mul3A_445 = arith.muli %scan3A_371, %mul3A_444 : i32
        %add3A_446 = arith.constant 5 : i32
        %add3A_447 = arith.addi %mul3A_445, %add3A_446 : i32
        %get3A_448 = arith.index_cast %add3A_447 : i32 to index
        %get3A_449 = arith.constant 0 : index
        %get3A_450 = tpu.vector_load %arg21[%get3A_448, %get3A_449] {strides = array<i32>} : memref<128x16xf32, #tpu.memory_space<vmem>>, vector<16xf32>,
        %slice3A_451 = vector.extract_strided_slice %get3A_376 {offsets = [5], sizes = [1], strides = [1]} : vector<16xf32> to vector<1xf32>
        %squeeze3A_452 = vector.extract %slice3A_451[0] : f32 from vector<1xf32>
        %mul3A_453 = vector.broadcast %squeeze3A_452 : f32 to vector<16xf32>
        %mul3A_454 = arith.mulf %get3A_450, %mul3A_453 : vector<16xf32>
        %swap3A_455 = arith.index_cast %add3A_447 : i32 to index
        %swap3A_456 = arith.constant 0 : index
        %swap3A_457 = tpu.vector_load %arg25[%swap3A_455, %swap3A_456] {strides = array<i32>} : memref<128x16xf32, #tpu.memory_space<vmem>>, vector<16xf32>,
        tpu.vector_store %arg25[%swap3A_455, %swap3A_456], %mul3A_454 {strides = array<i32>} : memref<128x16xf32, #tpu.memory_space<vmem>>, vector<16xf32>,
        %mul3A_458 = arith.constant 16 : i32
        %mul3A_459 = arith.muli %scan3A_371, %mul3A_458 : i32
        %add3A_460 = arith.constant 6 : i32
        %add3A_461 = arith.addi %mul3A_459, %add3A_460 : i32
        %get3A_462 = arith.index_cast %add3A_461 : i32 to index
        %get3A_463 = arith.constant 0 : index
        %get3A_464 = tpu.vector_load %arg21[%get3A_462, %get3A_463] {strides = array<i32>} : memref<128x16xf32, #tpu.memory_space<vmem>>, vector<16xf32>,
        %slice3A_465 = vector.extract_strided_slice %get3A_376 {offsets = [6], sizes = [1], strides = [1]} : vector<16xf32> to vector<1xf32>
        %squeeze3A_466 = vector.extract %slice3A_465[0] : f32 from vector<1xf32>
        %mul3A_467 = vector.broadcast %squeeze3A_466 : f32 to vector<16xf32>
        %mul3A_468 = arith.mulf %get3A_464, %mul3A_467 : vector<16xf32>
        %swap3A_469 = arith.index_cast %add3A_461 : i32 to index
        %swap3A_470 = arith.constant 0 : index
        %swap3A_471 = tpu.vector_load %arg25[%swap3A_469, %swap3A_470] {strides = array<i32>} : memref<128x16xf32, #tpu.memory_space<vmem>>, vector<16xf32>,
        tpu.vector_store %arg25[%swap3A_469, %swap3A_470], %mul3A_468 {strides = array<i32>} : memref<128x16xf32, #tpu.memory_space<vmem>>, vector<16xf32>,
        %mul3A_472 = arith.constant 16 : i32
        %mul3A_473 = arith.muli %scan3A_371, %mul3A_472 : i32
        %add3A_474 = arith.constant 7 : i32
        %add3A_475 = arith.addi %mul3A_473, %add3A_474 : i32
        %get3A_476 = arith.index_cast %add3A_475 : i32 to index
        %get3A_477 = arith.constant 0 : index
        %get3A_478 = tpu.vector_load %arg21[%get3A_476, %get3A_477] {strides = array<i32>} : memref<128x16xf32, #tpu.memory_space<vmem>>, vector<16xf32>,
        %slice3A_479 = vector.extract_strided_slice %get3A_376 {offsets = [7], sizes = [1], strides = [1]} : vector<16xf32> to vector<1xf32>
        %squeeze3A_480 = vector.extract %slice3A_479[0] : f32 from vector<1xf32>
        %mul3A_481 = vector.broadcast %squeeze3A_480 : f32 to vector<16xf32>
        %mul3A_482 = arith.mulf %get3A_478, %mul3A_481 : vector<16xf32>
        %swap3A_483 = arith.index_cast %add3A_475 : i32 to index
        %swap3A_484 = arith.constant 0 : index
        %swap3A_485 = tpu.vector_load %arg25[%swap3A_483, %swap3A_484] {strides = array<i32>} : memref<128x16xf32, #tpu.memory_space<vmem>>, vector<16xf32>,
        tpu.vector_store %arg25[%swap3A_483, %swap3A_484], %mul3A_482 {strides = array<i32>} : memref<128x16xf32, #tpu.memory_space<vmem>>, vector<16xf32>,
        %mul3A_486 = arith.constant 16 : i32
        %mul3A_487 = arith.muli %scan3A_371, %mul3A_486 : i32
        %add3A_488 = arith.constant 8 : i32
        %add3A_489 = arith.addi %mul3A_487, %add3A_488 : i32
        %get3A_490 = arith.index_cast %add3A_489 : i32 to index
        %get3A_491 = arith.constant 0 : index
        %get3A_492 = tpu.vector_load %arg21[%get3A_490, %get3A_491] {strides = array<i32>} : memref<128x16xf32, #tpu.memory_space<vmem>>, vector<16xf32>,
        %slice3A_493 = vector.extract_strided_slice %get3A_376 {offsets = [8], sizes = [1], strides = [1]} : vector<16xf32> to vector<1xf32>
        %squeeze3A_494 = vector.extract %slice3A_493[0] : f32 from vector<1xf32>
        %mul3A_495 = vector.broadcast %squeeze3A_494 : f32 to vector<16xf32>
        %mul3A_496 = arith.mulf %get3A_492, %mul3A_495 : vector<16xf32>
        %swap3A_497 = arith.index_cast %add3A_489 : i32 to index
        %swap3A_498 = arith.constant 0 : index
        %swap3A_499 = tpu.vector_load %arg25[%swap3A_497, %swap3A_498] {strides = array<i32>} : memref<128x16xf32, #tpu.memory_space<vmem>>, vector<16xf32>,
        tpu.vector_store %arg25[%swap3A_497, %swap3A_498], %mul3A_496 {strides = array<i32>} : memref<128x16xf32, #tpu.memory_space<vmem>>, vector<16xf32>,
        %mul3A_500 = arith.constant 16 : i32
        %mul3A_501 = arith.muli %scan3A_371, %mul3A_500 : i32
        %add3A_502 = arith.constant 9 : i32
        %add3A_503 = arith.addi %mul3A_501, %add3A_502 : i32
        %get3A_504 = arith.index_cast %add3A_503 : i32 to index
        %get3A_505 = arith.constant 0 : index
        %get3A_506 = tpu.vector_load %arg21[%get3A_504, %get3A_505] {strides = array<i32>} : memref<128x16xf32, #tpu.memory_space<vmem>>, vector<16xf32>,
        %slice3A_507 = vector.extract_strided_slice %get3A_376 {offsets = [9], sizes = [1], strides = [1]} : vector<16xf32> to vector<1xf32>
        %squeeze3A_508 = vector.extract %slice3A_507[0] : f32 from vector<1xf32>
        %mul3A_509 = vector.broadcast %squeeze3A_508 : f32 to vector<16xf32>
        %mul3A_510 = arith.mulf %get3A_506, %mul3A_509 : vector<16xf32>
        %swap3A_511 = arith.index_cast %add3A_503 : i32 to index
        %swap3A_512 = arith.constant 0 : index
        %swap3A_513 = tpu.vector_load %arg25[%swap3A_511, %swap3A_512] {strides = array<i32>} : memref<128x16xf32, #tpu.memory_space<vmem>>, vector<16xf32>,
        tpu.vector_store %arg25[%swap3A_511, %swap3A_512], %mul3A_510 {strides = array<i32>} : memref<128x16xf32, #tpu.memory_space<vmem>>, vector<16xf32>,
        %mul3A_514 = arith.constant 16 : i32
        %mul3A_515 = arith.muli %scan3A_371, %mul3A_514 : i32
        %add3A_516 = arith.constant 10 : i32
        %add3A_517 = arith.addi %mul3A_515, %add3A_516 : i32
        %get3A_518 = arith.index_cast %add3A_517 : i32 to index
        %get3A_519 = arith.constant 0 : index
        %get3A_520 = tpu.vector_load %arg21[%get3A_518, %get3A_519] {strides = array<i32>} : memref<128x16xf32, #tpu.memory_space<vmem>>, vector<16xf32>,
        %slice3A_521 = vector.extract_strided_slice %get3A_376 {offsets = [10], sizes = [1], strides = [1]} : vector<16xf32> to vector<1xf32>
        %squeeze3A_522 = vector.extract %slice3A_521[0] : f32 from vector<1xf32>
        %mul3A_523 = vector.broadcast %squeeze3A_522 : f32 to vector<16xf32>
        %mul3A_524 = arith.mulf %get3A_520, %mul3A_523 : vector<16xf32>
        %swap3A_525 = arith.index_cast %add3A_517 : i32 to index
        %swap3A_526 = arith.constant 0 : index
        %swap3A_527 = tpu.vector_load %arg25[%swap3A_525, %swap3A_526] {strides = array<i32>} : memref<128x16xf32, #tpu.memory_space<vmem>>, vector<16xf32>,
        tpu.vector_store %arg25[%swap3A_525, %swap3A_526], %mul3A_524 {strides = array<i32>} : memref<128x16xf32, #tpu.memory_space<vmem>>, vector<16xf32>,
        %mul3A_528 = arith.constant 16 : i32
        %mul3A_529 = arith.muli %scan3A_371, %mul3A_528 : i32
        %add3A_530 = arith.constant 11 : i32
        %add3A_531 = arith.addi %mul3A_529, %add3A_530 : i32
        %get3A_532 = arith.index_cast %add3A_531 : i32 to index
        %get3A_533 = arith.constant 0 : index
        %get3A_534 = tpu.vector_load %arg21[%get3A_532, %get3A_533] {strides = array<i32>} : memref<128x16xf32, #tpu.memory_space<vmem>>, vector<16xf32>,
        %slice3A_535 = vector.extract_strided_slice %get3A_376 {offsets = [11], sizes = [1], strides = [1]} : vector<16xf32> to vector<1xf32>
        %squeeze3A_536 = vector.extract %slice3A_535[0] : f32 from vector<1xf32>
        %mul3A_537 = vector.broadcast %squeeze3A_536 : f32 to vector<16xf32>
        %mul3A_538 = arith.mulf %get3A_534, %mul3A_537 : vector<16xf32>
        %swap3A_539 = arith.index_cast %add3A_531 : i32 to index
        %swap3A_540 = arith.constant 0 : index
        %swap3A_541 = tpu.vector_load %arg25[%swap3A_539, %swap3A_540] {strides = array<i32>} : memref<128x16xf32, #tpu.memory_space<vmem>>, vector<16xf32>,
        tpu.vector_store %arg25[%swap3A_539, %swap3A_540], %mul3A_538 {strides = array<i32>} : memref<128x16xf32, #tpu.memory_space<vmem>>, vector<16xf32>,
        %mul3A_542 = arith.constant 16 : i32
        %mul3A_543 = arith.muli %scan3A_371, %mul3A_542 : i32
        %add3A_544 = arith.constant 12 : i32
        %add3A_545 = arith.addi %mul3A_543, %add3A_544 : i32
        %get3A_546 = arith.index_cast %add3A_545 : i32 to index
        %get3A_547 = arith.constant 0 : index
        %get3A_548 = tpu.vector_load %arg21[%get3A_546, %get3A_547] {strides = array<i32>} : memref<128x16xf32, #tpu.memory_space<vmem>>, vector<16xf32>,
        %slice3A_549 = vector.extract_strided_slice %get3A_376 {offsets = [12], sizes = [1], strides = [1]} : vector<16xf32> to vector<1xf32>
        %squeeze3A_550 = vector.extract %slice3A_549[0] : f32 from vector<1xf32>
        %mul3A_551 = vector.broadcast %squeeze3A_550 : f32 to vector<16xf32>
        %mul3A_552 = arith.mulf %get3A_548, %mul3A_551 : vector<16xf32>
        %swap3A_553 = arith.index_cast %add3A_545 : i32 to index
        %swap3A_554 = arith.constant 0 : index
        %swap3A_555 = tpu.vector_load %arg25[%swap3A_553, %swap3A_554] {strides = array<i32>} : memref<128x16xf32, #tpu.memory_space<vmem>>, vector<16xf32>,
        tpu.vector_store %arg25[%swap3A_553, %swap3A_554], %mul3A_552 {strides = array<i32>} : memref<128x16xf32, #tpu.memory_space<vmem>>, vector<16xf32>,
        %mul3A_556 = arith.constant 16 : i32
        %mul3A_557 = arith.muli %scan3A_371, %mul3A_556 : i32
        %add3A_558 = arith.constant 13 : i32
        %add3A_559 = arith.addi %mul3A_557, %add3A_558 : i32
        %get3A_560 = arith.index_cast %add3A_559 : i32 to index
        %get3A_561 = arith.constant 0 : index
        %get3A_562 = tpu.vector_load %arg21[%get3A_560, %get3A_561] {strides = array<i32>} : memref<128x16xf32, #tpu.memory_space<vmem>>, vector<16xf32>,
        %slice3A_563 = vector.extract_strided_slice %get3A_376 {offsets = [13], sizes = [1], strides = [1]} : vector<16xf32> to vector<1xf32>
        %squeeze3A_564 = vector.extract %slice3A_563[0] : f32 from vector<1xf32>
        %mul3A_565 = vector.broadcast %squeeze3A_564 : f32 to vector<16xf32>
        %mul3A_566 = arith.mulf %get3A_562, %mul3A_565 : vector<16xf32>
        %swap3A_567 = arith.index_cast %add3A_559 : i32 to index
        %swap3A_568 = arith.constant 0 : index
        %swap3A_569 = tpu.vector_load %arg25[%swap3A_567, %swap3A_568] {strides = array<i32>} : memref<128x16xf32, #tpu.memory_space<vmem>>, vector<16xf32>,
        tpu.vector_store %arg25[%swap3A_567, %swap3A_568], %mul3A_566 {strides = array<i32>} : memref<128x16xf32, #tpu.memory_space<vmem>>, vector<16xf32>,
        %mul3A_570 = arith.constant 16 : i32
        %mul3A_571 = arith.muli %scan3A_371, %mul3A_570 : i32
        %add3A_572 = arith.constant 14 : i32
        %add3A_573 = arith.addi %mul3A_571, %add3A_572 : i32
        %get3A_574 = arith.index_cast %add3A_573 : i32 to index
        %get3A_575 = arith.constant 0 : index
        %get3A_576 = tpu.vector_load %arg21[%get3A_574, %get3A_575] {strides = array<i32>} : memref<128x16xf32, #tpu.memory_space<vmem>>, vector<16xf32>,
        %slice3A_577 = vector.extract_strided_slice %get3A_376 {offsets = [14], sizes = [1], strides = [1]} : vector<16xf32> to vector<1xf32>
        %squeeze3A_578 = vector.extract %slice3A_577[0] : f32 from vector<1xf32>
        %mul3A_579 = vector.broadcast %squeeze3A_578 : f32 to vector<16xf32>
        %mul3A_580 = arith.mulf %get3A_576, %mul3A_579 : vector<16xf32>
        %swap3A_581 = arith.index_cast %add3A_573 : i32 to index
        %swap3A_582 = arith.constant 0 : index
        %swap3A_583 = tpu.vector_load %arg25[%swap3A_581, %swap3A_582] {strides = array<i32>} : memref<128x16xf32, #tpu.memory_space<vmem>>, vector<16xf32>,
        tpu.vector_store %arg25[%swap3A_581, %swap3A_582], %mul3A_580 {strides = array<i32>} : memref<128x16xf32, #tpu.memory_space<vmem>>, vector<16xf32>,
        %mul3A_584 = arith.constant 16 : i32
        %mul3A_585 = arith.muli %scan3A_371, %mul3A_584 : i32
        %add3A_586 = arith.constant 15 : i32
        %add3A_587 = arith.addi %mul3A_585, %add3A_586 : i32
        %get3A_588 = arith.index_cast %add3A_587 : i32 to index
        %get3A_589 = arith.constant 0 : index
        %get3A_590 = tpu.vector_load %arg21[%get3A_588, %get3A_589] {strides = array<i32>} : memref<128x16xf32, #tpu.memory_space<vmem>>, vector<16xf32>,
        %slice3A_591 = vector.extract_strided_slice %get3A_376 {offsets = [15], sizes = [1], strides = [1]} : vector<16xf32> to vector<1xf32>
        %squeeze3A_592 = vector.extract %slice3A_591[0] : f32 from vector<1xf32>
        %mul3A_593 = vector.broadcast %squeeze3A_592 : f32 to vector<16xf32>
        %mul3A_594 = arith.mulf %get3A_590, %mul3A_593 : vector<16xf32>
        %swap3A_595 = arith.index_cast %add3A_587 : i32 to index
        %swap3A_596 = arith.constant 0 : index
        %swap3A_597 = tpu.vector_load %arg25[%swap3A_595, %swap3A_596] {strides = array<i32>} : memref<128x16xf32, #tpu.memory_space<vmem>>, vector<16xf32>,
        tpu.vector_store %arg25[%swap3A_595, %swap3A_596], %mul3A_594 {strides = array<i32>} : memref<128x16xf32, #tpu.memory_space<vmem>>, vector<16xf32>,
        %scan3A_598 = arith.constant 0 : i32
        scf.yield %scan3A_598 : i32
      }
      %scan3A_265 = arith.constant 8 : i32
      %dma_start3A_266 = arith.constant 0 : i32
      %dma_start3A_267 = tpu.memref_slice %arg14[%add3A_240, %dma_start3A_266] : memref<80x128xi32, #tpu.memory_space<vmem>> -> memref<1x128xi32, #tpu.memory_space<vmem>>
      %dma_start3A_268 = tpu.memref_squeeze %dma_start3A_267 : memref<1x128xi32, #tpu.memory_space<vmem>> -> memref<128xi32, #tpu.memory_space<vmem>>
      %dma_start3A_269 = arith.constant 0 : i32
      %dma_start3A_270 = arith.constant 0 : i32
      %dma_start3A_271 = tpu.memref_slice %arg9[%dma_start3A_269, %dma_start3A_270] : memref<10240x16xf32, #tpu.memory_space<vmem_shared>> -> memref<10240x16xf32, #tpu.memory_space<vmem_shared>>
      tpu.enqueue_indirect_dma source(%arg25 : memref<128x16xf32, #tpu.memory_space<vmem>>) target(%dma_start3A_271 : memref<10240x16xf32, #tpu.memory_space<vmem_shared>>) offsets(%dma_start3A_268 : memref<128xi32, #tpu.memory_space<vmem>>) semaphore(%arg33 : memref<!tpu.dma_semaphore, #tpu.memory_space<semaphore_mem>>) {add = true}
      %mul3A_272 = arith.constant 4 : i32
      %mul3A_273 = arith.muli %scan3A_235, %mul3A_272 : i32
      %add3A_274 = arith.constant 1 : i32
      %add3A_275 = arith.addi %mul3A_273, %add3A_274 : i32
      %dma_wait3A_276 = arith.constant 0 : i32
      %dma_wait3A_277 = tpu.memref_slice %arg13[%add3A_275, %dma_wait3A_276] : memref<80x128xi32, #tpu.memory_space<vmem>> -> memref<1x128xi32, #tpu.memory_space<vmem>>
      %dma_wait3A_278 = tpu.memref_squeeze %dma_wait3A_277 : memref<1x128xi32, #tpu.memory_space<vmem>> -> memref<128xi32, #tpu.memory_space<vmem>>
      %dma_wait3A_279 = arith.constant 0 : i32
      %dma_wait3A_280 = arith.constant 0 : i32
      %dma_wait3A_281 = tpu.memref_slice %arg10[%dma_wait3A_279, %dma_wait3A_280] : memref<10240x16xf32, #tpu.memory_space<vmem_shared>> -> memref<10240x16xf32, #tpu.memory_space<vmem_shared>>
      tpu.wait_indirect_dma semaphore(%arg30 : memref<!tpu.dma_semaphore, #tpu.memory_space<semaphore_mem>>) src(%dma_wait3A_281 : memref<10240x16xf32, #tpu.memory_space<vmem_shared>>) dst(%arg22 : memref<128x16xf32, #tpu.memory_space<vmem>>)
      %lt3A = arith.constant 19 : i32
      %lt3A_282 = arith.cmpi slt, %scan3A_235, %lt3A : i32
      %convert_element_type3A_283 = arith.extui %lt3A_282 : i1 to i32
      %cond3A_284 = arith.constant 0 : i32
      %cond3A_285 = arith.cmpi ne, %convert_element_type3A_283, %cond3A_284 : i32
      scf.if %cond3A_285 {
        %add3A_371 = arith.constant 3 : i32
        %add3A_372 = arith.addi %add3A_275, %add3A_371 : i32
        %dma_start3A_373 = arith.constant 0 : i32
        %dma_start3A_374 = tpu.memref_slice %arg13[%add3A_372, %dma_start3A_373] : memref<80x128xi32, #tpu.memory_space<vmem>> -> memref<1x128xi32, #tpu.memory_space<vmem>>
        %dma_start3A_375 = tpu.memref_squeeze %dma_start3A_374 : memref<1x128xi32, #tpu.memory_space<vmem>> -> memref<128xi32, #tpu.memory_space<vmem>>
        %dma_start3A_376 = arith.constant 0 : i32
        %dma_start3A_377 = arith.constant 0 : i32
        %dma_start3A_378 = tpu.memref_slice %arg10[%dma_start3A_376, %dma_start3A_377] : memref<10240x16xf32, #tpu.memory_space<vmem_shared>> -> memref<10240x16xf32, #tpu.memory_space<vmem_shared>>
        tpu.enqueue_indirect_dma source(%dma_start3A_378 : memref<10240x16xf32, #tpu.memory_space<vmem_shared>>) target(%arg21 : memref<128x16xf32, #tpu.memory_space<vmem>>) offsets(%dma_start3A_375 : memref<128xi32, #tpu.memory_space<vmem>>) semaphore(%arg29 : memref<!tpu.dma_semaphore, #tpu.memory_space<semaphore_mem>>)
      } else {
      }
      %ge3A_286 = arith.constant 1 : i32
      %ge3A_287 = arith.cmpi sge, %scan3A_235, %ge3A_286 : i32
      %convert_element_type3A_288 = arith.extui %ge3A_287 : i1 to i32
      %cond3A_289 = arith.constant 0 : i32
      %cond3A_290 = arith.cmpi ne, %convert_element_type3A_288, %cond3A_289 : i32
      scf.if %cond3A_290 {
        %dma_wait3A_371 = arith.constant 0 : i32
        %dma_wait3A_372 = tpu.memref_slice %arg14[%add3A_275, %dma_wait3A_371] : memref<80x128xi32, #tpu.memory_space<vmem>> -> memref<1x128xi32, #tpu.memory_space<vmem>>
        %dma_wait3A_373 = tpu.memref_squeeze %dma_wait3A_372 : memref<1x128xi32, #tpu.memory_space<vmem>> -> memref<128xi32, #tpu.memory_space<vmem>>
        %dma_wait3A_374 = arith.constant 0 : i32
        %dma_wait3A_375 = arith.constant 0 : i32
        %dma_wait3A_376 = tpu.memref_slice %arg9[%dma_wait3A_374, %dma_wait3A_375] : memref<10240x16xf32, #tpu.memory_space<vmem_shared>> -> memref<10240x16xf32, #tpu.memory_space<vmem_shared>>
        tpu.wait_indirect_dma semaphore(%arg34 : memref<!tpu.dma_semaphore, #tpu.memory_space<semaphore_mem>>) src(%arg26 : memref<128x16xf32, #tpu.memory_space<vmem>>) dst(%dma_wait3A_376 : memref<10240x16xf32, #tpu.memory_space<vmem_shared>>)
      } else {
      }
      %scan3A_291 = arith.constant 0 : i32
      %scan3A_292 = arith.constant 0 : i32
      %scan3A_293 = arith.constant 8 : i32
      %scan3A_294 = arith.addi %scan3A_292, %scan3A_293 : i32
      %scan3A_295 = arith.constant 1 : i32
      %scan3A_296 = scf.for %scan3A_371 = %scan3A_292 to %scan3A_294 step %scan3A_295 iter_args(%scan3A_372 = %scan3A_291) -> (i32)  : i32 {
        %mul3A_373 = arith.constant 16 : i32
        %mul3A_374 = arith.muli %scan3A_371, %mul3A_373 : i32
        %get3A = arith.index_cast %add3A_275 : i32 to index
        %get3A_375 = arith.index_cast %mul3A_374 : i32 to index
        %get3A_376 = tpu.vector_load %arg15[%get3A, %get3A_375] {strides = array<i32>} : memref<80x128xf32, #tpu.memory_space<vmem>>, vector<16xf32>,
        %mul3A_377 = arith.constant 16 : i32
        %mul3A_378 = arith.muli %scan3A_371, %mul3A_377 : i32
        %add3A_379 = arith.constant 0 : i32
        %add3A_380 = arith.addi %mul3A_378, %add3A_379 : i32
        %get3A_381 = arith.index_cast %add3A_380 : i32 to index
        %get3A_382 = arith.constant 0 : index
        %get3A_383 = tpu.vector_load %arg22[%get3A_381, %get3A_382] {strides = array<i32>} : memref<128x16xf32, #tpu.memory_space<vmem>>, vector<16xf32>,
        %slice3A = vector.extract_strided_slice %get3A_376 {offsets = [0], sizes = [1], strides = [1]} : vector<16xf32> to vector<1xf32>
        %squeeze3A = vector.extract %slice3A[0] : f32 from vector<1xf32>
        %mul3A_384 = vector.broadcast %squeeze3A : f32 to vector<16xf32>
        %mul3A_385 = arith.mulf %get3A_383, %mul3A_384 : vector<16xf32>
        %swap3A = arith.index_cast %add3A_380 : i32 to index
        %swap3A_386 = arith.constant 0 : index
        %swap3A_387 = tpu.vector_load %arg26[%swap3A, %swap3A_386] {strides = array<i32>} : memref<128x16xf32, #tpu.memory_space<vmem>>, vector<16xf32>,
        tpu.vector_store %arg26[%swap3A, %swap3A_386], %mul3A_385 {strides = array<i32>} : memref<128x16xf32, #tpu.memory_space<vmem>>, vector<16xf32>,
        %mul3A_388 = arith.constant 16 : i32
        %mul3A_389 = arith.muli %scan3A_371, %mul3A_388 : i32
        %add3A_390 = arith.constant 1 : i32
        %add3A_391 = arith.addi %mul3A_389, %add3A_390 : i32
        %get3A_392 = arith.index_cast %add3A_391 : i32 to index
        %get3A_393 = arith.constant 0 : index
        %get3A_394 = tpu.vector_load %arg22[%get3A_392, %get3A_393] {strides = array<i32>} : memref<128x16xf32, #tpu.memory_space<vmem>>, vector<16xf32>,
        %slice3A_395 = vector.extract_strided_slice %get3A_376 {offsets = [1], sizes = [1], strides = [1]} : vector<16xf32> to vector<1xf32>
        %squeeze3A_396 = vector.extract %slice3A_395[0] : f32 from vector<1xf32>
        %mul3A_397 = vector.broadcast %squeeze3A_396 : f32 to vector<16xf32>
        %mul3A_398 = arith.mulf %get3A_394, %mul3A_397 : vector<16xf32>
        %swap3A_399 = arith.index_cast %add3A_391 : i32 to index
        %swap3A_400 = arith.constant 0 : index
        %swap3A_401 = tpu.vector_load %arg26[%swap3A_399, %swap3A_400] {strides = array<i32>} : memref<128x16xf32, #tpu.memory_space<vmem>>, vector<16xf32>,
        tpu.vector_store %arg26[%swap3A_399, %swap3A_400], %mul3A_398 {strides = array<i32>} : memref<128x16xf32, #tpu.memory_space<vmem>>, vector<16xf32>,
        %mul3A_402 = arith.constant 16 : i32
        %mul3A_403 = arith.muli %scan3A_371, %mul3A_402 : i32
        %add3A_404 = arith.constant 2 : i32
        %add3A_405 = arith.addi %mul3A_403, %add3A_404 : i32
        %get3A_406 = arith.index_cast %add3A_405 : i32 to index
        %get3A_407 = arith.constant 0 : index
        %get3A_408 = tpu.vector_load %arg22[%get3A_406, %get3A_407] {strides = array<i32>} : memref<128x16xf32, #tpu.memory_space<vmem>>, vector<16xf32>,
        %slice3A_409 = vector.extract_strided_slice %get3A_376 {offsets = [2], sizes = [1], strides = [1]} : vector<16xf32> to vector<1xf32>
        %squeeze3A_410 = vector.extract %slice3A_409[0] : f32 from vector<1xf32>
        %mul3A_411 = vector.broadcast %squeeze3A_410 : f32 to vector<16xf32>
        %mul3A_412 = arith.mulf %get3A_408, %mul3A_411 : vector<16xf32>
        %swap3A_413 = arith.index_cast %add3A_405 : i32 to index
        %swap3A_414 = arith.constant 0 : index
        %swap3A_415 = tpu.vector_load %arg26[%swap3A_413, %swap3A_414] {strides = array<i32>} : memref<128x16xf32, #tpu.memory_space<vmem>>, vector<16xf32>,
        tpu.vector_store %arg26[%swap3A_413, %swap3A_414], %mul3A_412 {strides = array<i32>} : memref<128x16xf32, #tpu.memory_space<vmem>>, vector<16xf32>,
        %mul3A_416 = arith.constant 16 : i32
        %mul3A_417 = arith.muli %scan3A_371, %mul3A_416 : i32
        %add3A_418 = arith.constant 3 : i32
        %add3A_419 = arith.addi %mul3A_417, %add3A_418 : i32
        %get3A_420 = arith.index_cast %add3A_419 : i32 to index
        %get3A_421 = arith.constant 0 : index
        %get3A_422 = tpu.vector_load %arg22[%get3A_420, %get3A_421] {strides = array<i32>} : memref<128x16xf32, #tpu.memory_space<vmem>>, vector<16xf32>,
        %slice3A_423 = vector.extract_strided_slice %get3A_376 {offsets = [3], sizes = [1], strides = [1]} : vector<16xf32> to vector<1xf32>
        %squeeze3A_424 = vector.extract %slice3A_423[0] : f32 from vector<1xf32>
        %mul3A_425 = vector.broadcast %squeeze3A_424 : f32 to vector<16xf32>
        %mul3A_426 = arith.mulf %get3A_422, %mul3A_425 : vector<16xf32>
        %swap3A_427 = arith.index_cast %add3A_419 : i32 to index
        %swap3A_428 = arith.constant 0 : index
        %swap3A_429 = tpu.vector_load %arg26[%swap3A_427, %swap3A_428] {strides = array<i32>} : memref<128x16xf32, #tpu.memory_space<vmem>>, vector<16xf32>,
        tpu.vector_store %arg26[%swap3A_427, %swap3A_428], %mul3A_426 {strides = array<i32>} : memref<128x16xf32, #tpu.memory_space<vmem>>, vector<16xf32>,
        %mul3A_430 = arith.constant 16 : i32
        %mul3A_431 = arith.muli %scan3A_371, %mul3A_430 : i32
        %add3A_432 = arith.constant 4 : i32
        %add3A_433 = arith.addi %mul3A_431, %add3A_432 : i32
        %get3A_434 = arith.index_cast %add3A_433 : i32 to index
        %get3A_435 = arith.constant 0 : index
        %get3A_436 = tpu.vector_load %arg22[%get3A_434, %get3A_435] {strides = array<i32>} : memref<128x16xf32, #tpu.memory_space<vmem>>, vector<16xf32>,
        %slice3A_437 = vector.extract_strided_slice %get3A_376 {offsets = [4], sizes = [1], strides = [1]} : vector<16xf32> to vector<1xf32>
        %squeeze3A_438 = vector.extract %slice3A_437[0] : f32 from vector<1xf32>
        %mul3A_439 = vector.broadcast %squeeze3A_438 : f32 to vector<16xf32>
        %mul3A_440 = arith.mulf %get3A_436, %mul3A_439 : vector<16xf32>
        %swap3A_441 = arith.index_cast %add3A_433 : i32 to index
        %swap3A_442 = arith.constant 0 : index
        %swap3A_443 = tpu.vector_load %arg26[%swap3A_441, %swap3A_442] {strides = array<i32>} : memref<128x16xf32, #tpu.memory_space<vmem>>, vector<16xf32>,
        tpu.vector_store %arg26[%swap3A_441, %swap3A_442], %mul3A_440 {strides = array<i32>} : memref<128x16xf32, #tpu.memory_space<vmem>>, vector<16xf32>,
        %mul3A_444 = arith.constant 16 : i32
        %mul3A_445 = arith.muli %scan3A_371, %mul3A_444 : i32
        %add3A_446 = arith.constant 5 : i32
        %add3A_447 = arith.addi %mul3A_445, %add3A_446 : i32
        %get3A_448 = arith.index_cast %add3A_447 : i32 to index
        %get3A_449 = arith.constant 0 : index
        %get3A_450 = tpu.vector_load %arg22[%get3A_448, %get3A_449] {strides = array<i32>} : memref<128x16xf32, #tpu.memory_space<vmem>>, vector<16xf32>,
        %slice3A_451 = vector.extract_strided_slice %get3A_376 {offsets = [5], sizes = [1], strides = [1]} : vector<16xf32> to vector<1xf32>
        %squeeze3A_452 = vector.extract %slice3A_451[0] : f32 from vector<1xf32>
        %mul3A_453 = vector.broadcast %squeeze3A_452 : f32 to vector<16xf32>
        %mul3A_454 = arith.mulf %get3A_450, %mul3A_453 : vector<16xf32>
        %swap3A_455 = arith.index_cast %add3A_447 : i32 to index
        %swap3A_456 = arith.constant 0 : index
        %swap3A_457 = tpu.vector_load %arg26[%swap3A_455, %swap3A_456] {strides = array<i32>} : memref<128x16xf32, #tpu.memory_space<vmem>>, vector<16xf32>,
        tpu.vector_store %arg26[%swap3A_455, %swap3A_456], %mul3A_454 {strides = array<i32>} : memref<128x16xf32, #tpu.memory_space<vmem>>, vector<16xf32>,
        %mul3A_458 = arith.constant 16 : i32
        %mul3A_459 = arith.muli %scan3A_371, %mul3A_458 : i32
        %add3A_460 = arith.constant 6 : i32
        %add3A_461 = arith.addi %mul3A_459, %add3A_460 : i32
        %get3A_462 = arith.index_cast %add3A_461 : i32 to index
        %get3A_463 = arith.constant 0 : index
        %get3A_464 = tpu.vector_load %arg22[%get3A_462, %get3A_463] {strides = array<i32>} : memref<128x16xf32, #tpu.memory_space<vmem>>, vector<16xf32>,
        %slice3A_465 = vector.extract_strided_slice %get3A_376 {offsets = [6], sizes = [1], strides = [1]} : vector<16xf32> to vector<1xf32>
        %squeeze3A_466 = vector.extract %slice3A_465[0] : f32 from vector<1xf32>
        %mul3A_467 = vector.broadcast %squeeze3A_466 : f32 to vector<16xf32>
        %mul3A_468 = arith.mulf %get3A_464, %mul3A_467 : vector<16xf32>
        %swap3A_469 = arith.index_cast %add3A_461 : i32 to index
        %swap3A_470 = arith.constant 0 : index
        %swap3A_471 = tpu.vector_load %arg26[%swap3A_469, %swap3A_470] {strides = array<i32>} : memref<128x16xf32, #tpu.memory_space<vmem>>, vector<16xf32>,
        tpu.vector_store %arg26[%swap3A_469, %swap3A_470], %mul3A_468 {strides = array<i32>} : memref<128x16xf32, #tpu.memory_space<vmem>>, vector<16xf32>,
        %mul3A_472 = arith.constant 16 : i32
        %mul3A_473 = arith.muli %scan3A_371, %mul3A_472 : i32
        %add3A_474 = arith.constant 7 : i32
        %add3A_475 = arith.addi %mul3A_473, %add3A_474 : i32
        %get3A_476 = arith.index_cast %add3A_475 : i32 to index
        %get3A_477 = arith.constant 0 : index
        %get3A_478 = tpu.vector_load %arg22[%get3A_476, %get3A_477] {strides = array<i32>} : memref<128x16xf32, #tpu.memory_space<vmem>>, vector<16xf32>,
        %slice3A_479 = vector.extract_strided_slice %get3A_376 {offsets = [7], sizes = [1], strides = [1]} : vector<16xf32> to vector<1xf32>
        %squeeze3A_480 = vector.extract %slice3A_479[0] : f32 from vector<1xf32>
        %mul3A_481 = vector.broadcast %squeeze3A_480 : f32 to vector<16xf32>
        %mul3A_482 = arith.mulf %get3A_478, %mul3A_481 : vector<16xf32>
        %swap3A_483 = arith.index_cast %add3A_475 : i32 to index
        %swap3A_484 = arith.constant 0 : index
        %swap3A_485 = tpu.vector_load %arg26[%swap3A_483, %swap3A_484] {strides = array<i32>} : memref<128x16xf32, #tpu.memory_space<vmem>>, vector<16xf32>,
        tpu.vector_store %arg26[%swap3A_483, %swap3A_484], %mul3A_482 {strides = array<i32>} : memref<128x16xf32, #tpu.memory_space<vmem>>, vector<16xf32>,
        %mul3A_486 = arith.constant 16 : i32
        %mul3A_487 = arith.muli %scan3A_371, %mul3A_486 : i32
        %add3A_488 = arith.constant 8 : i32
        %add3A_489 = arith.addi %mul3A_487, %add3A_488 : i32
        %get3A_490 = arith.index_cast %add3A_489 : i32 to index
        %get3A_491 = arith.constant 0 : index
        %get3A_492 = tpu.vector_load %arg22[%get3A_490, %get3A_491] {strides = array<i32>} : memref<128x16xf32, #tpu.memory_space<vmem>>, vector<16xf32>,
        %slice3A_493 = vector.extract_strided_slice %get3A_376 {offsets = [8], sizes = [1], strides = [1]} : vector<16xf32> to vector<1xf32>
        %squeeze3A_494 = vector.extract %slice3A_493[0] : f32 from vector<1xf32>
        %mul3A_495 = vector.broadcast %squeeze3A_494 : f32 to vector<16xf32>
        %mul3A_496 = arith.mulf %get3A_492, %mul3A_495 : vector<16xf32>
        %swap3A_497 = arith.index_cast %add3A_489 : i32 to index
        %swap3A_498 = arith.constant 0 : index
        %swap3A_499 = tpu.vector_load %arg26[%swap3A_497, %swap3A_498] {strides = array<i32>} : memref<128x16xf32, #tpu.memory_space<vmem>>, vector<16xf32>,
        tpu.vector_store %arg26[%swap3A_497, %swap3A_498], %mul3A_496 {strides = array<i32>} : memref<128x16xf32, #tpu.memory_space<vmem>>, vector<16xf32>,
        %mul3A_500 = arith.constant 16 : i32
        %mul3A_501 = arith.muli %scan3A_371, %mul3A_500 : i32
        %add3A_502 = arith.constant 9 : i32
        %add3A_503 = arith.addi %mul3A_501, %add3A_502 : i32
        %get3A_504 = arith.index_cast %add3A_503 : i32 to index
        %get3A_505 = arith.constant 0 : index
        %get3A_506 = tpu.vector_load %arg22[%get3A_504, %get3A_505] {strides = array<i32>} : memref<128x16xf32, #tpu.memory_space<vmem>>, vector<16xf32>,
        %slice3A_507 = vector.extract_strided_slice %get3A_376 {offsets = [9], sizes = [1], strides = [1]} : vector<16xf32> to vector<1xf32>
        %squeeze3A_508 = vector.extract %slice3A_507[0] : f32 from vector<1xf32>
        %mul3A_509 = vector.broadcast %squeeze3A_508 : f32 to vector<16xf32>
        %mul3A_510 = arith.mulf %get3A_506, %mul3A_509 : vector<16xf32>
        %swap3A_511 = arith.index_cast %add3A_503 : i32 to index
        %swap3A_512 = arith.constant 0 : index
        %swap3A_513 = tpu.vector_load %arg26[%swap3A_511, %swap3A_512] {strides = array<i32>} : memref<128x16xf32, #tpu.memory_space<vmem>>, vector<16xf32>,
        tpu.vector_store %arg26[%swap3A_511, %swap3A_512], %mul3A_510 {strides = array<i32>} : memref<128x16xf32, #tpu.memory_space<vmem>>, vector<16xf32>,
        %mul3A_514 = arith.constant 16 : i32
        %mul3A_515 = arith.muli %scan3A_371, %mul3A_514 : i32
        %add3A_516 = arith.constant 10 : i32
        %add3A_517 = arith.addi %mul3A_515, %add3A_516 : i32
        %get3A_518 = arith.index_cast %add3A_517 : i32 to index
        %get3A_519 = arith.constant 0 : index
        %get3A_520 = tpu.vector_load %arg22[%get3A_518, %get3A_519] {strides = array<i32>} : memref<128x16xf32, #tpu.memory_space<vmem>>, vector<16xf32>,
        %slice3A_521 = vector.extract_strided_slice %get3A_376 {offsets = [10], sizes = [1], strides = [1]} : vector<16xf32> to vector<1xf32>
        %squeeze3A_522 = vector.extract %slice3A_521[0] : f32 from vector<1xf32>
        %mul3A_523 = vector.broadcast %squeeze3A_522 : f32 to vector<16xf32>
        %mul3A_524 = arith.mulf %get3A_520, %mul3A_523 : vector<16xf32>
        %swap3A_525 = arith.index_cast %add3A_517 : i32 to index
        %swap3A_526 = arith.constant 0 : index
        %swap3A_527 = tpu.vector_load %arg26[%swap3A_525, %swap3A_526] {strides = array<i32>} : memref<128x16xf32, #tpu.memory_space<vmem>>, vector<16xf32>,
        tpu.vector_store %arg26[%swap3A_525, %swap3A_526], %mul3A_524 {strides = array<i32>} : memref<128x16xf32, #tpu.memory_space<vmem>>, vector<16xf32>,
        %mul3A_528 = arith.constant 16 : i32
        %mul3A_529 = arith.muli %scan3A_371, %mul3A_528 : i32
        %add3A_530 = arith.constant 11 : i32
        %add3A_531 = arith.addi %mul3A_529, %add3A_530 : i32
        %get3A_532 = arith.index_cast %add3A_531 : i32 to index
        %get3A_533 = arith.constant 0 : index
        %get3A_534 = tpu.vector_load %arg22[%get3A_532, %get3A_533] {strides = array<i32>} : memref<128x16xf32, #tpu.memory_space<vmem>>, vector<16xf32>,
        %slice3A_535 = vector.extract_strided_slice %get3A_376 {offsets = [11], sizes = [1], strides = [1]} : vector<16xf32> to vector<1xf32>
        %squeeze3A_536 = vector.extract %slice3A_535[0] : f32 from vector<1xf32>
        %mul3A_537 = vector.broadcast %squeeze3A_536 : f32 to vector<16xf32>
        %mul3A_538 = arith.mulf %get3A_534, %mul3A_537 : vector<16xf32>
        %swap3A_539 = arith.index_cast %add3A_531 : i32 to index
        %swap3A_540 = arith.constant 0 : index
        %swap3A_541 = tpu.vector_load %arg26[%swap3A_539, %swap3A_540] {strides = array<i32>} : memref<128x16xf32, #tpu.memory_space<vmem>>, vector<16xf32>,
        tpu.vector_store %arg26[%swap3A_539, %swap3A_540], %mul3A_538 {strides = array<i32>} : memref<128x16xf32, #tpu.memory_space<vmem>>, vector<16xf32>,
        %mul3A_542 = arith.constant 16 : i32
        %mul3A_543 = arith.muli %scan3A_371, %mul3A_542 : i32
        %add3A_544 = arith.constant 12 : i32
        %add3A_545 = arith.addi %mul3A_543, %add3A_544 : i32
        %get3A_546 = arith.index_cast %add3A_545 : i32 to index
        %get3A_547 = arith.constant 0 : index
        %get3A_548 = tpu.vector_load %arg22[%get3A_546, %get3A_547] {strides = array<i32>} : memref<128x16xf32, #tpu.memory_space<vmem>>, vector<16xf32>,
        %slice3A_549 = vector.extract_strided_slice %get3A_376 {offsets = [12], sizes = [1], strides = [1]} : vector<16xf32> to vector<1xf32>
        %squeeze3A_550 = vector.extract %slice3A_549[0] : f32 from vector<1xf32>
        %mul3A_551 = vector.broadcast %squeeze3A_550 : f32 to vector<16xf32>
        %mul3A_552 = arith.mulf %get3A_548, %mul3A_551 : vector<16xf32>
        %swap3A_553 = arith.index_cast %add3A_545 : i32 to index
        %swap3A_554 = arith.constant 0 : index
        %swap3A_555 = tpu.vector_load %arg26[%swap3A_553, %swap3A_554] {strides = array<i32>} : memref<128x16xf32, #tpu.memory_space<vmem>>, vector<16xf32>,
        tpu.vector_store %arg26[%swap3A_553, %swap3A_554], %mul3A_552 {strides = array<i32>} : memref<128x16xf32, #tpu.memory_space<vmem>>, vector<16xf32>,
        %mul3A_556 = arith.constant 16 : i32
        %mul3A_557 = arith.muli %scan3A_371, %mul3A_556 : i32
        %add3A_558 = arith.constant 13 : i32
        %add3A_559 = arith.addi %mul3A_557, %add3A_558 : i32
        %get3A_560 = arith.index_cast %add3A_559 : i32 to index
        %get3A_561 = arith.constant 0 : index
        %get3A_562 = tpu.vector_load %arg22[%get3A_560, %get3A_561] {strides = array<i32>} : memref<128x16xf32, #tpu.memory_space<vmem>>, vector<16xf32>,
        %slice3A_563 = vector.extract_strided_slice %get3A_376 {offsets = [13], sizes = [1], strides = [1]} : vector<16xf32> to vector<1xf32>
        %squeeze3A_564 = vector.extract %slice3A_563[0] : f32 from vector<1xf32>
        %mul3A_565 = vector.broadcast %squeeze3A_564 : f32 to vector<16xf32>
        %mul3A_566 = arith.mulf %get3A_562, %mul3A_565 : vector<16xf32>
        %swap3A_567 = arith.index_cast %add3A_559 : i32 to index
        %swap3A_568 = arith.constant 0 : index
        %swap3A_569 = tpu.vector_load %arg26[%swap3A_567, %swap3A_568] {strides = array<i32>} : memref<128x16xf32, #tpu.memory_space<vmem>>, vector<16xf32>,
        tpu.vector_store %arg26[%swap3A_567, %swap3A_568], %mul3A_566 {strides = array<i32>} : memref<128x16xf32, #tpu.memory_space<vmem>>, vector<16xf32>,
        %mul3A_570 = arith.constant 16 : i32
        %mul3A_571 = arith.muli %scan3A_371, %mul3A_570 : i32
        %add3A_572 = arith.constant 14 : i32
        %add3A_573 = arith.addi %mul3A_571, %add3A_572 : i32
        %get3A_574 = arith.index_cast %add3A_573 : i32 to index
        %get3A_575 = arith.constant 0 : index
        %get3A_576 = tpu.vector_load %arg22[%get3A_574, %get3A_575] {strides = array<i32>} : memref<128x16xf32, #tpu.memory_space<vmem>>, vector<16xf32>,
        %slice3A_577 = vector.extract_strided_slice %get3A_376 {offsets = [14], sizes = [1], strides = [1]} : vector<16xf32> to vector<1xf32>
        %squeeze3A_578 = vector.extract %slice3A_577[0] : f32 from vector<1xf32>
        %mul3A_579 = vector.broadcast %squeeze3A_578 : f32 to vector<16xf32>
        %mul3A_580 = arith.mulf %get3A_576, %mul3A_579 : vector<16xf32>
        %swap3A_581 = arith.index_cast %add3A_573 : i32 to index
        %swap3A_582 = arith.constant 0 : index
        %swap3A_583 = tpu.vector_load %arg26[%swap3A_581, %swap3A_582] {strides = array<i32>} : memref<128x16xf32, #tpu.memory_space<vmem>>, vector<16xf32>,
        tpu.vector_store %arg26[%swap3A_581, %swap3A_582], %mul3A_580 {strides = array<i32>} : memref<128x16xf32, #tpu.memory_space<vmem>>, vector<16xf32>,
        %mul3A_584 = arith.constant 16 : i32
        %mul3A_585 = arith.muli %scan3A_371, %mul3A_584 : i32
        %add3A_586 = arith.constant 15 : i32
        %add3A_587 = arith.addi %mul3A_585, %add3A_586 : i32
        %get3A_588 = arith.index_cast %add3A_587 : i32 to index
        %get3A_589 = arith.constant 0 : index
        %get3A_590 = tpu.vector_load %arg22[%get3A_588, %get3A_589] {strides = array<i32>} : memref<128x16xf32, #tpu.memory_space<vmem>>, vector<16xf32>,
        %slice3A_591 = vector.extract_strided_slice %get3A_376 {offsets = [15], sizes = [1], strides = [1]} : vector<16xf32> to vector<1xf32>
        %squeeze3A_592 = vector.extract %slice3A_591[0] : f32 from vector<1xf32>
        %mul3A_593 = vector.broadcast %squeeze3A_592 : f32 to vector<16xf32>
        %mul3A_594 = arith.mulf %get3A_590, %mul3A_593 : vector<16xf32>
        %swap3A_595 = arith.index_cast %add3A_587 : i32 to index
        %swap3A_596 = arith.constant 0 : index
        %swap3A_597 = tpu.vector_load %arg26[%swap3A_595, %swap3A_596] {strides = array<i32>} : memref<128x16xf32, #tpu.memory_space<vmem>>, vector<16xf32>,
        tpu.vector_store %arg26[%swap3A_595, %swap3A_596], %mul3A_594 {strides = array<i32>} : memref<128x16xf32, #tpu.memory_space<vmem>>, vector<16xf32>,
        %scan3A_598 = arith.constant 0 : i32
        scf.yield %scan3A_598 : i32
      }
      %scan3A_297 = arith.constant 8 : i32
      %dma_start3A_298 = arith.constant 0 : i32
      %dma_start3A_299 = tpu.memref_slice %arg14[%add3A_275, %dma_start3A_298] : memref<80x128xi32, #tpu.memory_space<vmem>> -> memref<1x128xi32, #tpu.memory_space<vmem>>
      %dma_start3A_300 = tpu.memref_squeeze %dma_start3A_299 : memref<1x128xi32, #tpu.memory_space<vmem>> -> memref<128xi32, #tpu.memory_space<vmem>>
      %dma_start3A_301 = arith.constant 0 : i32
      %dma_start3A_302 = arith.constant 0 : i32
      %dma_start3A_303 = tpu.memref_slice %arg9[%dma_start3A_301, %dma_start3A_302] : memref<10240x16xf32, #tpu.memory_space<vmem_shared>> -> memref<10240x16xf32, #tpu.memory_space<vmem_shared>>
      tpu.enqueue_indirect_dma source(%arg26 : memref<128x16xf32, #tpu.memory_space<vmem>>) target(%dma_start3A_303 : memref<10240x16xf32, #tpu.memory_space<vmem_shared>>) offsets(%dma_start3A_300 : memref<128xi32, #tpu.memory_space<vmem>>) semaphore(%arg34 : memref<!tpu.dma_semaphore, #tpu.memory_space<semaphore_mem>>) {add = true}
      %mul3A_304 = arith.constant 4 : i32
      %mul3A_305 = arith.muli %scan3A_235, %mul3A_304 : i32
      %add3A_306 = arith.constant 2 : i32
      %add3A_307 = arith.addi %mul3A_305, %add3A_306 : i32
      %dma_wait3A_308 = arith.constant 0 : i32
      %dma_wait3A_309 = tpu.memref_slice %arg13[%add3A_307, %dma_wait3A_308] : memref<80x128xi32, #tpu.memory_space<vmem>> -> memref<1x128xi32, #tpu.memory_space<vmem>>
      %dma_wait3A_310 = tpu.memref_squeeze %dma_wait3A_309 : memref<1x128xi32, #tpu.memory_space<vmem>> -> memref<128xi32, #tpu.memory_space<vmem>>
      %dma_wait3A_311 = arith.constant 0 : i32
      %dma_wait3A_312 = arith.constant 0 : i32
      %dma_wait3A_313 = tpu.memref_slice %arg10[%dma_wait3A_311, %dma_wait3A_312] : memref<10240x16xf32, #tpu.memory_space<vmem_shared>> -> memref<10240x16xf32, #tpu.memory_space<vmem_shared>>
      tpu.wait_indirect_dma semaphore(%arg31 : memref<!tpu.dma_semaphore, #tpu.memory_space<semaphore_mem>>) src(%dma_wait3A_313 : memref<10240x16xf32, #tpu.memory_space<vmem_shared>>) dst(%arg23 : memref<128x16xf32, #tpu.memory_space<vmem>>)
      %lt3A_314 = arith.constant 19 : i32
      %lt3A_315 = arith.cmpi slt, %scan3A_235, %lt3A_314 : i32
      %convert_element_type3A_316 = arith.extui %lt3A_315 : i1 to i32
      %cond3A_317 = arith.constant 0 : i32
      %cond3A_318 = arith.cmpi ne, %convert_element_type3A_316, %cond3A_317 : i32
      scf.if %cond3A_318 {
        %add3A_371 = arith.constant 3 : i32
        %add3A_372 = arith.addi %add3A_307, %add3A_371 : i32
        %dma_start3A_373 = arith.constant 0 : i32
        %dma_start3A_374 = tpu.memref_slice %arg13[%add3A_372, %dma_start3A_373] : memref<80x128xi32, #tpu.memory_space<vmem>> -> memref<1x128xi32, #tpu.memory_space<vmem>>
        %dma_start3A_375 = tpu.memref_squeeze %dma_start3A_374 : memref<1x128xi32, #tpu.memory_space<vmem>> -> memref<128xi32, #tpu.memory_space<vmem>>
        %dma_start3A_376 = arith.constant 0 : i32
        %dma_start3A_377 = arith.constant 0 : i32
        %dma_start3A_378 = tpu.memref_slice %arg10[%dma_start3A_376, %dma_start3A_377] : memref<10240x16xf32, #tpu.memory_space<vmem_shared>> -> memref<10240x16xf32, #tpu.memory_space<vmem_shared>>
        tpu.enqueue_indirect_dma source(%dma_start3A_378 : memref<10240x16xf32, #tpu.memory_space<vmem_shared>>) target(%arg22 : memref<128x16xf32, #tpu.memory_space<vmem>>) offsets(%dma_start3A_375 : memref<128xi32, #tpu.memory_space<vmem>>) semaphore(%arg30 : memref<!tpu.dma_semaphore, #tpu.memory_space<semaphore_mem>>)
      } else {
      }
      %ge3A_319 = arith.constant 1 : i32
      %ge3A_320 = arith.cmpi sge, %scan3A_235, %ge3A_319 : i32
      %convert_element_type3A_321 = arith.extui %ge3A_320 : i1 to i32
      %cond3A_322 = arith.constant 0 : i32
      %cond3A_323 = arith.cmpi ne, %convert_element_type3A_321, %cond3A_322 : i32
      scf.if %cond3A_323 {
        %dma_wait3A_371 = arith.constant 0 : i32
        %dma_wait3A_372 = tpu.memref_slice %arg14[%add3A_307, %dma_wait3A_371] : memref<80x128xi32, #tpu.memory_space<vmem>> -> memref<1x128xi32, #tpu.memory_space<vmem>>
        %dma_wait3A_373 = tpu.memref_squeeze %dma_wait3A_372 : memref<1x128xi32, #tpu.memory_space<vmem>> -> memref<128xi32, #tpu.memory_space<vmem>>
        %dma_wait3A_374 = arith.constant 0 : i32
        %dma_wait3A_375 = arith.constant 0 : i32
        %dma_wait3A_376 = tpu.memref_slice %arg9[%dma_wait3A_374, %dma_wait3A_375] : memref<10240x16xf32, #tpu.memory_space<vmem_shared>> -> memref<10240x16xf32, #tpu.memory_space<vmem_shared>>
        tpu.wait_indirect_dma semaphore(%arg35 : memref<!tpu.dma_semaphore, #tpu.memory_space<semaphore_mem>>) src(%arg27 : memref<128x16xf32, #tpu.memory_space<vmem>>) dst(%dma_wait3A_376 : memref<10240x16xf32, #tpu.memory_space<vmem_shared>>)
      } else {
      }
      %scan3A_324 = arith.constant 0 : i32
      %scan3A_325 = arith.constant 0 : i32
      %scan3A_326 = arith.constant 8 : i32
      %scan3A_327 = arith.addi %scan3A_325, %scan3A_326 : i32
      %scan3A_328 = arith.constant 1 : i32
      %scan3A_329 = scf.for %scan3A_371 = %scan3A_325 to %scan3A_327 step %scan3A_328 iter_args(%scan3A_372 = %scan3A_324) -> (i32)  : i32 {
        %mul3A_373 = arith.constant 16 : i32
        %mul3A_374 = arith.muli %scan3A_371, %mul3A_373 : i32
        %get3A = arith.index_cast %add3A_307 : i32 to index
        %get3A_375 = arith.index_cast %mul3A_374 : i32 to index
        %get3A_376 = tpu.vector_load %arg15[%get3A, %get3A_375] {strides = array<i32>} : memref<80x128xf32, #tpu.memory_space<vmem>>, vector<16xf32>,
        %mul3A_377 = arith.constant 16 : i32
        %mul3A_378 = arith.muli %scan3A_371, %mul3A_377 : i32
        %add3A_379 = arith.constant 0 : i32
        %add3A_380 = arith.addi %mul3A_378, %add3A_379 : i32
        %get3A_381 = arith.index_cast %add3A_380 : i32 to index
        %get3A_382 = arith.constant 0 : index
        %get3A_383 = tpu.vector_load %arg23[%get3A_381, %get3A_382] {strides = array<i32>} : memref<128x16xf32, #tpu.memory_space<vmem>>, vector<16xf32>,
        %slice3A = vector.extract_strided_slice %get3A_376 {offsets = [0], sizes = [1], strides = [1]} : vector<16xf32> to vector<1xf32>
        %squeeze3A = vector.extract %slice3A[0] : f32 from vector<1xf32>
        %mul3A_384 = vector.broadcast %squeeze3A : f32 to vector<16xf32>
        %mul3A_385 = arith.mulf %get3A_383, %mul3A_384 : vector<16xf32>
        %swap3A = arith.index_cast %add3A_380 : i32 to index
        %swap3A_386 = arith.constant 0 : index
        %swap3A_387 = tpu.vector_load %arg27[%swap3A, %swap3A_386] {strides = array<i32>} : memref<128x16xf32, #tpu.memory_space<vmem>>, vector<16xf32>,
        tpu.vector_store %arg27[%swap3A, %swap3A_386], %mul3A_385 {strides = array<i32>} : memref<128x16xf32, #tpu.memory_space<vmem>>, vector<16xf32>,
        %mul3A_388 = arith.constant 16 : i32
        %mul3A_389 = arith.muli %scan3A_371, %mul3A_388 : i32
        %add3A_390 = arith.constant 1 : i32
        %add3A_391 = arith.addi %mul3A_389, %add3A_390 : i32
        %get3A_392 = arith.index_cast %add3A_391 : i32 to index
        %get3A_393 = arith.constant 0 : index
        %get3A_394 = tpu.vector_load %arg23[%get3A_392, %get3A_393] {strides = array<i32>} : memref<128x16xf32, #tpu.memory_space<vmem>>, vector<16xf32>,
        %slice3A_395 = vector.extract_strided_slice %get3A_376 {offsets = [1], sizes = [1], strides = [1]} : vector<16xf32> to vector<1xf32>
        %squeeze3A_396 = vector.extract %slice3A_395[0] : f32 from vector<1xf32>
        %mul3A_397 = vector.broadcast %squeeze3A_396 : f32 to vector<16xf32>
        %mul3A_398 = arith.mulf %get3A_394, %mul3A_397 : vector<16xf32>
        %swap3A_399 = arith.index_cast %add3A_391 : i32 to index
        %swap3A_400 = arith.constant 0 : index
        %swap3A_401 = tpu.vector_load %arg27[%swap3A_399, %swap3A_400] {strides = array<i32>} : memref<128x16xf32, #tpu.memory_space<vmem>>, vector<16xf32>,
        tpu.vector_store %arg27[%swap3A_399, %swap3A_400], %mul3A_398 {strides = array<i32>} : memref<128x16xf32, #tpu.memory_space<vmem>>, vector<16xf32>,
        %mul3A_402 = arith.constant 16 : i32
        %mul3A_403 = arith.muli %scan3A_371, %mul3A_402 : i32
        %add3A_404 = arith.constant 2 : i32
        %add3A_405 = arith.addi %mul3A_403, %add3A_404 : i32
        %get3A_406 = arith.index_cast %add3A_405 : i32 to index
        %get3A_407 = arith.constant 0 : index
        %get3A_408 = tpu.vector_load %arg23[%get3A_406, %get3A_407] {strides = array<i32>} : memref<128x16xf32, #tpu.memory_space<vmem>>, vector<16xf32>,
        %slice3A_409 = vector.extract_strided_slice %get3A_376 {offsets = [2], sizes = [1], strides = [1]} : vector<16xf32> to vector<1xf32>
        %squeeze3A_410 = vector.extract %slice3A_409[0] : f32 from vector<1xf32>
        %mul3A_411 = vector.broadcast %squeeze3A_410 : f32 to vector<16xf32>
        %mul3A_412 = arith.mulf %get3A_408, %mul3A_411 : vector<16xf32>
        %swap3A_413 = arith.index_cast %add3A_405 : i32 to index
        %swap3A_414 = arith.constant 0 : index
        %swap3A_415 = tpu.vector_load %arg27[%swap3A_413, %swap3A_414] {strides = array<i32>} : memref<128x16xf32, #tpu.memory_space<vmem>>, vector<16xf32>,
        tpu.vector_store %arg27[%swap3A_413, %swap3A_414], %mul3A_412 {strides = array<i32>} : memref<128x16xf32, #tpu.memory_space<vmem>>, vector<16xf32>,
        %mul3A_416 = arith.constant 16 : i32
        %mul3A_417 = arith.muli %scan3A_371, %mul3A_416 : i32
        %add3A_418 = arith.constant 3 : i32
        %add3A_419 = arith.addi %mul3A_417, %add3A_418 : i32
        %get3A_420 = arith.index_cast %add3A_419 : i32 to index
        %get3A_421 = arith.constant 0 : index
        %get3A_422 = tpu.vector_load %arg23[%get3A_420, %get3A_421] {strides = array<i32>} : memref<128x16xf32, #tpu.memory_space<vmem>>, vector<16xf32>,
        %slice3A_423 = vector.extract_strided_slice %get3A_376 {offsets = [3], sizes = [1], strides = [1]} : vector<16xf32> to vector<1xf32>
        %squeeze3A_424 = vector.extract %slice3A_423[0] : f32 from vector<1xf32>
        %mul3A_425 = vector.broadcast %squeeze3A_424 : f32 to vector<16xf32>
        %mul3A_426 = arith.mulf %get3A_422, %mul3A_425 : vector<16xf32>
        %swap3A_427 = arith.index_cast %add3A_419 : i32 to index
        %swap3A_428 = arith.constant 0 : index
        %swap3A_429 = tpu.vector_load %arg27[%swap3A_427, %swap3A_428] {strides = array<i32>} : memref<128x16xf32, #tpu.memory_space<vmem>>, vector<16xf32>,
        tpu.vector_store %arg27[%swap3A_427, %swap3A_428], %mul3A_426 {strides = array<i32>} : memref<128x16xf32, #tpu.memory_space<vmem>>, vector<16xf32>,
        %mul3A_430 = arith.constant 16 : i32
        %mul3A_431 = arith.muli %scan3A_371, %mul3A_430 : i32
        %add3A_432 = arith.constant 4 : i32
        %add3A_433 = arith.addi %mul3A_431, %add3A_432 : i32
        %get3A_434 = arith.index_cast %add3A_433 : i32 to index
        %get3A_435 = arith.constant 0 : index
        %get3A_436 = tpu.vector_load %arg23[%get3A_434, %get3A_435] {strides = array<i32>} : memref<128x16xf32, #tpu.memory_space<vmem>>, vector<16xf32>,
        %slice3A_437 = vector.extract_strided_slice %get3A_376 {offsets = [4], sizes = [1], strides = [1]} : vector<16xf32> to vector<1xf32>
        %squeeze3A_438 = vector.extract %slice3A_437[0] : f32 from vector<1xf32>
        %mul3A_439 = vector.broadcast %squeeze3A_438 : f32 to vector<16xf32>
        %mul3A_440 = arith.mulf %get3A_436, %mul3A_439 : vector<16xf32>
        %swap3A_441 = arith.index_cast %add3A_433 : i32 to index
        %swap3A_442 = arith.constant 0 : index
        %swap3A_443 = tpu.vector_load %arg27[%swap3A_441, %swap3A_442] {strides = array<i32>} : memref<128x16xf32, #tpu.memory_space<vmem>>, vector<16xf32>,
        tpu.vector_store %arg27[%swap3A_441, %swap3A_442], %mul3A_440 {strides = array<i32>} : memref<128x16xf32, #tpu.memory_space<vmem>>, vector<16xf32>,
        %mul3A_444 = arith.constant 16 : i32
        %mul3A_445 = arith.muli %scan3A_371, %mul3A_444 : i32
        %add3A_446 = arith.constant 5 : i32
        %add3A_447 = arith.addi %mul3A_445, %add3A_446 : i32
        %get3A_448 = arith.index_cast %add3A_447 : i32 to index
        %get3A_449 = arith.constant 0 : index
        %get3A_450 = tpu.vector_load %arg23[%get3A_448, %get3A_449] {strides = array<i32>} : memref<128x16xf32, #tpu.memory_space<vmem>>, vector<16xf32>,
        %slice3A_451 = vector.extract_strided_slice %get3A_376 {offsets = [5], sizes = [1], strides = [1]} : vector<16xf32> to vector<1xf32>
        %squeeze3A_452 = vector.extract %slice3A_451[0] : f32 from vector<1xf32>
        %mul3A_453 = vector.broadcast %squeeze3A_452 : f32 to vector<16xf32>
        %mul3A_454 = arith.mulf %get3A_450, %mul3A_453 : vector<16xf32>
        %swap3A_455 = arith.index_cast %add3A_447 : i32 to index
        %swap3A_456 = arith.constant 0 : index
        %swap3A_457 = tpu.vector_load %arg27[%swap3A_455, %swap3A_456] {strides = array<i32>} : memref<128x16xf32, #tpu.memory_space<vmem>>, vector<16xf32>,
        tpu.vector_store %arg27[%swap3A_455, %swap3A_456], %mul3A_454 {strides = array<i32>} : memref<128x16xf32, #tpu.memory_space<vmem>>, vector<16xf32>,
        %mul3A_458 = arith.constant 16 : i32
        %mul3A_459 = arith.muli %scan3A_371, %mul3A_458 : i32
        %add3A_460 = arith.constant 6 : i32
        %add3A_461 = arith.addi %mul3A_459, %add3A_460 : i32
        %get3A_462 = arith.index_cast %add3A_461 : i32 to index
        %get3A_463 = arith.constant 0 : index
        %get3A_464 = tpu.vector_load %arg23[%get3A_462, %get3A_463] {strides = array<i32>} : memref<128x16xf32, #tpu.memory_space<vmem>>, vector<16xf32>,
        %slice3A_465 = vector.extract_strided_slice %get3A_376 {offsets = [6], sizes = [1], strides = [1]} : vector<16xf32> to vector<1xf32>
        %squeeze3A_466 = vector.extract %slice3A_465[0] : f32 from vector<1xf32>
        %mul3A_467 = vector.broadcast %squeeze3A_466 : f32 to vector<16xf32>
        %mul3A_468 = arith.mulf %get3A_464, %mul3A_467 : vector<16xf32>
        %swap3A_469 = arith.index_cast %add3A_461 : i32 to index
        %swap3A_470 = arith.constant 0 : index
        %swap3A_471 = tpu.vector_load %arg27[%swap3A_469, %swap3A_470] {strides = array<i32>} : memref<128x16xf32, #tpu.memory_space<vmem>>, vector<16xf32>,
        tpu.vector_store %arg27[%swap3A_469, %swap3A_470], %mul3A_468 {strides = array<i32>} : memref<128x16xf32, #tpu.memory_space<vmem>>, vector<16xf32>,
        %mul3A_472 = arith.constant 16 : i32
        %mul3A_473 = arith.muli %scan3A_371, %mul3A_472 : i32
        %add3A_474 = arith.constant 7 : i32
        %add3A_475 = arith.addi %mul3A_473, %add3A_474 : i32
        %get3A_476 = arith.index_cast %add3A_475 : i32 to index
        %get3A_477 = arith.constant 0 : index
        %get3A_478 = tpu.vector_load %arg23[%get3A_476, %get3A_477] {strides = array<i32>} : memref<128x16xf32, #tpu.memory_space<vmem>>, vector<16xf32>,
        %slice3A_479 = vector.extract_strided_slice %get3A_376 {offsets = [7], sizes = [1], strides = [1]} : vector<16xf32> to vector<1xf32>
        %squeeze3A_480 = vector.extract %slice3A_479[0] : f32 from vector<1xf32>
        %mul3A_481 = vector.broadcast %squeeze3A_480 : f32 to vector<16xf32>
        %mul3A_482 = arith.mulf %get3A_478, %mul3A_481 : vector<16xf32>
        %swap3A_483 = arith.index_cast %add3A_475 : i32 to index
        %swap3A_484 = arith.constant 0 : index
        %swap3A_485 = tpu.vector_load %arg27[%swap3A_483, %swap3A_484] {strides = array<i32>} : memref<128x16xf32, #tpu.memory_space<vmem>>, vector<16xf32>,
        tpu.vector_store %arg27[%swap3A_483, %swap3A_484], %mul3A_482 {strides = array<i32>} : memref<128x16xf32, #tpu.memory_space<vmem>>, vector<16xf32>,
        %mul3A_486 = arith.constant 16 : i32
        %mul3A_487 = arith.muli %scan3A_371, %mul3A_486 : i32
        %add3A_488 = arith.constant 8 : i32
        %add3A_489 = arith.addi %mul3A_487, %add3A_488 : i32
        %get3A_490 = arith.index_cast %add3A_489 : i32 to index
        %get3A_491 = arith.constant 0 : index
        %get3A_492 = tpu.vector_load %arg23[%get3A_490, %get3A_491] {strides = array<i32>} : memref<128x16xf32, #tpu.memory_space<vmem>>, vector<16xf32>,
        %slice3A_493 = vector.extract_strided_slice %get3A_376 {offsets = [8], sizes = [1], strides = [1]} : vector<16xf32> to vector<1xf32>
        %squeeze3A_494 = vector.extract %slice3A_493[0] : f32 from vector<1xf32>
        %mul3A_495 = vector.broadcast %squeeze3A_494 : f32 to vector<16xf32>
        %mul3A_496 = arith.mulf %get3A_492, %mul3A_495 : vector<16xf32>
        %swap3A_497 = arith.index_cast %add3A_489 : i32 to index
        %swap3A_498 = arith.constant 0 : index
        %swap3A_499 = tpu.vector_load %arg27[%swap3A_497, %swap3A_498] {strides = array<i32>} : memref<128x16xf32, #tpu.memory_space<vmem>>, vector<16xf32>,
        tpu.vector_store %arg27[%swap3A_497, %swap3A_498], %mul3A_496 {strides = array<i32>} : memref<128x16xf32, #tpu.memory_space<vmem>>, vector<16xf32>,
        %mul3A_500 = arith.constant 16 : i32
        %mul3A_501 = arith.muli %scan3A_371, %mul3A_500 : i32
        %add3A_502 = arith.constant 9 : i32
        %add3A_503 = arith.addi %mul3A_501, %add3A_502 : i32
        %get3A_504 = arith.index_cast %add3A_503 : i32 to index
        %get3A_505 = arith.constant 0 : index
        %get3A_506 = tpu.vector_load %arg23[%get3A_504, %get3A_505] {strides = array<i32>} : memref<128x16xf32, #tpu.memory_space<vmem>>, vector<16xf32>,
        %slice3A_507 = vector.extract_strided_slice %get3A_376 {offsets = [9], sizes = [1], strides = [1]} : vector<16xf32> to vector<1xf32>
        %squeeze3A_508 = vector.extract %slice3A_507[0] : f32 from vector<1xf32>
        %mul3A_509 = vector.broadcast %squeeze3A_508 : f32 to vector<16xf32>
        %mul3A_510 = arith.mulf %get3A_506, %mul3A_509 : vector<16xf32>
        %swap3A_511 = arith.index_cast %add3A_503 : i32 to index
        %swap3A_512 = arith.constant 0 : index
        %swap3A_513 = tpu.vector_load %arg27[%swap3A_511, %swap3A_512] {strides = array<i32>} : memref<128x16xf32, #tpu.memory_space<vmem>>, vector<16xf32>,
        tpu.vector_store %arg27[%swap3A_511, %swap3A_512], %mul3A_510 {strides = array<i32>} : memref<128x16xf32, #tpu.memory_space<vmem>>, vector<16xf32>,
        %mul3A_514 = arith.constant 16 : i32
        %mul3A_515 = arith.muli %scan3A_371, %mul3A_514 : i32
        %add3A_516 = arith.constant 10 : i32
        %add3A_517 = arith.addi %mul3A_515, %add3A_516 : i32
        %get3A_518 = arith.index_cast %add3A_517 : i32 to index
        %get3A_519 = arith.constant 0 : index
        %get3A_520 = tpu.vector_load %arg23[%get3A_518, %get3A_519] {strides = array<i32>} : memref<128x16xf32, #tpu.memory_space<vmem>>, vector<16xf32>,
        %slice3A_521 = vector.extract_strided_slice %get3A_376 {offsets = [10], sizes = [1], strides = [1]} : vector<16xf32> to vector<1xf32>
        %squeeze3A_522 = vector.extract %slice3A_521[0] : f32 from vector<1xf32>
        %mul3A_523 = vector.broadcast %squeeze3A_522 : f32 to vector<16xf32>
        %mul3A_524 = arith.mulf %get3A_520, %mul3A_523 : vector<16xf32>
        %swap3A_525 = arith.index_cast %add3A_517 : i32 to index
        %swap3A_526 = arith.constant 0 : index
        %swap3A_527 = tpu.vector_load %arg27[%swap3A_525, %swap3A_526] {strides = array<i32>} : memref<128x16xf32, #tpu.memory_space<vmem>>, vector<16xf32>,
        tpu.vector_store %arg27[%swap3A_525, %swap3A_526], %mul3A_524 {strides = array<i32>} : memref<128x16xf32, #tpu.memory_space<vmem>>, vector<16xf32>,
        %mul3A_528 = arith.constant 16 : i32
        %mul3A_529 = arith.muli %scan3A_371, %mul3A_528 : i32
        %add3A_530 = arith.constant 11 : i32
        %add3A_531 = arith.addi %mul3A_529, %add3A_530 : i32
        %get3A_532 = arith.index_cast %add3A_531 : i32 to index
        %get3A_533 = arith.constant 0 : index
        %get3A_534 = tpu.vector_load %arg23[%get3A_532, %get3A_533] {strides = array<i32>} : memref<128x16xf32, #tpu.memory_space<vmem>>, vector<16xf32>,
        %slice3A_535 = vector.extract_strided_slice %get3A_376 {offsets = [11], sizes = [1], strides = [1]} : vector<16xf32> to vector<1xf32>
        %squeeze3A_536 = vector.extract %slice3A_535[0] : f32 from vector<1xf32>
        %mul3A_537 = vector.broadcast %squeeze3A_536 : f32 to vector<16xf32>
        %mul3A_538 = arith.mulf %get3A_534, %mul3A_537 : vector<16xf32>
        %swap3A_539 = arith.index_cast %add3A_531 : i32 to index
        %swap3A_540 = arith.constant 0 : index
        %swap3A_541 = tpu.vector_load %arg27[%swap3A_539, %swap3A_540] {strides = array<i32>} : memref<128x16xf32, #tpu.memory_space<vmem>>, vector<16xf32>,
        tpu.vector_store %arg27[%swap3A_539, %swap3A_540], %mul3A_538 {strides = array<i32>} : memref<128x16xf32, #tpu.memory_space<vmem>>, vector<16xf32>,
        %mul3A_542 = arith.constant 16 : i32
        %mul3A_543 = arith.muli %scan3A_371, %mul3A_542 : i32
        %add3A_544 = arith.constant 12 : i32
        %add3A_545 = arith.addi %mul3A_543, %add3A_544 : i32
        %get3A_546 = arith.index_cast %add3A_545 : i32 to index
        %get3A_547 = arith.constant 0 : index
        %get3A_548 = tpu.vector_load %arg23[%get3A_546, %get3A_547] {strides = array<i32>} : memref<128x16xf32, #tpu.memory_space<vmem>>, vector<16xf32>,
        %slice3A_549 = vector.extract_strided_slice %get3A_376 {offsets = [12], sizes = [1], strides = [1]} : vector<16xf32> to vector<1xf32>
        %squeeze3A_550 = vector.extract %slice3A_549[0] : f32 from vector<1xf32>
        %mul3A_551 = vector.broadcast %squeeze3A_550 : f32 to vector<16xf32>
        %mul3A_552 = arith.mulf %get3A_548, %mul3A_551 : vector<16xf32>
        %swap3A_553 = arith.index_cast %add3A_545 : i32 to index
        %swap3A_554 = arith.constant 0 : index
        %swap3A_555 = tpu.vector_load %arg27[%swap3A_553, %swap3A_554] {strides = array<i32>} : memref<128x16xf32, #tpu.memory_space<vmem>>, vector<16xf32>,
        tpu.vector_store %arg27[%swap3A_553, %swap3A_554], %mul3A_552 {strides = array<i32>} : memref<128x16xf32, #tpu.memory_space<vmem>>, vector<16xf32>,
        %mul3A_556 = arith.constant 16 : i32
        %mul3A_557 = arith.muli %scan3A_371, %mul3A_556 : i32
        %add3A_558 = arith.constant 13 : i32
        %add3A_559 = arith.addi %mul3A_557, %add3A_558 : i32
        %get3A_560 = arith.index_cast %add3A_559 : i32 to index
        %get3A_561 = arith.constant 0 : index
        %get3A_562 = tpu.vector_load %arg23[%get3A_560, %get3A_561] {strides = array<i32>} : memref<128x16xf32, #tpu.memory_space<vmem>>, vector<16xf32>,
        %slice3A_563 = vector.extract_strided_slice %get3A_376 {offsets = [13], sizes = [1], strides = [1]} : vector<16xf32> to vector<1xf32>
        %squeeze3A_564 = vector.extract %slice3A_563[0] : f32 from vector<1xf32>
        %mul3A_565 = vector.broadcast %squeeze3A_564 : f32 to vector<16xf32>
        %mul3A_566 = arith.mulf %get3A_562, %mul3A_565 : vector<16xf32>
        %swap3A_567 = arith.index_cast %add3A_559 : i32 to index
        %swap3A_568 = arith.constant 0 : index
        %swap3A_569 = tpu.vector_load %arg27[%swap3A_567, %swap3A_568] {strides = array<i32>} : memref<128x16xf32, #tpu.memory_space<vmem>>, vector<16xf32>,
        tpu.vector_store %arg27[%swap3A_567, %swap3A_568], %mul3A_566 {strides = array<i32>} : memref<128x16xf32, #tpu.memory_space<vmem>>, vector<16xf32>,
        %mul3A_570 = arith.constant 16 : i32
        %mul3A_571 = arith.muli %scan3A_371, %mul3A_570 : i32
        %add3A_572 = arith.constant 14 : i32
        %add3A_573 = arith.addi %mul3A_571, %add3A_572 : i32
        %get3A_574 = arith.index_cast %add3A_573 : i32 to index
        %get3A_575 = arith.constant 0 : index
        %get3A_576 = tpu.vector_load %arg23[%get3A_574, %get3A_575] {strides = array<i32>} : memref<128x16xf32, #tpu.memory_space<vmem>>, vector<16xf32>,
        %slice3A_577 = vector.extract_strided_slice %get3A_376 {offsets = [14], sizes = [1], strides = [1]} : vector<16xf32> to vector<1xf32>
        %squeeze3A_578 = vector.extract %slice3A_577[0] : f32 from vector<1xf32>
        %mul3A_579 = vector.broadcast %squeeze3A_578 : f32 to vector<16xf32>
        %mul3A_580 = arith.mulf %get3A_576, %mul3A_579 : vector<16xf32>
        %swap3A_581 = arith.index_cast %add3A_573 : i32 to index
        %swap3A_582 = arith.constant 0 : index
        %swap3A_583 = tpu.vector_load %arg27[%swap3A_581, %swap3A_582] {strides = array<i32>} : memref<128x16xf32, #tpu.memory_space<vmem>>, vector<16xf32>,
        tpu.vector_store %arg27[%swap3A_581, %swap3A_582], %mul3A_580 {strides = array<i32>} : memref<128x16xf32, #tpu.memory_space<vmem>>, vector<16xf32>,
        %mul3A_584 = arith.constant 16 : i32
        %mul3A_585 = arith.muli %scan3A_371, %mul3A_584 : i32
        %add3A_586 = arith.constant 15 : i32
        %add3A_587 = arith.addi %mul3A_585, %add3A_586 : i32
        %get3A_588 = arith.index_cast %add3A_587 : i32 to index
        %get3A_589 = arith.constant 0 : index
        %get3A_590 = tpu.vector_load %arg23[%get3A_588, %get3A_589] {strides = array<i32>} : memref<128x16xf32, #tpu.memory_space<vmem>>, vector<16xf32>,
        %slice3A_591 = vector.extract_strided_slice %get3A_376 {offsets = [15], sizes = [1], strides = [1]} : vector<16xf32> to vector<1xf32>
        %squeeze3A_592 = vector.extract %slice3A_591[0] : f32 from vector<1xf32>
        %mul3A_593 = vector.broadcast %squeeze3A_592 : f32 to vector<16xf32>
        %mul3A_594 = arith.mulf %get3A_590, %mul3A_593 : vector<16xf32>
        %swap3A_595 = arith.index_cast %add3A_587 : i32 to index
        %swap3A_596 = arith.constant 0 : index
        %swap3A_597 = tpu.vector_load %arg27[%swap3A_595, %swap3A_596] {strides = array<i32>} : memref<128x16xf32, #tpu.memory_space<vmem>>, vector<16xf32>,
        tpu.vector_store %arg27[%swap3A_595, %swap3A_596], %mul3A_594 {strides = array<i32>} : memref<128x16xf32, #tpu.memory_space<vmem>>, vector<16xf32>,
        %scan3A_598 = arith.constant 0 : i32
        scf.yield %scan3A_598 : i32
      }
      %scan3A_330 = arith.constant 8 : i32
      %dma_start3A_331 = arith.constant 0 : i32
      %dma_start3A_332 = tpu.memref_slice %arg14[%add3A_307, %dma_start3A_331] : memref<80x128xi32, #tpu.memory_space<vmem>> -> memref<1x128xi32, #tpu.memory_space<vmem>>
      %dma_start3A_333 = tpu.memref_squeeze %dma_start3A_332 : memref<1x128xi32, #tpu.memory_space<vmem>> -> memref<128xi32, #tpu.memory_space<vmem>>
      %dma_start3A_334 = arith.constant 0 : i32
      %dma_start3A_335 = arith.constant 0 : i32
      %dma_start3A_336 = tpu.memref_slice %arg9[%dma_start3A_334, %dma_start3A_335] : memref<10240x16xf32, #tpu.memory_space<vmem_shared>> -> memref<10240x16xf32, #tpu.memory_space<vmem_shared>>
      tpu.enqueue_indirect_dma source(%arg27 : memref<128x16xf32, #tpu.memory_space<vmem>>) target(%dma_start3A_336 : memref<10240x16xf32, #tpu.memory_space<vmem_shared>>) offsets(%dma_start3A_333 : memref<128xi32, #tpu.memory_space<vmem>>) semaphore(%arg35 : memref<!tpu.dma_semaphore, #tpu.memory_space<semaphore_mem>>) {add = true}
      %mul3A_337 = arith.constant 4 : i32
      %mul3A_338 = arith.muli %scan3A_235, %mul3A_337 : i32
      %add3A_339 = arith.constant 3 : i32
      %add3A_340 = arith.addi %mul3A_338, %add3A_339 : i32
      %dma_wait3A_341 = arith.constant 0 : i32
      %dma_wait3A_342 = tpu.memref_slice %arg13[%add3A_340, %dma_wait3A_341] : memref<80x128xi32, #tpu.memory_space<vmem>> -> memref<1x128xi32, #tpu.memory_space<vmem>>
      %dma_wait3A_343 = tpu.memref_squeeze %dma_wait3A_342 : memref<1x128xi32, #tpu.memory_space<vmem>> -> memref<128xi32, #tpu.memory_space<vmem>>
      %dma_wait3A_344 = arith.constant 0 : i32
      %dma_wait3A_345 = arith.constant 0 : i32
      %dma_wait3A_346 = tpu.memref_slice %arg10[%dma_wait3A_344, %dma_wait3A_345] : memref<10240x16xf32, #tpu.memory_space<vmem_shared>> -> memref<10240x16xf32, #tpu.memory_space<vmem_shared>>
      tpu.wait_indirect_dma semaphore(%arg32 : memref<!tpu.dma_semaphore, #tpu.memory_space<semaphore_mem>>) src(%dma_wait3A_346 : memref<10240x16xf32, #tpu.memory_space<vmem_shared>>) dst(%arg24 : memref<128x16xf32, #tpu.memory_space<vmem>>)
      %lt3A_347 = arith.constant 19 : i32
      %lt3A_348 = arith.cmpi slt, %scan3A_235, %lt3A_347 : i32
      %convert_element_type3A_349 = arith.extui %lt3A_348 : i1 to i32
      %cond3A_350 = arith.constant 0 : i32
      %cond3A_351 = arith.cmpi ne, %convert_element_type3A_349, %cond3A_350 : i32
      scf.if %cond3A_351 {
        %add3A_371 = arith.constant 3 : i32
        %add3A_372 = arith.addi %add3A_340, %add3A_371 : i32
        %dma_start3A_373 = arith.constant 0 : i32
        %dma_start3A_374 = tpu.memref_slice %arg13[%add3A_372, %dma_start3A_373] : memref<80x128xi32, #tpu.memory_space<vmem>> -> memref<1x128xi32, #tpu.memory_space<vmem>>
        %dma_start3A_375 = tpu.memref_squeeze %dma_start3A_374 : memref<1x128xi32, #tpu.memory_space<vmem>> -> memref<128xi32, #tpu.memory_space<vmem>>
        %dma_start3A_376 = arith.constant 0 : i32
        %dma_start3A_377 = arith.constant 0 : i32
        %dma_start3A_378 = tpu.memref_slice %arg10[%dma_start3A_376, %dma_start3A_377] : memref<10240x16xf32, #tpu.memory_space<vmem_shared>> -> memref<10240x16xf32, #tpu.memory_space<vmem_shared>>
        tpu.enqueue_indirect_dma source(%dma_start3A_378 : memref<10240x16xf32, #tpu.memory_space<vmem_shared>>) target(%arg23 : memref<128x16xf32, #tpu.memory_space<vmem>>) offsets(%dma_start3A_375 : memref<128xi32, #tpu.memory_space<vmem>>) semaphore(%arg31 : memref<!tpu.dma_semaphore, #tpu.memory_space<semaphore_mem>>)
      } else {
      }
      %ge3A_352 = arith.constant 1 : i32
      %ge3A_353 = arith.cmpi sge, %scan3A_235, %ge3A_352 : i32
      %convert_element_type3A_354 = arith.extui %ge3A_353 : i1 to i32
      %cond3A_355 = arith.constant 0 : i32
      %cond3A_356 = arith.cmpi ne, %convert_element_type3A_354, %cond3A_355 : i32
      scf.if %cond3A_356 {
        %dma_wait3A_371 = arith.constant 0 : i32
        %dma_wait3A_372 = tpu.memref_slice %arg14[%add3A_340, %dma_wait3A_371] : memref<80x128xi32, #tpu.memory_space<vmem>> -> memref<1x128xi32, #tpu.memory_space<vmem>>
        %dma_wait3A_373 = tpu.memref_squeeze %dma_wait3A_372 : memref<1x128xi32, #tpu.memory_space<vmem>> -> memref<128xi32, #tpu.memory_space<vmem>>
        %dma_wait3A_374 = arith.constant 0 : i32
        %dma_wait3A_375 = arith.constant 0 : i32
        %dma_wait3A_376 = tpu.memref_slice %arg9[%dma_wait3A_374, %dma_wait3A_375] : memref<10240x16xf32, #tpu.memory_space<vmem_shared>> -> memref<10240x16xf32, #tpu.memory_space<vmem_shared>>
        tpu.wait_indirect_dma semaphore(%arg36 : memref<!tpu.dma_semaphore, #tpu.memory_space<semaphore_mem>>) src(%arg28 : memref<128x16xf32, #tpu.memory_space<vmem>>) dst(%dma_wait3A_376 : memref<10240x16xf32, #tpu.memory_space<vmem_shared>>)
      } else {
      }
      %scan3A_357 = arith.constant 0 : i32
      %scan3A_358 = arith.constant 0 : i32
      %scan3A_359 = arith.constant 8 : i32
      %scan3A_360 = arith.addi %scan3A_358, %scan3A_359 : i32
      %scan3A_361 = arith.constant 1 : i32
      %scan3A_362 = scf.for %scan3A_371 = %scan3A_358 to %scan3A_360 step %scan3A_361 iter_args(%scan3A_372 = %scan3A_357) -> (i32)  : i32 {
        %mul3A_373 = arith.constant 16 : i32
        %mul3A_374 = arith.muli %scan3A_371, %mul3A_373 : i32
        %get3A = arith.index_cast %add3A_340 : i32 to index
        %get3A_375 = arith.index_cast %mul3A_374 : i32 to index
        %get3A_376 = tpu.vector_load %arg15[%get3A, %get3A_375] {strides = array<i32>} : memref<80x128xf32, #tpu.memory_space<vmem>>, vector<16xf32>,
        %mul3A_377 = arith.constant 16 : i32
        %mul3A_378 = arith.muli %scan3A_371, %mul3A_377 : i32
        %add3A_379 = arith.constant 0 : i32
        %add3A_380 = arith.addi %mul3A_378, %add3A_379 : i32
        %get3A_381 = arith.index_cast %add3A_380 : i32 to index
        %get3A_382 = arith.constant 0 : index
        %get3A_383 = tpu.vector_load %arg24[%get3A_381, %get3A_382] {strides = array<i32>} : memref<128x16xf32, #tpu.memory_space<vmem>>, vector<16xf32>,
        %slice3A = vector.extract_strided_slice %get3A_376 {offsets = [0], sizes = [1], strides = [1]} : vector<16xf32> to vector<1xf32>
        %squeeze3A = vector.extract %slice3A[0] : f32 from vector<1xf32>
        %mul3A_384 = vector.broadcast %squeeze3A : f32 to vector<16xf32>
        %mul3A_385 = arith.mulf %get3A_383, %mul3A_384 : vector<16xf32>
        %swap3A = arith.index_cast %add3A_380 : i32 to index
        %swap3A_386 = arith.constant 0 : index
        %swap3A_387 = tpu.vector_load %arg28[%swap3A, %swap3A_386] {strides = array<i32>} : memref<128x16xf32, #tpu.memory_space<vmem>>, vector<16xf32>,
        tpu.vector_store %arg28[%swap3A, %swap3A_386], %mul3A_385 {strides = array<i32>} : memref<128x16xf32, #tpu.memory_space<vmem>>, vector<16xf32>,
        %mul3A_388 = arith.constant 16 : i32
        %mul3A_389 = arith.muli %scan3A_371, %mul3A_388 : i32
        %add3A_390 = arith.constant 1 : i32
        %add3A_391 = arith.addi %mul3A_389, %add3A_390 : i32
        %get3A_392 = arith.index_cast %add3A_391 : i32 to index
        %get3A_393 = arith.constant 0 : index
        %get3A_394 = tpu.vector_load %arg24[%get3A_392, %get3A_393] {strides = array<i32>} : memref<128x16xf32, #tpu.memory_space<vmem>>, vector<16xf32>,
        %slice3A_395 = vector.extract_strided_slice %get3A_376 {offsets = [1], sizes = [1], strides = [1]} : vector<16xf32> to vector<1xf32>
        %squeeze3A_396 = vector.extract %slice3A_395[0] : f32 from vector<1xf32>
        %mul3A_397 = vector.broadcast %squeeze3A_396 : f32 to vector<16xf32>
        %mul3A_398 = arith.mulf %get3A_394, %mul3A_397 : vector<16xf32>
        %swap3A_399 = arith.index_cast %add3A_391 : i32 to index
        %swap3A_400 = arith.constant 0 : index
        %swap3A_401 = tpu.vector_load %arg28[%swap3A_399, %swap3A_400] {strides = array<i32>} : memref<128x16xf32, #tpu.memory_space<vmem>>, vector<16xf32>,
        tpu.vector_store %arg28[%swap3A_399, %swap3A_400], %mul3A_398 {strides = array<i32>} : memref<128x16xf32, #tpu.memory_space<vmem>>, vector<16xf32>,
        %mul3A_402 = arith.constant 16 : i32
        %mul3A_403 = arith.muli %scan3A_371, %mul3A_402 : i32
        %add3A_404 = arith.constant 2 : i32
        %add3A_405 = arith.addi %mul3A_403, %add3A_404 : i32
        %get3A_406 = arith.index_cast %add3A_405 : i32 to index
        %get3A_407 = arith.constant 0 : index
        %get3A_408 = tpu.vector_load %arg24[%get3A_406, %get3A_407] {strides = array<i32>} : memref<128x16xf32, #tpu.memory_space<vmem>>, vector<16xf32>,
        %slice3A_409 = vector.extract_strided_slice %get3A_376 {offsets = [2], sizes = [1], strides = [1]} : vector<16xf32> to vector<1xf32>
        %squeeze3A_410 = vector.extract %slice3A_409[0] : f32 from vector<1xf32>
        %mul3A_411 = vector.broadcast %squeeze3A_410 : f32 to vector<16xf32>
        %mul3A_412 = arith.mulf %get3A_408, %mul3A_411 : vector<16xf32>
        %swap3A_413 = arith.index_cast %add3A_405 : i32 to index
        %swap3A_414 = arith.constant 0 : index
        %swap3A_415 = tpu.vector_load %arg28[%swap3A_413, %swap3A_414] {strides = array<i32>} : memref<128x16xf32, #tpu.memory_space<vmem>>, vector<16xf32>,
        tpu.vector_store %arg28[%swap3A_413, %swap3A_414], %mul3A_412 {strides = array<i32>} : memref<128x16xf32, #tpu.memory_space<vmem>>, vector<16xf32>,
        %mul3A_416 = arith.constant 16 : i32
        %mul3A_417 = arith.muli %scan3A_371, %mul3A_416 : i32
        %add3A_418 = arith.constant 3 : i32
        %add3A_419 = arith.addi %mul3A_417, %add3A_418 : i32
        %get3A_420 = arith.index_cast %add3A_419 : i32 to index
        %get3A_421 = arith.constant 0 : index
        %get3A_422 = tpu.vector_load %arg24[%get3A_420, %get3A_421] {strides = array<i32>} : memref<128x16xf32, #tpu.memory_space<vmem>>, vector<16xf32>,
        %slice3A_423 = vector.extract_strided_slice %get3A_376 {offsets = [3], sizes = [1], strides = [1]} : vector<16xf32> to vector<1xf32>
        %squeeze3A_424 = vector.extract %slice3A_423[0] : f32 from vector<1xf32>
        %mul3A_425 = vector.broadcast %squeeze3A_424 : f32 to vector<16xf32>
        %mul3A_426 = arith.mulf %get3A_422, %mul3A_425 : vector<16xf32>
        %swap3A_427 = arith.index_cast %add3A_419 : i32 to index
        %swap3A_428 = arith.constant 0 : index
        %swap3A_429 = tpu.vector_load %arg28[%swap3A_427, %swap3A_428] {strides = array<i32>} : memref<128x16xf32, #tpu.memory_space<vmem>>, vector<16xf32>,
        tpu.vector_store %arg28[%swap3A_427, %swap3A_428], %mul3A_426 {strides = array<i32>} : memref<128x16xf32, #tpu.memory_space<vmem>>, vector<16xf32>,
        %mul3A_430 = arith.constant 16 : i32
        %mul3A_431 = arith.muli %scan3A_371, %mul3A_430 : i32
        %add3A_432 = arith.constant 4 : i32
        %add3A_433 = arith.addi %mul3A_431, %add3A_432 : i32
        %get3A_434 = arith.index_cast %add3A_433 : i32 to index
        %get3A_435 = arith.constant 0 : index
        %get3A_436 = tpu.vector_load %arg24[%get3A_434, %get3A_435] {strides = array<i32>} : memref<128x16xf32, #tpu.memory_space<vmem>>, vector<16xf32>,
        %slice3A_437 = vector.extract_strided_slice %get3A_376 {offsets = [4], sizes = [1], strides = [1]} : vector<16xf32> to vector<1xf32>
        %squeeze3A_438 = vector.extract %slice3A_437[0] : f32 from vector<1xf32>
        %mul3A_439 = vector.broadcast %squeeze3A_438 : f32 to vector<16xf32>
        %mul3A_440 = arith.mulf %get3A_436, %mul3A_439 : vector<16xf32>
        %swap3A_441 = arith.index_cast %add3A_433 : i32 to index
        %swap3A_442 = arith.constant 0 : index
        %swap3A_443 = tpu.vector_load %arg28[%swap3A_441, %swap3A_442] {strides = array<i32>} : memref<128x16xf32, #tpu.memory_space<vmem>>, vector<16xf32>,
        tpu.vector_store %arg28[%swap3A_441, %swap3A_442], %mul3A_440 {strides = array<i32>} : memref<128x16xf32, #tpu.memory_space<vmem>>, vector<16xf32>,
        %mul3A_444 = arith.constant 16 : i32
        %mul3A_445 = arith.muli %scan3A_371, %mul3A_444 : i32
        %add3A_446 = arith.constant 5 : i32
        %add3A_447 = arith.addi %mul3A_445, %add3A_446 : i32
        %get3A_448 = arith.index_cast %add3A_447 : i32 to index
        %get3A_449 = arith.constant 0 : index
        %get3A_450 = tpu.vector_load %arg24[%get3A_448, %get3A_449] {strides = array<i32>} : memref<128x16xf32, #tpu.memory_space<vmem>>, vector<16xf32>,
        %slice3A_451 = vector.extract_strided_slice %get3A_376 {offsets = [5], sizes = [1], strides = [1]} : vector<16xf32> to vector<1xf32>
        %squeeze3A_452 = vector.extract %slice3A_451[0] : f32 from vector<1xf32>
        %mul3A_453 = vector.broadcast %squeeze3A_452 : f32 to vector<16xf32>
        %mul3A_454 = arith.mulf %get3A_450, %mul3A_453 : vector<16xf32>
        %swap3A_455 = arith.index_cast %add3A_447 : i32 to index
        %swap3A_456 = arith.constant 0 : index
        %swap3A_457 = tpu.vector_load %arg28[%swap3A_455, %swap3A_456] {strides = array<i32>} : memref<128x16xf32, #tpu.memory_space<vmem>>, vector<16xf32>,
        tpu.vector_store %arg28[%swap3A_455, %swap3A_456], %mul3A_454 {strides = array<i32>} : memref<128x16xf32, #tpu.memory_space<vmem>>, vector<16xf32>,
        %mul3A_458 = arith.constant 16 : i32
        %mul3A_459 = arith.muli %scan3A_371, %mul3A_458 : i32
        %add3A_460 = arith.constant 6 : i32
        %add3A_461 = arith.addi %mul3A_459, %add3A_460 : i32
        %get3A_462 = arith.index_cast %add3A_461 : i32 to index
        %get3A_463 = arith.constant 0 : index
        %get3A_464 = tpu.vector_load %arg24[%get3A_462, %get3A_463] {strides = array<i32>} : memref<128x16xf32, #tpu.memory_space<vmem>>, vector<16xf32>,
        %slice3A_465 = vector.extract_strided_slice %get3A_376 {offsets = [6], sizes = [1], strides = [1]} : vector<16xf32> to vector<1xf32>
        %squeeze3A_466 = vector.extract %slice3A_465[0] : f32 from vector<1xf32>
        %mul3A_467 = vector.broadcast %squeeze3A_466 : f32 to vector<16xf32>
        %mul3A_468 = arith.mulf %get3A_464, %mul3A_467 : vector<16xf32>
        %swap3A_469 = arith.index_cast %add3A_461 : i32 to index
        %swap3A_470 = arith.constant 0 : index
        %swap3A_471 = tpu.vector_load %arg28[%swap3A_469, %swap3A_470] {strides = array<i32>} : memref<128x16xf32, #tpu.memory_space<vmem>>, vector<16xf32>,
        tpu.vector_store %arg28[%swap3A_469, %swap3A_470], %mul3A_468 {strides = array<i32>} : memref<128x16xf32, #tpu.memory_space<vmem>>, vector<16xf32>,
        %mul3A_472 = arith.constant 16 : i32
        %mul3A_473 = arith.muli %scan3A_371, %mul3A_472 : i32
        %add3A_474 = arith.constant 7 : i32
        %add3A_475 = arith.addi %mul3A_473, %add3A_474 : i32
        %get3A_476 = arith.index_cast %add3A_475 : i32 to index
        %get3A_477 = arith.constant 0 : index
        %get3A_478 = tpu.vector_load %arg24[%get3A_476, %get3A_477] {strides = array<i32>} : memref<128x16xf32, #tpu.memory_space<vmem>>, vector<16xf32>,
        %slice3A_479 = vector.extract_strided_slice %get3A_376 {offsets = [7], sizes = [1], strides = [1]} : vector<16xf32> to vector<1xf32>
        %squeeze3A_480 = vector.extract %slice3A_479[0] : f32 from vector<1xf32>
        %mul3A_481 = vector.broadcast %squeeze3A_480 : f32 to vector<16xf32>
        %mul3A_482 = arith.mulf %get3A_478, %mul3A_481 : vector<16xf32>
        %swap3A_483 = arith.index_cast %add3A_475 : i32 to index
        %swap3A_484 = arith.constant 0 : index
        %swap3A_485 = tpu.vector_load %arg28[%swap3A_483, %swap3A_484] {strides = array<i32>} : memref<128x16xf32, #tpu.memory_space<vmem>>, vector<16xf32>,
        tpu.vector_store %arg28[%swap3A_483, %swap3A_484], %mul3A_482 {strides = array<i32>} : memref<128x16xf32, #tpu.memory_space<vmem>>, vector<16xf32>,
        %mul3A_486 = arith.constant 16 : i32
        %mul3A_487 = arith.muli %scan3A_371, %mul3A_486 : i32
        %add3A_488 = arith.constant 8 : i32
        %add3A_489 = arith.addi %mul3A_487, %add3A_488 : i32
        %get3A_490 = arith.index_cast %add3A_489 : i32 to index
        %get3A_491 = arith.constant 0 : index
        %get3A_492 = tpu.vector_load %arg24[%get3A_490, %get3A_491] {strides = array<i32>} : memref<128x16xf32, #tpu.memory_space<vmem>>, vector<16xf32>,
        %slice3A_493 = vector.extract_strided_slice %get3A_376 {offsets = [8], sizes = [1], strides = [1]} : vector<16xf32> to vector<1xf32>
        %squeeze3A_494 = vector.extract %slice3A_493[0] : f32 from vector<1xf32>
        %mul3A_495 = vector.broadcast %squeeze3A_494 : f32 to vector<16xf32>
        %mul3A_496 = arith.mulf %get3A_492, %mul3A_495 : vector<16xf32>
        %swap3A_497 = arith.index_cast %add3A_489 : i32 to index
        %swap3A_498 = arith.constant 0 : index
        %swap3A_499 = tpu.vector_load %arg28[%swap3A_497, %swap3A_498] {strides = array<i32>} : memref<128x16xf32, #tpu.memory_space<vmem>>, vector<16xf32>,
        tpu.vector_store %arg28[%swap3A_497, %swap3A_498], %mul3A_496 {strides = array<i32>} : memref<128x16xf32, #tpu.memory_space<vmem>>, vector<16xf32>,
        %mul3A_500 = arith.constant 16 : i32
        %mul3A_501 = arith.muli %scan3A_371, %mul3A_500 : i32
        %add3A_502 = arith.constant 9 : i32
        %add3A_503 = arith.addi %mul3A_501, %add3A_502 : i32
        %get3A_504 = arith.index_cast %add3A_503 : i32 to index
        %get3A_505 = arith.constant 0 : index
        %get3A_506 = tpu.vector_load %arg24[%get3A_504, %get3A_505] {strides = array<i32>} : memref<128x16xf32, #tpu.memory_space<vmem>>, vector<16xf32>,
        %slice3A_507 = vector.extract_strided_slice %get3A_376 {offsets = [9], sizes = [1], strides = [1]} : vector<16xf32> to vector<1xf32>
        %squeeze3A_508 = vector.extract %slice3A_507[0] : f32 from vector<1xf32>
        %mul3A_509 = vector.broadcast %squeeze3A_508 : f32 to vector<16xf32>
        %mul3A_510 = arith.mulf %get3A_506, %mul3A_509 : vector<16xf32>
        %swap3A_511 = arith.index_cast %add3A_503 : i32 to index
        %swap3A_512 = arith.constant 0 : index
        %swap3A_513 = tpu.vector_load %arg28[%swap3A_511, %swap3A_512] {strides = array<i32>} : memref<128x16xf32, #tpu.memory_space<vmem>>, vector<16xf32>,
        tpu.vector_store %arg28[%swap3A_511, %swap3A_512], %mul3A_510 {strides = array<i32>} : memref<128x16xf32, #tpu.memory_space<vmem>>, vector<16xf32>,
        %mul3A_514 = arith.constant 16 : i32
        %mul3A_515 = arith.muli %scan3A_371, %mul3A_514 : i32
        %add3A_516 = arith.constant 10 : i32
        %add3A_517 = arith.addi %mul3A_515, %add3A_516 : i32
        %get3A_518 = arith.index_cast %add3A_517 : i32 to index
        %get3A_519 = arith.constant 0 : index
        %get3A_520 = tpu.vector_load %arg24[%get3A_518, %get3A_519] {strides = array<i32>} : memref<128x16xf32, #tpu.memory_space<vmem>>, vector<16xf32>,
        %slice3A_521 = vector.extract_strided_slice %get3A_376 {offsets = [10], sizes = [1], strides = [1]} : vector<16xf32> to vector<1xf32>
        %squeeze3A_522 = vector.extract %slice3A_521[0] : f32 from vector<1xf32>
        %mul3A_523 = vector.broadcast %squeeze3A_522 : f32 to vector<16xf32>
        %mul3A_524 = arith.mulf %get3A_520, %mul3A_523 : vector<16xf32>
        %swap3A_525 = arith.index_cast %add3A_517 : i32 to index
        %swap3A_526 = arith.constant 0 : index
        %swap3A_527 = tpu.vector_load %arg28[%swap3A_525, %swap3A_526] {strides = array<i32>} : memref<128x16xf32, #tpu.memory_space<vmem>>, vector<16xf32>,
        tpu.vector_store %arg28[%swap3A_525, %swap3A_526], %mul3A_524 {strides = array<i32>} : memref<128x16xf32, #tpu.memory_space<vmem>>, vector<16xf32>,
        %mul3A_528 = arith.constant 16 : i32
        %mul3A_529 = arith.muli %scan3A_371, %mul3A_528 : i32
        %add3A_530 = arith.constant 11 : i32
        %add3A_531 = arith.addi %mul3A_529, %add3A_530 : i32
        %get3A_532 = arith.index_cast %add3A_531 : i32 to index
        %get3A_533 = arith.constant 0 : index
        %get3A_534 = tpu.vector_load %arg24[%get3A_532, %get3A_533] {strides = array<i32>} : memref<128x16xf32, #tpu.memory_space<vmem>>, vector<16xf32>,
        %slice3A_535 = vector.extract_strided_slice %get3A_376 {offsets = [11], sizes = [1], strides = [1]} : vector<16xf32> to vector<1xf32>
        %squeeze3A_536 = vector.extract %slice3A_535[0] : f32 from vector<1xf32>
        %mul3A_537 = vector.broadcast %squeeze3A_536 : f32 to vector<16xf32>
        %mul3A_538 = arith.mulf %get3A_534, %mul3A_537 : vector<16xf32>
        %swap3A_539 = arith.index_cast %add3A_531 : i32 to index
        %swap3A_540 = arith.constant 0 : index
        %swap3A_541 = tpu.vector_load %arg28[%swap3A_539, %swap3A_540] {strides = array<i32>} : memref<128x16xf32, #tpu.memory_space<vmem>>, vector<16xf32>,
        tpu.vector_store %arg28[%swap3A_539, %swap3A_540], %mul3A_538 {strides = array<i32>} : memref<128x16xf32, #tpu.memory_space<vmem>>, vector<16xf32>,
        %mul3A_542 = arith.constant 16 : i32
        %mul3A_543 = arith.muli %scan3A_371, %mul3A_542 : i32
        %add3A_544 = arith.constant 12 : i32
        %add3A_545 = arith.addi %mul3A_543, %add3A_544 : i32
        %get3A_546 = arith.index_cast %add3A_545 : i32 to index
        %get3A_547 = arith.constant 0 : index
        %get3A_548 = tpu.vector_load %arg24[%get3A_546, %get3A_547] {strides = array<i32>} : memref<128x16xf32, #tpu.memory_space<vmem>>, vector<16xf32>,
        %slice3A_549 = vector.extract_strided_slice %get3A_376 {offsets = [12], sizes = [1], strides = [1]} : vector<16xf32> to vector<1xf32>
        %squeeze3A_550 = vector.extract %slice3A_549[0] : f32 from vector<1xf32>
        %mul3A_551 = vector.broadcast %squeeze3A_550 : f32 to vector<16xf32>
        %mul3A_552 = arith.mulf %get3A_548, %mul3A_551 : vector<16xf32>
        %swap3A_553 = arith.index_cast %add3A_545 : i32 to index
        %swap3A_554 = arith.constant 0 : index
        %swap3A_555 = tpu.vector_load %arg28[%swap3A_553, %swap3A_554] {strides = array<i32>} : memref<128x16xf32, #tpu.memory_space<vmem>>, vector<16xf32>,
        tpu.vector_store %arg28[%swap3A_553, %swap3A_554], %mul3A_552 {strides = array<i32>} : memref<128x16xf32, #tpu.memory_space<vmem>>, vector<16xf32>,
        %mul3A_556 = arith.constant 16 : i32
        %mul3A_557 = arith.muli %scan3A_371, %mul3A_556 : i32
        %add3A_558 = arith.constant 13 : i32
        %add3A_559 = arith.addi %mul3A_557, %add3A_558 : i32
        %get3A_560 = arith.index_cast %add3A_559 : i32 to index
        %get3A_561 = arith.constant 0 : index
        %get3A_562 = tpu.vector_load %arg24[%get3A_560, %get3A_561] {strides = array<i32>} : memref<128x16xf32, #tpu.memory_space<vmem>>, vector<16xf32>,
        %slice3A_563 = vector.extract_strided_slice %get3A_376 {offsets = [13], sizes = [1], strides = [1]} : vector<16xf32> to vector<1xf32>
        %squeeze3A_564 = vector.extract %slice3A_563[0] : f32 from vector<1xf32>
        %mul3A_565 = vector.broadcast %squeeze3A_564 : f32 to vector<16xf32>
        %mul3A_566 = arith.mulf %get3A_562, %mul3A_565 : vector<16xf32>
        %swap3A_567 = arith.index_cast %add3A_559 : i32 to index
        %swap3A_568 = arith.constant 0 : index
        %swap3A_569 = tpu.vector_load %arg28[%swap3A_567, %swap3A_568] {strides = array<i32>} : memref<128x16xf32, #tpu.memory_space<vmem>>, vector<16xf32>,
        tpu.vector_store %arg28[%swap3A_567, %swap3A_568], %mul3A_566 {strides = array<i32>} : memref<128x16xf32, #tpu.memory_space<vmem>>, vector<16xf32>,
        %mul3A_570 = arith.constant 16 : i32
        %mul3A_571 = arith.muli %scan3A_371, %mul3A_570 : i32
        %add3A_572 = arith.constant 14 : i32
        %add3A_573 = arith.addi %mul3A_571, %add3A_572 : i32
        %get3A_574 = arith.index_cast %add3A_573 : i32 to index
        %get3A_575 = arith.constant 0 : index
        %get3A_576 = tpu.vector_load %arg24[%get3A_574, %get3A_575] {strides = array<i32>} : memref<128x16xf32, #tpu.memory_space<vmem>>, vector<16xf32>,
        %slice3A_577 = vector.extract_strided_slice %get3A_376 {offsets = [14], sizes = [1], strides = [1]} : vector<16xf32> to vector<1xf32>
        %squeeze3A_578 = vector.extract %slice3A_577[0] : f32 from vector<1xf32>
        %mul3A_579 = vector.broadcast %squeeze3A_578 : f32 to vector<16xf32>
        %mul3A_580 = arith.mulf %get3A_576, %mul3A_579 : vector<16xf32>
        %swap3A_581 = arith.index_cast %add3A_573 : i32 to index
        %swap3A_582 = arith.constant 0 : index
        %swap3A_583 = tpu.vector_load %arg28[%swap3A_581, %swap3A_582] {strides = array<i32>} : memref<128x16xf32, #tpu.memory_space<vmem>>, vector<16xf32>,
        tpu.vector_store %arg28[%swap3A_581, %swap3A_582], %mul3A_580 {strides = array<i32>} : memref<128x16xf32, #tpu.memory_space<vmem>>, vector<16xf32>,
        %mul3A_584 = arith.constant 16 : i32
        %mul3A_585 = arith.muli %scan3A_371, %mul3A_584 : i32
        %add3A_586 = arith.constant 15 : i32
        %add3A_587 = arith.addi %mul3A_585, %add3A_586 : i32
        %get3A_588 = arith.index_cast %add3A_587 : i32 to index
        %get3A_589 = arith.constant 0 : index
        %get3A_590 = tpu.vector_load %arg24[%get3A_588, %get3A_589] {strides = array<i32>} : memref<128x16xf32, #tpu.memory_space<vmem>>, vector<16xf32>,
        %slice3A_591 = vector.extract_strided_slice %get3A_376 {offsets = [15], sizes = [1], strides = [1]} : vector<16xf32> to vector<1xf32>
        %squeeze3A_592 = vector.extract %slice3A_591[0] : f32 from vector<1xf32>
        %mul3A_593 = vector.broadcast %squeeze3A_592 : f32 to vector<16xf32>
        %mul3A_594 = arith.mulf %get3A_590, %mul3A_593 : vector<16xf32>
        %swap3A_595 = arith.index_cast %add3A_587 : i32 to index
        %swap3A_596 = arith.constant 0 : index
        %swap3A_597 = tpu.vector_load %arg28[%swap3A_595, %swap3A_596] {strides = array<i32>} : memref<128x16xf32, #tpu.memory_space<vmem>>, vector<16xf32>,
        tpu.vector_store %arg28[%swap3A_595, %swap3A_596], %mul3A_594 {strides = array<i32>} : memref<128x16xf32, #tpu.memory_space<vmem>>, vector<16xf32>,
        %scan3A_598 = arith.constant 0 : i32
        scf.yield %scan3A_598 : i32
      }
      %scan3A_363 = arith.constant 8 : i32
      %dma_start3A_364 = arith.constant 0 : i32
      %dma_start3A_365 = tpu.memref_slice %arg14[%add3A_340, %dma_start3A_364] : memref<80x128xi32, #tpu.memory_space<vmem>> -> memref<1x128xi32, #tpu.memory_space<vmem>>
      %dma_start3A_366 = tpu.memref_squeeze %dma_start3A_365 : memref<1x128xi32, #tpu.memory_space<vmem>> -> memref<128xi32, #tpu.memory_space<vmem>>
      %dma_start3A_367 = arith.constant 0 : i32
      %dma_start3A_368 = arith.constant 0 : i32
      %dma_start3A_369 = tpu.memref_slice %arg9[%dma_start3A_367, %dma_start3A_368] : memref<10240x16xf32, #tpu.memory_space<vmem_shared>> -> memref<10240x16xf32, #tpu.memory_space<vmem_shared>>
      tpu.enqueue_indirect_dma source(%arg28 : memref<128x16xf32, #tpu.memory_space<vmem>>) target(%dma_start3A_369 : memref<10240x16xf32, #tpu.memory_space<vmem_shared>>) offsets(%dma_start3A_366 : memref<128xi32, #tpu.memory_space<vmem>>) semaphore(%arg36 : memref<!tpu.dma_semaphore, #tpu.memory_space<semaphore_mem>>) {add = true}
      %scan3A_370 = arith.constant 0 : i32
      scf.yield %scan3A_370 : i32
    }
    %scan3A_205 = arith.constant 20 : i32
    %dma_wait3A_206 = arith.constant 76 : i32
    %dma_wait3A_207 = arith.constant 0 : i32
    %dma_wait3A_208 = tpu.memref_slice %arg14[%dma_wait3A_206, %dma_wait3A_207] : memref<80x128xi32, #tpu.memory_space<vmem>> -> memref<1x128xi32, #tpu.memory_space<vmem>>
    %dma_wait3A_209 = tpu.memref_squeeze %dma_wait3A_208 : memref<1x128xi32, #tpu.memory_space<vmem>> -> memref<128xi32, #tpu.memory_space<vmem>>
    %dma_wait3A_210 = arith.constant 0 : i32
    %dma_wait3A_211 = arith.constant 0 : i32
    %dma_wait3A_212 = tpu.memref_slice %arg9[%dma_wait3A_210, %dma_wait3A_211] : memref<10240x16xf32, #tpu.memory_space<vmem_shared>> -> memref<10240x16xf32, #tpu.memory_space<vmem_shared>>
    tpu.wait_indirect_dma semaphore(%arg33 : memref<!tpu.dma_semaphore, #tpu.memory_space<semaphore_mem>>) src(%arg25 : memref<128x16xf32, #tpu.memory_space<vmem>>) dst(%dma_wait3A_212 : memref<10240x16xf32, #tpu.memory_space<vmem_shared>>)
    %dma_wait3A_213 = arith.constant 77 : i32
    %dma_wait3A_214 = arith.constant 0 : i32
    %dma_wait3A_215 = tpu.memref_slice %arg14[%dma_wait3A_213, %dma_wait3A_214] : memref<80x128xi32, #tpu.memory_space<vmem>> -> memref<1x128xi32, #tpu.memory_space<vmem>>
    %dma_wait3A_216 = tpu.memref_squeeze %dma_wait3A_215 : memref<1x128xi32, #tpu.memory_space<vmem>> -> memref<128xi32, #tpu.memory_space<vmem>>
    %dma_wait3A_217 = arith.constant 0 : i32
    %dma_wait3A_218 = arith.constant 0 : i32
    %dma_wait3A_219 = tpu.memref_slice %arg9[%dma_wait3A_217, %dma_wait3A_218] : memref<10240x16xf32, #tpu.memory_space<vmem_shared>> -> memref<10240x16xf32, #tpu.memory_space<vmem_shared>>
    tpu.wait_indirect_dma semaphore(%arg34 : memref<!tpu.dma_semaphore, #tpu.memory_space<semaphore_mem>>) src(%arg26 : memref<128x16xf32, #tpu.memory_space<vmem>>) dst(%dma_wait3A_219 : memref<10240x16xf32, #tpu.memory_space<vmem_shared>>)
    %dma_wait3A_220 = arith.constant 78 : i32
    %dma_wait3A_221 = arith.constant 0 : i32
    %dma_wait3A_222 = tpu.memref_slice %arg14[%dma_wait3A_220, %dma_wait3A_221] : memref<80x128xi32, #tpu.memory_space<vmem>> -> memref<1x128xi32, #tpu.memory_space<vmem>>
    %dma_wait3A_223 = tpu.memref_squeeze %dma_wait3A_222 : memref<1x128xi32, #tpu.memory_space<vmem>> -> memref<128xi32, #tpu.memory_space<vmem>>
    %dma_wait3A_224 = arith.constant 0 : i32
    %dma_wait3A_225 = arith.constant 0 : i32
    %dma_wait3A_226 = tpu.memref_slice %arg9[%dma_wait3A_224, %dma_wait3A_225] : memref<10240x16xf32, #tpu.memory_space<vmem_shared>> -> memref<10240x16xf32, #tpu.memory_space<vmem_shared>>
    tpu.wait_indirect_dma semaphore(%arg35 : memref<!tpu.dma_semaphore, #tpu.memory_space<semaphore_mem>>) src(%arg27 : memref<128x16xf32, #tpu.memory_space<vmem>>) dst(%dma_wait3A_226 : memref<10240x16xf32, #tpu.memory_space<vmem_shared>>)
    %dma_wait3A_227 = arith.constant 79 : i32
    %dma_wait3A_228 = arith.constant 0 : i32
    %dma_wait3A_229 = tpu.memref_slice %arg14[%dma_wait3A_227, %dma_wait3A_228] : memref<80x128xi32, #tpu.memory_space<vmem>> -> memref<1x128xi32, #tpu.memory_space<vmem>>
    %dma_wait3A_230 = tpu.memref_squeeze %dma_wait3A_229 : memref<1x128xi32, #tpu.memory_space<vmem>> -> memref<128xi32, #tpu.memory_space<vmem>>
    %dma_wait3A_231 = arith.constant 0 : i32
    %dma_wait3A_232 = arith.constant 0 : i32
    %dma_wait3A_233 = tpu.memref_slice %arg9[%dma_wait3A_231, %dma_wait3A_232] : memref<10240x16xf32, #tpu.memory_space<vmem_shared>> -> memref<10240x16xf32, #tpu.memory_space<vmem_shared>>
    tpu.wait_indirect_dma semaphore(%arg36 : memref<!tpu.dma_semaphore, #tpu.memory_space<semaphore_mem>>) src(%arg28 : memref<128x16xf32, #tpu.memory_space<vmem>>) dst(%dma_wait3A_233 : memref<10240x16xf32, #tpu.memory_space<vmem_shared>>)
    %barrier3A_234 = arith.constant 0 : index
    tpu.barrier barrier_id(%barrier3A_234)
    "tpu.region"() ({
      %run_scoped3A = tpu.sem_alloc : memref<!tpu.dma_semaphore, #tpu.memory_space<semaphore_mem>>
      %dma_start3A_235 = arith.constant 0 : i32
      %dma_start3A_236 = arith.constant 0 : i32
      %dma_start3A_237 = tpu.memref_slice %arg6[%arg0, %dma_start3A_235, %dma_start3A_236] : memref<2x10240x16xf32, #tpu.memory_space<hbm>> -> memref<1x10240x16xf32, #tpu.memory_space<hbm>>
      %dma_start3A_238 = tpu.memref_squeeze %dma_start3A_237 : memref<1x10240x16xf32, #tpu.memory_space<hbm>> -> memref<10240x16xf32, #tpu.memory_space<hbm>>
      %dma_start3A_239 = arith.constant 0 : i32
      %dma_start3A_240 = tpu.memref_slice %dma_start3A_238[%mul3A_6, %dma_start3A_239] : memref<10240x16xf32, #tpu.memory_space<hbm>> -> memref<640x16xf32, #tpu.memory_space<hbm>>
      %dma_start3A_241 = arith.constant 0 : i32
      %dma_start3A_242 = tpu.memref_slice %arg9[%mul3A_6, %dma_start3A_241] : memref<10240x16xf32, #tpu.memory_space<vmem_shared>> -> memref<640x16xf32, #tpu.memory_space<vmem_shared>>
      tpu.enqueue_dma source(%dma_start3A_242 : memref<640x16xf32, #tpu.memory_space<vmem_shared>>) target(%dma_start3A_240 : memref<640x16xf32, #tpu.memory_space<hbm>>) target_semaphore(%run_scoped3A : memref<!tpu.dma_semaphore, #tpu.memory_space<semaphore_mem>>)
      %dma_wait3A_243 = arith.constant 0 : i32
      %dma_wait3A_244 = arith.constant 0 : i32
      %dma_wait3A_245 = tpu.memref_slice %arg6[%arg0, %dma_wait3A_243, %dma_wait3A_244] : memref<2x10240x16xf32, #tpu.memory_space<hbm>> -> memref<1x10240x16xf32, #tpu.memory_space<hbm>>
      %dma_wait3A_246 = tpu.memref_squeeze %dma_wait3A_245 : memref<1x10240x16xf32, #tpu.memory_space<hbm>> -> memref<10240x16xf32, #tpu.memory_space<hbm>>
      %dma_wait3A_247 = arith.constant 0 : i32
      %dma_wait3A_248 = tpu.memref_slice %dma_wait3A_246[%mul3A_6, %dma_wait3A_247] : memref<10240x16xf32, #tpu.memory_space<hbm>> -> memref<640x16xf32, #tpu.memory_space<hbm>>
      %dma_wait3A_249 = arith.constant 0 : i32
      %dma_wait3A_250 = tpu.memref_slice %arg9[%mul3A_6, %dma_wait3A_249] : memref<10240x16xf32, #tpu.memory_space<vmem_shared>> -> memref<640x16xf32, #tpu.memory_space<vmem_shared>>
      tpu.wait_dma2 semaphore(%run_scoped3A : memref<!tpu.dma_semaphore, #tpu.memory_space<semaphore_mem>>) src(%dma_wait3A_250 : memref<640x16xf32, #tpu.memory_space<vmem_shared>>) dst(%dma_wait3A_248 : memref<640x16xf32, #tpu.memory_space<hbm>>)
      tpu.yield
    }) : () -> ()
    return
  }
}

#map = affine_map<(d0, d1) -> (0, 0, 0)>
#map1 = affine_map<(d0, d1) -> (0, 0)>
module attributes {stable_mosaic.version = 14 : i64} {
  func.func @_sc_layer2(%arg0: i32, %arg1: i32, %arg2: memref<32x80x128xi32, #tpu.memory_space<hbm>>, %arg3: memref<32x80x128xi32, #tpu.memory_space<hbm>>, %arg4: memref<32x80x128xf32, #tpu.memory_space<hbm>>, %arg5: memref<10240x16xf32, #tpu.memory_space<hbm>>, %arg6: memref<2x10240x16xf32, #tpu.memory_space<hbm>>, %arg7: memref<10240x16xf32, #tpu.memory_space<vmem_shared>>, %arg8: memref<10240x16xf32, #tpu.memory_space<vmem_shared>>, %arg9: memref<80x128xi32, #tpu.memory_space<vmem>>, %arg10: memref<80x128xi32, #tpu.memory_space<vmem>>, %arg11: memref<80x128xf32, #tpu.memory_space<vmem>>, %arg12: memref<128x16xf32, #tpu.memory_space<vmem>>, %arg13: memref<128x16xf32, #tpu.memory_space<vmem>>, %arg14: memref<128x16xf32, #tpu.memory_space<vmem>>, %arg15: memref<128x16xf32, #tpu.memory_space<vmem>>, %arg16: memref<128x16xf32, #tpu.memory_space<vmem>>, %arg17: memref<128x16xf32, #tpu.memory_space<vmem>>, %arg18: memref<128x16xf32, #tpu.memory_space<vmem>>, %arg19: memref<128x16xf32, #tpu.memory_space<vmem>>, %arg20: memref<!tpu.dma_semaphore, #tpu.memory_space<semaphore_mem>>, %arg21: memref<!tpu.dma_semaphore, #tpu.memory_space<semaphore_mem>>, %arg22: memref<!tpu.dma_semaphore, #tpu.memory_space<semaphore_mem>>, %arg23: memref<!tpu.dma_semaphore, #tpu.memory_space<semaphore_mem>>, %arg24: memref<!tpu.dma_semaphore, #tpu.memory_space<semaphore_mem>>, %arg25: memref<!tpu.dma_semaphore, #tpu.memory_space<semaphore_mem>>, %arg26: memref<!tpu.dma_semaphore, #tpu.memory_space<semaphore_mem>>, %arg27: memref<!tpu.dma_semaphore, #tpu.memory_space<semaphore_mem>>, %arg28: memref<!tpu.dma_semaphore, #tpu.memory_space<semaphore_mem>>) attributes {dimension_semantics = [#tpu.dimension_semantics<core_parallel>, #tpu.dimension_semantics<subcore_parallel>], iteration_bounds = array<i64: 2, 16>, scalar_prefetch = 0 : i64, scratch_operands = 22 : i64, tpu.core_type = #tpu.core_type<sc_vector_subcore>, window_params = [{transform_indices = #map}, {transform_indices = #map}, {transform_indices = #map}, {transform_indices = #map1}, {transform_indices = #map}]} {
    %mul3A = arith.constant 2 : i32
    %mul3A_0 = arith.muli %arg1, %mul3A : i32
    %add3A = arith.addi %mul3A_0, %arg0 : i32
    %mul3A_1 = arith.constant 640 : i32
    %mul3A_2 = arith.muli %arg1, %mul3A_1 : i32
    "tpu.region"() ({
      %run_scoped3A = tpu.sem_alloc : memref<!tpu.dma_semaphore, #tpu.memory_space<semaphore_mem>>
      %dma_start3A_74 = arith.constant 0 : i32
      %dma_start3A_75 = arith.constant 0 : i32
      %dma_start3A_76 = tpu.memref_slice %arg2[%add3A, %dma_start3A_74, %dma_start3A_75] : memref<32x80x128xi32, #tpu.memory_space<hbm>> -> memref<1x80x128xi32, #tpu.memory_space<hbm>>
      %dma_start3A_77 = tpu.memref_squeeze %dma_start3A_76 : memref<1x80x128xi32, #tpu.memory_space<hbm>> -> memref<80x128xi32, #tpu.memory_space<hbm>>
      %dma_start3A_78 = arith.constant 0 : i32
      %dma_start3A_79 = arith.constant 0 : i32
      %dma_start3A_80 = tpu.memref_slice %arg2[%add3A, %dma_start3A_78, %dma_start3A_79] : memref<32x80x128xi32, #tpu.memory_space<hbm>> -> memref<1x80x128xi32, #tpu.memory_space<hbm>>
      %dma_start3A_81 = tpu.memref_squeeze %dma_start3A_80 : memref<1x80x128xi32, #tpu.memory_space<hbm>> -> memref<80x128xi32, #tpu.memory_space<hbm>>
      tpu.enqueue_dma source(%dma_start3A_81 : memref<80x128xi32, #tpu.memory_space<hbm>>) target(%arg9 : memref<80x128xi32, #tpu.memory_space<vmem>>) target_semaphore(%run_scoped3A : memref<!tpu.dma_semaphore, #tpu.memory_space<semaphore_mem>>)
      %dma_wait3A_82 = arith.constant 0 : i32
      %dma_wait3A_83 = arith.constant 0 : i32
      %dma_wait3A_84 = tpu.memref_slice %arg2[%add3A, %dma_wait3A_82, %dma_wait3A_83] : memref<32x80x128xi32, #tpu.memory_space<hbm>> -> memref<1x80x128xi32, #tpu.memory_space<hbm>>
      %dma_wait3A_85 = tpu.memref_squeeze %dma_wait3A_84 : memref<1x80x128xi32, #tpu.memory_space<hbm>> -> memref<80x128xi32, #tpu.memory_space<hbm>>
      %dma_wait3A_86 = arith.constant 0 : i32
      %dma_wait3A_87 = arith.constant 0 : i32
      %dma_wait3A_88 = tpu.memref_slice %arg2[%add3A, %dma_wait3A_86, %dma_wait3A_87] : memref<32x80x128xi32, #tpu.memory_space<hbm>> -> memref<1x80x128xi32, #tpu.memory_space<hbm>>
      %dma_wait3A_89 = tpu.memref_squeeze %dma_wait3A_88 : memref<1x80x128xi32, #tpu.memory_space<hbm>> -> memref<80x128xi32, #tpu.memory_space<hbm>>
      tpu.wait_dma2 semaphore(%run_scoped3A : memref<!tpu.dma_semaphore, #tpu.memory_space<semaphore_mem>>) src(%dma_wait3A_89 : memref<80x128xi32, #tpu.memory_space<hbm>>) dst(%arg9 : memref<80x128xi32, #tpu.memory_space<vmem>>)
      tpu.yield
    }) : () -> ()
    "tpu.region"() ({
      %run_scoped3A = tpu.sem_alloc : memref<!tpu.dma_semaphore, #tpu.memory_space<semaphore_mem>>
      %dma_start3A_74 = arith.constant 0 : i32
      %dma_start3A_75 = arith.constant 0 : i32
      %dma_start3A_76 = tpu.memref_slice %arg3[%add3A, %dma_start3A_74, %dma_start3A_75] : memref<32x80x128xi32, #tpu.memory_space<hbm>> -> memref<1x80x128xi32, #tpu.memory_space<hbm>>
      %dma_start3A_77 = tpu.memref_squeeze %dma_start3A_76 : memref<1x80x128xi32, #tpu.memory_space<hbm>> -> memref<80x128xi32, #tpu.memory_space<hbm>>
      %dma_start3A_78 = arith.constant 0 : i32
      %dma_start3A_79 = arith.constant 0 : i32
      %dma_start3A_80 = tpu.memref_slice %arg3[%add3A, %dma_start3A_78, %dma_start3A_79] : memref<32x80x128xi32, #tpu.memory_space<hbm>> -> memref<1x80x128xi32, #tpu.memory_space<hbm>>
      %dma_start3A_81 = tpu.memref_squeeze %dma_start3A_80 : memref<1x80x128xi32, #tpu.memory_space<hbm>> -> memref<80x128xi32, #tpu.memory_space<hbm>>
      tpu.enqueue_dma source(%dma_start3A_81 : memref<80x128xi32, #tpu.memory_space<hbm>>) target(%arg10 : memref<80x128xi32, #tpu.memory_space<vmem>>) target_semaphore(%run_scoped3A : memref<!tpu.dma_semaphore, #tpu.memory_space<semaphore_mem>>)
      %dma_wait3A_82 = arith.constant 0 : i32
      %dma_wait3A_83 = arith.constant 0 : i32
      %dma_wait3A_84 = tpu.memref_slice %arg3[%add3A, %dma_wait3A_82, %dma_wait3A_83] : memref<32x80x128xi32, #tpu.memory_space<hbm>> -> memref<1x80x128xi32, #tpu.memory_space<hbm>>
      %dma_wait3A_85 = tpu.memref_squeeze %dma_wait3A_84 : memref<1x80x128xi32, #tpu.memory_space<hbm>> -> memref<80x128xi32, #tpu.memory_space<hbm>>
      %dma_wait3A_86 = arith.constant 0 : i32
      %dma_wait3A_87 = arith.constant 0 : i32
      %dma_wait3A_88 = tpu.memref_slice %arg3[%add3A, %dma_wait3A_86, %dma_wait3A_87] : memref<32x80x128xi32, #tpu.memory_space<hbm>> -> memref<1x80x128xi32, #tpu.memory_space<hbm>>
      %dma_wait3A_89 = tpu.memref_squeeze %dma_wait3A_88 : memref<1x80x128xi32, #tpu.memory_space<hbm>> -> memref<80x128xi32, #tpu.memory_space<hbm>>
      tpu.wait_dma2 semaphore(%run_scoped3A : memref<!tpu.dma_semaphore, #tpu.memory_space<semaphore_mem>>) src(%dma_wait3A_89 : memref<80x128xi32, #tpu.memory_space<hbm>>) dst(%arg10 : memref<80x128xi32, #tpu.memory_space<vmem>>)
      tpu.yield
    }) : () -> ()
    "tpu.region"() ({
      %run_scoped3A = tpu.sem_alloc : memref<!tpu.dma_semaphore, #tpu.memory_space<semaphore_mem>>
      %dma_start3A_74 = arith.constant 0 : i32
      %dma_start3A_75 = arith.constant 0 : i32
      %dma_start3A_76 = tpu.memref_slice %arg4[%add3A, %dma_start3A_74, %dma_start3A_75] : memref<32x80x128xf32, #tpu.memory_space<hbm>> -> memref<1x80x128xf32, #tpu.memory_space<hbm>>
      %dma_start3A_77 = tpu.memref_squeeze %dma_start3A_76 : memref<1x80x128xf32, #tpu.memory_space<hbm>> -> memref<80x128xf32, #tpu.memory_space<hbm>>
      %dma_start3A_78 = arith.constant 0 : i32
      %dma_start3A_79 = arith.constant 0 : i32
      %dma_start3A_80 = tpu.memref_slice %arg4[%add3A, %dma_start3A_78, %dma_start3A_79] : memref<32x80x128xf32, #tpu.memory_space<hbm>> -> memref<1x80x128xf32, #tpu.memory_space<hbm>>
      %dma_start3A_81 = tpu.memref_squeeze %dma_start3A_80 : memref<1x80x128xf32, #tpu.memory_space<hbm>> -> memref<80x128xf32, #tpu.memory_space<hbm>>
      tpu.enqueue_dma source(%dma_start3A_81 : memref<80x128xf32, #tpu.memory_space<hbm>>) target(%arg11 : memref<80x128xf32, #tpu.memory_space<vmem>>) target_semaphore(%run_scoped3A : memref<!tpu.dma_semaphore, #tpu.memory_space<semaphore_mem>>)
      %dma_wait3A_82 = arith.constant 0 : i32
      %dma_wait3A_83 = arith.constant 0 : i32
      %dma_wait3A_84 = tpu.memref_slice %arg4[%add3A, %dma_wait3A_82, %dma_wait3A_83] : memref<32x80x128xf32, #tpu.memory_space<hbm>> -> memref<1x80x128xf32, #tpu.memory_space<hbm>>
      %dma_wait3A_85 = tpu.memref_squeeze %dma_wait3A_84 : memref<1x80x128xf32, #tpu.memory_space<hbm>> -> memref<80x128xf32, #tpu.memory_space<hbm>>
      %dma_wait3A_86 = arith.constant 0 : i32
      %dma_wait3A_87 = arith.constant 0 : i32
      %dma_wait3A_88 = tpu.memref_slice %arg4[%add3A, %dma_wait3A_86, %dma_wait3A_87] : memref<32x80x128xf32, #tpu.memory_space<hbm>> -> memref<1x80x128xf32, #tpu.memory_space<hbm>>
      %dma_wait3A_89 = tpu.memref_squeeze %dma_wait3A_88 : memref<1x80x128xf32, #tpu.memory_space<hbm>> -> memref<80x128xf32, #tpu.memory_space<hbm>>
      tpu.wait_dma2 semaphore(%run_scoped3A : memref<!tpu.dma_semaphore, #tpu.memory_space<semaphore_mem>>) src(%dma_wait3A_89 : memref<80x128xf32, #tpu.memory_space<hbm>>) dst(%arg11 : memref<80x128xf32, #tpu.memory_space<vmem>>)
      tpu.yield
    }) : () -> ()
    "tpu.region"() ({
      %run_scoped3A = tpu.sem_alloc : memref<!tpu.dma_semaphore, #tpu.memory_space<semaphore_mem>>
      %dma_start3A_74 = arith.constant 0 : i32
      %dma_start3A_75 = tpu.memref_slice %arg8[%mul3A_2, %dma_start3A_74] : memref<10240x16xf32, #tpu.memory_space<vmem_shared>> -> memref<640x16xf32, #tpu.memory_space<vmem_shared>>
      %dma_start3A_76 = arith.constant 0 : i32
      %dma_start3A_77 = tpu.memref_slice %arg5[%mul3A_2, %dma_start3A_76] : memref<10240x16xf32, #tpu.memory_space<hbm>> -> memref<640x16xf32, #tpu.memory_space<hbm>>
      tpu.enqueue_dma source(%dma_start3A_77 : memref<640x16xf32, #tpu.memory_space<hbm>>) target(%dma_start3A_75 : memref<640x16xf32, #tpu.memory_space<vmem_shared>>) target_semaphore(%run_scoped3A : memref<!tpu.dma_semaphore, #tpu.memory_space<semaphore_mem>>)
      %dma_wait3A_78 = arith.constant 0 : i32
      %dma_wait3A_79 = tpu.memref_slice %arg8[%mul3A_2, %dma_wait3A_78] : memref<10240x16xf32, #tpu.memory_space<vmem_shared>> -> memref<640x16xf32, #tpu.memory_space<vmem_shared>>
      %dma_wait3A_80 = arith.constant 0 : i32
      %dma_wait3A_81 = tpu.memref_slice %arg5[%mul3A_2, %dma_wait3A_80] : memref<10240x16xf32, #tpu.memory_space<hbm>> -> memref<640x16xf32, #tpu.memory_space<hbm>>
      tpu.wait_dma2 semaphore(%run_scoped3A : memref<!tpu.dma_semaphore, #tpu.memory_space<semaphore_mem>>) src(%dma_wait3A_81 : memref<640x16xf32, #tpu.memory_space<hbm>>) dst(%dma_wait3A_79 : memref<640x16xf32, #tpu.memory_space<vmem_shared>>)
      tpu.yield
    }) : () -> ()
    %scan3A = arith.constant 0 : i32
    %scan3A_3 = arith.constant 0 : i32
    %scan3A_4 = arith.constant 128 : i32
    %scan3A_5 = arith.addi %scan3A_3, %scan3A_4 : i32
    %scan3A_6 = arith.constant 1 : i32
    %scan3A_7 = scf.for %scan3A_74 = %scan3A_3 to %scan3A_5 step %scan3A_6 iter_args(%scan3A_75 = %scan3A) -> (i32)  : i32 {
      %broadcast_in_dim3A = arith.constant 0.000000e+00 : f32
      %broadcast_in_dim3A_76 = vector.broadcast %broadcast_in_dim3A : f32 to vector<16xf32>
      %swap3A = arith.index_cast %scan3A_74 : i32 to index
      %swap3A_77 = arith.constant 0 : index
      %swap3A_78 = tpu.vector_load %arg12[%swap3A, %swap3A_77] {strides = array<i32>} : memref<128x16xf32, #tpu.memory_space<vmem>>, vector<16xf32>,
      tpu.vector_store %arg12[%swap3A, %swap3A_77], %broadcast_in_dim3A_76 {strides = array<i32>} : memref<128x16xf32, #tpu.memory_space<vmem>>, vector<16xf32>,
      %scan3A_79 = arith.constant 0 : i32
      scf.yield %scan3A_79 : i32
    }
    %scan3A_8 = arith.constant 128 : i32
    %add3A_9 = arith.constant 0 : i32
    %add3A_10 = arith.addi %mul3A_2, %add3A_9 : i32
    "tpu.region"() ({
      %run_scoped3A = tpu.sem_alloc : memref<!tpu.dma_semaphore, #tpu.memory_space<semaphore_mem>>
      %dma_start3A_74 = arith.constant 0 : i32
      %dma_start3A_75 = tpu.memref_slice %arg7[%add3A_10, %dma_start3A_74] : memref<10240x16xf32, #tpu.memory_space<vmem_shared>> -> memref<128x16xf32, #tpu.memory_space<vmem_shared>>
      %dma_start3A_76 = arith.constant 0 : i32
      %dma_start3A_77 = tpu.memref_slice %arg7[%add3A_10, %dma_start3A_76] : memref<10240x16xf32, #tpu.memory_space<vmem_shared>> -> memref<128x16xf32, #tpu.memory_space<vmem_shared>>
      tpu.enqueue_dma source(%arg12 : memref<128x16xf32, #tpu.memory_space<vmem>>) target(%dma_start3A_77 : memref<128x16xf32, #tpu.memory_space<vmem_shared>>) target_semaphore(%run_scoped3A : memref<!tpu.dma_semaphore, #tpu.memory_space<semaphore_mem>>)
      %dma_wait3A_78 = arith.constant 0 : i32
      %dma_wait3A_79 = tpu.memref_slice %arg7[%add3A_10, %dma_wait3A_78] : memref<10240x16xf32, #tpu.memory_space<vmem_shared>> -> memref<128x16xf32, #tpu.memory_space<vmem_shared>>
      %dma_wait3A_80 = arith.constant 0 : i32
      %dma_wait3A_81 = tpu.memref_slice %arg7[%add3A_10, %dma_wait3A_80] : memref<10240x16xf32, #tpu.memory_space<vmem_shared>> -> memref<128x16xf32, #tpu.memory_space<vmem_shared>>
      tpu.wait_dma2 semaphore(%run_scoped3A : memref<!tpu.dma_semaphore, #tpu.memory_space<semaphore_mem>>) src(%arg12 : memref<128x16xf32, #tpu.memory_space<vmem>>) dst(%dma_wait3A_81 : memref<128x16xf32, #tpu.memory_space<vmem_shared>>)
      tpu.yield
    }) : () -> ()
    %add3A_11 = arith.constant 128 : i32
    %add3A_12 = arith.addi %mul3A_2, %add3A_11 : i32
    "tpu.region"() ({
      %run_scoped3A = tpu.sem_alloc : memref<!tpu.dma_semaphore, #tpu.memory_space<semaphore_mem>>
      %dma_start3A_74 = arith.constant 0 : i32
      %dma_start3A_75 = tpu.memref_slice %arg7[%add3A_12, %dma_start3A_74] : memref<10240x16xf32, #tpu.memory_space<vmem_shared>> -> memref<128x16xf32, #tpu.memory_space<vmem_shared>>
      %dma_start3A_76 = arith.constant 0 : i32
      %dma_start3A_77 = tpu.memref_slice %arg7[%add3A_12, %dma_start3A_76] : memref<10240x16xf32, #tpu.memory_space<vmem_shared>> -> memref<128x16xf32, #tpu.memory_space<vmem_shared>>
      tpu.enqueue_dma source(%arg12 : memref<128x16xf32, #tpu.memory_space<vmem>>) target(%dma_start3A_77 : memref<128x16xf32, #tpu.memory_space<vmem_shared>>) target_semaphore(%run_scoped3A : memref<!tpu.dma_semaphore, #tpu.memory_space<semaphore_mem>>)
      %dma_wait3A_78 = arith.constant 0 : i32
      %dma_wait3A_79 = tpu.memref_slice %arg7[%add3A_12, %dma_wait3A_78] : memref<10240x16xf32, #tpu.memory_space<vmem_shared>> -> memref<128x16xf32, #tpu.memory_space<vmem_shared>>
      %dma_wait3A_80 = arith.constant 0 : i32
      %dma_wait3A_81 = tpu.memref_slice %arg7[%add3A_12, %dma_wait3A_80] : memref<10240x16xf32, #tpu.memory_space<vmem_shared>> -> memref<128x16xf32, #tpu.memory_space<vmem_shared>>
      tpu.wait_dma2 semaphore(%run_scoped3A : memref<!tpu.dma_semaphore, #tpu.memory_space<semaphore_mem>>) src(%arg12 : memref<128x16xf32, #tpu.memory_space<vmem>>) dst(%dma_wait3A_81 : memref<128x16xf32, #tpu.memory_space<vmem_shared>>)
      tpu.yield
    }) : () -> ()
    %add3A_13 = arith.constant 256 : i32
    %add3A_14 = arith.addi %mul3A_2, %add3A_13 : i32
    "tpu.region"() ({
      %run_scoped3A = tpu.sem_alloc : memref<!tpu.dma_semaphore, #tpu.memory_space<semaphore_mem>>
      %dma_start3A_74 = arith.constant 0 : i32
      %dma_start3A_75 = tpu.memref_slice %arg7[%add3A_14, %dma_start3A_74] : memref<10240x16xf32, #tpu.memory_space<vmem_shared>> -> memref<128x16xf32, #tpu.memory_space<vmem_shared>>
      %dma_start3A_76 = arith.constant 0 : i32
      %dma_start3A_77 = tpu.memref_slice %arg7[%add3A_14, %dma_start3A_76] : memref<10240x16xf32, #tpu.memory_space<vmem_shared>> -> memref<128x16xf32, #tpu.memory_space<vmem_shared>>
      tpu.enqueue_dma source(%arg12 : memref<128x16xf32, #tpu.memory_space<vmem>>) target(%dma_start3A_77 : memref<128x16xf32, #tpu.memory_space<vmem_shared>>) target_semaphore(%run_scoped3A : memref<!tpu.dma_semaphore, #tpu.memory_space<semaphore_mem>>)
      %dma_wait3A_78 = arith.constant 0 : i32
      %dma_wait3A_79 = tpu.memref_slice %arg7[%add3A_14, %dma_wait3A_78] : memref<10240x16xf32, #tpu.memory_space<vmem_shared>> -> memref<128x16xf32, #tpu.memory_space<vmem_shared>>
      %dma_wait3A_80 = arith.constant 0 : i32
      %dma_wait3A_81 = tpu.memref_slice %arg7[%add3A_14, %dma_wait3A_80] : memref<10240x16xf32, #tpu.memory_space<vmem_shared>> -> memref<128x16xf32, #tpu.memory_space<vmem_shared>>
      tpu.wait_dma2 semaphore(%run_scoped3A : memref<!tpu.dma_semaphore, #tpu.memory_space<semaphore_mem>>) src(%arg12 : memref<128x16xf32, #tpu.memory_space<vmem>>) dst(%dma_wait3A_81 : memref<128x16xf32, #tpu.memory_space<vmem_shared>>)
      tpu.yield
    }) : () -> ()
    %add3A_15 = arith.constant 384 : i32
    %add3A_16 = arith.addi %mul3A_2, %add3A_15 : i32
    "tpu.region"() ({
      %run_scoped3A = tpu.sem_alloc : memref<!tpu.dma_semaphore, #tpu.memory_space<semaphore_mem>>
      %dma_start3A_74 = arith.constant 0 : i32
      %dma_start3A_75 = tpu.memref_slice %arg7[%add3A_16, %dma_start3A_74] : memref<10240x16xf32, #tpu.memory_space<vmem_shared>> -> memref<128x16xf32, #tpu.memory_space<vmem_shared>>
      %dma_start3A_76 = arith.constant 0 : i32
      %dma_start3A_77 = tpu.memref_slice %arg7[%add3A_16, %dma_start3A_76] : memref<10240x16xf32, #tpu.memory_space<vmem_shared>> -> memref<128x16xf32, #tpu.memory_space<vmem_shared>>
      tpu.enqueue_dma source(%arg12 : memref<128x16xf32, #tpu.memory_space<vmem>>) target(%dma_start3A_77 : memref<128x16xf32, #tpu.memory_space<vmem_shared>>) target_semaphore(%run_scoped3A : memref<!tpu.dma_semaphore, #tpu.memory_space<semaphore_mem>>)
      %dma_wait3A_78 = arith.constant 0 : i32
      %dma_wait3A_79 = tpu.memref_slice %arg7[%add3A_16, %dma_wait3A_78] : memref<10240x16xf32, #tpu.memory_space<vmem_shared>> -> memref<128x16xf32, #tpu.memory_space<vmem_shared>>
      %dma_wait3A_80 = arith.constant 0 : i32
      %dma_wait3A_81 = tpu.memref_slice %arg7[%add3A_16, %dma_wait3A_80] : memref<10240x16xf32, #tpu.memory_space<vmem_shared>> -> memref<128x16xf32, #tpu.memory_space<vmem_shared>>
      tpu.wait_dma2 semaphore(%run_scoped3A : memref<!tpu.dma_semaphore, #tpu.memory_space<semaphore_mem>>) src(%arg12 : memref<128x16xf32, #tpu.memory_space<vmem>>) dst(%dma_wait3A_81 : memref<128x16xf32, #tpu.memory_space<vmem_shared>>)
      tpu.yield
    }) : () -> ()
    %add3A_17 = arith.constant 512 : i32
    %add3A_18 = arith.addi %mul3A_2, %add3A_17 : i32
    "tpu.region"() ({
      %run_scoped3A = tpu.sem_alloc : memref<!tpu.dma_semaphore, #tpu.memory_space<semaphore_mem>>
      %dma_start3A_74 = arith.constant 0 : i32
      %dma_start3A_75 = tpu.memref_slice %arg7[%add3A_18, %dma_start3A_74] : memref<10240x16xf32, #tpu.memory_space<vmem_shared>> -> memref<128x16xf32, #tpu.memory_space<vmem_shared>>
      %dma_start3A_76 = arith.constant 0 : i32
      %dma_start3A_77 = tpu.memref_slice %arg7[%add3A_18, %dma_start3A_76] : memref<10240x16xf32, #tpu.memory_space<vmem_shared>> -> memref<128x16xf32, #tpu.memory_space<vmem_shared>>
      tpu.enqueue_dma source(%arg12 : memref<128x16xf32, #tpu.memory_space<vmem>>) target(%dma_start3A_77 : memref<128x16xf32, #tpu.memory_space<vmem_shared>>) target_semaphore(%run_scoped3A : memref<!tpu.dma_semaphore, #tpu.memory_space<semaphore_mem>>)
      %dma_wait3A_78 = arith.constant 0 : i32
      %dma_wait3A_79 = tpu.memref_slice %arg7[%add3A_18, %dma_wait3A_78] : memref<10240x16xf32, #tpu.memory_space<vmem_shared>> -> memref<128x16xf32, #tpu.memory_space<vmem_shared>>
      %dma_wait3A_80 = arith.constant 0 : i32
      %dma_wait3A_81 = tpu.memref_slice %arg7[%add3A_18, %dma_wait3A_80] : memref<10240x16xf32, #tpu.memory_space<vmem_shared>> -> memref<128x16xf32, #tpu.memory_space<vmem_shared>>
      tpu.wait_dma2 semaphore(%run_scoped3A : memref<!tpu.dma_semaphore, #tpu.memory_space<semaphore_mem>>) src(%arg12 : memref<128x16xf32, #tpu.memory_space<vmem>>) dst(%dma_wait3A_81 : memref<128x16xf32, #tpu.memory_space<vmem_shared>>)
      tpu.yield
    }) : () -> ()
    %barrier3A = arith.constant 0 : index
    tpu.barrier barrier_id(%barrier3A)
    %dma_start3A = arith.constant 0 : i32
    %dma_start3A_19 = arith.constant 0 : i32
    %dma_start3A_20 = tpu.memref_slice %arg9[%dma_start3A, %dma_start3A_19] : memref<80x128xi32, #tpu.memory_space<vmem>> -> memref<1x128xi32, #tpu.memory_space<vmem>>
    %dma_start3A_21 = tpu.memref_squeeze %dma_start3A_20 : memref<1x128xi32, #tpu.memory_space<vmem>> -> memref<128xi32, #tpu.memory_space<vmem>>
    %dma_start3A_22 = arith.constant 0 : i32
    %dma_start3A_23 = arith.constant 0 : i32
    %dma_start3A_24 = tpu.memref_slice %arg8[%dma_start3A_22, %dma_start3A_23] : memref<10240x16xf32, #tpu.memory_space<vmem_shared>> -> memref<10240x16xf32, #tpu.memory_space<vmem_shared>>
    tpu.enqueue_indirect_dma source(%dma_start3A_24 : memref<10240x16xf32, #tpu.memory_space<vmem_shared>>) target(%arg12 : memref<128x16xf32, #tpu.memory_space<vmem>>) offsets(%dma_start3A_21 : memref<128xi32, #tpu.memory_space<vmem>>) semaphore(%arg20 : memref<!tpu.dma_semaphore, #tpu.memory_space<semaphore_mem>>)
    %dma_start3A_25 = arith.constant 1 : i32
    %dma_start3A_26 = arith.constant 0 : i32
    %dma_start3A_27 = tpu.memref_slice %arg9[%dma_start3A_25, %dma_start3A_26] : memref<80x128xi32, #tpu.memory_space<vmem>> -> memref<1x128xi32, #tpu.memory_space<vmem>>
    %dma_start3A_28 = tpu.memref_squeeze %dma_start3A_27 : memref<1x128xi32, #tpu.memory_space<vmem>> -> memref<128xi32, #tpu.memory_space<vmem>>
    %dma_start3A_29 = arith.constant 0 : i32
    %dma_start3A_30 = arith.constant 0 : i32
    %dma_start3A_31 = tpu.memref_slice %arg8[%dma_start3A_29, %dma_start3A_30] : memref<10240x16xf32, #tpu.memory_space<vmem_shared>> -> memref<10240x16xf32, #tpu.memory_space<vmem_shared>>
    tpu.enqueue_indirect_dma source(%dma_start3A_31 : memref<10240x16xf32, #tpu.memory_space<vmem_shared>>) target(%arg13 : memref<128x16xf32, #tpu.memory_space<vmem>>) offsets(%dma_start3A_28 : memref<128xi32, #tpu.memory_space<vmem>>) semaphore(%arg21 : memref<!tpu.dma_semaphore, #tpu.memory_space<semaphore_mem>>)
    %dma_start3A_32 = arith.constant 2 : i32
    %dma_start3A_33 = arith.constant 0 : i32
    %dma_start3A_34 = tpu.memref_slice %arg9[%dma_start3A_32, %dma_start3A_33] : memref<80x128xi32, #tpu.memory_space<vmem>> -> memref<1x128xi32, #tpu.memory_space<vmem>>
    %dma_start3A_35 = tpu.memref_squeeze %dma_start3A_34 : memref<1x128xi32, #tpu.memory_space<vmem>> -> memref<128xi32, #tpu.memory_space<vmem>>
    %dma_start3A_36 = arith.constant 0 : i32
    %dma_start3A_37 = arith.constant 0 : i32
    %dma_start3A_38 = tpu.memref_slice %arg8[%dma_start3A_36, %dma_start3A_37] : memref<10240x16xf32, #tpu.memory_space<vmem_shared>> -> memref<10240x16xf32, #tpu.memory_space<vmem_shared>>
    tpu.enqueue_indirect_dma source(%dma_start3A_38 : memref<10240x16xf32, #tpu.memory_space<vmem_shared>>) target(%arg14 : memref<128x16xf32, #tpu.memory_space<vmem>>) offsets(%dma_start3A_35 : memref<128xi32, #tpu.memory_space<vmem>>) semaphore(%arg22 : memref<!tpu.dma_semaphore, #tpu.memory_space<semaphore_mem>>)
    %scan3A_39 = arith.constant 0 : i32
    %scan3A_40 = arith.constant 0 : i32
    %scan3A_41 = arith.constant 20 : i32
    %scan3A_42 = arith.addi %scan3A_40, %scan3A_41 : i32
    %scan3A_43 = arith.constant 1 : i32
    %scan3A_44 = scf.for %scan3A_74 = %scan3A_40 to %scan3A_42 step %scan3A_43 iter_args(%scan3A_75 = %scan3A_39) -> (i32)  : i32 {
      %mul3A_76 = arith.constant 4 : i32
      %mul3A_77 = arith.muli %scan3A_74, %mul3A_76 : i32
      %add3A_78 = arith.constant 0 : i32
      %add3A_79 = arith.addi %mul3A_77, %add3A_78 : i32
      %dma_wait3A_80 = arith.constant 0 : i32
      %dma_wait3A_81 = tpu.memref_slice %arg9[%add3A_79, %dma_wait3A_80] : memref<80x128xi32, #tpu.memory_space<vmem>> -> memref<1x128xi32, #tpu.memory_space<vmem>>
      %dma_wait3A_82 = tpu.memref_squeeze %dma_wait3A_81 : memref<1x128xi32, #tpu.memory_space<vmem>> -> memref<128xi32, #tpu.memory_space<vmem>>
      %dma_wait3A_83 = arith.constant 0 : i32
      %dma_wait3A_84 = arith.constant 0 : i32
      %dma_wait3A_85 = tpu.memref_slice %arg8[%dma_wait3A_83, %dma_wait3A_84] : memref<10240x16xf32, #tpu.memory_space<vmem_shared>> -> memref<10240x16xf32, #tpu.memory_space<vmem_shared>>
      tpu.wait_indirect_dma semaphore(%arg20 : memref<!tpu.dma_semaphore, #tpu.memory_space<semaphore_mem>>) src(%dma_wait3A_85 : memref<10240x16xf32, #tpu.memory_space<vmem_shared>>) dst(%arg12 : memref<128x16xf32, #tpu.memory_space<vmem>>)
      %add3A_86 = arith.constant 3 : i32
      %add3A_87 = arith.addi %add3A_79, %add3A_86 : i32
      %dma_start3A_88 = arith.constant 0 : i32
      %dma_start3A_89 = tpu.memref_slice %arg9[%add3A_87, %dma_start3A_88] : memref<80x128xi32, #tpu.memory_space<vmem>> -> memref<1x128xi32, #tpu.memory_space<vmem>>
      %dma_start3A_90 = tpu.memref_squeeze %dma_start3A_89 : memref<1x128xi32, #tpu.memory_space<vmem>> -> memref<128xi32, #tpu.memory_space<vmem>>
      %dma_start3A_91 = arith.constant 0 : i32
      %dma_start3A_92 = arith.constant 0 : i32
      %dma_start3A_93 = tpu.memref_slice %arg8[%dma_start3A_91, %dma_start3A_92] : memref<10240x16xf32, #tpu.memory_space<vmem_shared>> -> memref<10240x16xf32, #tpu.memory_space<vmem_shared>>
      tpu.enqueue_indirect_dma source(%dma_start3A_93 : memref<10240x16xf32, #tpu.memory_space<vmem_shared>>) target(%arg15 : memref<128x16xf32, #tpu.memory_space<vmem>>) offsets(%dma_start3A_90 : memref<128xi32, #tpu.memory_space<vmem>>) semaphore(%arg23 : memref<!tpu.dma_semaphore, #tpu.memory_space<semaphore_mem>>)
      %ge3A = arith.constant 1 : i32
      %ge3A_94 = arith.cmpi sge, %scan3A_74, %ge3A : i32
      %convert_element_type3A = arith.extui %ge3A_94 : i1 to i32
      %cond3A = arith.constant 0 : i32
      %cond3A_95 = arith.cmpi ne, %convert_element_type3A, %cond3A : i32
      scf.if %cond3A_95 {
        %dma_wait3A_208 = arith.constant 0 : i32
        %dma_wait3A_209 = tpu.memref_slice %arg10[%add3A_79, %dma_wait3A_208] : memref<80x128xi32, #tpu.memory_space<vmem>> -> memref<1x128xi32, #tpu.memory_space<vmem>>
        %dma_wait3A_210 = tpu.memref_squeeze %dma_wait3A_209 : memref<1x128xi32, #tpu.memory_space<vmem>> -> memref<128xi32, #tpu.memory_space<vmem>>
        %dma_wait3A_211 = arith.constant 0 : i32
        %dma_wait3A_212 = arith.constant 0 : i32
        %dma_wait3A_213 = tpu.memref_slice %arg7[%dma_wait3A_211, %dma_wait3A_212] : memref<10240x16xf32, #tpu.memory_space<vmem_shared>> -> memref<10240x16xf32, #tpu.memory_space<vmem_shared>>
        tpu.wait_indirect_dma semaphore(%arg24 : memref<!tpu.dma_semaphore, #tpu.memory_space<semaphore_mem>>) src(%arg16 : memref<128x16xf32, #tpu.memory_space<vmem>>) dst(%dma_wait3A_213 : memref<10240x16xf32, #tpu.memory_space<vmem_shared>>)
      } else {
      }
      %scan3A_96 = arith.constant 0 : i32
      %scan3A_97 = arith.constant 0 : i32
      %scan3A_98 = arith.constant 8 : i32
      %scan3A_99 = arith.addi %scan3A_97, %scan3A_98 : i32
      %scan3A_100 = arith.constant 1 : i32
      %scan3A_101 = scf.for %scan3A_208 = %scan3A_97 to %scan3A_99 step %scan3A_100 iter_args(%scan3A_209 = %scan3A_96) -> (i32)  : i32 {
        %mul3A_210 = arith.constant 16 : i32
        %mul3A_211 = arith.muli %scan3A_208, %mul3A_210 : i32
        %get3A = arith.index_cast %add3A_79 : i32 to index
        %get3A_212 = arith.index_cast %mul3A_211 : i32 to index
        %get3A_213 = tpu.vector_load %arg11[%get3A, %get3A_212] {strides = array<i32>} : memref<80x128xf32, #tpu.memory_space<vmem>>, vector<16xf32>,
        %mul3A_214 = arith.constant 16 : i32
        %mul3A_215 = arith.muli %scan3A_208, %mul3A_214 : i32
        %add3A_216 = arith.constant 0 : i32
        %add3A_217 = arith.addi %mul3A_215, %add3A_216 : i32
        %get3A_218 = arith.index_cast %add3A_217 : i32 to index
        %get3A_219 = arith.constant 0 : index
        %get3A_220 = tpu.vector_load %arg12[%get3A_218, %get3A_219] {strides = array<i32>} : memref<128x16xf32, #tpu.memory_space<vmem>>, vector<16xf32>,
        %slice3A = vector.extract_strided_slice %get3A_213 {offsets = [0], sizes = [1], strides = [1]} : vector<16xf32> to vector<1xf32>
        %squeeze3A = vector.extract %slice3A[0] : f32 from vector<1xf32>
        %mul3A_221 = vector.broadcast %squeeze3A : f32 to vector<16xf32>
        %mul3A_222 = arith.mulf %get3A_220, %mul3A_221 : vector<16xf32>
        %swap3A = arith.index_cast %add3A_217 : i32 to index
        %swap3A_223 = arith.constant 0 : index
        %swap3A_224 = tpu.vector_load %arg16[%swap3A, %swap3A_223] {strides = array<i32>} : memref<128x16xf32, #tpu.memory_space<vmem>>, vector<16xf32>,
        tpu.vector_store %arg16[%swap3A, %swap3A_223], %mul3A_222 {strides = array<i32>} : memref<128x16xf32, #tpu.memory_space<vmem>>, vector<16xf32>,
        %mul3A_225 = arith.constant 16 : i32
        %mul3A_226 = arith.muli %scan3A_208, %mul3A_225 : i32
        %add3A_227 = arith.constant 1 : i32
        %add3A_228 = arith.addi %mul3A_226, %add3A_227 : i32
        %get3A_229 = arith.index_cast %add3A_228 : i32 to index
        %get3A_230 = arith.constant 0 : index
        %get3A_231 = tpu.vector_load %arg12[%get3A_229, %get3A_230] {strides = array<i32>} : memref<128x16xf32, #tpu.memory_space<vmem>>, vector<16xf32>,
        %slice3A_232 = vector.extract_strided_slice %get3A_213 {offsets = [1], sizes = [1], strides = [1]} : vector<16xf32> to vector<1xf32>
        %squeeze3A_233 = vector.extract %slice3A_232[0] : f32 from vector<1xf32>
        %mul3A_234 = vector.broadcast %squeeze3A_233 : f32 to vector<16xf32>
        %mul3A_235 = arith.mulf %get3A_231, %mul3A_234 : vector<16xf32>
        %swap3A_236 = arith.index_cast %add3A_228 : i32 to index
        %swap3A_237 = arith.constant 0 : index
        %swap3A_238 = tpu.vector_load %arg16[%swap3A_236, %swap3A_237] {strides = array<i32>} : memref<128x16xf32, #tpu.memory_space<vmem>>, vector<16xf32>,
        tpu.vector_store %arg16[%swap3A_236, %swap3A_237], %mul3A_235 {strides = array<i32>} : memref<128x16xf32, #tpu.memory_space<vmem>>, vector<16xf32>,
        %mul3A_239 = arith.constant 16 : i32
        %mul3A_240 = arith.muli %scan3A_208, %mul3A_239 : i32
        %add3A_241 = arith.constant 2 : i32
        %add3A_242 = arith.addi %mul3A_240, %add3A_241 : i32
        %get3A_243 = arith.index_cast %add3A_242 : i32 to index
        %get3A_244 = arith.constant 0 : index
        %get3A_245 = tpu.vector_load %arg12[%get3A_243, %get3A_244] {strides = array<i32>} : memref<128x16xf32, #tpu.memory_space<vmem>>, vector<16xf32>,
        %slice3A_246 = vector.extract_strided_slice %get3A_213 {offsets = [2], sizes = [1], strides = [1]} : vector<16xf32> to vector<1xf32>
        %squeeze3A_247 = vector.extract %slice3A_246[0] : f32 from vector<1xf32>
        %mul3A_248 = vector.broadcast %squeeze3A_247 : f32 to vector<16xf32>
        %mul3A_249 = arith.mulf %get3A_245, %mul3A_248 : vector<16xf32>
        %swap3A_250 = arith.index_cast %add3A_242 : i32 to index
        %swap3A_251 = arith.constant 0 : index
        %swap3A_252 = tpu.vector_load %arg16[%swap3A_250, %swap3A_251] {strides = array<i32>} : memref<128x16xf32, #tpu.memory_space<vmem>>, vector<16xf32>,
        tpu.vector_store %arg16[%swap3A_250, %swap3A_251], %mul3A_249 {strides = array<i32>} : memref<128x16xf32, #tpu.memory_space<vmem>>, vector<16xf32>,
        %mul3A_253 = arith.constant 16 : i32
        %mul3A_254 = arith.muli %scan3A_208, %mul3A_253 : i32
        %add3A_255 = arith.constant 3 : i32
        %add3A_256 = arith.addi %mul3A_254, %add3A_255 : i32
        %get3A_257 = arith.index_cast %add3A_256 : i32 to index
        %get3A_258 = arith.constant 0 : index
        %get3A_259 = tpu.vector_load %arg12[%get3A_257, %get3A_258] {strides = array<i32>} : memref<128x16xf32, #tpu.memory_space<vmem>>, vector<16xf32>,
        %slice3A_260 = vector.extract_strided_slice %get3A_213 {offsets = [3], sizes = [1], strides = [1]} : vector<16xf32> to vector<1xf32>
        %squeeze3A_261 = vector.extract %slice3A_260[0] : f32 from vector<1xf32>
        %mul3A_262 = vector.broadcast %squeeze3A_261 : f32 to vector<16xf32>
        %mul3A_263 = arith.mulf %get3A_259, %mul3A_262 : vector<16xf32>
        %swap3A_264 = arith.index_cast %add3A_256 : i32 to index
        %swap3A_265 = arith.constant 0 : index
        %swap3A_266 = tpu.vector_load %arg16[%swap3A_264, %swap3A_265] {strides = array<i32>} : memref<128x16xf32, #tpu.memory_space<vmem>>, vector<16xf32>,
        tpu.vector_store %arg16[%swap3A_264, %swap3A_265], %mul3A_263 {strides = array<i32>} : memref<128x16xf32, #tpu.memory_space<vmem>>, vector<16xf32>,
        %mul3A_267 = arith.constant 16 : i32
        %mul3A_268 = arith.muli %scan3A_208, %mul3A_267 : i32
        %add3A_269 = arith.constant 4 : i32
        %add3A_270 = arith.addi %mul3A_268, %add3A_269 : i32
        %get3A_271 = arith.index_cast %add3A_270 : i32 to index
        %get3A_272 = arith.constant 0 : index
        %get3A_273 = tpu.vector_load %arg12[%get3A_271, %get3A_272] {strides = array<i32>} : memref<128x16xf32, #tpu.memory_space<vmem>>, vector<16xf32>,
        %slice3A_274 = vector.extract_strided_slice %get3A_213 {offsets = [4], sizes = [1], strides = [1]} : vector<16xf32> to vector<1xf32>
        %squeeze3A_275 = vector.extract %slice3A_274[0] : f32 from vector<1xf32>
        %mul3A_276 = vector.broadcast %squeeze3A_275 : f32 to vector<16xf32>
        %mul3A_277 = arith.mulf %get3A_273, %mul3A_276 : vector<16xf32>
        %swap3A_278 = arith.index_cast %add3A_270 : i32 to index
        %swap3A_279 = arith.constant 0 : index
        %swap3A_280 = tpu.vector_load %arg16[%swap3A_278, %swap3A_279] {strides = array<i32>} : memref<128x16xf32, #tpu.memory_space<vmem>>, vector<16xf32>,
        tpu.vector_store %arg16[%swap3A_278, %swap3A_279], %mul3A_277 {strides = array<i32>} : memref<128x16xf32, #tpu.memory_space<vmem>>, vector<16xf32>,
        %mul3A_281 = arith.constant 16 : i32
        %mul3A_282 = arith.muli %scan3A_208, %mul3A_281 : i32
        %add3A_283 = arith.constant 5 : i32
        %add3A_284 = arith.addi %mul3A_282, %add3A_283 : i32
        %get3A_285 = arith.index_cast %add3A_284 : i32 to index
        %get3A_286 = arith.constant 0 : index
        %get3A_287 = tpu.vector_load %arg12[%get3A_285, %get3A_286] {strides = array<i32>} : memref<128x16xf32, #tpu.memory_space<vmem>>, vector<16xf32>,
        %slice3A_288 = vector.extract_strided_slice %get3A_213 {offsets = [5], sizes = [1], strides = [1]} : vector<16xf32> to vector<1xf32>
        %squeeze3A_289 = vector.extract %slice3A_288[0] : f32 from vector<1xf32>
        %mul3A_290 = vector.broadcast %squeeze3A_289 : f32 to vector<16xf32>
        %mul3A_291 = arith.mulf %get3A_287, %mul3A_290 : vector<16xf32>
        %swap3A_292 = arith.index_cast %add3A_284 : i32 to index
        %swap3A_293 = arith.constant 0 : index
        %swap3A_294 = tpu.vector_load %arg16[%swap3A_292, %swap3A_293] {strides = array<i32>} : memref<128x16xf32, #tpu.memory_space<vmem>>, vector<16xf32>,
        tpu.vector_store %arg16[%swap3A_292, %swap3A_293], %mul3A_291 {strides = array<i32>} : memref<128x16xf32, #tpu.memory_space<vmem>>, vector<16xf32>,
        %mul3A_295 = arith.constant 16 : i32
        %mul3A_296 = arith.muli %scan3A_208, %mul3A_295 : i32
        %add3A_297 = arith.constant 6 : i32
        %add3A_298 = arith.addi %mul3A_296, %add3A_297 : i32
        %get3A_299 = arith.index_cast %add3A_298 : i32 to index
        %get3A_300 = arith.constant 0 : index
        %get3A_301 = tpu.vector_load %arg12[%get3A_299, %get3A_300] {strides = array<i32>} : memref<128x16xf32, #tpu.memory_space<vmem>>, vector<16xf32>,
        %slice3A_302 = vector.extract_strided_slice %get3A_213 {offsets = [6], sizes = [1], strides = [1]} : vector<16xf32> to vector<1xf32>
        %squeeze3A_303 = vector.extract %slice3A_302[0] : f32 from vector<1xf32>
        %mul3A_304 = vector.broadcast %squeeze3A_303 : f32 to vector<16xf32>
        %mul3A_305 = arith.mulf %get3A_301, %mul3A_304 : vector<16xf32>
        %swap3A_306 = arith.index_cast %add3A_298 : i32 to index
        %swap3A_307 = arith.constant 0 : index
        %swap3A_308 = tpu.vector_load %arg16[%swap3A_306, %swap3A_307] {strides = array<i32>} : memref<128x16xf32, #tpu.memory_space<vmem>>, vector<16xf32>,
        tpu.vector_store %arg16[%swap3A_306, %swap3A_307], %mul3A_305 {strides = array<i32>} : memref<128x16xf32, #tpu.memory_space<vmem>>, vector<16xf32>,
        %mul3A_309 = arith.constant 16 : i32
        %mul3A_310 = arith.muli %scan3A_208, %mul3A_309 : i32
        %add3A_311 = arith.constant 7 : i32
        %add3A_312 = arith.addi %mul3A_310, %add3A_311 : i32
        %get3A_313 = arith.index_cast %add3A_312 : i32 to index
        %get3A_314 = arith.constant 0 : index
        %get3A_315 = tpu.vector_load %arg12[%get3A_313, %get3A_314] {strides = array<i32>} : memref<128x16xf32, #tpu.memory_space<vmem>>, vector<16xf32>,
        %slice3A_316 = vector.extract_strided_slice %get3A_213 {offsets = [7], sizes = [1], strides = [1]} : vector<16xf32> to vector<1xf32>
        %squeeze3A_317 = vector.extract %slice3A_316[0] : f32 from vector<1xf32>
        %mul3A_318 = vector.broadcast %squeeze3A_317 : f32 to vector<16xf32>
        %mul3A_319 = arith.mulf %get3A_315, %mul3A_318 : vector<16xf32>
        %swap3A_320 = arith.index_cast %add3A_312 : i32 to index
        %swap3A_321 = arith.constant 0 : index
        %swap3A_322 = tpu.vector_load %arg16[%swap3A_320, %swap3A_321] {strides = array<i32>} : memref<128x16xf32, #tpu.memory_space<vmem>>, vector<16xf32>,
        tpu.vector_store %arg16[%swap3A_320, %swap3A_321], %mul3A_319 {strides = array<i32>} : memref<128x16xf32, #tpu.memory_space<vmem>>, vector<16xf32>,
        %mul3A_323 = arith.constant 16 : i32
        %mul3A_324 = arith.muli %scan3A_208, %mul3A_323 : i32
        %add3A_325 = arith.constant 8 : i32
        %add3A_326 = arith.addi %mul3A_324, %add3A_325 : i32
        %get3A_327 = arith.index_cast %add3A_326 : i32 to index
        %get3A_328 = arith.constant 0 : index
        %get3A_329 = tpu.vector_load %arg12[%get3A_327, %get3A_328] {strides = array<i32>} : memref<128x16xf32, #tpu.memory_space<vmem>>, vector<16xf32>,
        %slice3A_330 = vector.extract_strided_slice %get3A_213 {offsets = [8], sizes = [1], strides = [1]} : vector<16xf32> to vector<1xf32>
        %squeeze3A_331 = vector.extract %slice3A_330[0] : f32 from vector<1xf32>
        %mul3A_332 = vector.broadcast %squeeze3A_331 : f32 to vector<16xf32>
        %mul3A_333 = arith.mulf %get3A_329, %mul3A_332 : vector<16xf32>
        %swap3A_334 = arith.index_cast %add3A_326 : i32 to index
        %swap3A_335 = arith.constant 0 : index
        %swap3A_336 = tpu.vector_load %arg16[%swap3A_334, %swap3A_335] {strides = array<i32>} : memref<128x16xf32, #tpu.memory_space<vmem>>, vector<16xf32>,
        tpu.vector_store %arg16[%swap3A_334, %swap3A_335], %mul3A_333 {strides = array<i32>} : memref<128x16xf32, #tpu.memory_space<vmem>>, vector<16xf32>,
        %mul3A_337 = arith.constant 16 : i32
        %mul3A_338 = arith.muli %scan3A_208, %mul3A_337 : i32
        %add3A_339 = arith.constant 9 : i32
        %add3A_340 = arith.addi %mul3A_338, %add3A_339 : i32
        %get3A_341 = arith.index_cast %add3A_340 : i32 to index
        %get3A_342 = arith.constant 0 : index
        %get3A_343 = tpu.vector_load %arg12[%get3A_341, %get3A_342] {strides = array<i32>} : memref<128x16xf32, #tpu.memory_space<vmem>>, vector<16xf32>,
        %slice3A_344 = vector.extract_strided_slice %get3A_213 {offsets = [9], sizes = [1], strides = [1]} : vector<16xf32> to vector<1xf32>
        %squeeze3A_345 = vector.extract %slice3A_344[0] : f32 from vector<1xf32>
        %mul3A_346 = vector.broadcast %squeeze3A_345 : f32 to vector<16xf32>
        %mul3A_347 = arith.mulf %get3A_343, %mul3A_346 : vector<16xf32>
        %swap3A_348 = arith.index_cast %add3A_340 : i32 to index
        %swap3A_349 = arith.constant 0 : index
        %swap3A_350 = tpu.vector_load %arg16[%swap3A_348, %swap3A_349] {strides = array<i32>} : memref<128x16xf32, #tpu.memory_space<vmem>>, vector<16xf32>,
        tpu.vector_store %arg16[%swap3A_348, %swap3A_349], %mul3A_347 {strides = array<i32>} : memref<128x16xf32, #tpu.memory_space<vmem>>, vector<16xf32>,
        %mul3A_351 = arith.constant 16 : i32
        %mul3A_352 = arith.muli %scan3A_208, %mul3A_351 : i32
        %add3A_353 = arith.constant 10 : i32
        %add3A_354 = arith.addi %mul3A_352, %add3A_353 : i32
        %get3A_355 = arith.index_cast %add3A_354 : i32 to index
        %get3A_356 = arith.constant 0 : index
        %get3A_357 = tpu.vector_load %arg12[%get3A_355, %get3A_356] {strides = array<i32>} : memref<128x16xf32, #tpu.memory_space<vmem>>, vector<16xf32>,
        %slice3A_358 = vector.extract_strided_slice %get3A_213 {offsets = [10], sizes = [1], strides = [1]} : vector<16xf32> to vector<1xf32>
        %squeeze3A_359 = vector.extract %slice3A_358[0] : f32 from vector<1xf32>
        %mul3A_360 = vector.broadcast %squeeze3A_359 : f32 to vector<16xf32>
        %mul3A_361 = arith.mulf %get3A_357, %mul3A_360 : vector<16xf32>
        %swap3A_362 = arith.index_cast %add3A_354 : i32 to index
        %swap3A_363 = arith.constant 0 : index
        %swap3A_364 = tpu.vector_load %arg16[%swap3A_362, %swap3A_363] {strides = array<i32>} : memref<128x16xf32, #tpu.memory_space<vmem>>, vector<16xf32>,
        tpu.vector_store %arg16[%swap3A_362, %swap3A_363], %mul3A_361 {strides = array<i32>} : memref<128x16xf32, #tpu.memory_space<vmem>>, vector<16xf32>,
        %mul3A_365 = arith.constant 16 : i32
        %mul3A_366 = arith.muli %scan3A_208, %mul3A_365 : i32
        %add3A_367 = arith.constant 11 : i32
        %add3A_368 = arith.addi %mul3A_366, %add3A_367 : i32
        %get3A_369 = arith.index_cast %add3A_368 : i32 to index
        %get3A_370 = arith.constant 0 : index
        %get3A_371 = tpu.vector_load %arg12[%get3A_369, %get3A_370] {strides = array<i32>} : memref<128x16xf32, #tpu.memory_space<vmem>>, vector<16xf32>,
        %slice3A_372 = vector.extract_strided_slice %get3A_213 {offsets = [11], sizes = [1], strides = [1]} : vector<16xf32> to vector<1xf32>
        %squeeze3A_373 = vector.extract %slice3A_372[0] : f32 from vector<1xf32>
        %mul3A_374 = vector.broadcast %squeeze3A_373 : f32 to vector<16xf32>
        %mul3A_375 = arith.mulf %get3A_371, %mul3A_374 : vector<16xf32>
        %swap3A_376 = arith.index_cast %add3A_368 : i32 to index
        %swap3A_377 = arith.constant 0 : index
        %swap3A_378 = tpu.vector_load %arg16[%swap3A_376, %swap3A_377] {strides = array<i32>} : memref<128x16xf32, #tpu.memory_space<vmem>>, vector<16xf32>,
        tpu.vector_store %arg16[%swap3A_376, %swap3A_377], %mul3A_375 {strides = array<i32>} : memref<128x16xf32, #tpu.memory_space<vmem>>, vector<16xf32>,
        %mul3A_379 = arith.constant 16 : i32
        %mul3A_380 = arith.muli %scan3A_208, %mul3A_379 : i32
        %add3A_381 = arith.constant 12 : i32
        %add3A_382 = arith.addi %mul3A_380, %add3A_381 : i32
        %get3A_383 = arith.index_cast %add3A_382 : i32 to index
        %get3A_384 = arith.constant 0 : index
        %get3A_385 = tpu.vector_load %arg12[%get3A_383, %get3A_384] {strides = array<i32>} : memref<128x16xf32, #tpu.memory_space<vmem>>, vector<16xf32>,
        %slice3A_386 = vector.extract_strided_slice %get3A_213 {offsets = [12], sizes = [1], strides = [1]} : vector<16xf32> to vector<1xf32>
        %squeeze3A_387 = vector.extract %slice3A_386[0] : f32 from vector<1xf32>
        %mul3A_388 = vector.broadcast %squeeze3A_387 : f32 to vector<16xf32>
        %mul3A_389 = arith.mulf %get3A_385, %mul3A_388 : vector<16xf32>
        %swap3A_390 = arith.index_cast %add3A_382 : i32 to index
        %swap3A_391 = arith.constant 0 : index
        %swap3A_392 = tpu.vector_load %arg16[%swap3A_390, %swap3A_391] {strides = array<i32>} : memref<128x16xf32, #tpu.memory_space<vmem>>, vector<16xf32>,
        tpu.vector_store %arg16[%swap3A_390, %swap3A_391], %mul3A_389 {strides = array<i32>} : memref<128x16xf32, #tpu.memory_space<vmem>>, vector<16xf32>,
        %mul3A_393 = arith.constant 16 : i32
        %mul3A_394 = arith.muli %scan3A_208, %mul3A_393 : i32
        %add3A_395 = arith.constant 13 : i32
        %add3A_396 = arith.addi %mul3A_394, %add3A_395 : i32
        %get3A_397 = arith.index_cast %add3A_396 : i32 to index
        %get3A_398 = arith.constant 0 : index
        %get3A_399 = tpu.vector_load %arg12[%get3A_397, %get3A_398] {strides = array<i32>} : memref<128x16xf32, #tpu.memory_space<vmem>>, vector<16xf32>,
        %slice3A_400 = vector.extract_strided_slice %get3A_213 {offsets = [13], sizes = [1], strides = [1]} : vector<16xf32> to vector<1xf32>
        %squeeze3A_401 = vector.extract %slice3A_400[0] : f32 from vector<1xf32>
        %mul3A_402 = vector.broadcast %squeeze3A_401 : f32 to vector<16xf32>
        %mul3A_403 = arith.mulf %get3A_399, %mul3A_402 : vector<16xf32>
        %swap3A_404 = arith.index_cast %add3A_396 : i32 to index
        %swap3A_405 = arith.constant 0 : index
        %swap3A_406 = tpu.vector_load %arg16[%swap3A_404, %swap3A_405] {strides = array<i32>} : memref<128x16xf32, #tpu.memory_space<vmem>>, vector<16xf32>,
        tpu.vector_store %arg16[%swap3A_404, %swap3A_405], %mul3A_403 {strides = array<i32>} : memref<128x16xf32, #tpu.memory_space<vmem>>, vector<16xf32>,
        %mul3A_407 = arith.constant 16 : i32
        %mul3A_408 = arith.muli %scan3A_208, %mul3A_407 : i32
        %add3A_409 = arith.constant 14 : i32
        %add3A_410 = arith.addi %mul3A_408, %add3A_409 : i32
        %get3A_411 = arith.index_cast %add3A_410 : i32 to index
        %get3A_412 = arith.constant 0 : index
        %get3A_413 = tpu.vector_load %arg12[%get3A_411, %get3A_412] {strides = array<i32>} : memref<128x16xf32, #tpu.memory_space<vmem>>, vector<16xf32>,
        %slice3A_414 = vector.extract_strided_slice %get3A_213 {offsets = [14], sizes = [1], strides = [1]} : vector<16xf32> to vector<1xf32>
        %squeeze3A_415 = vector.extract %slice3A_414[0] : f32 from vector<1xf32>
        %mul3A_416 = vector.broadcast %squeeze3A_415 : f32 to vector<16xf32>
        %mul3A_417 = arith.mulf %get3A_413, %mul3A_416 : vector<16xf32>
        %swap3A_418 = arith.index_cast %add3A_410 : i32 to index
        %swap3A_419 = arith.constant 0 : index
        %swap3A_420 = tpu.vector_load %arg16[%swap3A_418, %swap3A_419] {strides = array<i32>} : memref<128x16xf32, #tpu.memory_space<vmem>>, vector<16xf32>,
        tpu.vector_store %arg16[%swap3A_418, %swap3A_419], %mul3A_417 {strides = array<i32>} : memref<128x16xf32, #tpu.memory_space<vmem>>, vector<16xf32>,
        %mul3A_421 = arith.constant 16 : i32
        %mul3A_422 = arith.muli %scan3A_208, %mul3A_421 : i32
        %add3A_423 = arith.constant 15 : i32
        %add3A_424 = arith.addi %mul3A_422, %add3A_423 : i32
        %get3A_425 = arith.index_cast %add3A_424 : i32 to index
        %get3A_426 = arith.constant 0 : index
        %get3A_427 = tpu.vector_load %arg12[%get3A_425, %get3A_426] {strides = array<i32>} : memref<128x16xf32, #tpu.memory_space<vmem>>, vector<16xf32>,
        %slice3A_428 = vector.extract_strided_slice %get3A_213 {offsets = [15], sizes = [1], strides = [1]} : vector<16xf32> to vector<1xf32>
        %squeeze3A_429 = vector.extract %slice3A_428[0] : f32 from vector<1xf32>
        %mul3A_430 = vector.broadcast %squeeze3A_429 : f32 to vector<16xf32>
        %mul3A_431 = arith.mulf %get3A_427, %mul3A_430 : vector<16xf32>
        %swap3A_432 = arith.index_cast %add3A_424 : i32 to index
        %swap3A_433 = arith.constant 0 : index
        %swap3A_434 = tpu.vector_load %arg16[%swap3A_432, %swap3A_433] {strides = array<i32>} : memref<128x16xf32, #tpu.memory_space<vmem>>, vector<16xf32>,
        tpu.vector_store %arg16[%swap3A_432, %swap3A_433], %mul3A_431 {strides = array<i32>} : memref<128x16xf32, #tpu.memory_space<vmem>>, vector<16xf32>,
        %scan3A_435 = arith.constant 0 : i32
        scf.yield %scan3A_435 : i32
      }
      %scan3A_102 = arith.constant 8 : i32
      %dma_start3A_103 = arith.constant 0 : i32
      %dma_start3A_104 = tpu.memref_slice %arg10[%add3A_79, %dma_start3A_103] : memref<80x128xi32, #tpu.memory_space<vmem>> -> memref<1x128xi32, #tpu.memory_space<vmem>>
      %dma_start3A_105 = tpu.memref_squeeze %dma_start3A_104 : memref<1x128xi32, #tpu.memory_space<vmem>> -> memref<128xi32, #tpu.memory_space<vmem>>
      %dma_start3A_106 = arith.constant 0 : i32
      %dma_start3A_107 = arith.constant 0 : i32
      %dma_start3A_108 = tpu.memref_slice %arg7[%dma_start3A_106, %dma_start3A_107] : memref<10240x16xf32, #tpu.memory_space<vmem_shared>> -> memref<10240x16xf32, #tpu.memory_space<vmem_shared>>
      tpu.enqueue_indirect_dma source(%arg16 : memref<128x16xf32, #tpu.memory_space<vmem>>) target(%dma_start3A_108 : memref<10240x16xf32, #tpu.memory_space<vmem_shared>>) offsets(%dma_start3A_105 : memref<128xi32, #tpu.memory_space<vmem>>) semaphore(%arg24 : memref<!tpu.dma_semaphore, #tpu.memory_space<semaphore_mem>>) {add = true}
      %mul3A_109 = arith.constant 4 : i32
      %mul3A_110 = arith.muli %scan3A_74, %mul3A_109 : i32
      %add3A_111 = arith.constant 1 : i32
      %add3A_112 = arith.addi %mul3A_110, %add3A_111 : i32
      %dma_wait3A_113 = arith.constant 0 : i32
      %dma_wait3A_114 = tpu.memref_slice %arg9[%add3A_112, %dma_wait3A_113] : memref<80x128xi32, #tpu.memory_space<vmem>> -> memref<1x128xi32, #tpu.memory_space<vmem>>
      %dma_wait3A_115 = tpu.memref_squeeze %dma_wait3A_114 : memref<1x128xi32, #tpu.memory_space<vmem>> -> memref<128xi32, #tpu.memory_space<vmem>>
      %dma_wait3A_116 = arith.constant 0 : i32
      %dma_wait3A_117 = arith.constant 0 : i32
      %dma_wait3A_118 = tpu.memref_slice %arg8[%dma_wait3A_116, %dma_wait3A_117] : memref<10240x16xf32, #tpu.memory_space<vmem_shared>> -> memref<10240x16xf32, #tpu.memory_space<vmem_shared>>
      tpu.wait_indirect_dma semaphore(%arg21 : memref<!tpu.dma_semaphore, #tpu.memory_space<semaphore_mem>>) src(%dma_wait3A_118 : memref<10240x16xf32, #tpu.memory_space<vmem_shared>>) dst(%arg13 : memref<128x16xf32, #tpu.memory_space<vmem>>)
      %lt3A = arith.constant 19 : i32
      %lt3A_119 = arith.cmpi slt, %scan3A_74, %lt3A : i32
      %convert_element_type3A_120 = arith.extui %lt3A_119 : i1 to i32
      %cond3A_121 = arith.constant 0 : i32
      %cond3A_122 = arith.cmpi ne, %convert_element_type3A_120, %cond3A_121 : i32
      scf.if %cond3A_122 {
        %add3A_208 = arith.constant 3 : i32
        %add3A_209 = arith.addi %add3A_112, %add3A_208 : i32
        %dma_start3A_210 = arith.constant 0 : i32
        %dma_start3A_211 = tpu.memref_slice %arg9[%add3A_209, %dma_start3A_210] : memref<80x128xi32, #tpu.memory_space<vmem>> -> memref<1x128xi32, #tpu.memory_space<vmem>>
        %dma_start3A_212 = tpu.memref_squeeze %dma_start3A_211 : memref<1x128xi32, #tpu.memory_space<vmem>> -> memref<128xi32, #tpu.memory_space<vmem>>
        %dma_start3A_213 = arith.constant 0 : i32
        %dma_start3A_214 = arith.constant 0 : i32
        %dma_start3A_215 = tpu.memref_slice %arg8[%dma_start3A_213, %dma_start3A_214] : memref<10240x16xf32, #tpu.memory_space<vmem_shared>> -> memref<10240x16xf32, #tpu.memory_space<vmem_shared>>
        tpu.enqueue_indirect_dma source(%dma_start3A_215 : memref<10240x16xf32, #tpu.memory_space<vmem_shared>>) target(%arg12 : memref<128x16xf32, #tpu.memory_space<vmem>>) offsets(%dma_start3A_212 : memref<128xi32, #tpu.memory_space<vmem>>) semaphore(%arg20 : memref<!tpu.dma_semaphore, #tpu.memory_space<semaphore_mem>>)
      } else {
      }
      %ge3A_123 = arith.constant 1 : i32
      %ge3A_124 = arith.cmpi sge, %scan3A_74, %ge3A_123 : i32
      %convert_element_type3A_125 = arith.extui %ge3A_124 : i1 to i32
      %cond3A_126 = arith.constant 0 : i32
      %cond3A_127 = arith.cmpi ne, %convert_element_type3A_125, %cond3A_126 : i32
      scf.if %cond3A_127 {
        %dma_wait3A_208 = arith.constant 0 : i32
        %dma_wait3A_209 = tpu.memref_slice %arg10[%add3A_112, %dma_wait3A_208] : memref<80x128xi32, #tpu.memory_space<vmem>> -> memref<1x128xi32, #tpu.memory_space<vmem>>
        %dma_wait3A_210 = tpu.memref_squeeze %dma_wait3A_209 : memref<1x128xi32, #tpu.memory_space<vmem>> -> memref<128xi32, #tpu.memory_space<vmem>>
        %dma_wait3A_211 = arith.constant 0 : i32
        %dma_wait3A_212 = arith.constant 0 : i32
        %dma_wait3A_213 = tpu.memref_slice %arg7[%dma_wait3A_211, %dma_wait3A_212] : memref<10240x16xf32, #tpu.memory_space<vmem_shared>> -> memref<10240x16xf32, #tpu.memory_space<vmem_shared>>
        tpu.wait_indirect_dma semaphore(%arg25 : memref<!tpu.dma_semaphore, #tpu.memory_space<semaphore_mem>>) src(%arg17 : memref<128x16xf32, #tpu.memory_space<vmem>>) dst(%dma_wait3A_213 : memref<10240x16xf32, #tpu.memory_space<vmem_shared>>)
      } else {
      }
      %scan3A_128 = arith.constant 0 : i32
      %scan3A_129 = arith.constant 0 : i32
      %scan3A_130 = arith.constant 8 : i32
      %scan3A_131 = arith.addi %scan3A_129, %scan3A_130 : i32
      %scan3A_132 = arith.constant 1 : i32
      %scan3A_133 = scf.for %scan3A_208 = %scan3A_129 to %scan3A_131 step %scan3A_132 iter_args(%scan3A_209 = %scan3A_128) -> (i32)  : i32 {
        %mul3A_210 = arith.constant 16 : i32
        %mul3A_211 = arith.muli %scan3A_208, %mul3A_210 : i32
        %get3A = arith.index_cast %add3A_112 : i32 to index
        %get3A_212 = arith.index_cast %mul3A_211 : i32 to index
        %get3A_213 = tpu.vector_load %arg11[%get3A, %get3A_212] {strides = array<i32>} : memref<80x128xf32, #tpu.memory_space<vmem>>, vector<16xf32>,
        %mul3A_214 = arith.constant 16 : i32
        %mul3A_215 = arith.muli %scan3A_208, %mul3A_214 : i32
        %add3A_216 = arith.constant 0 : i32
        %add3A_217 = arith.addi %mul3A_215, %add3A_216 : i32
        %get3A_218 = arith.index_cast %add3A_217 : i32 to index
        %get3A_219 = arith.constant 0 : index
        %get3A_220 = tpu.vector_load %arg13[%get3A_218, %get3A_219] {strides = array<i32>} : memref<128x16xf32, #tpu.memory_space<vmem>>, vector<16xf32>,
        %slice3A = vector.extract_strided_slice %get3A_213 {offsets = [0], sizes = [1], strides = [1]} : vector<16xf32> to vector<1xf32>
        %squeeze3A = vector.extract %slice3A[0] : f32 from vector<1xf32>
        %mul3A_221 = vector.broadcast %squeeze3A : f32 to vector<16xf32>
        %mul3A_222 = arith.mulf %get3A_220, %mul3A_221 : vector<16xf32>
        %swap3A = arith.index_cast %add3A_217 : i32 to index
        %swap3A_223 = arith.constant 0 : index
        %swap3A_224 = tpu.vector_load %arg17[%swap3A, %swap3A_223] {strides = array<i32>} : memref<128x16xf32, #tpu.memory_space<vmem>>, vector<16xf32>,
        tpu.vector_store %arg17[%swap3A, %swap3A_223], %mul3A_222 {strides = array<i32>} : memref<128x16xf32, #tpu.memory_space<vmem>>, vector<16xf32>,
        %mul3A_225 = arith.constant 16 : i32
        %mul3A_226 = arith.muli %scan3A_208, %mul3A_225 : i32
        %add3A_227 = arith.constant 1 : i32
        %add3A_228 = arith.addi %mul3A_226, %add3A_227 : i32
        %get3A_229 = arith.index_cast %add3A_228 : i32 to index
        %get3A_230 = arith.constant 0 : index
        %get3A_231 = tpu.vector_load %arg13[%get3A_229, %get3A_230] {strides = array<i32>} : memref<128x16xf32, #tpu.memory_space<vmem>>, vector<16xf32>,
        %slice3A_232 = vector.extract_strided_slice %get3A_213 {offsets = [1], sizes = [1], strides = [1]} : vector<16xf32> to vector<1xf32>
        %squeeze3A_233 = vector.extract %slice3A_232[0] : f32 from vector<1xf32>
        %mul3A_234 = vector.broadcast %squeeze3A_233 : f32 to vector<16xf32>
        %mul3A_235 = arith.mulf %get3A_231, %mul3A_234 : vector<16xf32>
        %swap3A_236 = arith.index_cast %add3A_228 : i32 to index
        %swap3A_237 = arith.constant 0 : index
        %swap3A_238 = tpu.vector_load %arg17[%swap3A_236, %swap3A_237] {strides = array<i32>} : memref<128x16xf32, #tpu.memory_space<vmem>>, vector<16xf32>,
        tpu.vector_store %arg17[%swap3A_236, %swap3A_237], %mul3A_235 {strides = array<i32>} : memref<128x16xf32, #tpu.memory_space<vmem>>, vector<16xf32>,
        %mul3A_239 = arith.constant 16 : i32
        %mul3A_240 = arith.muli %scan3A_208, %mul3A_239 : i32
        %add3A_241 = arith.constant 2 : i32
        %add3A_242 = arith.addi %mul3A_240, %add3A_241 : i32
        %get3A_243 = arith.index_cast %add3A_242 : i32 to index
        %get3A_244 = arith.constant 0 : index
        %get3A_245 = tpu.vector_load %arg13[%get3A_243, %get3A_244] {strides = array<i32>} : memref<128x16xf32, #tpu.memory_space<vmem>>, vector<16xf32>,
        %slice3A_246 = vector.extract_strided_slice %get3A_213 {offsets = [2], sizes = [1], strides = [1]} : vector<16xf32> to vector<1xf32>
        %squeeze3A_247 = vector.extract %slice3A_246[0] : f32 from vector<1xf32>
        %mul3A_248 = vector.broadcast %squeeze3A_247 : f32 to vector<16xf32>
        %mul3A_249 = arith.mulf %get3A_245, %mul3A_248 : vector<16xf32>
        %swap3A_250 = arith.index_cast %add3A_242 : i32 to index
        %swap3A_251 = arith.constant 0 : index
        %swap3A_252 = tpu.vector_load %arg17[%swap3A_250, %swap3A_251] {strides = array<i32>} : memref<128x16xf32, #tpu.memory_space<vmem>>, vector<16xf32>,
        tpu.vector_store %arg17[%swap3A_250, %swap3A_251], %mul3A_249 {strides = array<i32>} : memref<128x16xf32, #tpu.memory_space<vmem>>, vector<16xf32>,
        %mul3A_253 = arith.constant 16 : i32
        %mul3A_254 = arith.muli %scan3A_208, %mul3A_253 : i32
        %add3A_255 = arith.constant 3 : i32
        %add3A_256 = arith.addi %mul3A_254, %add3A_255 : i32
        %get3A_257 = arith.index_cast %add3A_256 : i32 to index
        %get3A_258 = arith.constant 0 : index
        %get3A_259 = tpu.vector_load %arg13[%get3A_257, %get3A_258] {strides = array<i32>} : memref<128x16xf32, #tpu.memory_space<vmem>>, vector<16xf32>,
        %slice3A_260 = vector.extract_strided_slice %get3A_213 {offsets = [3], sizes = [1], strides = [1]} : vector<16xf32> to vector<1xf32>
        %squeeze3A_261 = vector.extract %slice3A_260[0] : f32 from vector<1xf32>
        %mul3A_262 = vector.broadcast %squeeze3A_261 : f32 to vector<16xf32>
        %mul3A_263 = arith.mulf %get3A_259, %mul3A_262 : vector<16xf32>
        %swap3A_264 = arith.index_cast %add3A_256 : i32 to index
        %swap3A_265 = arith.constant 0 : index
        %swap3A_266 = tpu.vector_load %arg17[%swap3A_264, %swap3A_265] {strides = array<i32>} : memref<128x16xf32, #tpu.memory_space<vmem>>, vector<16xf32>,
        tpu.vector_store %arg17[%swap3A_264, %swap3A_265], %mul3A_263 {strides = array<i32>} : memref<128x16xf32, #tpu.memory_space<vmem>>, vector<16xf32>,
        %mul3A_267 = arith.constant 16 : i32
        %mul3A_268 = arith.muli %scan3A_208, %mul3A_267 : i32
        %add3A_269 = arith.constant 4 : i32
        %add3A_270 = arith.addi %mul3A_268, %add3A_269 : i32
        %get3A_271 = arith.index_cast %add3A_270 : i32 to index
        %get3A_272 = arith.constant 0 : index
        %get3A_273 = tpu.vector_load %arg13[%get3A_271, %get3A_272] {strides = array<i32>} : memref<128x16xf32, #tpu.memory_space<vmem>>, vector<16xf32>,
        %slice3A_274 = vector.extract_strided_slice %get3A_213 {offsets = [4], sizes = [1], strides = [1]} : vector<16xf32> to vector<1xf32>
        %squeeze3A_275 = vector.extract %slice3A_274[0] : f32 from vector<1xf32>
        %mul3A_276 = vector.broadcast %squeeze3A_275 : f32 to vector<16xf32>
        %mul3A_277 = arith.mulf %get3A_273, %mul3A_276 : vector<16xf32>
        %swap3A_278 = arith.index_cast %add3A_270 : i32 to index
        %swap3A_279 = arith.constant 0 : index
        %swap3A_280 = tpu.vector_load %arg17[%swap3A_278, %swap3A_279] {strides = array<i32>} : memref<128x16xf32, #tpu.memory_space<vmem>>, vector<16xf32>,
        tpu.vector_store %arg17[%swap3A_278, %swap3A_279], %mul3A_277 {strides = array<i32>} : memref<128x16xf32, #tpu.memory_space<vmem>>, vector<16xf32>,
        %mul3A_281 = arith.constant 16 : i32
        %mul3A_282 = arith.muli %scan3A_208, %mul3A_281 : i32
        %add3A_283 = arith.constant 5 : i32
        %add3A_284 = arith.addi %mul3A_282, %add3A_283 : i32
        %get3A_285 = arith.index_cast %add3A_284 : i32 to index
        %get3A_286 = arith.constant 0 : index
        %get3A_287 = tpu.vector_load %arg13[%get3A_285, %get3A_286] {strides = array<i32>} : memref<128x16xf32, #tpu.memory_space<vmem>>, vector<16xf32>,
        %slice3A_288 = vector.extract_strided_slice %get3A_213 {offsets = [5], sizes = [1], strides = [1]} : vector<16xf32> to vector<1xf32>
        %squeeze3A_289 = vector.extract %slice3A_288[0] : f32 from vector<1xf32>
        %mul3A_290 = vector.broadcast %squeeze3A_289 : f32 to vector<16xf32>
        %mul3A_291 = arith.mulf %get3A_287, %mul3A_290 : vector<16xf32>
        %swap3A_292 = arith.index_cast %add3A_284 : i32 to index
        %swap3A_293 = arith.constant 0 : index
        %swap3A_294 = tpu.vector_load %arg17[%swap3A_292, %swap3A_293] {strides = array<i32>} : memref<128x16xf32, #tpu.memory_space<vmem>>, vector<16xf32>,
        tpu.vector_store %arg17[%swap3A_292, %swap3A_293], %mul3A_291 {strides = array<i32>} : memref<128x16xf32, #tpu.memory_space<vmem>>, vector<16xf32>,
        %mul3A_295 = arith.constant 16 : i32
        %mul3A_296 = arith.muli %scan3A_208, %mul3A_295 : i32
        %add3A_297 = arith.constant 6 : i32
        %add3A_298 = arith.addi %mul3A_296, %add3A_297 : i32
        %get3A_299 = arith.index_cast %add3A_298 : i32 to index
        %get3A_300 = arith.constant 0 : index
        %get3A_301 = tpu.vector_load %arg13[%get3A_299, %get3A_300] {strides = array<i32>} : memref<128x16xf32, #tpu.memory_space<vmem>>, vector<16xf32>,
        %slice3A_302 = vector.extract_strided_slice %get3A_213 {offsets = [6], sizes = [1], strides = [1]} : vector<16xf32> to vector<1xf32>
        %squeeze3A_303 = vector.extract %slice3A_302[0] : f32 from vector<1xf32>
        %mul3A_304 = vector.broadcast %squeeze3A_303 : f32 to vector<16xf32>
        %mul3A_305 = arith.mulf %get3A_301, %mul3A_304 : vector<16xf32>
        %swap3A_306 = arith.index_cast %add3A_298 : i32 to index
        %swap3A_307 = arith.constant 0 : index
        %swap3A_308 = tpu.vector_load %arg17[%swap3A_306, %swap3A_307] {strides = array<i32>} : memref<128x16xf32, #tpu.memory_space<vmem>>, vector<16xf32>,
        tpu.vector_store %arg17[%swap3A_306, %swap3A_307], %mul3A_305 {strides = array<i32>} : memref<128x16xf32, #tpu.memory_space<vmem>>, vector<16xf32>,
        %mul3A_309 = arith.constant 16 : i32
        %mul3A_310 = arith.muli %scan3A_208, %mul3A_309 : i32
        %add3A_311 = arith.constant 7 : i32
        %add3A_312 = arith.addi %mul3A_310, %add3A_311 : i32
        %get3A_313 = arith.index_cast %add3A_312 : i32 to index
        %get3A_314 = arith.constant 0 : index
        %get3A_315 = tpu.vector_load %arg13[%get3A_313, %get3A_314] {strides = array<i32>} : memref<128x16xf32, #tpu.memory_space<vmem>>, vector<16xf32>,
        %slice3A_316 = vector.extract_strided_slice %get3A_213 {offsets = [7], sizes = [1], strides = [1]} : vector<16xf32> to vector<1xf32>
        %squeeze3A_317 = vector.extract %slice3A_316[0] : f32 from vector<1xf32>
        %mul3A_318 = vector.broadcast %squeeze3A_317 : f32 to vector<16xf32>
        %mul3A_319 = arith.mulf %get3A_315, %mul3A_318 : vector<16xf32>
        %swap3A_320 = arith.index_cast %add3A_312 : i32 to index
        %swap3A_321 = arith.constant 0 : index
        %swap3A_322 = tpu.vector_load %arg17[%swap3A_320, %swap3A_321] {strides = array<i32>} : memref<128x16xf32, #tpu.memory_space<vmem>>, vector<16xf32>,
        tpu.vector_store %arg17[%swap3A_320, %swap3A_321], %mul3A_319 {strides = array<i32>} : memref<128x16xf32, #tpu.memory_space<vmem>>, vector<16xf32>,
        %mul3A_323 = arith.constant 16 : i32
        %mul3A_324 = arith.muli %scan3A_208, %mul3A_323 : i32
        %add3A_325 = arith.constant 8 : i32
        %add3A_326 = arith.addi %mul3A_324, %add3A_325 : i32
        %get3A_327 = arith.index_cast %add3A_326 : i32 to index
        %get3A_328 = arith.constant 0 : index
        %get3A_329 = tpu.vector_load %arg13[%get3A_327, %get3A_328] {strides = array<i32>} : memref<128x16xf32, #tpu.memory_space<vmem>>, vector<16xf32>,
        %slice3A_330 = vector.extract_strided_slice %get3A_213 {offsets = [8], sizes = [1], strides = [1]} : vector<16xf32> to vector<1xf32>
        %squeeze3A_331 = vector.extract %slice3A_330[0] : f32 from vector<1xf32>
        %mul3A_332 = vector.broadcast %squeeze3A_331 : f32 to vector<16xf32>
        %mul3A_333 = arith.mulf %get3A_329, %mul3A_332 : vector<16xf32>
        %swap3A_334 = arith.index_cast %add3A_326 : i32 to index
        %swap3A_335 = arith.constant 0 : index
        %swap3A_336 = tpu.vector_load %arg17[%swap3A_334, %swap3A_335] {strides = array<i32>} : memref<128x16xf32, #tpu.memory_space<vmem>>, vector<16xf32>,
        tpu.vector_store %arg17[%swap3A_334, %swap3A_335], %mul3A_333 {strides = array<i32>} : memref<128x16xf32, #tpu.memory_space<vmem>>, vector<16xf32>,
        %mul3A_337 = arith.constant 16 : i32
        %mul3A_338 = arith.muli %scan3A_208, %mul3A_337 : i32
        %add3A_339 = arith.constant 9 : i32
        %add3A_340 = arith.addi %mul3A_338, %add3A_339 : i32
        %get3A_341 = arith.index_cast %add3A_340 : i32 to index
        %get3A_342 = arith.constant 0 : index
        %get3A_343 = tpu.vector_load %arg13[%get3A_341, %get3A_342] {strides = array<i32>} : memref<128x16xf32, #tpu.memory_space<vmem>>, vector<16xf32>,
        %slice3A_344 = vector.extract_strided_slice %get3A_213 {offsets = [9], sizes = [1], strides = [1]} : vector<16xf32> to vector<1xf32>
        %squeeze3A_345 = vector.extract %slice3A_344[0] : f32 from vector<1xf32>
        %mul3A_346 = vector.broadcast %squeeze3A_345 : f32 to vector<16xf32>
        %mul3A_347 = arith.mulf %get3A_343, %mul3A_346 : vector<16xf32>
        %swap3A_348 = arith.index_cast %add3A_340 : i32 to index
        %swap3A_349 = arith.constant 0 : index
        %swap3A_350 = tpu.vector_load %arg17[%swap3A_348, %swap3A_349] {strides = array<i32>} : memref<128x16xf32, #tpu.memory_space<vmem>>, vector<16xf32>,
        tpu.vector_store %arg17[%swap3A_348, %swap3A_349], %mul3A_347 {strides = array<i32>} : memref<128x16xf32, #tpu.memory_space<vmem>>, vector<16xf32>,
        %mul3A_351 = arith.constant 16 : i32
        %mul3A_352 = arith.muli %scan3A_208, %mul3A_351 : i32
        %add3A_353 = arith.constant 10 : i32
        %add3A_354 = arith.addi %mul3A_352, %add3A_353 : i32
        %get3A_355 = arith.index_cast %add3A_354 : i32 to index
        %get3A_356 = arith.constant 0 : index
        %get3A_357 = tpu.vector_load %arg13[%get3A_355, %get3A_356] {strides = array<i32>} : memref<128x16xf32, #tpu.memory_space<vmem>>, vector<16xf32>,
        %slice3A_358 = vector.extract_strided_slice %get3A_213 {offsets = [10], sizes = [1], strides = [1]} : vector<16xf32> to vector<1xf32>
        %squeeze3A_359 = vector.extract %slice3A_358[0] : f32 from vector<1xf32>
        %mul3A_360 = vector.broadcast %squeeze3A_359 : f32 to vector<16xf32>
        %mul3A_361 = arith.mulf %get3A_357, %mul3A_360 : vector<16xf32>
        %swap3A_362 = arith.index_cast %add3A_354 : i32 to index
        %swap3A_363 = arith.constant 0 : index
        %swap3A_364 = tpu.vector_load %arg17[%swap3A_362, %swap3A_363] {strides = array<i32>} : memref<128x16xf32, #tpu.memory_space<vmem>>, vector<16xf32>,
        tpu.vector_store %arg17[%swap3A_362, %swap3A_363], %mul3A_361 {strides = array<i32>} : memref<128x16xf32, #tpu.memory_space<vmem>>, vector<16xf32>,
        %mul3A_365 = arith.constant 16 : i32
        %mul3A_366 = arith.muli %scan3A_208, %mul3A_365 : i32
        %add3A_367 = arith.constant 11 : i32
        %add3A_368 = arith.addi %mul3A_366, %add3A_367 : i32
        %get3A_369 = arith.index_cast %add3A_368 : i32 to index
        %get3A_370 = arith.constant 0 : index
        %get3A_371 = tpu.vector_load %arg13[%get3A_369, %get3A_370] {strides = array<i32>} : memref<128x16xf32, #tpu.memory_space<vmem>>, vector<16xf32>,
        %slice3A_372 = vector.extract_strided_slice %get3A_213 {offsets = [11], sizes = [1], strides = [1]} : vector<16xf32> to vector<1xf32>
        %squeeze3A_373 = vector.extract %slice3A_372[0] : f32 from vector<1xf32>
        %mul3A_374 = vector.broadcast %squeeze3A_373 : f32 to vector<16xf32>
        %mul3A_375 = arith.mulf %get3A_371, %mul3A_374 : vector<16xf32>
        %swap3A_376 = arith.index_cast %add3A_368 : i32 to index
        %swap3A_377 = arith.constant 0 : index
        %swap3A_378 = tpu.vector_load %arg17[%swap3A_376, %swap3A_377] {strides = array<i32>} : memref<128x16xf32, #tpu.memory_space<vmem>>, vector<16xf32>,
        tpu.vector_store %arg17[%swap3A_376, %swap3A_377], %mul3A_375 {strides = array<i32>} : memref<128x16xf32, #tpu.memory_space<vmem>>, vector<16xf32>,
        %mul3A_379 = arith.constant 16 : i32
        %mul3A_380 = arith.muli %scan3A_208, %mul3A_379 : i32
        %add3A_381 = arith.constant 12 : i32
        %add3A_382 = arith.addi %mul3A_380, %add3A_381 : i32
        %get3A_383 = arith.index_cast %add3A_382 : i32 to index
        %get3A_384 = arith.constant 0 : index
        %get3A_385 = tpu.vector_load %arg13[%get3A_383, %get3A_384] {strides = array<i32>} : memref<128x16xf32, #tpu.memory_space<vmem>>, vector<16xf32>,
        %slice3A_386 = vector.extract_strided_slice %get3A_213 {offsets = [12], sizes = [1], strides = [1]} : vector<16xf32> to vector<1xf32>
        %squeeze3A_387 = vector.extract %slice3A_386[0] : f32 from vector<1xf32>
        %mul3A_388 = vector.broadcast %squeeze3A_387 : f32 to vector<16xf32>
        %mul3A_389 = arith.mulf %get3A_385, %mul3A_388 : vector<16xf32>
        %swap3A_390 = arith.index_cast %add3A_382 : i32 to index
        %swap3A_391 = arith.constant 0 : index
        %swap3A_392 = tpu.vector_load %arg17[%swap3A_390, %swap3A_391] {strides = array<i32>} : memref<128x16xf32, #tpu.memory_space<vmem>>, vector<16xf32>,
        tpu.vector_store %arg17[%swap3A_390, %swap3A_391], %mul3A_389 {strides = array<i32>} : memref<128x16xf32, #tpu.memory_space<vmem>>, vector<16xf32>,
        %mul3A_393 = arith.constant 16 : i32
        %mul3A_394 = arith.muli %scan3A_208, %mul3A_393 : i32
        %add3A_395 = arith.constant 13 : i32
        %add3A_396 = arith.addi %mul3A_394, %add3A_395 : i32
        %get3A_397 = arith.index_cast %add3A_396 : i32 to index
        %get3A_398 = arith.constant 0 : index
        %get3A_399 = tpu.vector_load %arg13[%get3A_397, %get3A_398] {strides = array<i32>} : memref<128x16xf32, #tpu.memory_space<vmem>>, vector<16xf32>,
        %slice3A_400 = vector.extract_strided_slice %get3A_213 {offsets = [13], sizes = [1], strides = [1]} : vector<16xf32> to vector<1xf32>
        %squeeze3A_401 = vector.extract %slice3A_400[0] : f32 from vector<1xf32>
        %mul3A_402 = vector.broadcast %squeeze3A_401 : f32 to vector<16xf32>
        %mul3A_403 = arith.mulf %get3A_399, %mul3A_402 : vector<16xf32>
        %swap3A_404 = arith.index_cast %add3A_396 : i32 to index
        %swap3A_405 = arith.constant 0 : index
        %swap3A_406 = tpu.vector_load %arg17[%swap3A_404, %swap3A_405] {strides = array<i32>} : memref<128x16xf32, #tpu.memory_space<vmem>>, vector<16xf32>,
        tpu.vector_store %arg17[%swap3A_404, %swap3A_405], %mul3A_403 {strides = array<i32>} : memref<128x16xf32, #tpu.memory_space<vmem>>, vector<16xf32>,
        %mul3A_407 = arith.constant 16 : i32
        %mul3A_408 = arith.muli %scan3A_208, %mul3A_407 : i32
        %add3A_409 = arith.constant 14 : i32
        %add3A_410 = arith.addi %mul3A_408, %add3A_409 : i32
        %get3A_411 = arith.index_cast %add3A_410 : i32 to index
        %get3A_412 = arith.constant 0 : index
        %get3A_413 = tpu.vector_load %arg13[%get3A_411, %get3A_412] {strides = array<i32>} : memref<128x16xf32, #tpu.memory_space<vmem>>, vector<16xf32>,
        %slice3A_414 = vector.extract_strided_slice %get3A_213 {offsets = [14], sizes = [1], strides = [1]} : vector<16xf32> to vector<1xf32>
        %squeeze3A_415 = vector.extract %slice3A_414[0] : f32 from vector<1xf32>
        %mul3A_416 = vector.broadcast %squeeze3A_415 : f32 to vector<16xf32>
        %mul3A_417 = arith.mulf %get3A_413, %mul3A_416 : vector<16xf32>
        %swap3A_418 = arith.index_cast %add3A_410 : i32 to index
        %swap3A_419 = arith.constant 0 : index
        %swap3A_420 = tpu.vector_load %arg17[%swap3A_418, %swap3A_419] {strides = array<i32>} : memref<128x16xf32, #tpu.memory_space<vmem>>, vector<16xf32>,
        tpu.vector_store %arg17[%swap3A_418, %swap3A_419], %mul3A_417 {strides = array<i32>} : memref<128x16xf32, #tpu.memory_space<vmem>>, vector<16xf32>,
        %mul3A_421 = arith.constant 16 : i32
        %mul3A_422 = arith.muli %scan3A_208, %mul3A_421 : i32
        %add3A_423 = arith.constant 15 : i32
        %add3A_424 = arith.addi %mul3A_422, %add3A_423 : i32
        %get3A_425 = arith.index_cast %add3A_424 : i32 to index
        %get3A_426 = arith.constant 0 : index
        %get3A_427 = tpu.vector_load %arg13[%get3A_425, %get3A_426] {strides = array<i32>} : memref<128x16xf32, #tpu.memory_space<vmem>>, vector<16xf32>,
        %slice3A_428 = vector.extract_strided_slice %get3A_213 {offsets = [15], sizes = [1], strides = [1]} : vector<16xf32> to vector<1xf32>
        %squeeze3A_429 = vector.extract %slice3A_428[0] : f32 from vector<1xf32>
        %mul3A_430 = vector.broadcast %squeeze3A_429 : f32 to vector<16xf32>
        %mul3A_431 = arith.mulf %get3A_427, %mul3A_430 : vector<16xf32>
        %swap3A_432 = arith.index_cast %add3A_424 : i32 to index
        %swap3A_433 = arith.constant 0 : index
        %swap3A_434 = tpu.vector_load %arg17[%swap3A_432, %swap3A_433] {strides = array<i32>} : memref<128x16xf32, #tpu.memory_space<vmem>>, vector<16xf32>,
        tpu.vector_store %arg17[%swap3A_432, %swap3A_433], %mul3A_431 {strides = array<i32>} : memref<128x16xf32, #tpu.memory_space<vmem>>, vector<16xf32>,
        %scan3A_435 = arith.constant 0 : i32
        scf.yield %scan3A_435 : i32
      }
      %scan3A_134 = arith.constant 8 : i32
      %dma_start3A_135 = arith.constant 0 : i32
      %dma_start3A_136 = tpu.memref_slice %arg10[%add3A_112, %dma_start3A_135] : memref<80x128xi32, #tpu.memory_space<vmem>> -> memref<1x128xi32, #tpu.memory_space<vmem>>
      %dma_start3A_137 = tpu.memref_squeeze %dma_start3A_136 : memref<1x128xi32, #tpu.memory_space<vmem>> -> memref<128xi32, #tpu.memory_space<vmem>>
      %dma_start3A_138 = arith.constant 0 : i32
      %dma_start3A_139 = arith.constant 0 : i32
      %dma_start3A_140 = tpu.memref_slice %arg7[%dma_start3A_138, %dma_start3A_139] : memref<10240x16xf32, #tpu.memory_space<vmem_shared>> -> memref<10240x16xf32, #tpu.memory_space<vmem_shared>>
      tpu.enqueue_indirect_dma source(%arg17 : memref<128x16xf32, #tpu.memory_space<vmem>>) target(%dma_start3A_140 : memref<10240x16xf32, #tpu.memory_space<vmem_shared>>) offsets(%dma_start3A_137 : memref<128xi32, #tpu.memory_space<vmem>>) semaphore(%arg25 : memref<!tpu.dma_semaphore, #tpu.memory_space<semaphore_mem>>) {add = true}
      %mul3A_141 = arith.constant 4 : i32
      %mul3A_142 = arith.muli %scan3A_74, %mul3A_141 : i32
      %add3A_143 = arith.constant 2 : i32
      %add3A_144 = arith.addi %mul3A_142, %add3A_143 : i32
      %dma_wait3A_145 = arith.constant 0 : i32
      %dma_wait3A_146 = tpu.memref_slice %arg9[%add3A_144, %dma_wait3A_145] : memref<80x128xi32, #tpu.memory_space<vmem>> -> memref<1x128xi32, #tpu.memory_space<vmem>>
      %dma_wait3A_147 = tpu.memref_squeeze %dma_wait3A_146 : memref<1x128xi32, #tpu.memory_space<vmem>> -> memref<128xi32, #tpu.memory_space<vmem>>
      %dma_wait3A_148 = arith.constant 0 : i32
      %dma_wait3A_149 = arith.constant 0 : i32
      %dma_wait3A_150 = tpu.memref_slice %arg8[%dma_wait3A_148, %dma_wait3A_149] : memref<10240x16xf32, #tpu.memory_space<vmem_shared>> -> memref<10240x16xf32, #tpu.memory_space<vmem_shared>>
      tpu.wait_indirect_dma semaphore(%arg22 : memref<!tpu.dma_semaphore, #tpu.memory_space<semaphore_mem>>) src(%dma_wait3A_150 : memref<10240x16xf32, #tpu.memory_space<vmem_shared>>) dst(%arg14 : memref<128x16xf32, #tpu.memory_space<vmem>>)
      %lt3A_151 = arith.constant 19 : i32
      %lt3A_152 = arith.cmpi slt, %scan3A_74, %lt3A_151 : i32
      %convert_element_type3A_153 = arith.extui %lt3A_152 : i1 to i32
      %cond3A_154 = arith.constant 0 : i32
      %cond3A_155 = arith.cmpi ne, %convert_element_type3A_153, %cond3A_154 : i32
      scf.if %cond3A_155 {
        %add3A_208 = arith.constant 3 : i32
        %add3A_209 = arith.addi %add3A_144, %add3A_208 : i32
        %dma_start3A_210 = arith.constant 0 : i32
        %dma_start3A_211 = tpu.memref_slice %arg9[%add3A_209, %dma_start3A_210] : memref<80x128xi32, #tpu.memory_space<vmem>> -> memref<1x128xi32, #tpu.memory_space<vmem>>
        %dma_start3A_212 = tpu.memref_squeeze %dma_start3A_211 : memref<1x128xi32, #tpu.memory_space<vmem>> -> memref<128xi32, #tpu.memory_space<vmem>>
        %dma_start3A_213 = arith.constant 0 : i32
        %dma_start3A_214 = arith.constant 0 : i32
        %dma_start3A_215 = tpu.memref_slice %arg8[%dma_start3A_213, %dma_start3A_214] : memref<10240x16xf32, #tpu.memory_space<vmem_shared>> -> memref<10240x16xf32, #tpu.memory_space<vmem_shared>>
        tpu.enqueue_indirect_dma source(%dma_start3A_215 : memref<10240x16xf32, #tpu.memory_space<vmem_shared>>) target(%arg13 : memref<128x16xf32, #tpu.memory_space<vmem>>) offsets(%dma_start3A_212 : memref<128xi32, #tpu.memory_space<vmem>>) semaphore(%arg21 : memref<!tpu.dma_semaphore, #tpu.memory_space<semaphore_mem>>)
      } else {
      }
      %ge3A_156 = arith.constant 1 : i32
      %ge3A_157 = arith.cmpi sge, %scan3A_74, %ge3A_156 : i32
      %convert_element_type3A_158 = arith.extui %ge3A_157 : i1 to i32
      %cond3A_159 = arith.constant 0 : i32
      %cond3A_160 = arith.cmpi ne, %convert_element_type3A_158, %cond3A_159 : i32
      scf.if %cond3A_160 {
        %dma_wait3A_208 = arith.constant 0 : i32
        %dma_wait3A_209 = tpu.memref_slice %arg10[%add3A_144, %dma_wait3A_208] : memref<80x128xi32, #tpu.memory_space<vmem>> -> memref<1x128xi32, #tpu.memory_space<vmem>>
        %dma_wait3A_210 = tpu.memref_squeeze %dma_wait3A_209 : memref<1x128xi32, #tpu.memory_space<vmem>> -> memref<128xi32, #tpu.memory_space<vmem>>
        %dma_wait3A_211 = arith.constant 0 : i32
        %dma_wait3A_212 = arith.constant 0 : i32
        %dma_wait3A_213 = tpu.memref_slice %arg7[%dma_wait3A_211, %dma_wait3A_212] : memref<10240x16xf32, #tpu.memory_space<vmem_shared>> -> memref<10240x16xf32, #tpu.memory_space<vmem_shared>>
        tpu.wait_indirect_dma semaphore(%arg26 : memref<!tpu.dma_semaphore, #tpu.memory_space<semaphore_mem>>) src(%arg18 : memref<128x16xf32, #tpu.memory_space<vmem>>) dst(%dma_wait3A_213 : memref<10240x16xf32, #tpu.memory_space<vmem_shared>>)
      } else {
      }
      %scan3A_161 = arith.constant 0 : i32
      %scan3A_162 = arith.constant 0 : i32
      %scan3A_163 = arith.constant 8 : i32
      %scan3A_164 = arith.addi %scan3A_162, %scan3A_163 : i32
      %scan3A_165 = arith.constant 1 : i32
      %scan3A_166 = scf.for %scan3A_208 = %scan3A_162 to %scan3A_164 step %scan3A_165 iter_args(%scan3A_209 = %scan3A_161) -> (i32)  : i32 {
        %mul3A_210 = arith.constant 16 : i32
        %mul3A_211 = arith.muli %scan3A_208, %mul3A_210 : i32
        %get3A = arith.index_cast %add3A_144 : i32 to index
        %get3A_212 = arith.index_cast %mul3A_211 : i32 to index
        %get3A_213 = tpu.vector_load %arg11[%get3A, %get3A_212] {strides = array<i32>} : memref<80x128xf32, #tpu.memory_space<vmem>>, vector<16xf32>,
        %mul3A_214 = arith.constant 16 : i32
        %mul3A_215 = arith.muli %scan3A_208, %mul3A_214 : i32
        %add3A_216 = arith.constant 0 : i32
        %add3A_217 = arith.addi %mul3A_215, %add3A_216 : i32
        %get3A_218 = arith.index_cast %add3A_217 : i32 to index
        %get3A_219 = arith.constant 0 : index
        %get3A_220 = tpu.vector_load %arg14[%get3A_218, %get3A_219] {strides = array<i32>} : memref<128x16xf32, #tpu.memory_space<vmem>>, vector<16xf32>,
        %slice3A = vector.extract_strided_slice %get3A_213 {offsets = [0], sizes = [1], strides = [1]} : vector<16xf32> to vector<1xf32>
        %squeeze3A = vector.extract %slice3A[0] : f32 from vector<1xf32>
        %mul3A_221 = vector.broadcast %squeeze3A : f32 to vector<16xf32>
        %mul3A_222 = arith.mulf %get3A_220, %mul3A_221 : vector<16xf32>
        %swap3A = arith.index_cast %add3A_217 : i32 to index
        %swap3A_223 = arith.constant 0 : index
        %swap3A_224 = tpu.vector_load %arg18[%swap3A, %swap3A_223] {strides = array<i32>} : memref<128x16xf32, #tpu.memory_space<vmem>>, vector<16xf32>,
        tpu.vector_store %arg18[%swap3A, %swap3A_223], %mul3A_222 {strides = array<i32>} : memref<128x16xf32, #tpu.memory_space<vmem>>, vector<16xf32>,
        %mul3A_225 = arith.constant 16 : i32
        %mul3A_226 = arith.muli %scan3A_208, %mul3A_225 : i32
        %add3A_227 = arith.constant 1 : i32
        %add3A_228 = arith.addi %mul3A_226, %add3A_227 : i32
        %get3A_229 = arith.index_cast %add3A_228 : i32 to index
        %get3A_230 = arith.constant 0 : index
        %get3A_231 = tpu.vector_load %arg14[%get3A_229, %get3A_230] {strides = array<i32>} : memref<128x16xf32, #tpu.memory_space<vmem>>, vector<16xf32>,
        %slice3A_232 = vector.extract_strided_slice %get3A_213 {offsets = [1], sizes = [1], strides = [1]} : vector<16xf32> to vector<1xf32>
        %squeeze3A_233 = vector.extract %slice3A_232[0] : f32 from vector<1xf32>
        %mul3A_234 = vector.broadcast %squeeze3A_233 : f32 to vector<16xf32>
        %mul3A_235 = arith.mulf %get3A_231, %mul3A_234 : vector<16xf32>
        %swap3A_236 = arith.index_cast %add3A_228 : i32 to index
        %swap3A_237 = arith.constant 0 : index
        %swap3A_238 = tpu.vector_load %arg18[%swap3A_236, %swap3A_237] {strides = array<i32>} : memref<128x16xf32, #tpu.memory_space<vmem>>, vector<16xf32>,
        tpu.vector_store %arg18[%swap3A_236, %swap3A_237], %mul3A_235 {strides = array<i32>} : memref<128x16xf32, #tpu.memory_space<vmem>>, vector<16xf32>,
        %mul3A_239 = arith.constant 16 : i32
        %mul3A_240 = arith.muli %scan3A_208, %mul3A_239 : i32
        %add3A_241 = arith.constant 2 : i32
        %add3A_242 = arith.addi %mul3A_240, %add3A_241 : i32
        %get3A_243 = arith.index_cast %add3A_242 : i32 to index
        %get3A_244 = arith.constant 0 : index
        %get3A_245 = tpu.vector_load %arg14[%get3A_243, %get3A_244] {strides = array<i32>} : memref<128x16xf32, #tpu.memory_space<vmem>>, vector<16xf32>,
        %slice3A_246 = vector.extract_strided_slice %get3A_213 {offsets = [2], sizes = [1], strides = [1]} : vector<16xf32> to vector<1xf32>
        %squeeze3A_247 = vector.extract %slice3A_246[0] : f32 from vector<1xf32>
        %mul3A_248 = vector.broadcast %squeeze3A_247 : f32 to vector<16xf32>
        %mul3A_249 = arith.mulf %get3A_245, %mul3A_248 : vector<16xf32>
        %swap3A_250 = arith.index_cast %add3A_242 : i32 to index
        %swap3A_251 = arith.constant 0 : index
        %swap3A_252 = tpu.vector_load %arg18[%swap3A_250, %swap3A_251] {strides = array<i32>} : memref<128x16xf32, #tpu.memory_space<vmem>>, vector<16xf32>,
        tpu.vector_store %arg18[%swap3A_250, %swap3A_251], %mul3A_249 {strides = array<i32>} : memref<128x16xf32, #tpu.memory_space<vmem>>, vector<16xf32>,
        %mul3A_253 = arith.constant 16 : i32
        %mul3A_254 = arith.muli %scan3A_208, %mul3A_253 : i32
        %add3A_255 = arith.constant 3 : i32
        %add3A_256 = arith.addi %mul3A_254, %add3A_255 : i32
        %get3A_257 = arith.index_cast %add3A_256 : i32 to index
        %get3A_258 = arith.constant 0 : index
        %get3A_259 = tpu.vector_load %arg14[%get3A_257, %get3A_258] {strides = array<i32>} : memref<128x16xf32, #tpu.memory_space<vmem>>, vector<16xf32>,
        %slice3A_260 = vector.extract_strided_slice %get3A_213 {offsets = [3], sizes = [1], strides = [1]} : vector<16xf32> to vector<1xf32>
        %squeeze3A_261 = vector.extract %slice3A_260[0] : f32 from vector<1xf32>
        %mul3A_262 = vector.broadcast %squeeze3A_261 : f32 to vector<16xf32>
        %mul3A_263 = arith.mulf %get3A_259, %mul3A_262 : vector<16xf32>
        %swap3A_264 = arith.index_cast %add3A_256 : i32 to index
        %swap3A_265 = arith.constant 0 : index
        %swap3A_266 = tpu.vector_load %arg18[%swap3A_264, %swap3A_265] {strides = array<i32>} : memref<128x16xf32, #tpu.memory_space<vmem>>, vector<16xf32>,
        tpu.vector_store %arg18[%swap3A_264, %swap3A_265], %mul3A_263 {strides = array<i32>} : memref<128x16xf32, #tpu.memory_space<vmem>>, vector<16xf32>,
        %mul3A_267 = arith.constant 16 : i32
        %mul3A_268 = arith.muli %scan3A_208, %mul3A_267 : i32
        %add3A_269 = arith.constant 4 : i32
        %add3A_270 = arith.addi %mul3A_268, %add3A_269 : i32
        %get3A_271 = arith.index_cast %add3A_270 : i32 to index
        %get3A_272 = arith.constant 0 : index
        %get3A_273 = tpu.vector_load %arg14[%get3A_271, %get3A_272] {strides = array<i32>} : memref<128x16xf32, #tpu.memory_space<vmem>>, vector<16xf32>,
        %slice3A_274 = vector.extract_strided_slice %get3A_213 {offsets = [4], sizes = [1], strides = [1]} : vector<16xf32> to vector<1xf32>
        %squeeze3A_275 = vector.extract %slice3A_274[0] : f32 from vector<1xf32>
        %mul3A_276 = vector.broadcast %squeeze3A_275 : f32 to vector<16xf32>
        %mul3A_277 = arith.mulf %get3A_273, %mul3A_276 : vector<16xf32>
        %swap3A_278 = arith.index_cast %add3A_270 : i32 to index
        %swap3A_279 = arith.constant 0 : index
        %swap3A_280 = tpu.vector_load %arg18[%swap3A_278, %swap3A_279] {strides = array<i32>} : memref<128x16xf32, #tpu.memory_space<vmem>>, vector<16xf32>,
        tpu.vector_store %arg18[%swap3A_278, %swap3A_279], %mul3A_277 {strides = array<i32>} : memref<128x16xf32, #tpu.memory_space<vmem>>, vector<16xf32>,
        %mul3A_281 = arith.constant 16 : i32
        %mul3A_282 = arith.muli %scan3A_208, %mul3A_281 : i32
        %add3A_283 = arith.constant 5 : i32
        %add3A_284 = arith.addi %mul3A_282, %add3A_283 : i32
        %get3A_285 = arith.index_cast %add3A_284 : i32 to index
        %get3A_286 = arith.constant 0 : index
        %get3A_287 = tpu.vector_load %arg14[%get3A_285, %get3A_286] {strides = array<i32>} : memref<128x16xf32, #tpu.memory_space<vmem>>, vector<16xf32>,
        %slice3A_288 = vector.extract_strided_slice %get3A_213 {offsets = [5], sizes = [1], strides = [1]} : vector<16xf32> to vector<1xf32>
        %squeeze3A_289 = vector.extract %slice3A_288[0] : f32 from vector<1xf32>
        %mul3A_290 = vector.broadcast %squeeze3A_289 : f32 to vector<16xf32>
        %mul3A_291 = arith.mulf %get3A_287, %mul3A_290 : vector<16xf32>
        %swap3A_292 = arith.index_cast %add3A_284 : i32 to index
        %swap3A_293 = arith.constant 0 : index
        %swap3A_294 = tpu.vector_load %arg18[%swap3A_292, %swap3A_293] {strides = array<i32>} : memref<128x16xf32, #tpu.memory_space<vmem>>, vector<16xf32>,
        tpu.vector_store %arg18[%swap3A_292, %swap3A_293], %mul3A_291 {strides = array<i32>} : memref<128x16xf32, #tpu.memory_space<vmem>>, vector<16xf32>,
        %mul3A_295 = arith.constant 16 : i32
        %mul3A_296 = arith.muli %scan3A_208, %mul3A_295 : i32
        %add3A_297 = arith.constant 6 : i32
        %add3A_298 = arith.addi %mul3A_296, %add3A_297 : i32
        %get3A_299 = arith.index_cast %add3A_298 : i32 to index
        %get3A_300 = arith.constant 0 : index
        %get3A_301 = tpu.vector_load %arg14[%get3A_299, %get3A_300] {strides = array<i32>} : memref<128x16xf32, #tpu.memory_space<vmem>>, vector<16xf32>,
        %slice3A_302 = vector.extract_strided_slice %get3A_213 {offsets = [6], sizes = [1], strides = [1]} : vector<16xf32> to vector<1xf32>
        %squeeze3A_303 = vector.extract %slice3A_302[0] : f32 from vector<1xf32>
        %mul3A_304 = vector.broadcast %squeeze3A_303 : f32 to vector<16xf32>
        %mul3A_305 = arith.mulf %get3A_301, %mul3A_304 : vector<16xf32>
        %swap3A_306 = arith.index_cast %add3A_298 : i32 to index
        %swap3A_307 = arith.constant 0 : index
        %swap3A_308 = tpu.vector_load %arg18[%swap3A_306, %swap3A_307] {strides = array<i32>} : memref<128x16xf32, #tpu.memory_space<vmem>>, vector<16xf32>,
        tpu.vector_store %arg18[%swap3A_306, %swap3A_307], %mul3A_305 {strides = array<i32>} : memref<128x16xf32, #tpu.memory_space<vmem>>, vector<16xf32>,
        %mul3A_309 = arith.constant 16 : i32
        %mul3A_310 = arith.muli %scan3A_208, %mul3A_309 : i32
        %add3A_311 = arith.constant 7 : i32
        %add3A_312 = arith.addi %mul3A_310, %add3A_311 : i32
        %get3A_313 = arith.index_cast %add3A_312 : i32 to index
        %get3A_314 = arith.constant 0 : index
        %get3A_315 = tpu.vector_load %arg14[%get3A_313, %get3A_314] {strides = array<i32>} : memref<128x16xf32, #tpu.memory_space<vmem>>, vector<16xf32>,
        %slice3A_316 = vector.extract_strided_slice %get3A_213 {offsets = [7], sizes = [1], strides = [1]} : vector<16xf32> to vector<1xf32>
        %squeeze3A_317 = vector.extract %slice3A_316[0] : f32 from vector<1xf32>
        %mul3A_318 = vector.broadcast %squeeze3A_317 : f32 to vector<16xf32>
        %mul3A_319 = arith.mulf %get3A_315, %mul3A_318 : vector<16xf32>
        %swap3A_320 = arith.index_cast %add3A_312 : i32 to index
        %swap3A_321 = arith.constant 0 : index
        %swap3A_322 = tpu.vector_load %arg18[%swap3A_320, %swap3A_321] {strides = array<i32>} : memref<128x16xf32, #tpu.memory_space<vmem>>, vector<16xf32>,
        tpu.vector_store %arg18[%swap3A_320, %swap3A_321], %mul3A_319 {strides = array<i32>} : memref<128x16xf32, #tpu.memory_space<vmem>>, vector<16xf32>,
        %mul3A_323 = arith.constant 16 : i32
        %mul3A_324 = arith.muli %scan3A_208, %mul3A_323 : i32
        %add3A_325 = arith.constant 8 : i32
        %add3A_326 = arith.addi %mul3A_324, %add3A_325 : i32
        %get3A_327 = arith.index_cast %add3A_326 : i32 to index
        %get3A_328 = arith.constant 0 : index
        %get3A_329 = tpu.vector_load %arg14[%get3A_327, %get3A_328] {strides = array<i32>} : memref<128x16xf32, #tpu.memory_space<vmem>>, vector<16xf32>,
        %slice3A_330 = vector.extract_strided_slice %get3A_213 {offsets = [8], sizes = [1], strides = [1]} : vector<16xf32> to vector<1xf32>
        %squeeze3A_331 = vector.extract %slice3A_330[0] : f32 from vector<1xf32>
        %mul3A_332 = vector.broadcast %squeeze3A_331 : f32 to vector<16xf32>
        %mul3A_333 = arith.mulf %get3A_329, %mul3A_332 : vector<16xf32>
        %swap3A_334 = arith.index_cast %add3A_326 : i32 to index
        %swap3A_335 = arith.constant 0 : index
        %swap3A_336 = tpu.vector_load %arg18[%swap3A_334, %swap3A_335] {strides = array<i32>} : memref<128x16xf32, #tpu.memory_space<vmem>>, vector<16xf32>,
        tpu.vector_store %arg18[%swap3A_334, %swap3A_335], %mul3A_333 {strides = array<i32>} : memref<128x16xf32, #tpu.memory_space<vmem>>, vector<16xf32>,
        %mul3A_337 = arith.constant 16 : i32
        %mul3A_338 = arith.muli %scan3A_208, %mul3A_337 : i32
        %add3A_339 = arith.constant 9 : i32
        %add3A_340 = arith.addi %mul3A_338, %add3A_339 : i32
        %get3A_341 = arith.index_cast %add3A_340 : i32 to index
        %get3A_342 = arith.constant 0 : index
        %get3A_343 = tpu.vector_load %arg14[%get3A_341, %get3A_342] {strides = array<i32>} : memref<128x16xf32, #tpu.memory_space<vmem>>, vector<16xf32>,
        %slice3A_344 = vector.extract_strided_slice %get3A_213 {offsets = [9], sizes = [1], strides = [1]} : vector<16xf32> to vector<1xf32>
        %squeeze3A_345 = vector.extract %slice3A_344[0] : f32 from vector<1xf32>
        %mul3A_346 = vector.broadcast %squeeze3A_345 : f32 to vector<16xf32>
        %mul3A_347 = arith.mulf %get3A_343, %mul3A_346 : vector<16xf32>
        %swap3A_348 = arith.index_cast %add3A_340 : i32 to index
        %swap3A_349 = arith.constant 0 : index
        %swap3A_350 = tpu.vector_load %arg18[%swap3A_348, %swap3A_349] {strides = array<i32>} : memref<128x16xf32, #tpu.memory_space<vmem>>, vector<16xf32>,
        tpu.vector_store %arg18[%swap3A_348, %swap3A_349], %mul3A_347 {strides = array<i32>} : memref<128x16xf32, #tpu.memory_space<vmem>>, vector<16xf32>,
        %mul3A_351 = arith.constant 16 : i32
        %mul3A_352 = arith.muli %scan3A_208, %mul3A_351 : i32
        %add3A_353 = arith.constant 10 : i32
        %add3A_354 = arith.addi %mul3A_352, %add3A_353 : i32
        %get3A_355 = arith.index_cast %add3A_354 : i32 to index
        %get3A_356 = arith.constant 0 : index
        %get3A_357 = tpu.vector_load %arg14[%get3A_355, %get3A_356] {strides = array<i32>} : memref<128x16xf32, #tpu.memory_space<vmem>>, vector<16xf32>,
        %slice3A_358 = vector.extract_strided_slice %get3A_213 {offsets = [10], sizes = [1], strides = [1]} : vector<16xf32> to vector<1xf32>
        %squeeze3A_359 = vector.extract %slice3A_358[0] : f32 from vector<1xf32>
        %mul3A_360 = vector.broadcast %squeeze3A_359 : f32 to vector<16xf32>
        %mul3A_361 = arith.mulf %get3A_357, %mul3A_360 : vector<16xf32>
        %swap3A_362 = arith.index_cast %add3A_354 : i32 to index
        %swap3A_363 = arith.constant 0 : index
        %swap3A_364 = tpu.vector_load %arg18[%swap3A_362, %swap3A_363] {strides = array<i32>} : memref<128x16xf32, #tpu.memory_space<vmem>>, vector<16xf32>,
        tpu.vector_store %arg18[%swap3A_362, %swap3A_363], %mul3A_361 {strides = array<i32>} : memref<128x16xf32, #tpu.memory_space<vmem>>, vector<16xf32>,
        %mul3A_365 = arith.constant 16 : i32
        %mul3A_366 = arith.muli %scan3A_208, %mul3A_365 : i32
        %add3A_367 = arith.constant 11 : i32
        %add3A_368 = arith.addi %mul3A_366, %add3A_367 : i32
        %get3A_369 = arith.index_cast %add3A_368 : i32 to index
        %get3A_370 = arith.constant 0 : index
        %get3A_371 = tpu.vector_load %arg14[%get3A_369, %get3A_370] {strides = array<i32>} : memref<128x16xf32, #tpu.memory_space<vmem>>, vector<16xf32>,
        %slice3A_372 = vector.extract_strided_slice %get3A_213 {offsets = [11], sizes = [1], strides = [1]} : vector<16xf32> to vector<1xf32>
        %squeeze3A_373 = vector.extract %slice3A_372[0] : f32 from vector<1xf32>
        %mul3A_374 = vector.broadcast %squeeze3A_373 : f32 to vector<16xf32>
        %mul3A_375 = arith.mulf %get3A_371, %mul3A_374 : vector<16xf32>
        %swap3A_376 = arith.index_cast %add3A_368 : i32 to index
        %swap3A_377 = arith.constant 0 : index
        %swap3A_378 = tpu.vector_load %arg18[%swap3A_376, %swap3A_377] {strides = array<i32>} : memref<128x16xf32, #tpu.memory_space<vmem>>, vector<16xf32>,
        tpu.vector_store %arg18[%swap3A_376, %swap3A_377], %mul3A_375 {strides = array<i32>} : memref<128x16xf32, #tpu.memory_space<vmem>>, vector<16xf32>,
        %mul3A_379 = arith.constant 16 : i32
        %mul3A_380 = arith.muli %scan3A_208, %mul3A_379 : i32
        %add3A_381 = arith.constant 12 : i32
        %add3A_382 = arith.addi %mul3A_380, %add3A_381 : i32
        %get3A_383 = arith.index_cast %add3A_382 : i32 to index
        %get3A_384 = arith.constant 0 : index
        %get3A_385 = tpu.vector_load %arg14[%get3A_383, %get3A_384] {strides = array<i32>} : memref<128x16xf32, #tpu.memory_space<vmem>>, vector<16xf32>,
        %slice3A_386 = vector.extract_strided_slice %get3A_213 {offsets = [12], sizes = [1], strides = [1]} : vector<16xf32> to vector<1xf32>
        %squeeze3A_387 = vector.extract %slice3A_386[0] : f32 from vector<1xf32>
        %mul3A_388 = vector.broadcast %squeeze3A_387 : f32 to vector<16xf32>
        %mul3A_389 = arith.mulf %get3A_385, %mul3A_388 : vector<16xf32>
        %swap3A_390 = arith.index_cast %add3A_382 : i32 to index
        %swap3A_391 = arith.constant 0 : index
        %swap3A_392 = tpu.vector_load %arg18[%swap3A_390, %swap3A_391] {strides = array<i32>} : memref<128x16xf32, #tpu.memory_space<vmem>>, vector<16xf32>,
        tpu.vector_store %arg18[%swap3A_390, %swap3A_391], %mul3A_389 {strides = array<i32>} : memref<128x16xf32, #tpu.memory_space<vmem>>, vector<16xf32>,
        %mul3A_393 = arith.constant 16 : i32
        %mul3A_394 = arith.muli %scan3A_208, %mul3A_393 : i32
        %add3A_395 = arith.constant 13 : i32
        %add3A_396 = arith.addi %mul3A_394, %add3A_395 : i32
        %get3A_397 = arith.index_cast %add3A_396 : i32 to index
        %get3A_398 = arith.constant 0 : index
        %get3A_399 = tpu.vector_load %arg14[%get3A_397, %get3A_398] {strides = array<i32>} : memref<128x16xf32, #tpu.memory_space<vmem>>, vector<16xf32>,
        %slice3A_400 = vector.extract_strided_slice %get3A_213 {offsets = [13], sizes = [1], strides = [1]} : vector<16xf32> to vector<1xf32>
        %squeeze3A_401 = vector.extract %slice3A_400[0] : f32 from vector<1xf32>
        %mul3A_402 = vector.broadcast %squeeze3A_401 : f32 to vector<16xf32>
        %mul3A_403 = arith.mulf %get3A_399, %mul3A_402 : vector<16xf32>
        %swap3A_404 = arith.index_cast %add3A_396 : i32 to index
        %swap3A_405 = arith.constant 0 : index
        %swap3A_406 = tpu.vector_load %arg18[%swap3A_404, %swap3A_405] {strides = array<i32>} : memref<128x16xf32, #tpu.memory_space<vmem>>, vector<16xf32>,
        tpu.vector_store %arg18[%swap3A_404, %swap3A_405], %mul3A_403 {strides = array<i32>} : memref<128x16xf32, #tpu.memory_space<vmem>>, vector<16xf32>,
        %mul3A_407 = arith.constant 16 : i32
        %mul3A_408 = arith.muli %scan3A_208, %mul3A_407 : i32
        %add3A_409 = arith.constant 14 : i32
        %add3A_410 = arith.addi %mul3A_408, %add3A_409 : i32
        %get3A_411 = arith.index_cast %add3A_410 : i32 to index
        %get3A_412 = arith.constant 0 : index
        %get3A_413 = tpu.vector_load %arg14[%get3A_411, %get3A_412] {strides = array<i32>} : memref<128x16xf32, #tpu.memory_space<vmem>>, vector<16xf32>,
        %slice3A_414 = vector.extract_strided_slice %get3A_213 {offsets = [14], sizes = [1], strides = [1]} : vector<16xf32> to vector<1xf32>
        %squeeze3A_415 = vector.extract %slice3A_414[0] : f32 from vector<1xf32>
        %mul3A_416 = vector.broadcast %squeeze3A_415 : f32 to vector<16xf32>
        %mul3A_417 = arith.mulf %get3A_413, %mul3A_416 : vector<16xf32>
        %swap3A_418 = arith.index_cast %add3A_410 : i32 to index
        %swap3A_419 = arith.constant 0 : index
        %swap3A_420 = tpu.vector_load %arg18[%swap3A_418, %swap3A_419] {strides = array<i32>} : memref<128x16xf32, #tpu.memory_space<vmem>>, vector<16xf32>,
        tpu.vector_store %arg18[%swap3A_418, %swap3A_419], %mul3A_417 {strides = array<i32>} : memref<128x16xf32, #tpu.memory_space<vmem>>, vector<16xf32>,
        %mul3A_421 = arith.constant 16 : i32
        %mul3A_422 = arith.muli %scan3A_208, %mul3A_421 : i32
        %add3A_423 = arith.constant 15 : i32
        %add3A_424 = arith.addi %mul3A_422, %add3A_423 : i32
        %get3A_425 = arith.index_cast %add3A_424 : i32 to index
        %get3A_426 = arith.constant 0 : index
        %get3A_427 = tpu.vector_load %arg14[%get3A_425, %get3A_426] {strides = array<i32>} : memref<128x16xf32, #tpu.memory_space<vmem>>, vector<16xf32>,
        %slice3A_428 = vector.extract_strided_slice %get3A_213 {offsets = [15], sizes = [1], strides = [1]} : vector<16xf32> to vector<1xf32>
        %squeeze3A_429 = vector.extract %slice3A_428[0] : f32 from vector<1xf32>
        %mul3A_430 = vector.broadcast %squeeze3A_429 : f32 to vector<16xf32>
        %mul3A_431 = arith.mulf %get3A_427, %mul3A_430 : vector<16xf32>
        %swap3A_432 = arith.index_cast %add3A_424 : i32 to index
        %swap3A_433 = arith.constant 0 : index
        %swap3A_434 = tpu.vector_load %arg18[%swap3A_432, %swap3A_433] {strides = array<i32>} : memref<128x16xf32, #tpu.memory_space<vmem>>, vector<16xf32>,
        tpu.vector_store %arg18[%swap3A_432, %swap3A_433], %mul3A_431 {strides = array<i32>} : memref<128x16xf32, #tpu.memory_space<vmem>>, vector<16xf32>,
        %scan3A_435 = arith.constant 0 : i32
        scf.yield %scan3A_435 : i32
      }
      %scan3A_167 = arith.constant 8 : i32
      %dma_start3A_168 = arith.constant 0 : i32
      %dma_start3A_169 = tpu.memref_slice %arg10[%add3A_144, %dma_start3A_168] : memref<80x128xi32, #tpu.memory_space<vmem>> -> memref<1x128xi32, #tpu.memory_space<vmem>>
      %dma_start3A_170 = tpu.memref_squeeze %dma_start3A_169 : memref<1x128xi32, #tpu.memory_space<vmem>> -> memref<128xi32, #tpu.memory_space<vmem>>
      %dma_start3A_171 = arith.constant 0 : i32
      %dma_start3A_172 = arith.constant 0 : i32
      %dma_start3A_173 = tpu.memref_slice %arg7[%dma_start3A_171, %dma_start3A_172] : memref<10240x16xf32, #tpu.memory_space<vmem_shared>> -> memref<10240x16xf32, #tpu.memory_space<vmem_shared>>
      tpu.enqueue_indirect_dma source(%arg18 : memref<128x16xf32, #tpu.memory_space<vmem>>) target(%dma_start3A_173 : memref<10240x16xf32, #tpu.memory_space<vmem_shared>>) offsets(%dma_start3A_170 : memref<128xi32, #tpu.memory_space<vmem>>) semaphore(%arg26 : memref<!tpu.dma_semaphore, #tpu.memory_space<semaphore_mem>>) {add = true}
      %mul3A_174 = arith.constant 4 : i32
      %mul3A_175 = arith.muli %scan3A_74, %mul3A_174 : i32
      %add3A_176 = arith.constant 3 : i32
      %add3A_177 = arith.addi %mul3A_175, %add3A_176 : i32
      %dma_wait3A_178 = arith.constant 0 : i32
      %dma_wait3A_179 = tpu.memref_slice %arg9[%add3A_177, %dma_wait3A_178] : memref<80x128xi32, #tpu.memory_space<vmem>> -> memref<1x128xi32, #tpu.memory_space<vmem>>
      %dma_wait3A_180 = tpu.memref_squeeze %dma_wait3A_179 : memref<1x128xi32, #tpu.memory_space<vmem>> -> memref<128xi32, #tpu.memory_space<vmem>>
      %dma_wait3A_181 = arith.constant 0 : i32
      %dma_wait3A_182 = arith.constant 0 : i32
      %dma_wait3A_183 = tpu.memref_slice %arg8[%dma_wait3A_181, %dma_wait3A_182] : memref<10240x16xf32, #tpu.memory_space<vmem_shared>> -> memref<10240x16xf32, #tpu.memory_space<vmem_shared>>
      tpu.wait_indirect_dma semaphore(%arg23 : memref<!tpu.dma_semaphore, #tpu.memory_space<semaphore_mem>>) src(%dma_wait3A_183 : memref<10240x16xf32, #tpu.memory_space<vmem_shared>>) dst(%arg15 : memref<128x16xf32, #tpu.memory_space<vmem>>)
      %lt3A_184 = arith.constant 19 : i32
      %lt3A_185 = arith.cmpi slt, %scan3A_74, %lt3A_184 : i32
      %convert_element_type3A_186 = arith.extui %lt3A_185 : i1 to i32
      %cond3A_187 = arith.constant 0 : i32
      %cond3A_188 = arith.cmpi ne, %convert_element_type3A_186, %cond3A_187 : i32
      scf.if %cond3A_188 {
        %add3A_208 = arith.constant 3 : i32
        %add3A_209 = arith.addi %add3A_177, %add3A_208 : i32
        %dma_start3A_210 = arith.constant 0 : i32
        %dma_start3A_211 = tpu.memref_slice %arg9[%add3A_209, %dma_start3A_210] : memref<80x128xi32, #tpu.memory_space<vmem>> -> memref<1x128xi32, #tpu.memory_space<vmem>>
        %dma_start3A_212 = tpu.memref_squeeze %dma_start3A_211 : memref<1x128xi32, #tpu.memory_space<vmem>> -> memref<128xi32, #tpu.memory_space<vmem>>
        %dma_start3A_213 = arith.constant 0 : i32
        %dma_start3A_214 = arith.constant 0 : i32
        %dma_start3A_215 = tpu.memref_slice %arg8[%dma_start3A_213, %dma_start3A_214] : memref<10240x16xf32, #tpu.memory_space<vmem_shared>> -> memref<10240x16xf32, #tpu.memory_space<vmem_shared>>
        tpu.enqueue_indirect_dma source(%dma_start3A_215 : memref<10240x16xf32, #tpu.memory_space<vmem_shared>>) target(%arg14 : memref<128x16xf32, #tpu.memory_space<vmem>>) offsets(%dma_start3A_212 : memref<128xi32, #tpu.memory_space<vmem>>) semaphore(%arg22 : memref<!tpu.dma_semaphore, #tpu.memory_space<semaphore_mem>>)
      } else {
      }
      %ge3A_189 = arith.constant 1 : i32
      %ge3A_190 = arith.cmpi sge, %scan3A_74, %ge3A_189 : i32
      %convert_element_type3A_191 = arith.extui %ge3A_190 : i1 to i32
      %cond3A_192 = arith.constant 0 : i32
      %cond3A_193 = arith.cmpi ne, %convert_element_type3A_191, %cond3A_192 : i32
      scf.if %cond3A_193 {
        %dma_wait3A_208 = arith.constant 0 : i32
        %dma_wait3A_209 = tpu.memref_slice %arg10[%add3A_177, %dma_wait3A_208] : memref<80x128xi32, #tpu.memory_space<vmem>> -> memref<1x128xi32, #tpu.memory_space<vmem>>
        %dma_wait3A_210 = tpu.memref_squeeze %dma_wait3A_209 : memref<1x128xi32, #tpu.memory_space<vmem>> -> memref<128xi32, #tpu.memory_space<vmem>>
        %dma_wait3A_211 = arith.constant 0 : i32
        %dma_wait3A_212 = arith.constant 0 : i32
        %dma_wait3A_213 = tpu.memref_slice %arg7[%dma_wait3A_211, %dma_wait3A_212] : memref<10240x16xf32, #tpu.memory_space<vmem_shared>> -> memref<10240x16xf32, #tpu.memory_space<vmem_shared>>
        tpu.wait_indirect_dma semaphore(%arg27 : memref<!tpu.dma_semaphore, #tpu.memory_space<semaphore_mem>>) src(%arg19 : memref<128x16xf32, #tpu.memory_space<vmem>>) dst(%dma_wait3A_213 : memref<10240x16xf32, #tpu.memory_space<vmem_shared>>)
      } else {
      }
      %scan3A_194 = arith.constant 0 : i32
      %scan3A_195 = arith.constant 0 : i32
      %scan3A_196 = arith.constant 8 : i32
      %scan3A_197 = arith.addi %scan3A_195, %scan3A_196 : i32
      %scan3A_198 = arith.constant 1 : i32
      %scan3A_199 = scf.for %scan3A_208 = %scan3A_195 to %scan3A_197 step %scan3A_198 iter_args(%scan3A_209 = %scan3A_194) -> (i32)  : i32 {
        %mul3A_210 = arith.constant 16 : i32
        %mul3A_211 = arith.muli %scan3A_208, %mul3A_210 : i32
        %get3A = arith.index_cast %add3A_177 : i32 to index
        %get3A_212 = arith.index_cast %mul3A_211 : i32 to index
        %get3A_213 = tpu.vector_load %arg11[%get3A, %get3A_212] {strides = array<i32>} : memref<80x128xf32, #tpu.memory_space<vmem>>, vector<16xf32>,
        %mul3A_214 = arith.constant 16 : i32
        %mul3A_215 = arith.muli %scan3A_208, %mul3A_214 : i32
        %add3A_216 = arith.constant 0 : i32
        %add3A_217 = arith.addi %mul3A_215, %add3A_216 : i32
        %get3A_218 = arith.index_cast %add3A_217 : i32 to index
        %get3A_219 = arith.constant 0 : index
        %get3A_220 = tpu.vector_load %arg15[%get3A_218, %get3A_219] {strides = array<i32>} : memref<128x16xf32, #tpu.memory_space<vmem>>, vector<16xf32>,
        %slice3A = vector.extract_strided_slice %get3A_213 {offsets = [0], sizes = [1], strides = [1]} : vector<16xf32> to vector<1xf32>
        %squeeze3A = vector.extract %slice3A[0] : f32 from vector<1xf32>
        %mul3A_221 = vector.broadcast %squeeze3A : f32 to vector<16xf32>
        %mul3A_222 = arith.mulf %get3A_220, %mul3A_221 : vector<16xf32>
        %swap3A = arith.index_cast %add3A_217 : i32 to index
        %swap3A_223 = arith.constant 0 : index
        %swap3A_224 = tpu.vector_load %arg19[%swap3A, %swap3A_223] {strides = array<i32>} : memref<128x16xf32, #tpu.memory_space<vmem>>, vector<16xf32>,
        tpu.vector_store %arg19[%swap3A, %swap3A_223], %mul3A_222 {strides = array<i32>} : memref<128x16xf32, #tpu.memory_space<vmem>>, vector<16xf32>,
        %mul3A_225 = arith.constant 16 : i32
        %mul3A_226 = arith.muli %scan3A_208, %mul3A_225 : i32
        %add3A_227 = arith.constant 1 : i32
        %add3A_228 = arith.addi %mul3A_226, %add3A_227 : i32
        %get3A_229 = arith.index_cast %add3A_228 : i32 to index
        %get3A_230 = arith.constant 0 : index
        %get3A_231 = tpu.vector_load %arg15[%get3A_229, %get3A_230] {strides = array<i32>} : memref<128x16xf32, #tpu.memory_space<vmem>>, vector<16xf32>,
        %slice3A_232 = vector.extract_strided_slice %get3A_213 {offsets = [1], sizes = [1], strides = [1]} : vector<16xf32> to vector<1xf32>
        %squeeze3A_233 = vector.extract %slice3A_232[0] : f32 from vector<1xf32>
        %mul3A_234 = vector.broadcast %squeeze3A_233 : f32 to vector<16xf32>
        %mul3A_235 = arith.mulf %get3A_231, %mul3A_234 : vector<16xf32>
        %swap3A_236 = arith.index_cast %add3A_228 : i32 to index
        %swap3A_237 = arith.constant 0 : index
        %swap3A_238 = tpu.vector_load %arg19[%swap3A_236, %swap3A_237] {strides = array<i32>} : memref<128x16xf32, #tpu.memory_space<vmem>>, vector<16xf32>,
        tpu.vector_store %arg19[%swap3A_236, %swap3A_237], %mul3A_235 {strides = array<i32>} : memref<128x16xf32, #tpu.memory_space<vmem>>, vector<16xf32>,
        %mul3A_239 = arith.constant 16 : i32
        %mul3A_240 = arith.muli %scan3A_208, %mul3A_239 : i32
        %add3A_241 = arith.constant 2 : i32
        %add3A_242 = arith.addi %mul3A_240, %add3A_241 : i32
        %get3A_243 = arith.index_cast %add3A_242 : i32 to index
        %get3A_244 = arith.constant 0 : index
        %get3A_245 = tpu.vector_load %arg15[%get3A_243, %get3A_244] {strides = array<i32>} : memref<128x16xf32, #tpu.memory_space<vmem>>, vector<16xf32>,
        %slice3A_246 = vector.extract_strided_slice %get3A_213 {offsets = [2], sizes = [1], strides = [1]} : vector<16xf32> to vector<1xf32>
        %squeeze3A_247 = vector.extract %slice3A_246[0] : f32 from vector<1xf32>
        %mul3A_248 = vector.broadcast %squeeze3A_247 : f32 to vector<16xf32>
        %mul3A_249 = arith.mulf %get3A_245, %mul3A_248 : vector<16xf32>
        %swap3A_250 = arith.index_cast %add3A_242 : i32 to index
        %swap3A_251 = arith.constant 0 : index
        %swap3A_252 = tpu.vector_load %arg19[%swap3A_250, %swap3A_251] {strides = array<i32>} : memref<128x16xf32, #tpu.memory_space<vmem>>, vector<16xf32>,
        tpu.vector_store %arg19[%swap3A_250, %swap3A_251], %mul3A_249 {strides = array<i32>} : memref<128x16xf32, #tpu.memory_space<vmem>>, vector<16xf32>,
        %mul3A_253 = arith.constant 16 : i32
        %mul3A_254 = arith.muli %scan3A_208, %mul3A_253 : i32
        %add3A_255 = arith.constant 3 : i32
        %add3A_256 = arith.addi %mul3A_254, %add3A_255 : i32
        %get3A_257 = arith.index_cast %add3A_256 : i32 to index
        %get3A_258 = arith.constant 0 : index
        %get3A_259 = tpu.vector_load %arg15[%get3A_257, %get3A_258] {strides = array<i32>} : memref<128x16xf32, #tpu.memory_space<vmem>>, vector<16xf32>,
        %slice3A_260 = vector.extract_strided_slice %get3A_213 {offsets = [3], sizes = [1], strides = [1]} : vector<16xf32> to vector<1xf32>
        %squeeze3A_261 = vector.extract %slice3A_260[0] : f32 from vector<1xf32>
        %mul3A_262 = vector.broadcast %squeeze3A_261 : f32 to vector<16xf32>
        %mul3A_263 = arith.mulf %get3A_259, %mul3A_262 : vector<16xf32>
        %swap3A_264 = arith.index_cast %add3A_256 : i32 to index
        %swap3A_265 = arith.constant 0 : index
        %swap3A_266 = tpu.vector_load %arg19[%swap3A_264, %swap3A_265] {strides = array<i32>} : memref<128x16xf32, #tpu.memory_space<vmem>>, vector<16xf32>,
        tpu.vector_store %arg19[%swap3A_264, %swap3A_265], %mul3A_263 {strides = array<i32>} : memref<128x16xf32, #tpu.memory_space<vmem>>, vector<16xf32>,
        %mul3A_267 = arith.constant 16 : i32
        %mul3A_268 = arith.muli %scan3A_208, %mul3A_267 : i32
        %add3A_269 = arith.constant 4 : i32
        %add3A_270 = arith.addi %mul3A_268, %add3A_269 : i32
        %get3A_271 = arith.index_cast %add3A_270 : i32 to index
        %get3A_272 = arith.constant 0 : index
        %get3A_273 = tpu.vector_load %arg15[%get3A_271, %get3A_272] {strides = array<i32>} : memref<128x16xf32, #tpu.memory_space<vmem>>, vector<16xf32>,
        %slice3A_274 = vector.extract_strided_slice %get3A_213 {offsets = [4], sizes = [1], strides = [1]} : vector<16xf32> to vector<1xf32>
        %squeeze3A_275 = vector.extract %slice3A_274[0] : f32 from vector<1xf32>
        %mul3A_276 = vector.broadcast %squeeze3A_275 : f32 to vector<16xf32>
        %mul3A_277 = arith.mulf %get3A_273, %mul3A_276 : vector<16xf32>
        %swap3A_278 = arith.index_cast %add3A_270 : i32 to index
        %swap3A_279 = arith.constant 0 : index
        %swap3A_280 = tpu.vector_load %arg19[%swap3A_278, %swap3A_279] {strides = array<i32>} : memref<128x16xf32, #tpu.memory_space<vmem>>, vector<16xf32>,
        tpu.vector_store %arg19[%swap3A_278, %swap3A_279], %mul3A_277 {strides = array<i32>} : memref<128x16xf32, #tpu.memory_space<vmem>>, vector<16xf32>,
        %mul3A_281 = arith.constant 16 : i32
        %mul3A_282 = arith.muli %scan3A_208, %mul3A_281 : i32
        %add3A_283 = arith.constant 5 : i32
        %add3A_284 = arith.addi %mul3A_282, %add3A_283 : i32
        %get3A_285 = arith.index_cast %add3A_284 : i32 to index
        %get3A_286 = arith.constant 0 : index
        %get3A_287 = tpu.vector_load %arg15[%get3A_285, %get3A_286] {strides = array<i32>} : memref<128x16xf32, #tpu.memory_space<vmem>>, vector<16xf32>,
        %slice3A_288 = vector.extract_strided_slice %get3A_213 {offsets = [5], sizes = [1], strides = [1]} : vector<16xf32> to vector<1xf32>
        %squeeze3A_289 = vector.extract %slice3A_288[0] : f32 from vector<1xf32>
        %mul3A_290 = vector.broadcast %squeeze3A_289 : f32 to vector<16xf32>
        %mul3A_291 = arith.mulf %get3A_287, %mul3A_290 : vector<16xf32>
        %swap3A_292 = arith.index_cast %add3A_284 : i32 to index
        %swap3A_293 = arith.constant 0 : index
        %swap3A_294 = tpu.vector_load %arg19[%swap3A_292, %swap3A_293] {strides = array<i32>} : memref<128x16xf32, #tpu.memory_space<vmem>>, vector<16xf32>,
        tpu.vector_store %arg19[%swap3A_292, %swap3A_293], %mul3A_291 {strides = array<i32>} : memref<128x16xf32, #tpu.memory_space<vmem>>, vector<16xf32>,
        %mul3A_295 = arith.constant 16 : i32
        %mul3A_296 = arith.muli %scan3A_208, %mul3A_295 : i32
        %add3A_297 = arith.constant 6 : i32
        %add3A_298 = arith.addi %mul3A_296, %add3A_297 : i32
        %get3A_299 = arith.index_cast %add3A_298 : i32 to index
        %get3A_300 = arith.constant 0 : index
        %get3A_301 = tpu.vector_load %arg15[%get3A_299, %get3A_300] {strides = array<i32>} : memref<128x16xf32, #tpu.memory_space<vmem>>, vector<16xf32>,
        %slice3A_302 = vector.extract_strided_slice %get3A_213 {offsets = [6], sizes = [1], strides = [1]} : vector<16xf32> to vector<1xf32>
        %squeeze3A_303 = vector.extract %slice3A_302[0] : f32 from vector<1xf32>
        %mul3A_304 = vector.broadcast %squeeze3A_303 : f32 to vector<16xf32>
        %mul3A_305 = arith.mulf %get3A_301, %mul3A_304 : vector<16xf32>
        %swap3A_306 = arith.index_cast %add3A_298 : i32 to index
        %swap3A_307 = arith.constant 0 : index
        %swap3A_308 = tpu.vector_load %arg19[%swap3A_306, %swap3A_307] {strides = array<i32>} : memref<128x16xf32, #tpu.memory_space<vmem>>, vector<16xf32>,
        tpu.vector_store %arg19[%swap3A_306, %swap3A_307], %mul3A_305 {strides = array<i32>} : memref<128x16xf32, #tpu.memory_space<vmem>>, vector<16xf32>,
        %mul3A_309 = arith.constant 16 : i32
        %mul3A_310 = arith.muli %scan3A_208, %mul3A_309 : i32
        %add3A_311 = arith.constant 7 : i32
        %add3A_312 = arith.addi %mul3A_310, %add3A_311 : i32
        %get3A_313 = arith.index_cast %add3A_312 : i32 to index
        %get3A_314 = arith.constant 0 : index
        %get3A_315 = tpu.vector_load %arg15[%get3A_313, %get3A_314] {strides = array<i32>} : memref<128x16xf32, #tpu.memory_space<vmem>>, vector<16xf32>,
        %slice3A_316 = vector.extract_strided_slice %get3A_213 {offsets = [7], sizes = [1], strides = [1]} : vector<16xf32> to vector<1xf32>
        %squeeze3A_317 = vector.extract %slice3A_316[0] : f32 from vector<1xf32>
        %mul3A_318 = vector.broadcast %squeeze3A_317 : f32 to vector<16xf32>
        %mul3A_319 = arith.mulf %get3A_315, %mul3A_318 : vector<16xf32>
        %swap3A_320 = arith.index_cast %add3A_312 : i32 to index
        %swap3A_321 = arith.constant 0 : index
        %swap3A_322 = tpu.vector_load %arg19[%swap3A_320, %swap3A_321] {strides = array<i32>} : memref<128x16xf32, #tpu.memory_space<vmem>>, vector<16xf32>,
        tpu.vector_store %arg19[%swap3A_320, %swap3A_321], %mul3A_319 {strides = array<i32>} : memref<128x16xf32, #tpu.memory_space<vmem>>, vector<16xf32>,
        %mul3A_323 = arith.constant 16 : i32
        %mul3A_324 = arith.muli %scan3A_208, %mul3A_323 : i32
        %add3A_325 = arith.constant 8 : i32
        %add3A_326 = arith.addi %mul3A_324, %add3A_325 : i32
        %get3A_327 = arith.index_cast %add3A_326 : i32 to index
        %get3A_328 = arith.constant 0 : index
        %get3A_329 = tpu.vector_load %arg15[%get3A_327, %get3A_328] {strides = array<i32>} : memref<128x16xf32, #tpu.memory_space<vmem>>, vector<16xf32>,
        %slice3A_330 = vector.extract_strided_slice %get3A_213 {offsets = [8], sizes = [1], strides = [1]} : vector<16xf32> to vector<1xf32>
        %squeeze3A_331 = vector.extract %slice3A_330[0] : f32 from vector<1xf32>
        %mul3A_332 = vector.broadcast %squeeze3A_331 : f32 to vector<16xf32>
        %mul3A_333 = arith.mulf %get3A_329, %mul3A_332 : vector<16xf32>
        %swap3A_334 = arith.index_cast %add3A_326 : i32 to index
        %swap3A_335 = arith.constant 0 : index
        %swap3A_336 = tpu.vector_load %arg19[%swap3A_334, %swap3A_335] {strides = array<i32>} : memref<128x16xf32, #tpu.memory_space<vmem>>, vector<16xf32>,
        tpu.vector_store %arg19[%swap3A_334, %swap3A_335], %mul3A_333 {strides = array<i32>} : memref<128x16xf32, #tpu.memory_space<vmem>>, vector<16xf32>,
        %mul3A_337 = arith.constant 16 : i32
        %mul3A_338 = arith.muli %scan3A_208, %mul3A_337 : i32
        %add3A_339 = arith.constant 9 : i32
        %add3A_340 = arith.addi %mul3A_338, %add3A_339 : i32
        %get3A_341 = arith.index_cast %add3A_340 : i32 to index
        %get3A_342 = arith.constant 0 : index
        %get3A_343 = tpu.vector_load %arg15[%get3A_341, %get3A_342] {strides = array<i32>} : memref<128x16xf32, #tpu.memory_space<vmem>>, vector<16xf32>,
        %slice3A_344 = vector.extract_strided_slice %get3A_213 {offsets = [9], sizes = [1], strides = [1]} : vector<16xf32> to vector<1xf32>
        %squeeze3A_345 = vector.extract %slice3A_344[0] : f32 from vector<1xf32>
        %mul3A_346 = vector.broadcast %squeeze3A_345 : f32 to vector<16xf32>
        %mul3A_347 = arith.mulf %get3A_343, %mul3A_346 : vector<16xf32>
        %swap3A_348 = arith.index_cast %add3A_340 : i32 to index
        %swap3A_349 = arith.constant 0 : index
        %swap3A_350 = tpu.vector_load %arg19[%swap3A_348, %swap3A_349] {strides = array<i32>} : memref<128x16xf32, #tpu.memory_space<vmem>>, vector<16xf32>,
        tpu.vector_store %arg19[%swap3A_348, %swap3A_349], %mul3A_347 {strides = array<i32>} : memref<128x16xf32, #tpu.memory_space<vmem>>, vector<16xf32>,
        %mul3A_351 = arith.constant 16 : i32
        %mul3A_352 = arith.muli %scan3A_208, %mul3A_351 : i32
        %add3A_353 = arith.constant 10 : i32
        %add3A_354 = arith.addi %mul3A_352, %add3A_353 : i32
        %get3A_355 = arith.index_cast %add3A_354 : i32 to index
        %get3A_356 = arith.constant 0 : index
        %get3A_357 = tpu.vector_load %arg15[%get3A_355, %get3A_356] {strides = array<i32>} : memref<128x16xf32, #tpu.memory_space<vmem>>, vector<16xf32>,
        %slice3A_358 = vector.extract_strided_slice %get3A_213 {offsets = [10], sizes = [1], strides = [1]} : vector<16xf32> to vector<1xf32>
        %squeeze3A_359 = vector.extract %slice3A_358[0] : f32 from vector<1xf32>
        %mul3A_360 = vector.broadcast %squeeze3A_359 : f32 to vector<16xf32>
        %mul3A_361 = arith.mulf %get3A_357, %mul3A_360 : vector<16xf32>
        %swap3A_362 = arith.index_cast %add3A_354 : i32 to index
        %swap3A_363 = arith.constant 0 : index
        %swap3A_364 = tpu.vector_load %arg19[%swap3A_362, %swap3A_363] {strides = array<i32>} : memref<128x16xf32, #tpu.memory_space<vmem>>, vector<16xf32>,
        tpu.vector_store %arg19[%swap3A_362, %swap3A_363], %mul3A_361 {strides = array<i32>} : memref<128x16xf32, #tpu.memory_space<vmem>>, vector<16xf32>,
        %mul3A_365 = arith.constant 16 : i32
        %mul3A_366 = arith.muli %scan3A_208, %mul3A_365 : i32
        %add3A_367 = arith.constant 11 : i32
        %add3A_368 = arith.addi %mul3A_366, %add3A_367 : i32
        %get3A_369 = arith.index_cast %add3A_368 : i32 to index
        %get3A_370 = arith.constant 0 : index
        %get3A_371 = tpu.vector_load %arg15[%get3A_369, %get3A_370] {strides = array<i32>} : memref<128x16xf32, #tpu.memory_space<vmem>>, vector<16xf32>,
        %slice3A_372 = vector.extract_strided_slice %get3A_213 {offsets = [11], sizes = [1], strides = [1]} : vector<16xf32> to vector<1xf32>
        %squeeze3A_373 = vector.extract %slice3A_372[0] : f32 from vector<1xf32>
        %mul3A_374 = vector.broadcast %squeeze3A_373 : f32 to vector<16xf32>
        %mul3A_375 = arith.mulf %get3A_371, %mul3A_374 : vector<16xf32>
        %swap3A_376 = arith.index_cast %add3A_368 : i32 to index
        %swap3A_377 = arith.constant 0 : index
        %swap3A_378 = tpu.vector_load %arg19[%swap3A_376, %swap3A_377] {strides = array<i32>} : memref<128x16xf32, #tpu.memory_space<vmem>>, vector<16xf32>,
        tpu.vector_store %arg19[%swap3A_376, %swap3A_377], %mul3A_375 {strides = array<i32>} : memref<128x16xf32, #tpu.memory_space<vmem>>, vector<16xf32>,
        %mul3A_379 = arith.constant 16 : i32
        %mul3A_380 = arith.muli %scan3A_208, %mul3A_379 : i32
        %add3A_381 = arith.constant 12 : i32
        %add3A_382 = arith.addi %mul3A_380, %add3A_381 : i32
        %get3A_383 = arith.index_cast %add3A_382 : i32 to index
        %get3A_384 = arith.constant 0 : index
        %get3A_385 = tpu.vector_load %arg15[%get3A_383, %get3A_384] {strides = array<i32>} : memref<128x16xf32, #tpu.memory_space<vmem>>, vector<16xf32>,
        %slice3A_386 = vector.extract_strided_slice %get3A_213 {offsets = [12], sizes = [1], strides = [1]} : vector<16xf32> to vector<1xf32>
        %squeeze3A_387 = vector.extract %slice3A_386[0] : f32 from vector<1xf32>
        %mul3A_388 = vector.broadcast %squeeze3A_387 : f32 to vector<16xf32>
        %mul3A_389 = arith.mulf %get3A_385, %mul3A_388 : vector<16xf32>
        %swap3A_390 = arith.index_cast %add3A_382 : i32 to index
        %swap3A_391 = arith.constant 0 : index
        %swap3A_392 = tpu.vector_load %arg19[%swap3A_390, %swap3A_391] {strides = array<i32>} : memref<128x16xf32, #tpu.memory_space<vmem>>, vector<16xf32>,
        tpu.vector_store %arg19[%swap3A_390, %swap3A_391], %mul3A_389 {strides = array<i32>} : memref<128x16xf32, #tpu.memory_space<vmem>>, vector<16xf32>,
        %mul3A_393 = arith.constant 16 : i32
        %mul3A_394 = arith.muli %scan3A_208, %mul3A_393 : i32
        %add3A_395 = arith.constant 13 : i32
        %add3A_396 = arith.addi %mul3A_394, %add3A_395 : i32
        %get3A_397 = arith.index_cast %add3A_396 : i32 to index
        %get3A_398 = arith.constant 0 : index
        %get3A_399 = tpu.vector_load %arg15[%get3A_397, %get3A_398] {strides = array<i32>} : memref<128x16xf32, #tpu.memory_space<vmem>>, vector<16xf32>,
        %slice3A_400 = vector.extract_strided_slice %get3A_213 {offsets = [13], sizes = [1], strides = [1]} : vector<16xf32> to vector<1xf32>
        %squeeze3A_401 = vector.extract %slice3A_400[0] : f32 from vector<1xf32>
        %mul3A_402 = vector.broadcast %squeeze3A_401 : f32 to vector<16xf32>
        %mul3A_403 = arith.mulf %get3A_399, %mul3A_402 : vector<16xf32>
        %swap3A_404 = arith.index_cast %add3A_396 : i32 to index
        %swap3A_405 = arith.constant 0 : index
        %swap3A_406 = tpu.vector_load %arg19[%swap3A_404, %swap3A_405] {strides = array<i32>} : memref<128x16xf32, #tpu.memory_space<vmem>>, vector<16xf32>,
        tpu.vector_store %arg19[%swap3A_404, %swap3A_405], %mul3A_403 {strides = array<i32>} : memref<128x16xf32, #tpu.memory_space<vmem>>, vector<16xf32>,
        %mul3A_407 = arith.constant 16 : i32
        %mul3A_408 = arith.muli %scan3A_208, %mul3A_407 : i32
        %add3A_409 = arith.constant 14 : i32
        %add3A_410 = arith.addi %mul3A_408, %add3A_409 : i32
        %get3A_411 = arith.index_cast %add3A_410 : i32 to index
        %get3A_412 = arith.constant 0 : index
        %get3A_413 = tpu.vector_load %arg15[%get3A_411, %get3A_412] {strides = array<i32>} : memref<128x16xf32, #tpu.memory_space<vmem>>, vector<16xf32>,
        %slice3A_414 = vector.extract_strided_slice %get3A_213 {offsets = [14], sizes = [1], strides = [1]} : vector<16xf32> to vector<1xf32>
        %squeeze3A_415 = vector.extract %slice3A_414[0] : f32 from vector<1xf32>
        %mul3A_416 = vector.broadcast %squeeze3A_415 : f32 to vector<16xf32>
        %mul3A_417 = arith.mulf %get3A_413, %mul3A_416 : vector<16xf32>
        %swap3A_418 = arith.index_cast %add3A_410 : i32 to index
        %swap3A_419 = arith.constant 0 : index
        %swap3A_420 = tpu.vector_load %arg19[%swap3A_418, %swap3A_419] {strides = array<i32>} : memref<128x16xf32, #tpu.memory_space<vmem>>, vector<16xf32>,
        tpu.vector_store %arg19[%swap3A_418, %swap3A_419], %mul3A_417 {strides = array<i32>} : memref<128x16xf32, #tpu.memory_space<vmem>>, vector<16xf32>,
        %mul3A_421 = arith.constant 16 : i32
        %mul3A_422 = arith.muli %scan3A_208, %mul3A_421 : i32
        %add3A_423 = arith.constant 15 : i32
        %add3A_424 = arith.addi %mul3A_422, %add3A_423 : i32
        %get3A_425 = arith.index_cast %add3A_424 : i32 to index
        %get3A_426 = arith.constant 0 : index
        %get3A_427 = tpu.vector_load %arg15[%get3A_425, %get3A_426] {strides = array<i32>} : memref<128x16xf32, #tpu.memory_space<vmem>>, vector<16xf32>,
        %slice3A_428 = vector.extract_strided_slice %get3A_213 {offsets = [15], sizes = [1], strides = [1]} : vector<16xf32> to vector<1xf32>
        %squeeze3A_429 = vector.extract %slice3A_428[0] : f32 from vector<1xf32>
        %mul3A_430 = vector.broadcast %squeeze3A_429 : f32 to vector<16xf32>
        %mul3A_431 = arith.mulf %get3A_427, %mul3A_430 : vector<16xf32>
        %swap3A_432 = arith.index_cast %add3A_424 : i32 to index
        %swap3A_433 = arith.constant 0 : index
        %swap3A_434 = tpu.vector_load %arg19[%swap3A_432, %swap3A_433] {strides = array<i32>} : memref<128x16xf32, #tpu.memory_space<vmem>>, vector<16xf32>,
        tpu.vector_store %arg19[%swap3A_432, %swap3A_433], %mul3A_431 {strides = array<i32>} : memref<128x16xf32, #tpu.memory_space<vmem>>, vector<16xf32>,
        %scan3A_435 = arith.constant 0 : i32
        scf.yield %scan3A_435 : i32
      }
      %scan3A_200 = arith.constant 8 : i32
      %dma_start3A_201 = arith.constant 0 : i32
      %dma_start3A_202 = tpu.memref_slice %arg10[%add3A_177, %dma_start3A_201] : memref<80x128xi32, #tpu.memory_space<vmem>> -> memref<1x128xi32, #tpu.memory_space<vmem>>
      %dma_start3A_203 = tpu.memref_squeeze %dma_start3A_202 : memref<1x128xi32, #tpu.memory_space<vmem>> -> memref<128xi32, #tpu.memory_space<vmem>>
      %dma_start3A_204 = arith.constant 0 : i32
      %dma_start3A_205 = arith.constant 0 : i32
      %dma_start3A_206 = tpu.memref_slice %arg7[%dma_start3A_204, %dma_start3A_205] : memref<10240x16xf32, #tpu.memory_space<vmem_shared>> -> memref<10240x16xf32, #tpu.memory_space<vmem_shared>>
      tpu.enqueue_indirect_dma source(%arg19 : memref<128x16xf32, #tpu.memory_space<vmem>>) target(%dma_start3A_206 : memref<10240x16xf32, #tpu.memory_space<vmem_shared>>) offsets(%dma_start3A_203 : memref<128xi32, #tpu.memory_space<vmem>>) semaphore(%arg27 : memref<!tpu.dma_semaphore, #tpu.memory_space<semaphore_mem>>) {add = true}
      %scan3A_207 = arith.constant 0 : i32
      scf.yield %scan3A_207 : i32
    }
    %scan3A_45 = arith.constant 20 : i32
    %dma_wait3A = arith.constant 76 : i32
    %dma_wait3A_46 = arith.constant 0 : i32
    %dma_wait3A_47 = tpu.memref_slice %arg10[%dma_wait3A, %dma_wait3A_46] : memref<80x128xi32, #tpu.memory_space<vmem>> -> memref<1x128xi32, #tpu.memory_space<vmem>>
    %dma_wait3A_48 = tpu.memref_squeeze %dma_wait3A_47 : memref<1x128xi32, #tpu.memory_space<vmem>> -> memref<128xi32, #tpu.memory_space<vmem>>
    %dma_wait3A_49 = arith.constant 0 : i32
    %dma_wait3A_50 = arith.constant 0 : i32
    %dma_wait3A_51 = tpu.memref_slice %arg7[%dma_wait3A_49, %dma_wait3A_50] : memref<10240x16xf32, #tpu.memory_space<vmem_shared>> -> memref<10240x16xf32, #tpu.memory_space<vmem_shared>>
    tpu.wait_indirect_dma semaphore(%arg24 : memref<!tpu.dma_semaphore, #tpu.memory_space<semaphore_mem>>) src(%arg16 : memref<128x16xf32, #tpu.memory_space<vmem>>) dst(%dma_wait3A_51 : memref<10240x16xf32, #tpu.memory_space<vmem_shared>>)
    %dma_wait3A_52 = arith.constant 77 : i32
    %dma_wait3A_53 = arith.constant 0 : i32
    %dma_wait3A_54 = tpu.memref_slice %arg10[%dma_wait3A_52, %dma_wait3A_53] : memref<80x128xi32, #tpu.memory_space<vmem>> -> memref<1x128xi32, #tpu.memory_space<vmem>>
    %dma_wait3A_55 = tpu.memref_squeeze %dma_wait3A_54 : memref<1x128xi32, #tpu.memory_space<vmem>> -> memref<128xi32, #tpu.memory_space<vmem>>
    %dma_wait3A_56 = arith.constant 0 : i32
    %dma_wait3A_57 = arith.constant 0 : i32
    %dma_wait3A_58 = tpu.memref_slice %arg7[%dma_wait3A_56, %dma_wait3A_57] : memref<10240x16xf32, #tpu.memory_space<vmem_shared>> -> memref<10240x16xf32, #tpu.memory_space<vmem_shared>>
    tpu.wait_indirect_dma semaphore(%arg25 : memref<!tpu.dma_semaphore, #tpu.memory_space<semaphore_mem>>) src(%arg17 : memref<128x16xf32, #tpu.memory_space<vmem>>) dst(%dma_wait3A_58 : memref<10240x16xf32, #tpu.memory_space<vmem_shared>>)
    %dma_wait3A_59 = arith.constant 78 : i32
    %dma_wait3A_60 = arith.constant 0 : i32
    %dma_wait3A_61 = tpu.memref_slice %arg10[%dma_wait3A_59, %dma_wait3A_60] : memref<80x128xi32, #tpu.memory_space<vmem>> -> memref<1x128xi32, #tpu.memory_space<vmem>>
    %dma_wait3A_62 = tpu.memref_squeeze %dma_wait3A_61 : memref<1x128xi32, #tpu.memory_space<vmem>> -> memref<128xi32, #tpu.memory_space<vmem>>
    %dma_wait3A_63 = arith.constant 0 : i32
    %dma_wait3A_64 = arith.constant 0 : i32
    %dma_wait3A_65 = tpu.memref_slice %arg7[%dma_wait3A_63, %dma_wait3A_64] : memref<10240x16xf32, #tpu.memory_space<vmem_shared>> -> memref<10240x16xf32, #tpu.memory_space<vmem_shared>>
    tpu.wait_indirect_dma semaphore(%arg26 : memref<!tpu.dma_semaphore, #tpu.memory_space<semaphore_mem>>) src(%arg18 : memref<128x16xf32, #tpu.memory_space<vmem>>) dst(%dma_wait3A_65 : memref<10240x16xf32, #tpu.memory_space<vmem_shared>>)
    %dma_wait3A_66 = arith.constant 79 : i32
    %dma_wait3A_67 = arith.constant 0 : i32
    %dma_wait3A_68 = tpu.memref_slice %arg10[%dma_wait3A_66, %dma_wait3A_67] : memref<80x128xi32, #tpu.memory_space<vmem>> -> memref<1x128xi32, #tpu.memory_space<vmem>>
    %dma_wait3A_69 = tpu.memref_squeeze %dma_wait3A_68 : memref<1x128xi32, #tpu.memory_space<vmem>> -> memref<128xi32, #tpu.memory_space<vmem>>
    %dma_wait3A_70 = arith.constant 0 : i32
    %dma_wait3A_71 = arith.constant 0 : i32
    %dma_wait3A_72 = tpu.memref_slice %arg7[%dma_wait3A_70, %dma_wait3A_71] : memref<10240x16xf32, #tpu.memory_space<vmem_shared>> -> memref<10240x16xf32, #tpu.memory_space<vmem_shared>>
    tpu.wait_indirect_dma semaphore(%arg27 : memref<!tpu.dma_semaphore, #tpu.memory_space<semaphore_mem>>) src(%arg19 : memref<128x16xf32, #tpu.memory_space<vmem>>) dst(%dma_wait3A_72 : memref<10240x16xf32, #tpu.memory_space<vmem_shared>>)
    %barrier3A_73 = arith.constant 0 : index
    tpu.barrier barrier_id(%barrier3A_73)
    "tpu.region"() ({
      %run_scoped3A = tpu.sem_alloc : memref<!tpu.dma_semaphore, #tpu.memory_space<semaphore_mem>>
      %dma_start3A_74 = arith.constant 0 : i32
      %dma_start3A_75 = arith.constant 0 : i32
      %dma_start3A_76 = tpu.memref_slice %arg6[%arg0, %dma_start3A_74, %dma_start3A_75] : memref<2x10240x16xf32, #tpu.memory_space<hbm>> -> memref<1x10240x16xf32, #tpu.memory_space<hbm>>
      %dma_start3A_77 = tpu.memref_squeeze %dma_start3A_76 : memref<1x10240x16xf32, #tpu.memory_space<hbm>> -> memref<10240x16xf32, #tpu.memory_space<hbm>>
      %dma_start3A_78 = arith.constant 0 : i32
      %dma_start3A_79 = tpu.memref_slice %dma_start3A_77[%mul3A_2, %dma_start3A_78] : memref<10240x16xf32, #tpu.memory_space<hbm>> -> memref<640x16xf32, #tpu.memory_space<hbm>>
      %dma_start3A_80 = arith.constant 0 : i32
      %dma_start3A_81 = tpu.memref_slice %arg7[%mul3A_2, %dma_start3A_80] : memref<10240x16xf32, #tpu.memory_space<vmem_shared>> -> memref<640x16xf32, #tpu.memory_space<vmem_shared>>
      tpu.enqueue_dma source(%dma_start3A_81 : memref<640x16xf32, #tpu.memory_space<vmem_shared>>) target(%dma_start3A_79 : memref<640x16xf32, #tpu.memory_space<hbm>>) target_semaphore(%run_scoped3A : memref<!tpu.dma_semaphore, #tpu.memory_space<semaphore_mem>>)
      %dma_wait3A_82 = arith.constant 0 : i32
      %dma_wait3A_83 = arith.constant 0 : i32
      %dma_wait3A_84 = tpu.memref_slice %arg6[%arg0, %dma_wait3A_82, %dma_wait3A_83] : memref<2x10240x16xf32, #tpu.memory_space<hbm>> -> memref<1x10240x16xf32, #tpu.memory_space<hbm>>
      %dma_wait3A_85 = tpu.memref_squeeze %dma_wait3A_84 : memref<1x10240x16xf32, #tpu.memory_space<hbm>> -> memref<10240x16xf32, #tpu.memory_space<hbm>>
      %dma_wait3A_86 = arith.constant 0 : i32
      %dma_wait3A_87 = tpu.memref_slice %dma_wait3A_85[%mul3A_2, %dma_wait3A_86] : memref<10240x16xf32, #tpu.memory_space<hbm>> -> memref<640x16xf32, #tpu.memory_space<hbm>>
      %dma_wait3A_88 = arith.constant 0 : i32
      %dma_wait3A_89 = tpu.memref_slice %arg7[%mul3A_2, %dma_wait3A_88] : memref<10240x16xf32, #tpu.memory_space<vmem_shared>> -> memref<640x16xf32, #tpu.memory_space<vmem_shared>>
      tpu.wait_dma2 semaphore(%run_scoped3A : memref<!tpu.dma_semaphore, #tpu.memory_space<semaphore_mem>>) src(%dma_wait3A_89 : memref<640x16xf32, #tpu.memory_space<vmem_shared>>) dst(%dma_wait3A_87 : memref<640x16xf32, #tpu.memory_space<hbm>>)
      tpu.yield
    }) : () -> ()
    return
  }
}

module attributes {stable_mosaic.version = 14 : i64} {
  func.func @_mm_body(%arg0: memref<10240x128xf32, #tpu.memory_space<vmem>>, %arg1: memref<128x16xf32, #tpu.memory_space<vmem>>, %arg2: memref<10240x16xf32, #tpu.memory_space<vmem>>) attributes {dimension_semantics = [], scalar_prefetch = 0 : i64, scratch_operands = 0 : i64, tpu.core_type = #tpu.core_type<tc>} {
    %get3A = arith.constant 0 : index
    %get3A_0 = arith.constant 0 : index
    %get3A_1 = vector.load %arg0[%get3A, %get3A_0] : memref<10240x128xf32, #tpu.memory_space<vmem>>, vector<10240x128xf32>
    %get3A_2 = arith.constant 0 : index
    %get3A_3 = arith.constant 0 : index
    %get3A_4 = vector.load %arg1[%get3A_2, %get3A_3] : memref<128x16xf32, #tpu.memory_space<vmem>>, vector<128x16xf32>
    %dot_general3A = arith.constant dense<0.000000e+00> : vector<10240x16xf32>
    %dot_general3A_5 = tpu.matmul %get3A_1, %get3A_4, %dot_general3A {dimension_numbers = #tpu.dot_dimension_numbers<[1], [0], [0], [1], [0, 0, 1, 1], [], []>, transpose_lhs_hint = false} : vector<10240x128xf32>, vector<128x16xf32>, vector<10240x16xf32> -> vector<10240x16xf32>
    %swap3A = arith.constant 0 : index
    %swap3A_6 = arith.constant 0 : index
    %swap3A_7 = vector.load %arg2[%swap3A, %swap3A_6] : memref<10240x16xf32, #tpu.memory_space<vmem>>, vector<10240x16xf32>
    tpu.vector_store %arg2[%swap3A, %swap3A_6], %dot_general3A_5 {strides = array<i32>} : memref<10240x16xf32, #tpu.memory_space<vmem>>, vector<10240x16xf32>,
    return
  }
}

module attributes {stable_mosaic.version = 14 : i64} {
  func.func @_comb_body(%arg0: memref<2x10240x16xf32, #tpu.memory_space<vmem>>, %arg1: memref<10240x1xf32, #tpu.memory_space<vmem>>, %arg2: memref<10240x16xf32, #tpu.memory_space<vmem>>, %arg3: memref<10240x16xf32, #tpu.memory_space<vmem>>) attributes {dimension_semantics = [], scalar_prefetch = 0 : i64, scratch_operands = 0 : i64, tpu.core_type = #tpu.core_type<tc>} {
    %get3A = arith.constant 0 : index
    %get3A_0 = arith.constant 0 : index
    %get3A_1 = vector.load %arg1[%get3A, %get3A_0] : memref<10240x1xf32, #tpu.memory_space<vmem>>, vector<10240x1xf32>
    %get3A_2 = arith.constant 0 : index
    %get3A_3 = arith.constant 0 : index
    %get3A_4 = vector.load %arg1[%get3A_2, %get3A_3] : memref<10240x1xf32, #tpu.memory_space<vmem>>, vector<10240x1xf32>
    %mul3A = arith.mulf %get3A_1, %get3A_4 : vector<10240x1xf32>
    %get3A_5 = arith.constant 0 : index
    %get3A_6 = arith.constant 0 : index
    %get3A_7 = arith.constant 0 : index
    %get3A_8 = vector.load %arg0[%get3A_5, %get3A_6, %get3A_7] : memref<2x10240x16xf32, #tpu.memory_space<vmem>>, vector<1x10240x16xf32>
    %get3A_9 = vector.shape_cast %get3A_8 : vector<1x10240x16xf32> to vector<10240x16xf32>
    %get3A_10 = arith.constant 1 : index
    %get3A_11 = arith.constant 0 : index
    %get3A_12 = arith.constant 0 : index
    %get3A_13 = vector.load %arg0[%get3A_10, %get3A_11, %get3A_12] : memref<2x10240x16xf32, #tpu.memory_space<vmem>>, vector<1x10240x16xf32>
    %get3A_14 = vector.shape_cast %get3A_13 : vector<1x10240x16xf32> to vector<10240x16xf32>
    %add3A = arith.addf %get3A_9, %get3A_14 : vector<10240x16xf32>
    %get3A_15 = arith.constant 0 : index
    %get3A_16 = arith.constant 0 : index
    %get3A_17 = vector.load %arg2[%get3A_15, %get3A_16] : memref<10240x16xf32, #tpu.memory_space<vmem>>, vector<10240x16xf32>
    %mul3A_18 = vector.broadcast %mul3A : vector<10240x1xf32> to vector<10240x16xf32>
    %mul3A_19 = arith.mulf %mul3A_18, %get3A_17 : vector<10240x16xf32>
    %add3A_20 = arith.addf %add3A, %mul3A_19 : vector<10240x16xf32>
    %swap3A = arith.constant 0 : index
    %swap3A_21 = arith.constant 0 : index
    %swap3A_22 = vector.load %arg3[%swap3A, %swap3A_21] : memref<10240x16xf32, #tpu.memory_space<vmem>>, vector<10240x16xf32>
    tpu.vector_store %arg3[%swap3A, %swap3A_21], %add3A_20 {strides = array<i32>} : memref<10240x16xf32, #tpu.memory_space<vmem>>, vector<10240x16xf32>,
    return
  }
}

module attributes {stable_mosaic.version = 14 : i64} {
  func.func @_final_body(%arg0: memref<2x10240x16xf32, #tpu.memory_space<vmem>>, %arg1: memref<10240x16xf32, #tpu.memory_space<vmem>>, %arg2: memref<10240x1xf32, #tpu.memory_space<vmem>>, %arg3: memref<16x40xf32, #tpu.memory_space<vmem>>, %arg4: memref<10240x40xf32, #tpu.memory_space<vmem>>) attributes {dimension_semantics = [], scalar_prefetch = 0 : i64, scratch_operands = 0 : i64, tpu.core_type = #tpu.core_type<tc>} {
    %get3A = arith.constant 0 : index
    %get3A_0 = arith.constant 0 : index
    %get3A_1 = vector.load %arg2[%get3A, %get3A_0] : memref<10240x1xf32, #tpu.memory_space<vmem>>, vector<10240x1xf32>
    %get3A_2 = arith.constant 0 : index
    %get3A_3 = arith.constant 0 : index
    %get3A_4 = vector.load %arg2[%get3A_2, %get3A_3] : memref<10240x1xf32, #tpu.memory_space<vmem>>, vector<10240x1xf32>
    %mul3A = arith.mulf %get3A_1, %get3A_4 : vector<10240x1xf32>
    %get3A_5 = arith.constant 0 : index
    %get3A_6 = arith.constant 0 : index
    %get3A_7 = arith.constant 0 : index
    %get3A_8 = vector.load %arg0[%get3A_5, %get3A_6, %get3A_7] : memref<2x10240x16xf32, #tpu.memory_space<vmem>>, vector<1x10240x16xf32>
    %get3A_9 = vector.shape_cast %get3A_8 : vector<1x10240x16xf32> to vector<10240x16xf32>
    %get3A_10 = arith.constant 1 : index
    %get3A_11 = arith.constant 0 : index
    %get3A_12 = arith.constant 0 : index
    %get3A_13 = vector.load %arg0[%get3A_10, %get3A_11, %get3A_12] : memref<2x10240x16xf32, #tpu.memory_space<vmem>>, vector<1x10240x16xf32>
    %get3A_14 = vector.shape_cast %get3A_13 : vector<1x10240x16xf32> to vector<10240x16xf32>
    %add3A = arith.addf %get3A_9, %get3A_14 : vector<10240x16xf32>
    %get3A_15 = arith.constant 0 : index
    %get3A_16 = arith.constant 0 : index
    %get3A_17 = vector.load %arg1[%get3A_15, %get3A_16] : memref<10240x16xf32, #tpu.memory_space<vmem>>, vector<10240x16xf32>
    %mul3A_18 = vector.broadcast %mul3A : vector<10240x1xf32> to vector<10240x16xf32>
    %mul3A_19 = arith.mulf %mul3A_18, %get3A_17 : vector<10240x16xf32>
    %add3A_20 = arith.addf %add3A, %mul3A_19 : vector<10240x16xf32>
    %get3A_21 = arith.constant 0 : index
    %get3A_22 = arith.constant 0 : index
    %get3A_23 = vector.load %arg3[%get3A_21, %get3A_22] : memref<16x40xf32, #tpu.memory_space<vmem>>, vector<16x40xf32>
    %dot_general3A = arith.constant dense<0.000000e+00> : vector<10240x40xf32>
    %dot_general3A_24 = tpu.matmul %add3A_20, %get3A_23, %dot_general3A {dimension_numbers = #tpu.dot_dimension_numbers<[1], [0], [0], [1], [0, 0, 1, 1], [], []>, transpose_lhs_hint = false} : vector<10240x16xf32>, vector<16x40xf32>, vector<10240x40xf32> -> vector<10240x40xf32>
    %reduce_max3A = arith.constant dense<0xFF800000> : vector<10240xf32>
    %reduce_max3A_25 = vector.multi_reduction <maximumf>, %dot_general3A_24, %reduce_max3A [1] : vector<10240x40xf32> to vector<10240xf32>
    %broadcast_in_dim3A = vector.shape_cast %reduce_max3A_25 : vector<10240xf32> to vector<10240x1xf32>
    %sub3A = vector.broadcast %broadcast_in_dim3A : vector<10240x1xf32> to vector<10240x40xf32>
    %sub3A_26 = arith.subf %dot_general3A_24, %sub3A : vector<10240x40xf32>
    %exp3A = math.exp %sub3A_26 : vector<10240x40xf32>
    %reduce_sum3A = arith.constant dense<0.000000e+00> : vector<10240xf32>
    %reduce_sum3A_27 = vector.multi_reduction <add>, %exp3A, %reduce_sum3A [1] : vector<10240x40xf32> to vector<10240xf32>
    %broadcast_in_dim3A_28 = vector.shape_cast %reduce_sum3A_27 : vector<10240xf32> to vector<10240x1xf32>
    %log3A = math.log %broadcast_in_dim3A_28 : vector<10240x1xf32>
    %sub3A_29 = vector.broadcast %log3A : vector<10240x1xf32> to vector<10240x40xf32>
    %sub3A_30 = arith.subf %sub3A_26, %sub3A_29 : vector<10240x40xf32>
    %swap3A = arith.constant 0 : index
    %swap3A_31 = arith.constant 0 : index
    %swap3A_32 = vector.load %arg4[%swap3A, %swap3A_31] : memref<10240x40xf32, #tpu.memory_space<vmem>>, vector<10240x40xf32>
    tpu.vector_store %arg4[%swap3A, %swap3A_31], %sub3A_30 {strides = array<i32>} : memref<10240x40xf32, #tpu.memory_space<vmem>>, vector<10240x40xf32>,
    return
  }
}

</mosaic_0001>

<sc_bundles>
// kernel: kernel.10.cloned.1.call-start
scs
__scs_entry_jumppad:
0x0: {  	(pc) =	sbr.rel $0x88, $3  }
0x1: {  	(tag) =	ssettag $0x0;
	lr =	simm.s32 $0x1  }
0x2: {  	[smem:$0x3F9C] =	sst lr;
	_ =	strace $0xD0000000  }
0x3: {  	_ = 	snop  }
0x4: {  	_ = 	snop  }
0x5: {  	_ = 	snop  }
0x6: {  	_ = 	snop  }
0x7: {  	_ = 	snop  }
__scs_overlays_trampoline_lowered:
0x8: {  	[smem:$0x3FAB] =	sst s0  }
0x9: {  	[smem:$0x3FAC] =	sst s1  }
0xa: {  	[smem:$0x3FAD] =	sst s2  }
0xb: {  	[smem:$0x3FAE] =	sst s3  }
0xc: {  	[smem:$0x3FAF] =	sst s4  }
0xd: {  	[smem:$0x3FB0] =	sst s5  }
0xe: {  	[smem:$0x3FB1] =	sst s6  }
0xf: {  	[smem:$0x3FB2] =	sst s7  }
0x10: {  	[smem:$0x3FB3] =	sst s8  }
0x11: {  	[smem:$0x3FB4] =	sst s9;
	s0 =	simm.s32 @!p0 $0x0  }
0x12: {  	s1 =	sld [smem:$0x3F9A];
	s0 =	simm.s32 @p0 $0x1  }
0x13: {  	[smem:$0x3FB5] =	sst s0;
	s0 =	simm.s32 @!p1 $0x0  }
0x14: {  	s2 =	sld [smem:$0x3F99];
	s0 =	simm.s32 @p1 $0x1  }
0x15: {  	[smem:$0x3FB6] =	sst s0;
	s0 =	simm.s32 @!p2 $0x0  }
0x16: {  	s3 =	sld [smem:$0x3FDB];
	s0 =	simm.s32 @p2 $0x1  }
0x17: {  	s4 =	simm.s32 $0x1BF5;
	[smem:$0x3FB8] =	sst s0  }
0x18: {  	s0 =	sld [smem:$0x3F9B];
	_ =	swait.ge [sflag:s4], $0x0  }
0x19: {  	s7 =	sld [smem:$0x3F9C]  }
0x1a: {  	s8 =	sadd.s32 $0xFFFFE003, lr  }
0x1b: {  	s9 =	sadd.s32 $0xFFFFFEF7, lr;
	s5 =	simm.s32 $0xFFFFFFFF;
	p2 =	slt.u32 s8, $0xFFFFF086  }
0x1c: {  	p1 =	slt.u32 s9, $0xF7A;
	s5 =	simm.s32 @!p2 $0x0  }
0x1d: {  	s5 =	simm.s32 @p1 $0x1;
	p0 =	seq.s32 s7, s2  }
0x1e: {  	s7 =	smul.u32 @!p0 $0xF7A, s2;
	p2 =	seq.s32 @!p0 s5, $0x0  }
0x1f: {  	s9 =	smul.u32 $0xF7A, s1;
	s8 =	simm.s32 @!p0 $0x1BF5;
	p2 =	por !p2, p0  }
0x20: {  	[sflag:s8] =	ssyncset.s32 @!p0 $0xFFFFF086;
	s6 =	sadd.s32 @!p0 s3, s7;
	s7 =	simm.s32 @!p0 $0x108  }
0x21: {  	s3 =	sadd.s32 s3, s9;
	s6 =	sadd.s32 @!p0 $0x88, s6;
	s7 =	simm.s32 @p2 $0x1082  }
0x22: {  	[simem:s7], [sflag:s8] =	dma.local @!p0 [hbm:s6], $0xF7A  }
0x23: {  	s9 =	sor.u32 $0xD0000000, s2;
	s6 =	simm.s32 $0x108;
	_ =	swait.ge @!p0 [sflag:s8], $0x0  }
0x24: {  	s3 =	sadd.s32 $0x88, s3;
	s6 =	simm.s32 @!p1 $0x1082;
	[sflag:s4] =	ssyncset.s32 $0xFFFFF086  }
0x25: {  	[simem:s6], [sflag:s4] =	dma.local [hbm:s3], $0xF7A  }
0x26: {  	[smem:$0x3F9C] =	sst s1;
	(tag) =	ssettag s2;
	_ =	strace s9  }
0x27: {  	s1 =	sld [smem:$0x3FAC]  }
0x28: {  	s2 =	sld [smem:$0x3FAD]  }
0x29: {  	s4 =	sld [smem:$0x3FAF]  }
0x2a: {  	p0 =	seq.s32 s5, $0x0;
	s5 =	sld [smem:$0x3FB0]  }
0x2b: {  	s6 =	sld [smem:$0x3FB1]  }
0x2c: {  	s7 =	sld [smem:$0x3FB2]  }
0x2d: {  	s3 =	simm.s32 $0x108;
	s8 =	sld [smem:$0x3FB3]  }
0x2e: {  	s3 =	simm.s32 @!p0 $0x1082;
	s9 =	sld [smem:$0x3FB4]  }
0x2f: {  	lr =	sadd.s32 s0, s3;
	s0 =	sld [smem:$0x3FAB]  }
0x30: {  	s3 =	sld [smem:$0x3FAE]  }
0x31: {  	[smem:$0x3FB7] =	sst s10  }
0x32: {  	s10 =	sld [smem:$0x3FB5];
	_ =	sdelay $0x3  }
0x33: {  	p0 =	seq.s32 s10, $0x1;
	s10 =	sld [smem:$0x3FB7];
	_ =	sdelay $0x3  }
0x34: {  	[smem:$0x3FB7] =	sst s10  }
0x35: {  	s10 =	sld [smem:$0x3FB6];
	_ =	sdelay $0x3  }
0x36: {  	p1 =	seq.s32 s10, $0x1;
	s10 =	sld [smem:$0x3FB7];
	_ =	sdelay $0x3  }
0x37: {  	[smem:$0x3FB7] =	sst s10  }
0x38: {  	s10 =	sld [smem:$0x3FB8]  }
0x39: {  	_ = 	snop;
	(pc) =	sbr.ind lr, $3  }
0x3a: {  	_ = 	snop  }
0x3b: {  	_ = 	snop  }
0x3c: {  	p2 =	seq.s32 s10, $0x1;
	s10 =	sld [smem:$0x3FB7]  }
0x3d: {  	_ =	shalt  }
0x3e: {  	_ =	shalt  }
0x3f: {  	_ =	shalt  }
0x40: {  	_ =	shalt  }
0x41: {  	_ =	shalt  }
0x42: {  	_ =	shalt  }
0x43: {  	_ =	shalt  }
0x44: {  	_ =	shalt  }
0x45: {  	_ =	shalt  }
0x46: {  	_ =	shalt  }
0x47: {  	_ =	shalt  }
0x48: {  	_ =	shalt  }
0x49: {  	_ =	shalt  }
0x4a: {  	_ =	shalt  }
0x4b: {  	_ =	shalt  }
0x4c: {  	_ =	shalt  }
0x4d: {  	_ =	shalt  }
0x4e: {  	_ =	shalt  }
0x4f: {  	_ =	shalt  }
0x50: {  	_ =	shalt  }
0x51: {  	_ =	shalt  }
0x52: {  	_ =	shalt  }
0x53: {  	_ =	shalt  }
0x54: {  	_ =	shalt  }
0x55: {  	_ =	shalt  }
0x56: {  	_ =	shalt  }
0x57: {  	_ =	shalt  }
0x58: {  	_ =	shalt  }
0x59: {  	_ =	shalt  }
0x5a: {  	_ =	shalt  }
0x5b: {  	_ =	shalt  }
0x5c: {  	_ =	shalt  }
0x5d: {  	_ =	shalt  }
0x5e: {  	_ =	shalt  }
0x5f: {  	_ =	shalt  }
0x60: {  	_ =	shalt  }
0x61: {  	_ =	shalt  }
0x62: {  	_ =	shalt  }
0x63: {  	_ =	shalt  }
0x64: {  	_ =	shalt  }
0x65: {  	_ =	shalt  }
0x66: {  	_ =	shalt  }
0x67: {  	_ =	shalt  }
0x68: {  	_ =	shalt  }
0x69: {  	_ =	shalt  }
0x6a: {  	_ =	shalt  }
0x6b: {  	_ =	shalt  }
0x6c: {  	_ =	shalt  }
0x6d: {  	_ =	shalt  }
0x6e: {  	_ =	shalt  }
0x6f: {  	_ =	shalt  }
0x70: {  	_ =	shalt  }
0x71: {  	_ =	shalt  }
0x72: {  	_ =	shalt  }
0x73: {  	_ =	shalt  }
0x74: {  	_ =	shalt  }
0x75: {  	_ =	shalt  }
0x76: {  	_ =	shalt  }
0x77: {  	_ =	shalt  }
0x78: {  	_ =	shalt  }
0x79: {  	_ =	shalt  }
0x7a: {  	_ =	shalt  }
0x7b: {  	_ =	shalt  }
0x7c: {  	_ =	shalt  }
0x7d: {  	_ =	shalt  }
0x7e: {  	_ =	shalt  }
0x7f: {  	_ =	shalt  }
0x80: {  	_ =	shalt  }
0x81: {  	_ =	shalt  }
0x82: {  	_ =	shalt  }
0x83: {  	_ =	shalt  }
0x84: {  	_ =	shalt  }
0x85: {  	_ =	shalt  }
0x86: {  	_ =	shalt  }
0x87: {  	_ =	shalt  }
.Lfunc_end0:
.L_simem_size_0:
called_computation.1_lowered:
.L_overlay_start_0:
0x88: {  	s2 =	sld [smem:$0x3FD9]  }
0x89: {  	s3 =	sld [smem:$0x3FFE];
	_ =	sdelay $0x1  }
0x8a: {  	s1 =	srdreg.scid  }
0x8b: {  	s0 =	sand.u32 $0x1, s1  }
0x8c: {  	s17 =	sshll.u32 s0, $0xA;
	s2 =	sadd.s32 s3, s2  }
0x8d: {  	s2 =	sadd.s32 s2, s17  }
0x8e: {  	[smem:$0x3FC3] =	sst s2  }
0x8f: {  	_ = 	snop  }
0x90: {  	s2 =	sld [smem:$0x3FD0];
	(tm) =	ssettm $0x1  }
0x91: {  	s18 =	sld [smem:$0x3FFB];
	_ =	sdelay $0x3  }
0x92: {  	_ =	strace s18  }
0x93: {  	s3 =	sld [smem:$0x3FFC];
	_ =	sdelay $0x3  }
0x94: {  	_ =	strace s3  }
0x95: {  	s3 =	sld [smem:$0x3FFD];
	_ =	sdelay $0x3  }
0x96: {  	_ =	strace s3  }
0x97: {  	_ =	strace $0x8FFFFFFF  }
0x98: {  	s19 =	sld [smem:$0x3FDB];
	_ =	sdelay $0x1  }
0x99: {  	s4 =	simm.s32 $_scs_section_size  }
0x9a: {  	s5 =	simm.s32 $_size__tile_overlayer_lowered;
	s6 =	simm.s32 $_tile_overlayer_lowered  }
0x9b: {  	s22 =	simm.s32 $0x1BFF;
	s21 =	sshll.u32 s6, $0x1;
	s3 =	sadd.s32 s4, s19  }
0x9c: {  	s7 =	simm.s32 $0x0;
	s20 =	sshll.u32 s5, $0x1;
	s5 =	sadd.s32 s21, s3  }
0x9d: {  	[timem:s7], [sflag:s22] =	dma.local [hbm:s5], s20  }
0x9e: {  	_ =	swait.ge [sflag:s22], s20  }
0x9f: {  	s4 =	ssub.s32 $0x0, s20;
	[sflag:s22] =	ssyncset.done $0x0  }
0xa0: {  	[sflag:s22] =	ssyncadd.s32 s4;
	_ =	sdelay $0x1  }
0xa1: {  	s23 =	simm.s32 $0x1B8B  }
0xa2: {  	_ =	swait.ge [sflag:s23], $0x1  }
0xa3: {  	[sflag:s23] =	ssyncset.done $0x0  }
0xa4: {  	s25 =	simm.s32 $0x1B8E;
	s24 =	sld [smem:$0x3FFE];
	[sflag:s23] =	ssyncadd.s32 $0xFFFFFFFF  }
0xa5: {  	s26 =	simm.s32 $execute0_lowered;
	[smem:$0x3FD2] =	sst s25  }
0xa6: {  	s5 =	sshll.u32 s26, $0x1;
	_ =	strace $0x80000049;
	[dreg:$0x1] =	wrdreg $0xFFFFFFFF  }
0xa7: {  	s28 =	simm.s32 $_size_execute0_lowered;
	s3 =	sadd.s32 s3, s5;
	[dreg:$0x0] =	wrdreg $0x0  }
0xa8: {  	s5 =	sshll.u32 s28, $0x1;
	[dreg:$0x2] =	wrdreg s3  }
0xa9: {  	[dreg:$0x3] =	wrdreg s5  }
0xaa: {  	[dreg:$0x4] =	wrdreg $0xC0  }
0xab: {  	_ =	task [dreg:s7], $0x5FFFF  }
0xac: {  	[dreg:$0x1] =	wrdreg $0xFFFFFFFF  }
0xad: {  	[dreg:$0x0] =	wrdreg $0x60  }
0xae: {  	[dreg:$0x2] =	wrdreg s2  }
0xaf: {  	[dreg:$0x3] =	wrdreg s24  }
0xb0: {  	[dreg:$0x4] =	wrdreg $0x28000  }
0xb1: {  	[dreg:$0x5] =	wrdreg $0x0  }
0xb2: {  	[dreg:$0x6] =	wrdreg $0x9  }
0xb3: {  	_ =	task.clear_ibuf [dreg:s7], $0x7FFFF;
	_ =	strace $0x90000049  }
0xb4: {  	s29 =	simm.s32 $0x9;
	_ =	strace $0x8000004B  }
0xb5: {  	_ =	swait.ge [sflag:s29], $0x1  }
0xb6: {  	[sflag:s29] =	ssyncadd.s32 $0xFFFFFFFF  }
0xb7: {  	_ =	strace $0x9000004B  }
0xb8: {  	_ =	sfence  }
0xb9: {  	s30 =	sld [smem:$0x0];
	_ =	sdelay $0x2  }
0xba: {  	s31 =	sshll.u32 s1, $0xD;
	s1 =	sshrl.u32 s1, $0x2  }
0xbb: {  	s3 =	sand.u32 $0x4000, s31;
	s1 =	sadd.s32 s1, s30  }
0xbc: {  	s0 =	sor.u32 s3, s0;
	s1 =	sshll.u32 s1, $0x11  }
0xbd: {  	s0 =	sor.u32 s1, s0  }
0xbe: {  	s0 =	sadd.s32 $0x8F2B, s0  }
0xbf: {  	[sflag:s0] =	ssyncadd.remote.s32 $0x1  }
0xc0: {  	_ =	sfence.sel $0xFFFF  }
0xc1: {  	[dreg:$0x0] =	wrdreg $0xFFFFFFFF;
	(pc) =	sbr.abs _section_cstart, $3  }
0xc2: {  	[dreg:$0x1] =	wrdreg $0xFFFFFFFF  }
0xc3: {  	_ =	task.clear_ibuf [dreg:s7], $0x2FFFF;
	_ =	strace $0x9FFFFFFF  }
0xc4: {  	(tm) =	ssettm $0x7FFFFFFF  }
0xc5: {  	_ =	shalt  }
tec
execute0_lowered:
.L_overlay_start_1:
0x0: {  	(tag) =	ssettag $0x1  }
0x1: {  	s0 =	rddreg [dreg:$0x0]  }
0x2: {  	s1 =	rddreg [dreg:$0x1]  }
0x3: {  	s2 =	rddreg [dreg:$0x2]  }
0x4: {  	s4 =	srdreg.scid;
	s13 =	stileid.u32  }
0x5: {  	s3 =	rddreg [dreg:$0x3];
	s6 =	simm.s32 $0x0;
	s29 =	simm.s32 $0x1  }
0x6: {  	s30 =	simm.s32 $0xE000;
	s31 =	simm.s32 $0xE800;
	s28 =	simm.s32 $0x6  }
0x7: {  	s4 =	sand.u32 $0x1, s4;
	s5 =	sshll.u32 s13, $0x1;
	s14 =	smul.u32 $0x2800, s13  }
0x8: {  	[smem:$0x7FF] =	sst s6;
	s11 =	smul.u32 $0xA000, s13;
	s25 =	sshll.u32 s13, $0x6  }
0x9: {  	s6 =	simm.s32 $0x0;
	s5 =	sor.u32 s4, s5;
	s8 =	smul.u32 $0x5000, s4  }
0xa: {  	_ =	strace $0x8000004A;
	s4 =	ssub.s32 $0x2, s4;
	s5 =	smul.u32 $0x500, s5  }
0xb: {  	s9 =	sshrl.u32 s14, $0x3;
	s10 =	sshrl.u32 s4, $0x1;
	s16 =	sshrl.u32 s11, $0x2  }
0xc: {  	s18 =	sadd.s32 s14, s2;
	s11 =	sor.u32 $0x1C09, s25;
	s25 =	simm.s32 $0x10000  }
0xd: {  	s12 =	sadd.s32 s9, s1;
	s26 =	sshrl.u32 s18, $0x3;
	[dreg:$0xf] =	wrdreg s11  }
0xe: {  	s4 =	ssub.s32 s4, s10;
	s0 =	sadd.s32 s0, s5;
	[dreg:$0x10] =	wrdreg s26  }
0xf: {  	s10 =	simm.s32 $0x5000;
	s19 =	sadd.s32 $0xB200, s12;
	[dreg:$0x5] =	wrdreg s0  }
0x10: {  	s7 =	sadd.s32 s5, s1;
	s24 =	smax.u32 s4, $0x1;
	[dreg:$0x8] =	wrdreg s19  }
0x11: {  	s1 =	sadd.s32 s8, s1;
	s8 =	sadd.s32 s14, s3;
	[dreg:$0xe] =	wrdreg s24  }
0x12: {  	s18 =	simm.s32 $0xF800;
	s15 =	sadd.s32 $0x1200, s7;
	[dreg:$0x9] =	wrdreg s8  }
0x13: {  	s17 =	sadd.s32 $0x24800, s7;
	s0 =	sadd.s32 s16, s3;
	[dreg:$0x6] =	wrdreg s15  }
0x14: {  	s5 =	simm.s32 $0x7;
	[dreg:$0x7] =	wrdreg s17;
	s20 =	sadd.s32 $0x800, s0  }
0x15: {  	s23 =	sadd.s32 $0x10200, s1;
	s21 =	sadd.s32 $0x1000, s0;
	[dreg:$0xa] =	wrdreg s20  }
0x16: {  	s16 =	simm.s32 $0x9;
	s22 =	sadd.s32 $0x1800, s0;
	[dreg:$0xb] =	wrdreg s21  }
0x17: {  	s1 =	simm.s32 $0x2;
	s0 =	sadd.s32 $0x2000, s0;
	[dreg:$0xc] =	wrdreg s22  }
0x18: {  	s17 =	simm.s32 $0x3;
	s15 =	simm.s32 $0x8;
	[dreg:$0xd] =	wrdreg s0  }
0x19: {  	s21 =	simm.s32 $0xC800;
	s22 =	simm.s32 $0x80;
	s0 =	sadd.s32 s9, s23  }
0x1a: {  	v0 =	vimm.f32 $0.0e+00;
	s23 =	simm.s32 $0x4;
	[dreg:$0x11] =	wrdreg s0;
	s0 =	simm.s32 $0xF000  }
.LBB2_1:
0x1b: {  	s4 =	simm.s32 $0x0;
	s7 =	rddreg [dreg:$0x5]  }
0x1c: {  	[tilespmem:s10], [sflag:$0x9] =	stream.linear.gather [hbm4b:s7+s4], $0x2800, $0x38;
	[tilespmem:$0x10800] =	vst v63  }
0x1d: {  	_ =	swait.ge [sflag:s16], $0x2800  }
0x1e: {  	[sflag:s16] =	ssyncset.done $0x0  }
0x1f: {  	s9 =	simm.s32 $0x7800;
	s14 =	rddreg [dreg:$0x6];
	[sflag:s16] =	ssyncadd.s32 $0xFFFFD800  }
0x20: {  	[tilespmem:s9], [sflag:$0x9] =	stream.linear.gather [hbm4b:s14+s4], $0x2800, $0x38;
	[tilespmem:$0x10800] =	vst v63  }
0x21: {  	_ =	swait.ge [sflag:s16], $0x2800  }
0x22: {  	[sflag:s16] =	ssyncset.done $0x0  }
0x23: {  	s20 =	simm.s32 $0xA000;
	s19 =	rddreg [dreg:$0x7];
	[sflag:s16] =	ssyncadd.s32 $0xFFFFD800  }
0x24: {  	[tilespmem:s20], [sflag:$0x9] =	stream.linear.gather [hbm4b:s19+s4], $0x2800, $0x38;
	[tilespmem:$0x10800] =	vst v63  }
0x25: {  	_ =	swait.ge [sflag:s16], $0x2800  }
0x26: {  	[sflag:s16] =	ssyncset.done $0x0;
	s24 =	rddreg [dreg:$0x8]  }
0x27: {  	s26 =	rddreg [dreg:$0x10];
	[sflag:s16] =	ssyncadd.s32 $0xFFFFD800  }
0x28: {  	[spmem:s26], [sflag:s11] =	dma.local [hbm:s24], $0x500  }
0x29: {  	_ =	swait.ge [sflag:s16], $0x500  }
0x2a: {  	[sflag:s16] =	ssyncset.done $0x0  }
0x2b: {  	s7 =	simm.s32 $0x0;
	s4 =	simm.s32 $0x40;
	[sflag:s16] =	ssyncadd.s32 $0xFFFFFB00  }
.LBB2_2:
0x2c: {  	p0 =	sne.s32 s4, $0x1FC0;
	[tilespmem:s7+$0xC800] =	vst v0;
	s7 =	smov.u32 s4;
	s4 =	sadd.s32 $0x40, s4  }
.Ltmp0:
0x2d: {  	(pc) =	sbr.rel @p0 .LBB2_2-.Ltmp0, $2  }
0x2e: {  	_ =	sdelay $0x2  }
0x2f: {  	s7 =	sshra.s32 s7, $0x2  }
0x30: {  	[tilespmem:s7+$0xC800] =	vst v0  }
0x31: {  	[spmem:s8] =	stream.linear.scatter [tilespmem:s21], [sflag:$0x9], $0x800, $0x38;
	[tilespmem:$0x10800] =	vst v63  }
0x32: {  	_ =	swait.ge [sflag:s16], $0x800  }
0x33: {  	[sflag:s16] =	ssyncset.done $0x0  }
0x34: {  	s4 =	rddreg [dreg:$0xa];
	[sflag:s16] =	ssyncadd.s32 $0xFFFFF800  }
0x35: {  	[spmem:s4] =	stream.linear.scatter [tilespmem:s21], [sflag:$0x9], $0x800, $0x38;
	[tilespmem:$0x10800] =	vst v63  }
0x36: {  	_ =	swait.ge [sflag:s16], $0x800  }
0x37: {  	[sflag:s16] =	ssyncset.done $0x0  }
0x38: {  	s12 =	rddreg [dreg:$0xb];
	[sflag:s16] =	ssyncadd.s32 $0xFFFFF800  }
0x39: {  	[spmem:s12] =	stream.linear.scatter [tilespmem:s21], [sflag:$0x9], $0x800, $0x38;
	[tilespmem:$0x10800] =	vst v63  }
0x3a: {  	_ =	swait.ge [sflag:s16], $0x800  }
0x3b: {  	[sflag:s16] =	ssyncset.done $0x0  }
0x3c: {  	s13 =	rddreg [dreg:$0xc];
	[sflag:s16] =	ssyncadd.s32 $0xFFFFF800  }
0x3d: {  	[spmem:s13] =	stream.linear.scatter [tilespmem:s21], [sflag:$0x9], $0x800, $0x38;
	[tilespmem:$0x10800] =	vst v63  }
0x3e: {  	_ =	swait.ge [sflag:s16], $0x800  }
0x3f: {  	[sflag:s16] =	ssyncset.done $0x0  }
0x40: {  	s14 =	rddreg [dreg:$0xd];
	[sflag:s16] =	ssyncadd.s32 $0xFFFFF800  }
0x41: {  	[spmem:s14] =	stream.linear.scatter [tilespmem:s21], [sflag:$0x9], $0x800, $0x38;
	[tilespmem:$0x10800] =	vst v63  }
0x42: {  	_ =	swait.ge [sflag:s16], $0x800  }
0x43: {  	[sflag:s16] =	ssyncset.done $0x0  }
0x44: {  	s19 =	simm.s32 $0x5080;
	[sflag:s16] =	ssyncadd.s32 $0xFFFFF800  }
0x45: {  	s20 =	simm.s32 $0xD000;
	s24 =	simm.s32 $0x5100;
	[bflag:$0x0] =	sbarrier.arrive $0xFFFF  }
0x46: {  	[tilespmem:s21], [sflag:$0x1] =	stream.indirect.gather [spmem:s2], $0x10, s10, s22, $0xb8;
	[tilespmem:$0x10800] =	vst v63  }
0x47: {  	s26 =	simm.s32 $0xD800;
	s7 =	simm.s32 $0x0;
	s9 =	simm.s32 $0xA080  }
0x48: {  	[tilespmem:s20], [sflag:$0x2] =	stream.indirect.gather [spmem:s2], $0x10, s19, s22, $0xb8;
	[tilespmem:$0x10800] =	vst v63  }
0x49: {  	s11 =	simm.s32 $0xA100;
	s8 =	simm.s32 $0xA000;
	s12 =	simm.s32 $0xA180  }
0x4a: {  	[tilespmem:s26], [sflag:$0x3] =	stream.indirect.gather [spmem:s2], $0x10, s24, s22, $0xb8;
	[tilespmem:$0x10800] =	vst v63  }
.LBB2_4:
0x4b: {  	_ =	swait.ge [sflag:s29], $0x800  }
0x4c: {  	s4 =	sshll.u32 s7, $0x9;
	[sflag:s29] =	ssyncset.done $0x0  }
0x4d: {  	p0 =	seq.s32 s7, $0x0;
	s10 =	sadd.s32 $0x5180, s4;
	[sflag:s29] =	ssyncadd.s32 $0xFFFFF800  }
0x4e: {  	[tilespmem:s30], [sflag:$0x4] =	stream.indirect.gather [spmem:s2], $0x10, s10, s22, $0xb8;
	[tilespmem:$0x10800] =	vst v63  }
0x4f: {  	s10 =	simm.s32 @!p0 $0x5  }
0x50: {  	_ =	swait.ge @!p0 [sflag:s10], $0x800  }
0x51: {  	[sflag:s10] =	ssyncset.done @!p0 $0x0  }
0x52: {  	s20 =	simm.s32 $0x0;
	[sflag:s10] =	ssyncadd.s32 @!p0 $0xFFFFF800  }
0x53: {  	s14 =	sshll.u32 s7, $0xB;
	v2 =	vld [tilespmem:s20+$0xC800]  }
0x54: {  	s24 =	smov.u32 s8;
	s13 =	sor.u32 $0x180, s4;
	s4 =	simm.s32 $0x400;
	v1 =	vld [tilespmem:s8+$0x0]  }
.LBB2_5:
0x55: {  	p0 =	sne.s32 s4, $0x1C00;
	v3 =	vld [tilespmem:s20+$0xC810]  }
0x56: {  	v4 =	vld [tilespmem:s20+$0xC820]  }
0x57: {  	v5 =	vld [tilespmem:s20+$0xC830]  }
0x58: {  	v6 =	vld [tilespmem:s20+$0xC840]  }
0x59: {  	v7 =	vbroadcast v1, $0x0;
	v8 =	vbroadcast v1, $0x1;
	v9 =	vld [tilespmem:s20+$0xC850]  }
0x5a: {  	v10 =	vbroadcast v1, $0x2;
	v11 =	vbroadcast v1, $0x3;
	v12 =	vld [tilespmem:s20+$0xC860]  }
0x5b: {  	v2 =	vmul.f32 v7, v2;
	v3 =	vmul.f32 v3, v8;
	v7 =	vld [tilespmem:s20+$0xC870]  }
0x5c: {  	v4 =	vmul.f32 v4, v10;
	v5 =	vmul.f32 v5, v11;
	v8 =	vld [tilespmem:s20+$0xC880]  }
0x5d: {  	v10 =	vbroadcast v1, $0x5;
	[tilespmem:s20+$0xE800] =	vst v2;
	v2 =	vbroadcast v1, $0x4;
	v11 =	vld [tilespmem:s20+$0xC890]  }
0x5e: {  	v13 =	vbroadcast v1, $0x7;
	[tilespmem:s20+$0xE810] =	vst v3;
	v3 =	vbroadcast v1, $0x6;
	v14 =	vld [tilespmem:s20+$0xC8A0]  }
0x5f: {  	[tilespmem:s20+$0xE820] =	vst v4;
	v2 =	vmul.f32 v6, v2;
	v4 =	vmul.f32 v9, v10;
	v6 =	vld [tilespmem:s20+$0xC8B0]  }
0x60: {  	[tilespmem:s20+$0xE830] =	vst v5;
	v3 =	vmul.f32 v12, v3;
	v5 =	vmul.f32 v7, v13;
	v7 =	vld [tilespmem:s20+$0xC8C0]  }
0x61: {  	v9 =	vbroadcast v1, $0x9;
	[tilespmem:s20+$0xE840] =	vst v2;
	v2 =	vbroadcast v1, $0x8;
	v10 =	vld [tilespmem:s20+$0xC8D0]  }
0x62: {  	v12 =	vbroadcast v1, $0xB;
	[tilespmem:s20+$0xE850] =	vst v4;
	v4 =	vbroadcast v1, $0xA;
	v13 =	vld [tilespmem:s20+$0xC8E0]  }
0x63: {  	[tilespmem:s20+$0xE860] =	vst v3;
	v2 =	vmul.f32 v8, v2;
	v3 =	vmul.f32 v11, v9;
	v8 =	vld [tilespmem:s20+$0xC8F0]  }
0x64: {  	[tilespmem:s20+$0xE870] =	vst v5;
	v4 =	vmul.f32 v14, v4;
	v5 =	vmul.f32 v6, v12  }
0x65: {  	v6 =	vbroadcast v1, $0xD;
	[tilespmem:s20+$0xE880] =	vst v2;
	v2 =	vbroadcast v1, $0xC  }
0x66: {  	[tilespmem:s20+$0xE890] =	vst v3;
	v3 =	vbroadcast v1, $0xE;
	v1 =	vbroadcast v1, $0xF  }
0x67: {  	[tilespmem:s20+$0xE8A0] =	vst v4;
	v2 =	vmul.f32 v7, v2;
	v4 =	vmul.f32 v10, v6  }
0x68: {  	[tilespmem:s20+$0xE8B0] =	vst v5;
	v3 =	vmul.f32 v13, v3;
	v1 =	vmul.f32 v8, v1  }
.Ltmp1:
0x69: {  	[tilespmem:s20+$0xE8C0] =	vst v2;
	(pc) =	sbr.rel @p0 .LBB2_5-.Ltmp1, $4  }
0x6a: {  	[tilespmem:s20+$0xE8D0] =	vst v4  }
0x6b: {  	s10 =	sshra.s32 s4, $0x2;
	[tilespmem:s20+$0xE8E0] =	vst v3  }
0x6c: {  	s24 =	sadd.s32 $0x10, s24;
	v2 =	vld [tilespmem:s10+$0xC800];
	[tilespmem:s20+$0xE8F0] =	vst v1;
	s20 =	smov.u32 s10  }
0x6d: {  	s4 =	sadd.s32 $0x400, s4;
	v1 =	vld [tilespmem:s24+$0x0]  }
0x6e: {  	_ =	sdelay $0x1  }
0x6f: {  	v3 =	vld [tilespmem:s20+$0xC810]  }
0x70: {  	v4 =	vld [tilespmem:s20+$0xC820]  }
0x71: {  	v5 =	vld [tilespmem:s20+$0xC830];
	v7 =	vbroadcast v1, $0x0  }
0x72: {  	v6 =	vld [tilespmem:s20+$0xC840];
	v10 =	vbroadcast v1, $0x1  }
0x73: {  	v8 =	vld [tilespmem:s20+$0xC850];
	v12 =	vbroadcast v1, $0x2;
	v2 =	vmul.f32 v7, v2  }
0x74: {  	v9 =	vld [tilespmem:s20+$0xC860];
	v48 =	vbroadcast v1, $0x3;
	v3 =	vmul.f32 v3, v10  }
0x75: {  	v47 =	vld [tilespmem:s20+$0xC870];
	v49 =	vbroadcast v1, $0x4;
	v4 =	vmul.f32 v4, v12;
	[tilespmem:s20+$0xE800] =	vst v2  }
0x76: {  	v54 =	vld [tilespmem:s20+$0xC8D0];
	v51 =	vbroadcast v1, $0x5;
	v5 =	vmul.f32 v5, v48;
	[tilespmem:s20+$0xE810] =	vst v3  }
0x77: {  	v11 =	vld [tilespmem:s20+$0xC880];
	v53 =	vbroadcast v1, $0x6;
	v6 =	vmul.f32 v6, v49;
	[tilespmem:s20+$0xE820] =	vst v4  }
0x78: {  	v55 =	vbroadcast v1, $0x7;
	v8 =	vmul.f32 v8, v51;
	v2 =	vld [tilespmem:s20+$0xC890];
	[tilespmem:s20+$0xE830] =	vst v5  }
0x79: {  	v62 =	vbroadcast v1, $0xD;
	v9 =	vmul.f32 v9, v53;
	v3 =	vld [tilespmem:s20+$0xC8A0];
	[tilespmem:s20+$0xE840] =	vst v6  }
0x7a: {  	v50 =	vld [tilespmem:s20+$0xC8B0];
	v56 =	vbroadcast v1, $0x8;
	v7 =	vmul.f32 v47, v55;
	[tilespmem:s20+$0xE850] =	vst v8  }
0x7b: {  	v52 =	vld [tilespmem:s20+$0xC8C0];
	v58 =	vbroadcast v1, $0x9;
	v63 =	vmul.f32 v54, v62;
	[tilespmem:s20+$0xE860] =	vst v9  }
0x7c: {  	v57 =	vld [tilespmem:s20+$0xC8E0];
	v59 =	vbroadcast v1, $0xA;
	v8 =	vmul.f32 v11, v56;
	[tilespmem:s20+$0xE870] =	vst v7  }
0x7d: {  	v60 =	vld [tilespmem:s20+$0xC8F0];
	v13 =	vbroadcast v1, $0xB;
	[tilespmem:s20+$0xE8D0] =	vst v63;
	v2 =	vmul.f32 v2, v58  }
0x7e: {  	v61 =	vbroadcast v1, $0xC;
	[tilespmem:s20+$0xE880] =	vst v8;
	v3 =	vmul.f32 v3, v59  }
0x7f: {  	v4 =	vmul.f32 v50, v13;
	[tilespmem:s20+$0xE890] =	vst v2;
	v2 =	vbroadcast v1, $0xE  }
0x80: {  	[tilespmem:s20+$0xE8A0] =	vst v3;
	v3 =	vmul.f32 v52, v61;
	v1 =	vbroadcast v1, $0xF  }
0x81: {  	[tilespmem:s20+$0xE8B0] =	vst v4;
	v2 =	vmul.f32 v57, v2  }
0x82: {  	[tilespmem:s20+$0xE8C0] =	vst v3;
	v1 =	vmul.f32 v60, v1  }
0x83: {  	s4 =	sshra.s32 s14, $0x2;
	[tilespmem:s20+$0xE8E0] =	vst v2  }
0x84: {  	p0 =	seq.s32 s7, $0x13;
	s4 =	sadd.s32 $0x7800, s4;
	[tilespmem:s20+$0xE8F0] =	vst v1  }
0x85: {  	[spmem:s3] =	stream.indirect.scatter.add.f32 [tilespmem:s31], [sflag:$0x5], $0x10, s4, s22, $0xb8;
	[tilespmem:$0x10800] =	vst v63  }
0x86: {  	p1 =	seq.s32 @!p0 s7, $0x0;
	s10 =	simm.s32 @!p0 $0x80;
	_ =	swait.ge [sflag:s1], $0x800  }
0x87: {  	s24 =	simm.s32 @!p0 $0xC800;
	s20 =	sshra.s32 @!p0 s14, $0x2;
	[sflag:s1] =	ssyncset.done $0x0  }
0x88: {  	p1 =	por p0, !p1;
	s4 =	sadd.s32 @!p0 $0x5200, s20;
	[sflag:s1] =	ssyncadd.s32 $0xFFFFF800  }
0x89: {  	[tilespmem:s24], [sflag:$0x1] =	stream.indirect.gather @!p0 [spmem:s2], $0x10, s4, s10, $0xb8;
	[tilespmem:$0x10800] =	vst v63  }
0x8a: {  	_ =	swait.ge @p1 [sflag:s28], $0x800  }
0x8b: {  	[sflag:s28] =	ssyncset.done @p1 $0x0  }
0x8c: {  	s24 =	simm.s32 $0x0;
	[sflag:s28] =	ssyncadd.s32 @p1 $0xFFFFF800  }
0x8d: {  	v2 =	vld [tilespmem:s24+$0xD000]  }
0x8e: {  	s26 =	simm.s32 $0x400;
	s4 =	sor.u32 $0x200, s14;
	s10 =	smov.u32 s9;
	v1 =	vld [tilespmem:s9+$0x0]  }
.LBB2_7:
0x8f: {  	p2 =	sne.s32 s26, $0x1C00;
	v3 =	vld [tilespmem:s24+$0xD010]  }
0x90: {  	v4 =	vld [tilespmem:s24+$0xD020]  }
0x91: {  	v5 =	vld [tilespmem:s24+$0xD030]  }
0x92: {  	v6 =	vld [tilespmem:s24+$0xD040]  }
0x93: {  	v7 =	vbroadcast v1, $0x0;
	v8 =	vbroadcast v1, $0x1;
	v9 =	vld [tilespmem:s24+$0xD050]  }
0x94: {  	v10 =	vbroadcast v1, $0x2;
	v11 =	vbroadcast v1, $0x3;
	v12 =	vld [tilespmem:s24+$0xD060]  }
0x95: {  	v2 =	vmul.f32 v7, v2;
	v3 =	vmul.f32 v3, v8;
	v7 =	vld [tilespmem:s24+$0xD070]  }
0x96: {  	v4 =	vmul.f32 v4, v10;
	v5 =	vmul.f32 v5, v11;
	v8 =	vld [tilespmem:s24+$0xD080]  }
0x97: {  	v10 =	vbroadcast v1, $0x5;
	[tilespmem:s24+$0xF000] =	vst v2;
	v2 =	vbroadcast v1, $0x4;
	v11 =	vld [tilespmem:s24+$0xD090]  }
0x98: {  	v13 =	vbroadcast v1, $0x7;
	[tilespmem:s24+$0xF010] =	vst v3;
	v3 =	vbroadcast v1, $0x6;
	v14 =	vld [tilespmem:s24+$0xD0A0]  }
0x99: {  	[tilespmem:s24+$0xF020] =	vst v4;
	v2 =	vmul.f32 v6, v2;
	v4 =	vmul.f32 v9, v10;
	v6 =	vld [tilespmem:s24+$0xD0B0]  }
0x9a: {  	[tilespmem:s24+$0xF030] =	vst v5;
	v3 =	vmul.f32 v12, v3;
	v5 =	vmul.f32 v7, v13;
	v7 =	vld [tilespmem:s24+$0xD0C0]  }
0x9b: {  	v9 =	vbroadcast v1, $0x9;
	[tilespmem:s24+$0xF040] =	vst v2;
	v2 =	vbroadcast v1, $0x8;
	v10 =	vld [tilespmem:s24+$0xD0D0]  }
0x9c: {  	v12 =	vbroadcast v1, $0xB;
	[tilespmem:s24+$0xF050] =	vst v4;
	v4 =	vbroadcast v1, $0xA;
	v13 =	vld [tilespmem:s24+$0xD0E0]  }
0x9d: {  	[tilespmem:s24+$0xF060] =	vst v3;
	v2 =	vmul.f32 v8, v2;
	v3 =	vmul.f32 v11, v9;
	v8 =	vld [tilespmem:s24+$0xD0F0]  }
0x9e: {  	[tilespmem:s24+$0xF070] =	vst v5;
	v4 =	vmul.f32 v14, v4;
	v5 =	vmul.f32 v6, v12  }
0x9f: {  	v6 =	vbroadcast v1, $0xD;
	[tilespmem:s24+$0xF080] =	vst v2;
	v2 =	vbroadcast v1, $0xC  }
0xa0: {  	[tilespmem:s24+$0xF090] =	vst v3;
	v3 =	vbroadcast v1, $0xE;
	v1 =	vbroadcast v1, $0xF  }
0xa1: {  	[tilespmem:s24+$0xF0A0] =	vst v4;
	v2 =	vmul.f32 v7, v2;
	v4 =	vmul.f32 v10, v6  }
0xa2: {  	[tilespmem:s24+$0xF0B0] =	vst v5;
	v3 =	vmul.f32 v13, v3;
	v1 =	vmul.f32 v8, v1  }
.Ltmp2:
0xa3: {  	[tilespmem:s24+$0xF0C0] =	vst v2;
	(pc) =	sbr.rel @p2 .LBB2_7-.Ltmp2, $4  }
0xa4: {  	[tilespmem:s24+$0xF0D0] =	vst v4  }
0xa5: {  	s19 =	sshra.s32 s26, $0x2;
	[tilespmem:s24+$0xF0E0] =	vst v3  }
0xa6: {  	s10 =	sadd.s32 $0x10, s10;
	v2 =	vld [tilespmem:s19+$0xD000];
	[tilespmem:s24+$0xF0F0] =	vst v1;
	s24 =	smov.u32 s19  }
0xa7: {  	s26 =	sadd.s32 $0x400, s26;
	v1 =	vld [tilespmem:s10+$0x0]  }
0xa8: {  	_ =	sdelay $0x1  }
0xa9: {  	v3 =	vld [tilespmem:s24+$0xD010]  }
0xaa: {  	v4 =	vld [tilespmem:s24+$0xD020]  }
0xab: {  	v5 =	vld [tilespmem:s24+$0xD030];
	v7 =	vbroadcast v1, $0x0  }
0xac: {  	v6 =	vld [tilespmem:s24+$0xD040];
	v10 =	vbroadcast v1, $0x1  }
0xad: {  	v8 =	vld [tilespmem:s24+$0xD050];
	v12 =	vbroadcast v1, $0x2;
	v2 =	vmul.f32 v7, v2  }
0xae: {  	v9 =	vld [tilespmem:s24+$0xD060];
	v48 =	vbroadcast v1, $0x3;
	v3 =	vmul.f32 v3, v10  }
0xaf: {  	v47 =	vld [tilespmem:s24+$0xD070];
	v49 =	vbroadcast v1, $0x4;
	v4 =	vmul.f32 v4, v12;
	[tilespmem:s24+$0xF000] =	vst v2  }
0xb0: {  	v54 =	vld [tilespmem:s24+$0xD0D0];
	v51 =	vbroadcast v1, $0x5;
	v5 =	vmul.f32 v5, v48;
	[tilespmem:s24+$0xF010] =	vst v3  }
0xb1: {  	v11 =	vld [tilespmem:s24+$0xD080];
	v53 =	vbroadcast v1, $0x6;
	v6 =	vmul.f32 v6, v49;
	[tilespmem:s24+$0xF020] =	vst v4  }
0xb2: {  	v55 =	vbroadcast v1, $0x7;
	v8 =	vmul.f32 v8, v51;
	v2 =	vld [tilespmem:s24+$0xD090];
	[tilespmem:s24+$0xF030] =	vst v5  }
0xb3: {  	v62 =	vbroadcast v1, $0xD;
	v9 =	vmul.f32 v9, v53;
	v3 =	vld [tilespmem:s24+$0xD0A0];
	[tilespmem:s24+$0xF040] =	vst v6  }
0xb4: {  	v50 =	vld [tilespmem:s24+$0xD0B0];
	v56 =	vbroadcast v1, $0x8;
	v7 =	vmul.f32 v47, v55;
	[tilespmem:s24+$0xF050] =	vst v8  }
0xb5: {  	v52 =	vld [tilespmem:s24+$0xD0C0];
	v58 =	vbroadcast v1, $0x9;
	v63 =	vmul.f32 v54, v62;
	[tilespmem:s24+$0xF060] =	vst v9  }
0xb6: {  	v57 =	vld [tilespmem:s24+$0xD0E0];
	v59 =	vbroadcast v1, $0xA;
	v8 =	vmul.f32 v11, v56;
	[tilespmem:s24+$0xF070] =	vst v7  }
0xb7: {  	v60 =	vld [tilespmem:s24+$0xD0F0];
	v13 =	vbroadcast v1, $0xB;
	[tilespmem:s24+$0xF0D0] =	vst v63;
	v2 =	vmul.f32 v2, v58  }
0xb8: {  	v61 =	vbroadcast v1, $0xC;
	[tilespmem:s24+$0xF080] =	vst v8;
	v3 =	vmul.f32 v3, v59  }
0xb9: {  	v4 =	vmul.f32 v50, v13;
	[tilespmem:s24+$0xF090] =	vst v2;
	v2 =	vbroadcast v1, $0xE  }
0xba: {  	[tilespmem:s24+$0xF0A0] =	vst v3;
	v3 =	vmul.f32 v52, v61;
	v1 =	vbroadcast v1, $0xF  }
0xbb: {  	[tilespmem:s24+$0xF0B0] =	vst v4;
	v2 =	vmul.f32 v57, v2  }
0xbc: {  	[tilespmem:s24+$0xF0C0] =	vst v3;
	v1 =	vmul.f32 v60, v1  }
0xbd: {  	s4 =	sshra.s32 s4, $0x2;
	[tilespmem:s24+$0xF0E0] =	vst v2  }
0xbe: {  	s4 =	sadd.s32 $0x7800, s4;
	[tilespmem:s24+$0xF0F0] =	vst v1  }
0xbf: {  	[spmem:s3] =	stream.indirect.scatter.add.f32 [tilespmem:s0], [sflag:$0x6], $0x10, s4, s22, $0xb8;
	[tilespmem:$0x10800] =	vst v63  }
0xc0: {  	_ =	swait.ge [sflag:s17], $0x800  }
0xc1: {  	s10 =	simm.s32 @!p0 $0x80;
	[sflag:s17] =	ssyncset.done $0x0  }
0xc2: {  	s19 =	simm.s32 @!p0 $0xD000;
	s4 =	sadd.s32 @!p0 $0x5280, s20;
	[sflag:s17] =	ssyncadd.s32 $0xFFFFF800  }
0xc3: {  	[tilespmem:s19], [sflag:$0x2] =	stream.indirect.gather @!p0 [spmem:s2], $0x10, s4, s10, $0xb8;
	[tilespmem:$0x10800] =	vst v63  }
0xc4: {  	_ =	swait.ge @p1 [sflag:s5], $0x800  }
0xc5: {  	[sflag:s5] =	ssyncset.done @p1 $0x0  }
0xc6: {  	s24 =	simm.s32 $0x0;
	[sflag:s5] =	ssyncadd.s32 @p1 $0xFFFFF800  }
0xc7: {  	v2 =	vld [tilespmem:s24+$0xD800]  }
0xc8: {  	s4 =	sor.u32 $0x400, s14;
	s14 =	simm.s32 $0x400;
	s10 =	smov.u32 s11;
	v1 =	vld [tilespmem:s11+$0x0]  }
.LBB2_9:
0xc9: {  	p2 =	sne.s32 s14, $0x1C00;
	v3 =	vld [tilespmem:s24+$0xD810]  }
0xca: {  	v4 =	vld [tilespmem:s24+$0xD820]  }
0xcb: {  	v5 =	vld [tilespmem:s24+$0xD830]  }
0xcc: {  	v6 =	vld [tilespmem:s24+$0xD840]  }
0xcd: {  	v7 =	vbroadcast v1, $0x0;
	v8 =	vbroadcast v1, $0x1;
	v9 =	vld [tilespmem:s24+$0xD850]  }
0xce: {  	v10 =	vbroadcast v1, $0x2;
	v11 =	vbroadcast v1, $0x3;
	v12 =	vld [tilespmem:s24+$0xD860]  }
0xcf: {  	v2 =	vmul.f32 v7, v2;
	v3 =	vmul.f32 v3, v8;
	v7 =	vld [tilespmem:s24+$0xD870]  }
0xd0: {  	v4 =	vmul.f32 v4, v10;
	v5 =	vmul.f32 v5, v11;
	v8 =	vld [tilespmem:s24+$0xD880]  }
0xd1: {  	v10 =	vbroadcast v1, $0x5;
	[tilespmem:s24+$0xF800] =	vst v2;
	v2 =	vbroadcast v1, $0x4;
	v11 =	vld [tilespmem:s24+$0xD890]  }
0xd2: {  	v13 =	vbroadcast v1, $0x7;
	[tilespmem:s24+$0xF810] =	vst v3;
	v3 =	vbroadcast v1, $0x6;
	v14 =	vld [tilespmem:s24+$0xD8A0]  }
0xd3: {  	[tilespmem:s24+$0xF820] =	vst v4;
	v2 =	vmul.f32 v6, v2;
	v4 =	vmul.f32 v9, v10;
	v6 =	vld [tilespmem:s24+$0xD8B0]  }
0xd4: {  	[tilespmem:s24+$0xF830] =	vst v5;
	v3 =	vmul.f32 v12, v3;
	v5 =	vmul.f32 v7, v13;
	v7 =	vld [tilespmem:s24+$0xD8C0]  }
0xd5: {  	v9 =	vbroadcast v1, $0x9;
	[tilespmem:s24+$0xF840] =	vst v2;
	v2 =	vbroadcast v1, $0x8;
	v10 =	vld [tilespmem:s24+$0xD8D0]  }
0xd6: {  	v12 =	vbroadcast v1, $0xB;
	[tilespmem:s24+$0xF850] =	vst v4;
	v4 =	vbroadcast v1, $0xA;
	v13 =	vld [tilespmem:s24+$0xD8E0]  }
0xd7: {  	[tilespmem:s24+$0xF860] =	vst v3;
	v2 =	vmul.f32 v8, v2;
	v3 =	vmul.f32 v11, v9;
	v8 =	vld [tilespmem:s24+$0xD8F0]  }
0xd8: {  	[tilespmem:s24+$0xF870] =	vst v5;
	v4 =	vmul.f32 v14, v4;
	v5 =	vmul.f32 v6, v12  }
0xd9: {  	v6 =	vbroadcast v1, $0xD;
	[tilespmem:s24+$0xF880] =	vst v2;
	v2 =	vbroadcast v1, $0xC  }
0xda: {  	[tilespmem:s24+$0xF890] =	vst v3;
	v3 =	vbroadcast v1, $0xE;
	v1 =	vbroadcast v1, $0xF  }
0xdb: {  	[tilespmem:s24+$0xF8A0] =	vst v4;
	v2 =	vmul.f32 v7, v2;
	v4 =	vmul.f32 v10, v6  }
0xdc: {  	[tilespmem:s24+$0xF8B0] =	vst v5;
	v3 =	vmul.f32 v13, v3;
	v1 =	vmul.f32 v8, v1  }
.Ltmp3:
0xdd: {  	[tilespmem:s24+$0xF8C0] =	vst v2;
	(pc) =	sbr.rel @p2 .LBB2_9-.Ltmp3, $4  }
0xde: {  	[tilespmem:s24+$0xF8D0] =	vst v4  }
0xdf: {  	s19 =	sshra.s32 s14, $0x2;
	[tilespmem:s24+$0xF8E0] =	vst v3  }
0xe0: {  	s10 =	sadd.s32 $0x10, s10;
	v2 =	vld [tilespmem:s19+$0xD800];
	[tilespmem:s24+$0xF8F0] =	vst v1;
	s24 =	smov.u32 s19  }
0xe1: {  	s14 =	sadd.s32 $0x400, s14;
	v1 =	vld [tilespmem:s10+$0x0]  }
0xe2: {  	_ =	sdelay $0x1  }
0xe3: {  	v3 =	vld [tilespmem:s24+$0xD810]  }
0xe4: {  	v4 =	vld [tilespmem:s24+$0xD820]  }
0xe5: {  	v5 =	vld [tilespmem:s24+$0xD830];
	v7 =	vbroadcast v1, $0x0  }
0xe6: {  	v6 =	vld [tilespmem:s24+$0xD840];
	v10 =	vbroadcast v1, $0x1  }
0xe7: {  	v8 =	vld [tilespmem:s24+$0xD850];
	v12 =	vbroadcast v1, $0x2;
	v2 =	vmul.f32 v7, v2  }
0xe8: {  	v9 =	vld [tilespmem:s24+$0xD860];
	v48 =	vbroadcast v1, $0x3;
	v3 =	vmul.f32 v3, v10  }
0xe9: {  	v47 =	vld [tilespmem:s24+$0xD870];
	v49 =	vbroadcast v1, $0x4;
	v4 =	vmul.f32 v4, v12;
	[tilespmem:s24+$0xF800] =	vst v2  }
0xea: {  	v54 =	vld [tilespmem:s24+$0xD8D0];
	v51 =	vbroadcast v1, $0x5;
	v5 =	vmul.f32 v5, v48;
	[tilespmem:s24+$0xF810] =	vst v3  }
0xeb: {  	v11 =	vld [tilespmem:s24+$0xD880];
	v53 =	vbroadcast v1, $0x6;
	v6 =	vmul.f32 v6, v49;
	[tilespmem:s24+$0xF820] =	vst v4  }
0xec: {  	v55 =	vbroadcast v1, $0x7;
	v8 =	vmul.f32 v8, v51;
	v2 =	vld [tilespmem:s24+$0xD890];
	[tilespmem:s24+$0xF830] =	vst v5  }
0xed: {  	v62 =	vbroadcast v1, $0xD;
	v9 =	vmul.f32 v9, v53;
	v3 =	vld [tilespmem:s24+$0xD8A0];
	[tilespmem:s24+$0xF840] =	vst v6  }
0xee: {  	v50 =	vld [tilespmem:s24+$0xD8B0];
	v56 =	vbroadcast v1, $0x8;
	v7 =	vmul.f32 v47, v55;
	[tilespmem:s24+$0xF850] =	vst v8  }
0xef: {  	v52 =	vld [tilespmem:s24+$0xD8C0];
	v58 =	vbroadcast v1, $0x9;
	v63 =	vmul.f32 v54, v62;
	[tilespmem:s24+$0xF860] =	vst v9  }
0xf0: {  	v57 =	vld [tilespmem:s24+$0xD8E0];
	v59 =	vbroadcast v1, $0xA;
	v8 =	vmul.f32 v11, v56;
	[tilespmem:s24+$0xF870] =	vst v7  }
0xf1: {  	v60 =	vld [tilespmem:s24+$0xD8F0];
	v13 =	vbroadcast v1, $0xB;
	[tilespmem:s24+$0xF8D0] =	vst v63;
	v2 =	vmul.f32 v2, v58  }
0xf2: {  	v61 =	vbroadcast v1, $0xC;
	[tilespmem:s24+$0xF880] =	vst v8;
	v3 =	vmul.f32 v3, v59  }
0xf3: {  	v4 =	vmul.f32 v50, v13;
	[tilespmem:s24+$0xF890] =	vst v2;
	v2 =	vbroadcast v1, $0xE  }
0xf4: {  	[tilespmem:s24+$0xF8A0] =	vst v3;
	v3 =	vmul.f32 v52, v61;
	v1 =	vbroadcast v1, $0xF  }
0xf5: {  	[tilespmem:s24+$0xF8B0] =	vst v4;
	v2 =	vmul.f32 v57, v2  }
0xf6: {  	[tilespmem:s24+$0xF8C0] =	vst v3;
	v1 =	vmul.f32 v60, v1  }
0xf7: {  	s4 =	sshra.s32 s4, $0x2;
	[tilespmem:s24+$0xF8E0] =	vst v2  }
0xf8: {  	s4 =	sadd.s32 $0x7800, s4;
	[tilespmem:s24+$0xF8F0] =	vst v1  }
0xf9: {  	[spmem:s3] =	stream.indirect.scatter.add.f32 [tilespmem:s18], [sflag:$0x7], $0x10, s4, s22, $0xb8;
	[tilespmem:$0x10800] =	vst v63  }
0xfa: {  	_ =	swait.ge [sflag:s23], $0x800  }
0xfb: {  	s10 =	simm.s32 @!p0 $0x80;
	[sflag:s23] =	ssyncset.done $0x0  }
0xfc: {  	s14 =	simm.s32 @!p0 $0xD800;
	s4 =	sadd.s32 @!p0 $0x5300, s20;
	[sflag:s23] =	ssyncadd.s32 $0xFFFFF800  }
0xfd: {  	[tilespmem:s14], [sflag:$0x3] =	stream.indirect.gather @!p0 [spmem:s2], $0x10, s4, s10, $0xb8;
	[tilespmem:$0x10800] =	vst v63  }
0xfe: {  	_ =	swait.ge @p1 [sflag:s15], $0x800  }
0xff: {  	[sflag:s15] =	ssyncset.done @p1 $0x0  }
0x100: {  	s4 =	simm.s32 $0x0;
	[sflag:s15] =	ssyncadd.s32 @p1 $0xFFFFF800  }
0x101: {  	v2 =	vld [tilespmem:s4+$0xE000]  }
0x102: {  	s14 =	simm.s32 $0x400;
	s10 =	smov.u32 s12;
	v1 =	vld [tilespmem:s12+$0x0]  }
.LBB2_11:
0x103: {  	p0 =	sne.s32 s14, $0x1C00;
	v3 =	vld [tilespmem:s4+$0xE010]  }
0x104: {  	v4 =	vld [tilespmem:s4+$0xE020]  }
0x105: {  	v5 =	vld [tilespmem:s4+$0xE030]  }
0x106: {  	v6 =	vld [tilespmem:s4+$0xE040]  }
0x107: {  	v7 =	vbroadcast v1, $0x0;
	v8 =	vbroadcast v1, $0x1;
	v9 =	vld [tilespmem:s4+$0xE050]  }
0x108: {  	v10 =	vbroadcast v1, $0x2;
	v11 =	vbroadcast v1, $0x3;
	v12 =	vld [tilespmem:s4+$0xE060]  }
0x109: {  	v2 =	vmul.f32 v7, v2;
	v3 =	vmul.f32 v3, v8;
	v7 =	vld [tilespmem:s4+$0xE070]  }
0x10a: {  	v4 =	vmul.f32 v4, v10;
	v5 =	vmul.f32 v5, v11;
	v8 =	vld [tilespmem:s4+$0xE080]  }
0x10b: {  	v10 =	vbroadcast v1, $0x5;
	[tilespmem:s4+$0x10000] =	vst v2;
	v2 =	vbroadcast v1, $0x4;
	v11 =	vld [tilespmem:s4+$0xE090]  }
0x10c: {  	v13 =	vbroadcast v1, $0x7;
	[tilespmem:s4+$0x10010] =	vst v3;
	v3 =	vbroadcast v1, $0x6;
	v14 =	vld [tilespmem:s4+$0xE0A0]  }
0x10d: {  	[tilespmem:s4+$0x10020] =	vst v4;
	v2 =	vmul.f32 v6, v2;
	v4 =	vmul.f32 v9, v10;
	v6 =	vld [tilespmem:s4+$0xE0B0]  }
0x10e: {  	[tilespmem:s4+$0x10030] =	vst v5;
	v3 =	vmul.f32 v12, v3;
	v5 =	vmul.f32 v7, v13;
	v7 =	vld [tilespmem:s4+$0xE0C0]  }
0x10f: {  	v9 =	vbroadcast v1, $0x9;
	[tilespmem:s4+$0x10040] =	vst v2;
	v2 =	vbroadcast v1, $0x8;
	v10 =	vld [tilespmem:s4+$0xE0D0]  }
0x110: {  	v12 =	vbroadcast v1, $0xB;
	[tilespmem:s4+$0x10050] =	vst v4;
	v4 =	vbroadcast v1, $0xA;
	v13 =	vld [tilespmem:s4+$0xE0E0]  }
0x111: {  	[tilespmem:s4+$0x10060] =	vst v3;
	v2 =	vmul.f32 v8, v2;
	v3 =	vmul.f32 v11, v9;
	v8 =	vld [tilespmem:s4+$0xE0F0]  }
0x112: {  	[tilespmem:s4+$0x10070] =	vst v5;
	v4 =	vmul.f32 v14, v4;
	v5 =	vmul.f32 v6, v12  }
0x113: {  	v6 =	vbroadcast v1, $0xD;
	[tilespmem:s4+$0x10080] =	vst v2;
	v2 =	vbroadcast v1, $0xC  }
0x114: {  	[tilespmem:s4+$0x10090] =	vst v3;
	v3 =	vbroadcast v1, $0xE;
	v1 =	vbroadcast v1, $0xF  }
0x115: {  	[tilespmem:s4+$0x100A0] =	vst v4;
	v2 =	vmul.f32 v7, v2;
	v4 =	vmul.f32 v10, v6  }
0x116: {  	[tilespmem:s4+$0x100B0] =	vst v5;
	v3 =	vmul.f32 v13, v3;
	v1 =	vmul.f32 v8, v1  }
.Ltmp4:
0x117: {  	[tilespmem:s4+$0x100C0] =	vst v2;
	(pc) =	sbr.rel @p0 .LBB2_11-.Ltmp4, $4  }
0x118: {  	[tilespmem:s4+$0x100D0] =	vst v4  }
0x119: {  	s19 =	sshra.s32 s14, $0x2;
	[tilespmem:s4+$0x100E0] =	vst v3  }
0x11a: {  	s10 =	sadd.s32 $0x10, s10;
	v2 =	vld [tilespmem:s19+$0xE000];
	[tilespmem:s4+$0x100F0] =	vst v1;
	s4 =	smov.u32 s19  }
0x11b: {  	s14 =	sadd.s32 $0x400, s14;
	v1 =	vld [tilespmem:s10+$0x0]  }
0x11c: {  	_ =	sdelay $0x1  }
0x11d: {  	v3 =	vld [tilespmem:s4+$0xE010]  }
0x11e: {  	v4 =	vld [tilespmem:s4+$0xE020]  }
0x11f: {  	v5 =	vld [tilespmem:s4+$0xE030];
	v7 =	vbroadcast v1, $0x0  }
0x120: {  	v6 =	vld [tilespmem:s4+$0xE040];
	v10 =	vbroadcast v1, $0x1  }
0x121: {  	v8 =	vld [tilespmem:s4+$0xE050];
	v12 =	vbroadcast v1, $0x2;
	v2 =	vmul.f32 v7, v2  }
0x122: {  	v9 =	vld [tilespmem:s4+$0xE060];
	v48 =	vbroadcast v1, $0x3;
	v3 =	vmul.f32 v3, v10  }
0x123: {  	v47 =	vld [tilespmem:s4+$0xE070];
	v49 =	vbroadcast v1, $0x4;
	v4 =	vmul.f32 v4, v12;
	[tilespmem:s4+$0x10000] =	vst v2  }
0x124: {  	v54 =	vld [tilespmem:s4+$0xE0D0];
	v51 =	vbroadcast v1, $0x5;
	v5 =	vmul.f32 v5, v48;
	[tilespmem:s4+$0x10010] =	vst v3  }
0x125: {  	v11 =	vld [tilespmem:s4+$0xE080];
	v53 =	vbroadcast v1, $0x6;
	v6 =	vmul.f32 v6, v49;
	[tilespmem:s4+$0x10020] =	vst v4  }
0x126: {  	v55 =	vbroadcast v1, $0x7;
	v8 =	vmul.f32 v8, v51;
	v2 =	vld [tilespmem:s4+$0xE090];
	[tilespmem:s4+$0x10030] =	vst v5  }
0x127: {  	v62 =	vbroadcast v1, $0xD;
	v9 =	vmul.f32 v9, v53;
	v3 =	vld [tilespmem:s4+$0xE0A0];
	[tilespmem:s4+$0x10040] =	vst v6  }
0x128: {  	v50 =	vld [tilespmem:s4+$0xE0B0];
	v56 =	vbroadcast v1, $0x8;
	v7 =	vmul.f32 v47, v55;
	[tilespmem:s4+$0x10050] =	vst v8  }
0x129: {  	v52 =	vld [tilespmem:s4+$0xE0C0];
	v58 =	vbroadcast v1, $0x9;
	v63 =	vmul.f32 v54, v62;
	[tilespmem:s4+$0x10060] =	vst v9  }
0x12a: {  	v57 =	vld [tilespmem:s4+$0xE0E0];
	v59 =	vbroadcast v1, $0xA;
	v8 =	vmul.f32 v11, v56;
	[tilespmem:s4+$0x10070] =	vst v7  }
0x12b: {  	v60 =	vld [tilespmem:s4+$0xE0F0];
	v13 =	vbroadcast v1, $0xB;
	[tilespmem:s4+$0x100D0] =	vst v63;
	v2 =	vmul.f32 v2, v58  }
0x12c: {  	v61 =	vbroadcast v1, $0xC;
	[tilespmem:s4+$0x10080] =	vst v8;
	v3 =	vmul.f32 v3, v59  }
0x12d: {  	s7 =	sadd.s32 $0x1, s7;
	v4 =	vmul.f32 v50, v13;
	[tilespmem:s4+$0x10090] =	vst v2;
	v2 =	vbroadcast v1, $0xE  }
0x12e: {  	p0 =	sne.s32 s7, $0x14;
	[tilespmem:s4+$0x100A0] =	vst v3;
	v3 =	vmul.f32 v52, v61;
	v1 =	vbroadcast v1, $0xF  }
.Ltmp5:
0x12f: {  	[tilespmem:s4+$0x100B0] =	vst v4;
	v2 =	vmul.f32 v57, v2;
	(pc) =	sbr.rel @p0 .LBB2_4-.Ltmp5, $4  }
0x130: {  	[tilespmem:s4+$0x100C0] =	vst v3;
	v1 =	vmul.f32 v60, v1  }
0x131: {  	s26 =	sadd.s32 $0x7800, s13;
	s8 =	sadd.s32 $0x200, s8;
	[tilespmem:s4+$0x100E0] =	vst v2  }
0x132: {  	s9 =	sadd.s32 $0x200, s9;
	s11 =	sadd.s32 $0x200, s11;
	s12 =	sadd.s32 $0x200, s12;
	[tilespmem:s4+$0x100F0] =	vst v1  }
0x133: {  	[spmem:s3] =	stream.indirect.scatter.add.f32 [tilespmem:s25], [sflag:$0x8], $0x10, s26, s22, $0xb8;
	[tilespmem:$0x10800] =	vst v63  }
0x134: {  	s4 =	simm.s32 $0x5  }
0x135: {  	_ =	swait.ge [sflag:s4], $0x800  }
0x136: {  	[sflag:s4] =	ssyncset.done $0x0  }
0x137: {  	[sflag:s4] =	ssyncadd.s32 $0xFFFFF800  }
0x138: {  	_ =	swait.ge [sflag:s28], $0x800  }
0x139: {  	[sflag:s28] =	ssyncset.done $0x0  }
0x13a: {  	[sflag:s28] =	ssyncadd.s32 $0xFFFFF800  }
0x13b: {  	_ =	swait.ge [sflag:s5], $0x800  }
0x13c: {  	[sflag:s5] =	ssyncset.done $0x0  }
0x13d: {  	[sflag:s5] =	ssyncadd.s32 $0xFFFFF800  }
0x13e: {  	_ =	swait.ge [sflag:s15], $0x800  }
0x13f: {  	[sflag:s15] =	ssyncset.done $0x0  }
0x140: {  	[sflag:s15] =	ssyncadd.s32 $0xFFFFF800  }
0x141: {  	[bflag:$0x0] =	sbarrier.arrive $0xFFFF  }
0x142: {  	s8 =	rddreg [dreg:$0x9]  }
0x143: {  	s11 =	rddreg [dreg:$0xf]  }
0x144: {  	s7 =	rddreg [dreg:$0x11];
	s24 =	sshrl.u32 s8, $0x3  }
0x145: {  	[hbm:s7], [sflag:s11] =	dma.local [spmem:s24], $0x500  }
0x146: {  	_ =	swait.ge [sflag:s16], $0x500  }
0x147: {  	s6 =	sadd.s32 $0x1, s6;
	s26 =	rddreg [dreg:$0xe]  }
0x148: {  	p0 =	sne.s32 s6, s26  }
.Ltmp6:
0x149: {  	_ = 	snop;
	(pc) =	sbr.rel @p0 .LBB2_1-.Ltmp6, $3  }
0x14a: {  	_ =	sdelay $0x1  }
0x14b: {  	[sflag:s16] =	ssyncset.done $0x0  }
0x14c: {  	s10 =	simm.s32 $0x5000;
	[sflag:s16] =	ssyncadd.s32 $0xFFFFFB00  }
0x14d: {  	_ =	sfence.sel $0x180000  }
0x14e: {  	[bflag:$0x0] =	sbarrier.arrive $0xFFFF  }
0x14f: {  	_ =	strace $0x9000004A  }
0x150: {  	s0 =	stileid.u32;
	[bflag:$0x2] =	sbarrier.arrive $0xFFFF  }
0x151: {  	p0 =	sne.s32 s0, $0x0;
	s0 =	rddreg [dreg:$0x4]  }
0x152: {  	s0 =	sadd.s32 @!p0 $0x100000, s0  }
0x153: {  	[sflag:s0] =	ssyncadd.tile.s32 @!p0 $0x1;
	_ =	shalt  }
.Lfunc_end2:
_tile_overlayer_lowered:
.L_overlay_start_2:
0x154: {  	(tag) =	ssettag $0x2  }
0x155: {  	s0 =	rddreg [dreg:$0x0];
	s2 =	stileid.u32  }
0x156: {  	s1 =	rddreg [dreg:$0x1];
	p0 =	sne.s32 s2, $0x0  }
0x157: {  	s3 =	rddreg [dreg:$0x2];
	[bflag:$0x3] =	sbarrier.arrive $0xFFFF;
	s2 =	simm.s32 @!p0 $0x1C09  }
0x158: {  	[timem:s3], [sflag:s2] =	dma.local @!p0 [hbm:s0], s1  }
0x159: {  	s0 =	simm.s32 @!p0 $0x9  }
0x15a: {  	_ =	swait.ge @!p0 [sflag:s0], s1  }
0x15b: {  	s1 =	ssub.s32 @!p0 $0x0, s1;
	[sflag:s0] =	ssyncset.done @!p0 $0x0  }
0x15c: {  	[sflag:s0] =	ssyncadd.s32 @!p0 s1  }
0x15d: {  	[bflag:$0x3] =	sbarrier.arrive $0xFFFF  }
0x15e: {  	_ =	shalt  }

// kernel: kernel.7.cloned.1.call-start
scs
__scs_entry_jumppad:
0x0: {  	(pc) =	sbr.rel $0x88, $3  }
0x1: {  	(tag) =	ssettag $0x0;
	lr =	simm.s32 $0x1  }
0x2: {  	[smem:$0x3F9C] =	sst lr;
	_ =	strace $0xD0000000  }
0x3: {  	_ = 	snop  }
0x4: {  	_ = 	snop  }
0x5: {  	_ = 	snop  }
0x6: {  	_ = 	snop  }
0x7: {  	_ = 	snop  }
__scs_overlays_trampoline_lowered:
0x8: {  	[smem:$0x3FAB] =	sst s0  }
0x9: {  	[smem:$0x3FAC] =	sst s1  }
0xa: {  	[smem:$0x3FAD] =	sst s2  }
0xb: {  	[smem:$0x3FAE] =	sst s3  }
0xc: {  	[smem:$0x3FAF] =	sst s4  }
0xd: {  	[smem:$0x3FB0] =	sst s5  }
0xe: {  	[smem:$0x3FB1] =	sst s6  }
0xf: {  	[smem:$0x3FB2] =	sst s7  }
0x10: {  	[smem:$0x3FB3] =	sst s8  }
0x11: {  	[smem:$0x3FB4] =	sst s9;
	s0 =	simm.s32 @!p0 $0x0  }
0x12: {  	s1 =	sld [smem:$0x3F9A];
	s0 =	simm.s32 @p0 $0x1  }
0x13: {  	[smem:$0x3FB5] =	sst s0;
	s0 =	simm.s32 @!p1 $0x0  }
0x14: {  	s2 =	sld [smem:$0x3F99];
	s0 =	simm.s32 @p1 $0x1  }
0x15: {  	[smem:$0x3FB6] =	sst s0;
	s0 =	simm.s32 @!p2 $0x0  }
0x16: {  	s3 =	sld [smem:$0x3FDB];
	s0 =	simm.s32 @p2 $0x1  }
0x17: {  	s4 =	simm.s32 $0x1BF5;
	[smem:$0x3FB8] =	sst s0  }
0x18: {  	s0 =	sld [smem:$0x3F9B];
	_ =	swait.ge [sflag:s4], $0x0  }
0x19: {  	s7 =	sld [smem:$0x3F9C]  }
0x1a: {  	s8 =	sadd.s32 $0xFFFFE003, lr  }
0x1b: {  	s9 =	sadd.s32 $0xFFFFFEF7, lr;
	s5 =	simm.s32 $0xFFFFFFFF;
	p2 =	slt.u32 s8, $0xFFFFF086  }
0x1c: {  	p1 =	slt.u32 s9, $0xF7A;
	s5 =	simm.s32 @!p2 $0x0  }
0x1d: {  	s5 =	simm.s32 @p1 $0x1;
	p0 =	seq.s32 s7, s2  }
0x1e: {  	s7 =	smul.u32 @!p0 $0xF7A, s2;
	p2 =	seq.s32 @!p0 s5, $0x0  }
0x1f: {  	s9 =	smul.u32 $0xF7A, s1;
	s8 =	simm.s32 @!p0 $0x1BF5;
	p2 =	por !p2, p0  }
0x20: {  	[sflag:s8] =	ssyncset.s32 @!p0 $0xFFFFF086;
	s6 =	sadd.s32 @!p0 s3, s7;
	s7 =	simm.s32 @!p0 $0x108  }
0x21: {  	s3 =	sadd.s32 s3, s9;
	s6 =	sadd.s32 @!p0 $0x88, s6;
	s7 =	simm.s32 @p2 $0x1082  }
0x22: {  	[simem:s7], [sflag:s8] =	dma.local @!p0 [hbm:s6], $0xF7A  }
0x23: {  	s9 =	sor.u32 $0xD0000000, s2;
	s6 =	simm.s32 $0x108;
	_ =	swait.ge @!p0 [sflag:s8], $0x0  }
0x24: {  	s3 =	sadd.s32 $0x88, s3;
	s6 =	simm.s32 @!p1 $0x1082;
	[sflag:s4] =	ssyncset.s32 $0xFFFFF086  }
0x25: {  	[simem:s6], [sflag:s4] =	dma.local [hbm:s3], $0xF7A  }
0x26: {  	[smem:$0x3F9C] =	sst s1;
	(tag) =	ssettag s2;
	_ =	strace s9  }
0x27: {  	s1 =	sld [smem:$0x3FAC]  }
0x28: {  	s2 =	sld [smem:$0x3FAD]  }
0x29: {  	s4 =	sld [smem:$0x3FAF]  }
0x2a: {  	p0 =	seq.s32 s5, $0x0;
	s5 =	sld [smem:$0x3FB0]  }
0x2b: {  	s6 =	sld [smem:$0x3FB1]  }
0x2c: {  	s7 =	sld [smem:$0x3FB2]  }
0x2d: {  	s3 =	simm.s32 $0x108;
	s8 =	sld [smem:$0x3FB3]  }
0x2e: {  	s3 =	simm.s32 @!p0 $0x1082;
	s9 =	sld [smem:$0x3FB4]  }
0x2f: {  	lr =	sadd.s32 s0, s3;
	s0 =	sld [smem:$0x3FAB]  }
0x30: {  	s3 =	sld [smem:$0x3FAE]  }
0x31: {  	[smem:$0x3FB7] =	sst s10  }
0x32: {  	s10 =	sld [smem:$0x3FB5];
	_ =	sdelay $0x3  }
0x33: {  	p0 =	seq.s32 s10, $0x1;
	s10 =	sld [smem:$0x3FB7];
	_ =	sdelay $0x3  }
0x34: {  	[smem:$0x3FB7] =	sst s10  }
0x35: {  	s10 =	sld [smem:$0x3FB6];
	_ =	sdelay $0x3  }
0x36: {  	p1 =	seq.s32 s10, $0x1;
	s10 =	sld [smem:$0x3FB7];
	_ =	sdelay $0x3  }
0x37: {  	[smem:$0x3FB7] =	sst s10  }
0x38: {  	s10 =	sld [smem:$0x3FB8]  }
0x39: {  	_ = 	snop;
	(pc) =	sbr.ind lr, $3  }
0x3a: {  	_ = 	snop  }
0x3b: {  	_ = 	snop  }
0x3c: {  	p2 =	seq.s32 s10, $0x1;
	s10 =	sld [smem:$0x3FB7]  }
0x3d: {  	_ =	shalt  }
0x3e: {  	_ =	shalt  }
0x3f: {  	_ =	shalt  }
0x40: {  	_ =	shalt  }
0x41: {  	_ =	shalt  }
0x42: {  	_ =	shalt  }
0x43: {  	_ =	shalt  }
0x44: {  	_ =	shalt  }
0x45: {  	_ =	shalt  }
0x46: {  	_ =	shalt  }
0x47: {  	_ =	shalt  }
0x48: {  	_ =	shalt  }
0x49: {  	_ =	shalt  }
0x4a: {  	_ =	shalt  }
0x4b: {  	_ =	shalt  }
0x4c: {  	_ =	shalt  }
0x4d: {  	_ =	shalt  }
0x4e: {  	_ =	shalt  }
0x4f: {  	_ =	shalt  }
0x50: {  	_ =	shalt  }
0x51: {  	_ =	shalt  }
0x52: {  	_ =	shalt  }
0x53: {  	_ =	shalt  }
0x54: {  	_ =	shalt  }
0x55: {  	_ =	shalt  }
0x56: {  	_ =	shalt  }
0x57: {  	_ =	shalt  }
0x58: {  	_ =	shalt  }
0x59: {  	_ =	shalt  }
0x5a: {  	_ =	shalt  }
0x5b: {  	_ =	shalt  }
0x5c: {  	_ =	shalt  }
0x5d: {  	_ =	shalt  }
0x5e: {  	_ =	shalt  }
0x5f: {  	_ =	shalt  }
0x60: {  	_ =	shalt  }
0x61: {  	_ =	shalt  }
0x62: {  	_ =	shalt  }
0x63: {  	_ =	shalt  }
0x64: {  	_ =	shalt  }
0x65: {  	_ =	shalt  }
0x66: {  	_ =	shalt  }
0x67: {  	_ =	shalt  }
0x68: {  	_ =	shalt  }
0x69: {  	_ =	shalt  }
0x6a: {  	_ =	shalt  }
0x6b: {  	_ =	shalt  }
0x6c: {  	_ =	shalt  }
0x6d: {  	_ =	shalt  }
0x6e: {  	_ =	shalt  }
0x6f: {  	_ =	shalt  }
0x70: {  	_ =	shalt  }
0x71: {  	_ =	shalt  }
0x72: {  	_ =	shalt  }
0x73: {  	_ =	shalt  }
0x74: {  	_ =	shalt  }
0x75: {  	_ =	shalt  }
0x76: {  	_ =	shalt  }
0x77: {  	_ =	shalt  }
0x78: {  	_ =	shalt  }
0x79: {  	_ =	shalt  }
0x7a: {  	_ =	shalt  }
0x7b: {  	_ =	shalt  }
0x7c: {  	_ =	shalt  }
0x7d: {  	_ =	shalt  }
0x7e: {  	_ =	shalt  }
0x7f: {  	_ =	shalt  }
0x80: {  	_ =	shalt  }
0x81: {  	_ =	shalt  }
0x82: {  	_ =	shalt  }
0x83: {  	_ =	shalt  }
0x84: {  	_ =	shalt  }
0x85: {  	_ =	shalt  }
0x86: {  	_ =	shalt  }
0x87: {  	_ =	shalt  }
.Lfunc_end0:
.L_simem_size_0:
called_computation_lowered:
.L_overlay_start_0:
0x88: {  	s2 =	sld [smem:$0x3FD9]  }
0x89: {  	s3 =	sld [smem:$0x3FFE];
	_ =	sdelay $0x1  }
0x8a: {  	s1 =	srdreg.scid  }
0x8b: {  	s0 =	sand.u32 $0x1, s1  }
0x8c: {  	s17 =	sshll.u32 s0, $0xA;
	s2 =	sadd.s32 s3, s2  }
0x8d: {  	s2 =	sadd.s32 s2, s17  }
0x8e: {  	[smem:$0x3FC3] =	sst s2  }
0x8f: {  	_ = 	snop  }
0x90: {  	s2 =	sld [smem:$0x3FD0];
	(tm) =	ssettm $0x1  }
0x91: {  	s18 =	sld [smem:$0x3FFB];
	_ =	sdelay $0x3  }
0x92: {  	_ =	strace s18  }
0x93: {  	s3 =	sld [smem:$0x3FFC];
	_ =	sdelay $0x3  }
0x94: {  	_ =	strace s3  }
0x95: {  	s3 =	sld [smem:$0x3FFD];
	_ =	sdelay $0x3  }
0x96: {  	_ =	strace s3  }
0x97: {  	_ =	strace $0x8FFFFFFF  }
0x98: {  	s19 =	sld [smem:$0x3FDB];
	_ =	sdelay $0x1  }
0x99: {  	s4 =	simm.s32 $_scs_section_size  }
0x9a: {  	s5 =	simm.s32 $_size__tile_overlayer_lowered;
	s6 =	simm.s32 $_tile_overlayer_lowered  }
0x9b: {  	s22 =	simm.s32 $0x1BFF;
	s21 =	sshll.u32 s6, $0x1;
	s3 =	sadd.s32 s4, s19  }
0x9c: {  	s7 =	simm.s32 $0x0;
	s20 =	sshll.u32 s5, $0x1;
	s5 =	sadd.s32 s21, s3  }
0x9d: {  	[timem:s7], [sflag:s22] =	dma.local [hbm:s5], s20  }
0x9e: {  	_ =	swait.ge [sflag:s22], s20  }
0x9f: {  	s4 =	ssub.s32 $0x0, s20;
	[sflag:s22] =	ssyncset.done $0x0  }
0xa0: {  	[sflag:s22] =	ssyncadd.s32 s4;
	_ =	sdelay $0x1  }
0xa1: {  	s23 =	simm.s32 $0x1B8B  }
0xa2: {  	_ =	swait.ge [sflag:s23], $0x1  }
0xa3: {  	[sflag:s23] =	ssyncset.done $0x0  }
0xa4: {  	s25 =	simm.s32 $0x1B8E;
	s24 =	sld [smem:$0x3FFE];
	[sflag:s23] =	ssyncadd.s32 $0xFFFFFFFF  }
0xa5: {  	s26 =	simm.s32 $execute0_lowered;
	[smem:$0x3FD2] =	sst s25  }
0xa6: {  	s5 =	sshll.u32 s26, $0x1;
	_ =	strace $0x80000046;
	[dreg:$0x1] =	wrdreg $0xFFFFFFFF  }
0xa7: {  	s28 =	simm.s32 $_size_execute0_lowered;
	s3 =	sadd.s32 s3, s5;
	[dreg:$0x0] =	wrdreg $0x0  }
0xa8: {  	s5 =	sshll.u32 s28, $0x1;
	[dreg:$0x2] =	wrdreg s3  }
0xa9: {  	[dreg:$0x3] =	wrdreg s5  }
0xaa: {  	[dreg:$0x4] =	wrdreg $0xC0  }
0xab: {  	_ =	task [dreg:s7], $0x5FFFF  }
0xac: {  	[dreg:$0x1] =	wrdreg $0xFFFFFFFF  }
0xad: {  	[dreg:$0x0] =	wrdreg $0x60  }
0xae: {  	[dreg:$0x2] =	wrdreg s2  }
0xaf: {  	[dreg:$0x3] =	wrdreg s24  }
0xb0: {  	[dreg:$0x4] =	wrdreg $0x28000  }
0xb1: {  	[dreg:$0x5] =	wrdreg $0x0  }
0xb2: {  	[dreg:$0x6] =	wrdreg $0x50000  }
0xb3: {  	[dreg:$0x7] =	wrdreg $0x52800  }
0xb4: {  	[dreg:$0x8] =	wrdreg $0x9  }
0xb5: {  	_ =	task.clear_ibuf [dreg:s7], $0x9FFFF;
	_ =	strace $0x90000046  }
0xb6: {  	s29 =	simm.s32 $0x9;
	_ =	strace $0x80000048  }
0xb7: {  	_ =	swait.ge [sflag:s29], $0x1  }
0xb8: {  	[sflag:s29] =	ssyncadd.s32 $0xFFFFFFFF  }
0xb9: {  	_ =	strace $0x90000048  }
0xba: {  	_ =	sfence  }
0xbb: {  	s30 =	sld [smem:$0x0];
	_ =	sdelay $0x2  }
0xbc: {  	s31 =	sshll.u32 s1, $0xD;
	s1 =	sshrl.u32 s1, $0x2  }
0xbd: {  	s3 =	sand.u32 $0x4000, s31;
	s1 =	sadd.s32 s1, s30  }
0xbe: {  	s0 =	sor.u32 s3, s0;
	s1 =	sshll.u32 s1, $0x11  }
0xbf: {  	s0 =	sor.u32 s1, s0  }
0xc0: {  	s0 =	sadd.s32 $0x8F2B, s0  }
0xc1: {  	[sflag:s0] =	ssyncadd.remote.s32 $0x1  }
0xc2: {  	_ =	sfence.sel $0xFFFF  }
0xc3: {  	[dreg:$0x0] =	wrdreg $0xFFFFFFFF;
	(pc) =	sbr.abs _section_cstart, $3  }
0xc4: {  	[dreg:$0x1] =	wrdreg $0xFFFFFFFF  }
0xc5: {  	_ =	task.clear_ibuf [dreg:s7], $0x2FFFF;
	_ =	strace $0x9FFFFFFF  }
0xc6: {  	(tm) =	ssettm $0x7FFFFFFF  }
0xc7: {  	_ =	shalt  }
tec
execute0_lowered:
.L_overlay_start_1:
0x0: {  	(tag) =	ssettag $0x1  }
0x1: {  	s0 =	rddreg [dreg:$0x0]  }
0x2: {  	s3 =	rddreg [dreg:$0x1]  }
0x3: {  	s1 =	rddreg [dreg:$0x2]  }
0x4: {  	s2 =	rddreg [dreg:$0x3]  }
0x5: {  	s18 =	rddreg [dreg:$0x4]  }
0x6: {  	s19 =	rddreg [dreg:$0x5];
	s6 =	simm.s32 $0x0;
	s20 =	stileid.u32  }
0x7: {  	s4 =	srdreg.scid;
	s28 =	simm.s32 $0xCD00;
	s30 =	simm.s32 $0xD100  }
0x8: {  	s29 =	simm.s32 $0x80;
	[smem:$0x7FF] =	sst s6;
	s7 =	smul.u32 $0x2800, s20  }
0x9: {  	s5 =	sadd.s32 $0x1200, s3;
	s4 =	sand.u32 $0x1, s4;
	s12 =	smul.u32 $0x280, s20  }
0xa: {  	s8 =	sadd.s32 $0xB200, s3;
	s10 =	sshll.u32 s20, $0x1;
	s25 =	smul.u32 $0xA000, s20  }
0xb: {  	_ =	strace $0x80000047;
	s9 =	smul.u32 $0x5000, s4;
	s13 =	sor.u32 s4, s10  }
0xc: {  	s15 =	ssub.s32 $0x2, s4;
	s10 =	ssub.s32 s10, s4;
	p0 =	sne.s32 s4, $0x0  }
0xd: {  	s4 =	simm.s32 $0x0;
	s11 =	sshrl.u32 s7, $0x3;
	s13 =	smul.u32 $0x500, s13  }
0xe: {  	s16 =	sshrl.u32 s12, $0x3;
	s17 =	sshrl.u32 s15, $0x1;
	s10 =	smul.u32 $0x2800, s10  }
0xf: {  	s31 =	sadd.s32 s7, s1;
	s23 =	sadd.s32 s7, s2;
	s22 =	sadd.s32 s12, s19  }
0x10: {  	s19 =	simm.s32 $0xD500;
	s14 =	sadd.s32 s11, s3;
	[dreg:$0x11] =	wrdreg s22  }
0x11: {  	s9 =	sadd.s32 s9, s3;
	s31 =	sshrl.u32 s31, $0x3;
	[dreg:$0xb] =	wrdreg s23  }
0x12: {  	s16 =	sadd.s32 s16, s3;
	s0 =	sadd.s32 s0, s13;
	[dreg:$0x16] =	wrdreg s31  }
0x13: {  	s17 =	ssub.s32 s15, s17;
	s26 =	sadd.s32 s5, s13;
	[dreg:$0x7] =	wrdreg s0  }
0x14: {  	s3 =	sadd.s32 s13, s3;
	s13 =	sadd.s32 s8, s13;
	[dreg:$0x8] =	wrdreg s26  }
0x15: {  	s22 =	simm.s32 $0x8;
	s14 =	sadd.s32 $0x15200, s14;
	[dreg:$0x9] =	wrdreg s13  }
0x16: {  	s24 =	sadd.s32 $0x1A200, s16;
	s16 =	simm.s32 $0x4;
	[dreg:$0xa] =	wrdreg s14  }
0x17: {  	s0 =	sshrl.u32 s25, $0x2;
	s14 =	sadd.s32 $0x2800, s10;
	[dreg:$0x12] =	wrdreg s24  }
0x18: {  	s25 =	sadd.s32 $0x1A800, s9;
	s3 =	sadd.s32 $0x24800, s3;
	s26 =	smax.u32 s17, $0x1  }
0x19: {  	s24 =	simm.s32 $0x1;
	s9 =	simm.s32 $0x2;
	s10 =	simm.s32 $0x12A00  }
0x1a: {  	s13 =	simm.s32 $0x13200;
	s0 =	sadd.s32 s0, s2;
	[dreg:$0x13] =	wrdreg s3  }
0x1b: {  	s17 =	simm.s32 $0x13A00;
	[dreg:$0x14] =	wrdreg s26;
	s15 =	sadd.s32 $0x800, s0  }
0x1c: {  	s7 =	sshrl.u32 s14, $0x3;
	s20 =	sadd.s32 $0x1000, s0;
	[dreg:$0xc] =	wrdreg s15  }
0x1d: {  	s26 =	simm.s32 $0xA;
	s21 =	sadd.s32 $0x1800, s0;
	[dreg:$0xd] =	wrdreg s20  }
0x1e: {  	s14 =	sadd.s32 s5, s7;
	s0 =	sadd.s32 $0x2000, s0;
	[dreg:$0xe] =	wrdreg s21  }
0x1f: {  	s15 =	sadd.s32 s8, s7;
	[dreg:$0xf] =	wrdreg s0;
	s8 =	sadd.s32 s12, s18  }
0x20: {  	s0 =	sadd.s32 s11, s25;
	s18 =	simm.s32 $0x5500;
	s25 =	simm.s32 $0x10200  }
0x21: {  	s12 =	simm.s32 $0x3;
	s20 =	simm.s32 $0x6;
	[dreg:$0x15] =	wrdreg s0  }
0x22: {  	v0 =	vimm.f32 $0.0e+00;
	v1 =	vimm.f32 $1.000000000e+00;
	v2 =	vlaneseq.u32;
	s21 =	simm.s32 $0x7;
	s0 =	simm.s32 $0xD780;
	[dreg:$0x10] =	wrdreg s8  }
.LBB2_1:
0x23: {  	[dreg:$0x17] =	wrdreg s4  }
0x24: {  	s3 =	rddreg [dreg:$0x7]  }
0x25: {  	[tilespmem:s18], [sflag:$0xA] =	stream.linear.gather [hbm4b:s3+s6], $0x2800, $0x38;
	[tilespmem:$0x14200] =	vst v63  }
0x26: {  	_ =	swait.ge [sflag:s26], $0x2800  }
0x27: {  	[sflag:s26] =	ssyncset.done $0x0  }
0x28: {  	s31 =	simm.s32 $0x7D00;
	s11 =	rddreg [dreg:$0x8];
	[sflag:s26] =	ssyncadd.s32 $0xFFFFD800  }
0x29: {  	[tilespmem:s31], [sflag:$0xA] =	stream.linear.gather [hbm4b:s11+s6], $0x2800, $0x38;
	[tilespmem:$0x14200] =	vst v63  }
0x2a: {  	_ =	swait.ge [sflag:s26], $0x2800  }
0x2b: {  	s5 =	simm.s32 $0xA500;
	s7 =	stileid.u32;
	[sflag:s26] =	ssyncset.done $0x0  }
0x2c: {  	s3 =	sshll.u32 s7, $0x6;
	s4 =	rddreg [dreg:$0x9];
	[sflag:s26] =	ssyncadd.s32 $0xFFFFD800  }
0x2d: {  	[tilespmem:s5], [sflag:$0xA] =	stream.linear.gather [hbm4b:s4+s6], $0x2800, $0x38;
	[tilespmem:$0x14200] =	vst v63  }
0x2e: {  	s5 =	sor.u32 $0x1C0A, s3  }
0x2f: {  	_ =	swait.ge [sflag:s26], $0x2800;
	[dreg:$0x18] =	wrdreg s5  }
0x30: {  	[sflag:s26] =	ssyncset.done $0x0;
	s11 =	rddreg [dreg:$0xa]  }
0x31: {  	s31 =	rddreg [dreg:$0x16];
	[sflag:s26] =	ssyncadd.s32 $0xFFFFD800  }
0x32: {  	[spmem:s31], [sflag:s5] =	dma.local [hbm:s11], $0x500  }
0x33: {  	_ =	swait.ge [sflag:s26], $0x500  }
0x34: {  	[sflag:s26] =	ssyncset.done $0x0  }
0x35: {  	s3 =	simm.s32 $0x40;
	s4 =	simm.s32 $0x0;
	[sflag:s26] =	ssyncadd.s32 $0xFFFFFB00  }
.LBB2_2:
0x36: {  	p1 =	sne.s32 s3, $0x1FC0;
	[tilespmem:s4+$0x10200] =	vst v0;
	s4 =	smov.u32 s3;
	s3 =	sadd.s32 $0x40, s3  }
.Ltmp0:
0x37: {  	(pc) =	sbr.rel @p1 .LBB2_2-.Ltmp0, $2  }
0x38: {  	_ =	sdelay $0x2  }
0x39: {  	s4 =	sshra.s32 s4, $0x2  }
0x3a: {  	[tilespmem:s4+$0x10200] =	vst v0  }
0x3b: {  	[spmem:s23] =	stream.linear.scatter [tilespmem:s25], [sflag:$0xA], $0x800, $0x38;
	[tilespmem:$0x14200] =	vst v63  }
0x3c: {  	_ =	swait.ge [sflag:s26], $0x800  }
0x3d: {  	[sflag:s26] =	ssyncset.done $0x0  }
0x3e: {  	s3 =	rddreg [dreg:$0xc];
	[sflag:s26] =	ssyncadd.s32 $0xFFFFF800  }
0x3f: {  	[spmem:s3] =	stream.linear.scatter [tilespmem:s25], [sflag:$0xA], $0x800, $0x38;
	[tilespmem:$0x14200] =	vst v63  }
0x40: {  	_ =	swait.ge [sflag:s26], $0x800  }
0x41: {  	[sflag:s26] =	ssyncset.done $0x0  }
0x42: {  	s7 =	rddreg [dreg:$0xd];
	[sflag:s26] =	ssyncadd.s32 $0xFFFFF800  }
0x43: {  	[spmem:s7] =	stream.linear.scatter [tilespmem:s25], [sflag:$0xA], $0x800, $0x38;
	[tilespmem:$0x14200] =	vst v63  }
0x44: {  	_ =	swait.ge [sflag:s26], $0x800  }
0x45: {  	[sflag:s26] =	ssyncset.done $0x0  }
0x46: {  	s11 =	rddreg [dreg:$0xe];
	[sflag:s26] =	ssyncadd.s32 $0xFFFFF800  }
0x47: {  	[spmem:s11] =	stream.linear.scatter [tilespmem:s25], [sflag:$0xA], $0x800, $0x38;
	[tilespmem:$0x14200] =	vst v63  }
0x48: {  	_ =	swait.ge [sflag:s26], $0x800  }
0x49: {  	[sflag:s26] =	ssyncset.done $0x0  }
0x4a: {  	s23 =	rddreg [dreg:$0xf];
	[sflag:s26] =	ssyncadd.s32 $0xFFFFF800  }
0x4b: {  	[spmem:s23] =	stream.linear.scatter [tilespmem:s25], [sflag:$0xA], $0x800, $0x38;
	[tilespmem:$0x14200] =	vst v63  }
0x4c: {  	_ =	swait.ge [sflag:s26], $0x800  }
0x4d: {  	[sflag:s26] =	ssyncset.done $0x0  }
0x4e: {  	[sflag:s26] =	ssyncadd.s32 $0xFFFFF800  }
0x4f: {  	[tilespmem:$0xD500] =	vst v1  }
0x50: {  	[tilespmem:$0xD510] =	vst v1  }
0x51: {  	[tilespmem:$0xD520] =	vst v1  }
0x52: {  	[tilespmem:$0xD530] =	vst v1  }
0x53: {  	[tilespmem:$0xD540] =	vst v1  }
0x54: {  	[tilespmem:$0xD550] =	vst v1  }
0x55: {  	[tilespmem:$0xD560] =	vst v1  }
0x56: {  	[tilespmem:$0xD570] =	vst v1  }
0x57: {  	[tilespmem:$0xD580] =	vst v1  }
0x58: {  	[tilespmem:$0xD590] =	vst v1  }
0x59: {  	[tilespmem:$0xD5A0] =	vst v1  }
0x5a: {  	[tilespmem:$0xD5B0] =	vst v1  }
0x5b: {  	[tilespmem:$0xD5C0] =	vst v1  }
0x5c: {  	[tilespmem:$0xD5D0] =	vst v1  }
0x5d: {  	[tilespmem:$0xD5E0] =	vst v1  }
0x5e: {  	[tilespmem:$0xD5F0] =	vst v1  }
0x5f: {  	[tilespmem:$0xD600] =	vst v1  }
0x60: {  	[tilespmem:$0xD610] =	vst v1  }
0x61: {  	[tilespmem:$0xD620] =	vst v1  }
0x62: {  	[tilespmem:$0xD630] =	vst v1  }
0x63: {  	[tilespmem:$0xD640] =	vst v1  }
0x64: {  	[tilespmem:$0xD650] =	vst v1  }
0x65: {  	[tilespmem:$0xD660] =	vst v1  }
0x66: {  	[tilespmem:$0xD670] =	vst v1  }
0x67: {  	[tilespmem:$0xD680] =	vst v1  }
0x68: {  	[tilespmem:$0xD690] =	vst v1  }
0x69: {  	[tilespmem:$0xD6A0] =	vst v1  }
0x6a: {  	[tilespmem:$0xD6B0] =	vst v1  }
0x6b: {  	[tilespmem:$0xD6C0] =	vst v1  }
0x6c: {  	[tilespmem:$0xD6D0] =	vst v1  }
0x6d: {  	[tilespmem:$0xD6E0] =	vst v1  }
0x6e: {  	[tilespmem:$0xD6F0] =	vst v1  }
0x6f: {  	[tilespmem:$0xD700] =	vst v1  }
0x70: {  	[tilespmem:$0xD710] =	vst v1  }
0x71: {  	[tilespmem:$0xD720] =	vst v1  }
0x72: {  	[tilespmem:$0xD730] =	vst v1  }
0x73: {  	[tilespmem:$0xD740] =	vst v1  }
0x74: {  	[tilespmem:$0xD750] =	vst v1  }
0x75: {  	[tilespmem:$0xD760] =	vst v1  }
0x76: {  	[tilespmem:$0xD770] =	vst v1  }
0x77: {  	[spmem:s8] =	stream.linear.scatter [tilespmem:s19], [sflag:$0xA], $0x280, $0x38;
	[tilespmem:$0x14200] =	vst v63  }
0x78: {  	_ =	swait.ge [sflag:s26], $0x280  }
0x79: {  	s31 =	simm.s32 $0x70;
	[sflag:s26] =	ssyncset.done $0x0  }
0x7a: {  	s5 =	simm.s32 $0x10;
	v3 =	vor.u32 s31, v2;
	s3 =	simm.s32 $0xFFC0;
	[sflag:s26] =	ssyncadd.s32 $0xFFFFFD80  }
0x7b: {  	v4 =	vor.u32 s5, v2;
	s5 =	simm.s32 $0x20;
	[tilespmem:s3+$0x30] =	vst v3  }
0x7c: {  	s31 =	simm.s32 $0x60;
	[tilespmem:s3+$0xFFFFFFD0] =	vst v4;
	v3 =	vor.u32 s5, v2  }
0x7d: {  	s7 =	simm.s32 $0x30;
	v4 =	vor.u32 s31, v2;
	[tilespmem:s3+$0xFFFFFFE0] =	vst v3  }
0x7e: {  	s11 =	simm.s32 $0x40;
	v3 =	vor.u32 s7, v2;
	[tilespmem:s3+$0x20] =	vst v4  }
0x7f: {  	s23 =	simm.s32 $0x50;
	[tilespmem:s3+$0xFFFFFFF0] =	vst v3;
	v3 =	vor.u32 s11, v2  }
0x80: {  	s11 =	simm.s32 $0x0;
	[tilespmem:s3+$0x0] =	vst v3;
	v3 =	vor.u32 s23, v2  }
0x81: {  	s4 =	simm.s32 $0x80;
	s5 =	simm.s32 $0x100;
	s7 =	simm.s32 $0xF0;
	[tilespmem:s3+$0x10] =	vst v3;
	v3 =	vor.u32 s11, v2  }
.LBB2_4:
0x82: {  	p1 =	sne.s32 s5, $0x200;
	s11 =	sadd.s32 $0x10, s4;
	v4 =	vor.u32 s7, v2;
	[tilespmem:s3+$0xFFFFFFC0] =	vst v3;
	s3 =	sadd.s32 $0x80, s3  }
0x83: {  	s7 =	sadd.s32 $0x20, s4;
	v3 =	vor.u32 s11, v2;
	[tilespmem:s3+$0x30] =	vst v4  }
0x84: {  	[tilespmem:s3+$0xFFFFFFD0] =	vst v3;
	v3 =	vor.u32 s7, v2;
	s7 =	sadd.s32 $0x30, s4  }
.Ltmp1:
0x85: {  	[tilespmem:s3+$0xFFFFFFE0] =	vst v3;
	v3 =	vor.u32 s7, v2;
	s7 =	sadd.s32 $0x40, s4;
	(pc) =	sbr.rel @p1 .LBB2_4-.Ltmp1, $4  }
0x86: {  	[tilespmem:s3+$0xFFFFFFF0] =	vst v3;
	v3 =	vor.u32 s7, v2;
	s7 =	sadd.s32 $0x50, s4  }
0x87: {  	[tilespmem:s3+$0x0] =	vst v3;
	v3 =	vor.u32 s7, v2;
	s7 =	sadd.s32 $0x60, s4  }
0x88: {  	[tilespmem:s3+$0x10] =	vst v3;
	v4 =	vor.u32 s7, v2  }
0x89: {  	s7 =	sadd.s32 $0x70, s5;
	v3 =	vor.u32 s4, v2;
	s4 =	smov.u32 s5;
	s5 =	sadd.s32 $0x80, s5;
	[tilespmem:s3+$0x20] =	vst v4  }
0x8a: {  	v4 =	vor.u32 s7, v2;
	[tilespmem:s3+$0xFFFFFFC0] =	vst v3;
	s3 =	sadd.s32 $0x80, s3  }
0x8b: {  	s5 =	sadd.s32 $0x10, s4;
	v63 =	vor.u32 s4, v2;
	[tilespmem:s3+$0x30] =	vst v4  }
0x8c: {  	s31 =	sadd.s32 $0x20, s4;
	v3 =	vor.u32 s5, v2;
	[tilespmem:s3+$0xFFFFFFC0] =	vst v63  }
0x8d: {  	s7 =	sadd.s32 $0x30, s4;
	[tilespmem:s3+$0xFFFFFFD0] =	vst v3;
	v3 =	vor.u32 s31, v2  }
0x8e: {  	s11 =	sadd.s32 $0x40, s4;
	[tilespmem:s3+$0xFFFFFFE0] =	vst v3;
	v3 =	vor.u32 s7, v2  }
0x8f: {  	s23 =	sadd.s32 $0x50, s4;
	[tilespmem:s3+$0xFFFFFFF0] =	vst v3;
	v3 =	vor.u32 s11, v2  }
0x90: {  	s31 =	sadd.s32 $0x60, s4;
	[tilespmem:s3+$0x0] =	vst v3;
	v3 =	vor.u32 s23, v2  }
0x91: {  	[tilespmem:s3+$0x10] =	vst v3;
	v3 =	vor.u32 s31, v2  }
0x92: {  	s4 =	simm.s32 $0x0;
	[tilespmem:s3+$0x20] =	vst v3;
	s3 =	simm.s32 $0x40  }
.LBB2_6:
0x93: {  	p1 =	sne.s32 s3, $0x9FC0;
	[tilespmem:s4+$0xD780] =	vst v0;
	s4 =	smov.u32 s3;
	s3 =	sadd.s32 $0x40, s3  }
.Ltmp2:
0x94: {  	(pc) =	sbr.rel @p1 .LBB2_6-.Ltmp2, $2  }
0x95: {  	_ =	sdelay $0x2  }
0x96: {  	s4 =	sshra.s32 s4, $0x2  }
0x97: {  	[tilespmem:s4+$0xD780] =	vst v0  }
0x98: {  	s3 =	simm.s32 $0x0;
	[bflag:$0x0] =	sbarrier.arrive $0xFFFF  }
.LBB2_8:
0x99: {  	s4 =	sshra.s32 s3, $0x2  }
0x9a: {  	v3 =	vld [tilespmem:s4+$0x7D00];
	_ =	sdelay $0x2  }
0x9b: {  	v4 =	vld [tilespmem:s4+$0xA500];
	_ =	sdelay $0x4  }
0x9c: {  	[tilespmem:v3+s0+$0x0] =	vst.idx.add.f32.msk $0xffff, v4  }
0x9d: {  	v3 =	vld [tilespmem:s4+$0x7D10];
	_ =	sdelay $0x2  }
0x9e: {  	v4 =	vld [tilespmem:s4+$0xA510];
	_ =	sdelay $0x4  }
0x9f: {  	[tilespmem:v3+s0+$0x0] =	vst.idx.add.f32.msk $0xffff, v4  }
0xa0: {  	v3 =	vld [tilespmem:s4+$0x7D20];
	_ =	sdelay $0x2  }
0xa1: {  	v4 =	vld [tilespmem:s4+$0xA520];
	_ =	sdelay $0x4  }
0xa2: {  	[tilespmem:v3+s0+$0x0] =	vst.idx.add.f32.msk $0xffff, v4  }
0xa3: {  	v3 =	vld [tilespmem:s4+$0x7D30];
	_ =	sdelay $0x2  }
0xa4: {  	v4 =	vld [tilespmem:s4+$0xA530];
	_ =	sdelay $0x4  }
0xa5: {  	[tilespmem:v3+s0+$0x0] =	vst.idx.add.f32.msk $0xffff, v4  }
0xa6: {  	v3 =	vld [tilespmem:s4+$0x7D40];
	_ =	sdelay $0x2  }
0xa7: {  	v4 =	vld [tilespmem:s4+$0xA540];
	_ =	sdelay $0x4  }
0xa8: {  	[tilespmem:v3+s0+$0x0] =	vst.idx.add.f32.msk $0xffff, v4  }
0xa9: {  	v3 =	vld [tilespmem:s4+$0x7D50];
	_ =	sdelay $0x2  }
0xaa: {  	v4 =	vld [tilespmem:s4+$0xA550];
	_ =	sdelay $0x4  }
0xab: {  	[tilespmem:v3+s0+$0x0] =	vst.idx.add.f32.msk $0xffff, v4  }
0xac: {  	v3 =	vld [tilespmem:s4+$0x7D60];
	_ =	sdelay $0x2  }
0xad: {  	v4 =	vld [tilespmem:s4+$0xA560];
	_ =	sdelay $0x4  }
0xae: {  	[tilespmem:v3+s0+$0x0] =	vst.idx.add.f32.msk $0xffff, v4  }
0xaf: {  	v3 =	vld [tilespmem:s4+$0x7D70];
	_ =	sdelay $0x2  }
0xb0: {  	p1 =	seq.s32 s3, $0x9E00;
	v4 =	vld [tilespmem:s4+$0xA570]  }
.Ltmp3:
0xb1: {  	_ = 	snop;
	(pc) =	sbr.rel @!p1 .LBB2_8-.Ltmp3, $2  }
0xb2: {  	_ =	sdelay $0x2  }
0xb3: {  	s3 =	sadd.s32 $0x200, s3;
	[tilespmem:v3+s0+$0x0] =	vst.idx.add.f32.msk $0xffff, v4  }
0xb4: {  	s3 =	simm.s32 $0x0  }
.LBB2_10:
0xb5: {  	s4 =	sadd.s32 s3, s14  }
0xb6: {  	[tilespmem:s28], [sflag:$0xA] =	stream.linear.gather [hbm4b:s4+s6], $0x400, $0x38;
	[tilespmem:$0x14200] =	vst v63  }
0xb7: {  	_ =	swait.ge [sflag:s26], $0x400  }
0xb8: {  	[sflag:s26] =	ssyncset.done $0x0  }
0xb9: {  	s31 =	sadd.s32 s3, s15;
	[sflag:s26] =	ssyncadd.s32 $0xFFFFFC00  }
0xba: {  	[tilespmem:s30], [sflag:$0xA] =	stream.linear.gather [hbm4b:s31+s6], $0x400, $0x38;
	[tilespmem:$0x14200] =	vst v63  }
0xbb: {  	_ =	swait.ge [sflag:s26], $0x400  }
0xbc: {  	[sflag:s26] =	ssyncset.done $0x0  }
0xbd: {  	[sflag:s26] =	ssyncadd.s32 $0xFFFFFC00  }
0xbe: {  	v3 =	vld [tilespmem:$0xCD00];
	_ =	sdelay $0x2  }
0xbf: {  	v4 =	vld [tilespmem:$0xD100];
	_ =	sdelay $0x4  }
0xc0: {  	[tilespmem:v3+s0+$0x0] =	vst.idx.add.f32.msk $0xffff, v4  }
0xc1: {  	v3 =	vld [tilespmem:$0xCD10];
	_ =	sdelay $0x2  }
0xc2: {  	v4 =	vld [tilespmem:$0xD110];
	_ =	sdelay $0x4  }
0xc3: {  	[tilespmem:v3+s0+$0x0] =	vst.idx.add.f32.msk $0xffff, v4  }
0xc4: {  	v3 =	vld [tilespmem:$0xCD20];
	_ =	sdelay $0x2  }
0xc5: {  	v4 =	vld [tilespmem:$0xD120];
	_ =	sdelay $0x4  }
0xc6: {  	[tilespmem:v3+s0+$0x0] =	vst.idx.add.f32.msk $0xffff, v4  }
0xc7: {  	v3 =	vld [tilespmem:$0xCD30];
	_ =	sdelay $0x2  }
0xc8: {  	v4 =	vld [tilespmem:$0xD130];
	_ =	sdelay $0x4  }
0xc9: {  	[tilespmem:v3+s0+$0x0] =	vst.idx.add.f32.msk $0xffff, v4  }
0xca: {  	v3 =	vld [tilespmem:$0xCD40];
	_ =	sdelay $0x2  }
0xcb: {  	v4 =	vld [tilespmem:$0xD140];
	_ =	sdelay $0x4  }
0xcc: {  	[tilespmem:v3+s0+$0x0] =	vst.idx.add.f32.msk $0xffff, v4  }
0xcd: {  	v3 =	vld [tilespmem:$0xCD50];
	_ =	sdelay $0x2  }
0xce: {  	v4 =	vld [tilespmem:$0xD150];
	_ =	sdelay $0x4  }
0xcf: {  	[tilespmem:v3+s0+$0x0] =	vst.idx.add.f32.msk $0xffff, v4  }
0xd0: {  	v3 =	vld [tilespmem:$0xCD60];
	_ =	sdelay $0x2  }
0xd1: {  	v4 =	vld [tilespmem:$0xD160];
	_ =	sdelay $0x4  }
0xd2: {  	[tilespmem:v3+s0+$0x0] =	vst.idx.add.f32.msk $0xffff, v4  }
0xd3: {  	v3 =	vld [tilespmem:$0xCD70];
	_ =	sdelay $0x2  }
0xd4: {  	v4 =	vld [tilespmem:$0xD170];
	_ =	sdelay $0x4  }
0xd5: {  	[tilespmem:v3+s0+$0x0] =	vst.idx.add.f32.msk $0xffff, v4  }
0xd6: {  	v3 =	vld [tilespmem:$0xCD80];
	_ =	sdelay $0x2  }
0xd7: {  	v4 =	vld [tilespmem:$0xD180];
	_ =	sdelay $0x4  }
0xd8: {  	[tilespmem:v3+s0+$0x0] =	vst.idx.add.f32.msk $0xffff, v4  }
0xd9: {  	v3 =	vld [tilespmem:$0xCD90];
	_ =	sdelay $0x2  }
0xda: {  	v4 =	vld [tilespmem:$0xD190];
	_ =	sdelay $0x4  }
0xdb: {  	[tilespmem:v3+s0+$0x0] =	vst.idx.add.f32.msk $0xffff, v4  }
0xdc: {  	v3 =	vld [tilespmem:$0xCDA0];
	_ =	sdelay $0x2  }
0xdd: {  	v4 =	vld [tilespmem:$0xD1A0];
	_ =	sdelay $0x4  }
0xde: {  	[tilespmem:v3+s0+$0x0] =	vst.idx.add.f32.msk $0xffff, v4  }
0xdf: {  	v3 =	vld [tilespmem:$0xCDB0];
	_ =	sdelay $0x2  }
0xe0: {  	v4 =	vld [tilespmem:$0xD1B0];
	_ =	sdelay $0x4  }
0xe1: {  	[tilespmem:v3+s0+$0x0] =	vst.idx.add.f32.msk $0xffff, v4  }
0xe2: {  	v3 =	vld [tilespmem:$0xCDC0];
	_ =	sdelay $0x2  }
0xe3: {  	v4 =	vld [tilespmem:$0xD1C0];
	_ =	sdelay $0x4  }
0xe4: {  	[tilespmem:v3+s0+$0x0] =	vst.idx.add.f32.msk $0xffff, v4  }
0xe5: {  	v3 =	vld [tilespmem:$0xCDD0];
	_ =	sdelay $0x2  }
0xe6: {  	v4 =	vld [tilespmem:$0xD1D0];
	_ =	sdelay $0x4  }
0xe7: {  	[tilespmem:v3+s0+$0x0] =	vst.idx.add.f32.msk $0xffff, v4  }
0xe8: {  	v3 =	vld [tilespmem:$0xCDE0];
	_ =	sdelay $0x2  }
0xe9: {  	v4 =	vld [tilespmem:$0xD1E0];
	_ =	sdelay $0x4  }
0xea: {  	[tilespmem:v3+s0+$0x0] =	vst.idx.add.f32.msk $0xffff, v4  }
0xeb: {  	v3 =	vld [tilespmem:$0xCDF0];
	_ =	sdelay $0x2  }
0xec: {  	v4 =	vld [tilespmem:$0xD1F0];
	_ =	sdelay $0x4  }
0xed: {  	[tilespmem:v3+s0+$0x0] =	vst.idx.add.f32.msk $0xffff, v4  }
0xee: {  	v3 =	vld [tilespmem:$0xCE00];
	_ =	sdelay $0x2  }
0xef: {  	v4 =	vld [tilespmem:$0xD200];
	_ =	sdelay $0x4  }
0xf0: {  	[tilespmem:v3+s0+$0x0] =	vst.idx.add.f32.msk $0xffff, v4  }
0xf1: {  	v3 =	vld [tilespmem:$0xCE10];
	_ =	sdelay $0x2  }
0xf2: {  	v4 =	vld [tilespmem:$0xD210];
	_ =	sdelay $0x4  }
0xf3: {  	[tilespmem:v3+s0+$0x0] =	vst.idx.add.f32.msk $0xffff, v4  }
0xf4: {  	v3 =	vld [tilespmem:$0xCE20];
	_ =	sdelay $0x2  }
0xf5: {  	v4 =	vld [tilespmem:$0xD220];
	_ =	sdelay $0x4  }
0xf6: {  	[tilespmem:v3+s0+$0x0] =	vst.idx.add.f32.msk $0xffff, v4  }
0xf7: {  	v3 =	vld [tilespmem:$0xCE30];
	_ =	sdelay $0x2  }
0xf8: {  	v4 =	vld [tilespmem:$0xD230];
	_ =	sdelay $0x4  }
0xf9: {  	[tilespmem:v3+s0+$0x0] =	vst.idx.add.f32.msk $0xffff, v4  }
0xfa: {  	v3 =	vld [tilespmem:$0xCE40];
	_ =	sdelay $0x2  }
0xfb: {  	v4 =	vld [tilespmem:$0xD240];
	_ =	sdelay $0x4  }
0xfc: {  	[tilespmem:v3+s0+$0x0] =	vst.idx.add.f32.msk $0xffff, v4  }
0xfd: {  	v3 =	vld [tilespmem:$0xCE50];
	_ =	sdelay $0x2  }
0xfe: {  	v4 =	vld [tilespmem:$0xD250];
	_ =	sdelay $0x4  }
0xff: {  	[tilespmem:v3+s0+$0x0] =	vst.idx.add.f32.msk $0xffff, v4  }
0x100: {  	v3 =	vld [tilespmem:$0xCE60];
	_ =	sdelay $0x2  }
0x101: {  	v4 =	vld [tilespmem:$0xD260];
	_ =	sdelay $0x4  }
0x102: {  	[tilespmem:v3+s0+$0x0] =	vst.idx.add.f32.msk $0xffff, v4  }
0x103: {  	v3 =	vld [tilespmem:$0xCE70];
	_ =	sdelay $0x2  }
0x104: {  	v4 =	vld [tilespmem:$0xD270];
	_ =	sdelay $0x4  }
0x105: {  	[tilespmem:v3+s0+$0x0] =	vst.idx.add.f32.msk $0xffff, v4  }
0x106: {  	v3 =	vld [tilespmem:$0xCE80];
	_ =	sdelay $0x2  }
0x107: {  	v4 =	vld [tilespmem:$0xD280];
	_ =	sdelay $0x4  }
0x108: {  	[tilespmem:v3+s0+$0x0] =	vst.idx.add.f32.msk $0xffff, v4  }
0x109: {  	v3 =	vld [tilespmem:$0xCE90];
	_ =	sdelay $0x2  }
0x10a: {  	v4 =	vld [tilespmem:$0xD290];
	_ =	sdelay $0x4  }
0x10b: {  	[tilespmem:v3+s0+$0x0] =	vst.idx.add.f32.msk $0xffff, v4  }
0x10c: {  	v3 =	vld [tilespmem:$0xCEA0];
	_ =	sdelay $0x2  }
0x10d: {  	v4 =	vld [tilespmem:$0xD2A0];
	_ =	sdelay $0x4  }
0x10e: {  	[tilespmem:v3+s0+$0x0] =	vst.idx.add.f32.msk $0xffff, v4  }
0x10f: {  	v3 =	vld [tilespmem:$0xCEB0];
	_ =	sdelay $0x2  }
0x110: {  	v4 =	vld [tilespmem:$0xD2B0];
	_ =	sdelay $0x4  }
0x111: {  	[tilespmem:v3+s0+$0x0] =	vst.idx.add.f32.msk $0xffff, v4  }
0x112: {  	v3 =	vld [tilespmem:$0xCEC0];
	_ =	sdelay $0x2  }
0x113: {  	v4 =	vld [tilespmem:$0xD2C0];
	_ =	sdelay $0x4  }
0x114: {  	[tilespmem:v3+s0+$0x0] =	vst.idx.add.f32.msk $0xffff, v4  }
0x115: {  	v3 =	vld [tilespmem:$0xCED0];
	_ =	sdelay $0x2  }
0x116: {  	v4 =	vld [tilespmem:$0xD2D0];
	_ =	sdelay $0x4  }
0x117: {  	[tilespmem:v3+s0+$0x0] =	vst.idx.add.f32.msk $0xffff, v4  }
0x118: {  	v3 =	vld [tilespmem:$0xCEE0];
	_ =	sdelay $0x2  }
0x119: {  	v4 =	vld [tilespmem:$0xD2E0];
	_ =	sdelay $0x4  }
0x11a: {  	[tilespmem:v3+s0+$0x0] =	vst.idx.add.f32.msk $0xffff, v4  }
0x11b: {  	v3 =	vld [tilespmem:$0xCEF0];
	_ =	sdelay $0x2  }
0x11c: {  	v4 =	vld [tilespmem:$0xD2F0];
	_ =	sdelay $0x4  }
0x11d: {  	[tilespmem:v3+s0+$0x0] =	vst.idx.add.f32.msk $0xffff, v4  }
0x11e: {  	v3 =	vld [tilespmem:$0xCF00];
	_ =	sdelay $0x2  }
0x11f: {  	v4 =	vld [tilespmem:$0xD300];
	_ =	sdelay $0x4  }
0x120: {  	[tilespmem:v3+s0+$0x0] =	vst.idx.add.f32.msk $0xffff, v4  }
0x121: {  	v3 =	vld [tilespmem:$0xCF10];
	_ =	sdelay $0x2  }
0x122: {  	v4 =	vld [tilespmem:$0xD310];
	_ =	sdelay $0x4  }
0x123: {  	[tilespmem:v3+s0+$0x0] =	vst.idx.add.f32.msk $0xffff, v4  }
0x124: {  	v3 =	vld [tilespmem:$0xCF20];
	_ =	sdelay $0x2  }
0x125: {  	v4 =	vld [tilespmem:$0xD320];
	_ =	sdelay $0x4  }
0x126: {  	[tilespmem:v3+s0+$0x0] =	vst.idx.add.f32.msk $0xffff, v4  }
0x127: {  	v3 =	vld [tilespmem:$0xCF30];
	_ =	sdelay $0x2  }
0x128: {  	v4 =	vld [tilespmem:$0xD330];
	_ =	sdelay $0x4  }
0x129: {  	[tilespmem:v3+s0+$0x0] =	vst.idx.add.f32.msk $0xffff, v4  }
0x12a: {  	v3 =	vld [tilespmem:$0xCF40];
	_ =	sdelay $0x2  }
0x12b: {  	v4 =	vld [tilespmem:$0xD340];
	_ =	sdelay $0x4  }
0x12c: {  	[tilespmem:v3+s0+$0x0] =	vst.idx.add.f32.msk $0xffff, v4  }
0x12d: {  	v3 =	vld [tilespmem:$0xCF50];
	_ =	sdelay $0x2  }
0x12e: {  	v4 =	vld [tilespmem:$0xD350];
	_ =	sdelay $0x4  }
0x12f: {  	[tilespmem:v3+s0+$0x0] =	vst.idx.add.f32.msk $0xffff, v4  }
0x130: {  	v3 =	vld [tilespmem:$0xCF60];
	_ =	sdelay $0x2  }
0x131: {  	v4 =	vld [tilespmem:$0xD360];
	_ =	sdelay $0x4  }
0x132: {  	[tilespmem:v3+s0+$0x0] =	vst.idx.add.f32.msk $0xffff, v4  }
0x133: {  	v3 =	vld [tilespmem:$0xCF70];
	_ =	sdelay $0x2  }
0x134: {  	v4 =	vld [tilespmem:$0xD370];
	_ =	sdelay $0x4  }
0x135: {  	[tilespmem:v3+s0+$0x0] =	vst.idx.add.f32.msk $0xffff, v4  }
0x136: {  	v3 =	vld [tilespmem:$0xCF80];
	_ =	sdelay $0x2  }
0x137: {  	v4 =	vld [tilespmem:$0xD380];
	_ =	sdelay $0x4  }
0x138: {  	[tilespmem:v3+s0+$0x0] =	vst.idx.add.f32.msk $0xffff, v4  }
0x139: {  	v3 =	vld [tilespmem:$0xCF90];
	_ =	sdelay $0x2  }
0x13a: {  	v4 =	vld [tilespmem:$0xD390];
	_ =	sdelay $0x4  }
0x13b: {  	[tilespmem:v3+s0+$0x0] =	vst.idx.add.f32.msk $0xffff, v4  }
0x13c: {  	v3 =	vld [tilespmem:$0xCFA0];
	_ =	sdelay $0x2  }
0x13d: {  	v4 =	vld [tilespmem:$0xD3A0];
	_ =	sdelay $0x4  }
0x13e: {  	[tilespmem:v3+s0+$0x0] =	vst.idx.add.f32.msk $0xffff, v4  }
0x13f: {  	v3 =	vld [tilespmem:$0xCFB0];
	_ =	sdelay $0x2  }
0x140: {  	v4 =	vld [tilespmem:$0xD3B0];
	_ =	sdelay $0x4  }
0x141: {  	[tilespmem:v3+s0+$0x0] =	vst.idx.add.f32.msk $0xffff, v4  }
0x142: {  	v3 =	vld [tilespmem:$0xCFC0];
	_ =	sdelay $0x2  }
0x143: {  	v4 =	vld [tilespmem:$0xD3C0];
	_ =	sdelay $0x4  }
0x144: {  	[tilespmem:v3+s0+$0x0] =	vst.idx.add.f32.msk $0xffff, v4  }
0x145: {  	v3 =	vld [tilespmem:$0xCFD0];
	_ =	sdelay $0x2  }
0x146: {  	v4 =	vld [tilespmem:$0xD3D0];
	_ =	sdelay $0x4  }
0x147: {  	[tilespmem:v3+s0+$0x0] =	vst.idx.add.f32.msk $0xffff, v4  }
0x148: {  	v3 =	vld [tilespmem:$0xCFE0];
	_ =	sdelay $0x2  }
0x149: {  	v4 =	vld [tilespmem:$0xD3E0];
	_ =	sdelay $0x4  }
0x14a: {  	[tilespmem:v3+s0+$0x0] =	vst.idx.add.f32.msk $0xffff, v4  }
0x14b: {  	v3 =	vld [tilespmem:$0xCFF0];
	_ =	sdelay $0x2  }
0x14c: {  	v4 =	vld [tilespmem:$0xD3F0];
	_ =	sdelay $0x4  }
0x14d: {  	[tilespmem:v3+s0+$0x0] =	vst.idx.add.f32.msk $0xffff, v4  }
0x14e: {  	v3 =	vld [tilespmem:$0xD000];
	_ =	sdelay $0x2  }
0x14f: {  	v4 =	vld [tilespmem:$0xD400];
	_ =	sdelay $0x4  }
0x150: {  	[tilespmem:v3+s0+$0x0] =	vst.idx.add.f32.msk $0xffff, v4  }
0x151: {  	v3 =	vld [tilespmem:$0xD010];
	_ =	sdelay $0x2  }
0x152: {  	v4 =	vld [tilespmem:$0xD410];
	_ =	sdelay $0x4  }
0x153: {  	[tilespmem:v3+s0+$0x0] =	vst.idx.add.f32.msk $0xffff, v4  }
0x154: {  	v3 =	vld [tilespmem:$0xD020];
	_ =	sdelay $0x2  }
0x155: {  	v4 =	vld [tilespmem:$0xD420];
	_ =	sdelay $0x4  }
0x156: {  	[tilespmem:v3+s0+$0x0] =	vst.idx.add.f32.msk $0xffff, v4  }
0x157: {  	v3 =	vld [tilespmem:$0xD030];
	_ =	sdelay $0x2  }
0x158: {  	v4 =	vld [tilespmem:$0xD430];
	_ =	sdelay $0x4  }
0x159: {  	[tilespmem:v3+s0+$0x0] =	vst.idx.add.f32.msk $0xffff, v4  }
0x15a: {  	v3 =	vld [tilespmem:$0xD040];
	_ =	sdelay $0x2  }
0x15b: {  	v4 =	vld [tilespmem:$0xD440];
	_ =	sdelay $0x4  }
0x15c: {  	[tilespmem:v3+s0+$0x0] =	vst.idx.add.f32.msk $0xffff, v4  }
0x15d: {  	v3 =	vld [tilespmem:$0xD050];
	_ =	sdelay $0x2  }
0x15e: {  	v4 =	vld [tilespmem:$0xD450];
	_ =	sdelay $0x4  }
0x15f: {  	[tilespmem:v3+s0+$0x0] =	vst.idx.add.f32.msk $0xffff, v4  }
0x160: {  	v3 =	vld [tilespmem:$0xD060];
	_ =	sdelay $0x2  }
0x161: {  	v4 =	vld [tilespmem:$0xD460];
	_ =	sdelay $0x4  }
0x162: {  	[tilespmem:v3+s0+$0x0] =	vst.idx.add.f32.msk $0xffff, v4  }
0x163: {  	v3 =	vld [tilespmem:$0xD070];
	_ =	sdelay $0x2  }
0x164: {  	v4 =	vld [tilespmem:$0xD470];
	_ =	sdelay $0x4  }
0x165: {  	[tilespmem:v3+s0+$0x0] =	vst.idx.add.f32.msk $0xffff, v4  }
0x166: {  	v3 =	vld [tilespmem:$0xD080];
	_ =	sdelay $0x2  }
0x167: {  	v4 =	vld [tilespmem:$0xD480];
	_ =	sdelay $0x4  }
0x168: {  	[tilespmem:v3+s0+$0x0] =	vst.idx.add.f32.msk $0xffff, v4  }
0x169: {  	v3 =	vld [tilespmem:$0xD090];
	_ =	sdelay $0x2  }
0x16a: {  	v4 =	vld [tilespmem:$0xD490];
	_ =	sdelay $0x4  }
0x16b: {  	[tilespmem:v3+s0+$0x0] =	vst.idx.add.f32.msk $0xffff, v4  }
0x16c: {  	v3 =	vld [tilespmem:$0xD0A0];
	_ =	sdelay $0x2  }
0x16d: {  	v4 =	vld [tilespmem:$0xD4A0];
	_ =	sdelay $0x4  }
0x16e: {  	[tilespmem:v3+s0+$0x0] =	vst.idx.add.f32.msk $0xffff, v4  }
0x16f: {  	v3 =	vld [tilespmem:$0xD0B0];
	_ =	sdelay $0x2  }
0x170: {  	v4 =	vld [tilespmem:$0xD4B0];
	_ =	sdelay $0x4  }
0x171: {  	[tilespmem:v3+s0+$0x0] =	vst.idx.add.f32.msk $0xffff, v4  }
0x172: {  	v3 =	vld [tilespmem:$0xD0C0];
	_ =	sdelay $0x2  }
0x173: {  	v4 =	vld [tilespmem:$0xD4C0];
	_ =	sdelay $0x4  }
0x174: {  	[tilespmem:v3+s0+$0x0] =	vst.idx.add.f32.msk $0xffff, v4  }
0x175: {  	v3 =	vld [tilespmem:$0xD0D0];
	_ =	sdelay $0x2  }
0x176: {  	v4 =	vld [tilespmem:$0xD4D0];
	_ =	sdelay $0x4  }
0x177: {  	[tilespmem:v3+s0+$0x0] =	vst.idx.add.f32.msk $0xffff, v4  }
0x178: {  	v3 =	vld [tilespmem:$0xD0E0];
	_ =	sdelay $0x2  }
0x179: {  	v4 =	vld [tilespmem:$0xD4E0];
	_ =	sdelay $0x4  }
0x17a: {  	[tilespmem:v3+s0+$0x0] =	vst.idx.add.f32.msk $0xffff, v4  }
0x17b: {  	v3 =	vld [tilespmem:$0xD0F0];
	_ =	sdelay $0x2  }
0x17c: {  	p1 =	sne.s32 s3, $0x480;
	v4 =	vld [tilespmem:$0xD4F0]  }
.Ltmp4:
0x17d: {  	_ = 	snop;
	(pc) =	sbr.rel @p1 .LBB2_10-.Ltmp4, $2  }
0x17e: {  	_ =	sdelay $0x2  }
0x17f: {  	s3 =	sadd.s32 $0x80, s3;
	[tilespmem:v3+s0+$0x0] =	vst.idx.add.f32.msk $0xffff, v4  }
0x180: {  	s3 =	rddreg [dreg:$0x4];
	s4 =	simm.s32 $0xFF80  }
0x181: {  	[spmem:s3] =	stream.indirect.scatter.add.f32 [tilespmem:s0], [sflag:$0x9], $0x10, s4, s29, $0xb8;
	[tilespmem:$0x14200] =	vst v63  }
0x182: {  	s31 =	simm.s32 $0x10000;
	s5 =	simm.s32 $0xDF80  }
0x183: {  	[spmem:s3] =	stream.indirect.scatter.add.f32 [tilespmem:s5], [sflag:$0x9], $0x10, s31, s29, $0xb8;
	[tilespmem:$0x14200] =	vst v63  }
0x184: {  	s7 =	simm.s32 $0xE780;
	s5 =	simm.s32 $0x10080  }
0x185: {  	[spmem:s3] =	stream.indirect.scatter.add.f32 [tilespmem:s7], [sflag:$0x9], $0x10, s5, s29, $0xb8;
	[tilespmem:$0x14200] =	vst v63  }
0x186: {  	s11 =	simm.s32 $0x10100;
	s23 =	simm.s32 $0xEF80  }
0x187: {  	[spmem:s3] =	stream.indirect.scatter.add.f32 [tilespmem:s23], [sflag:$0x9], $0x10, s11, s29, $0xb8;
	[tilespmem:$0x14200] =	vst v63  }
0x188: {  	s28 =	simm.s32 $0x10180;
	s30 =	simm.s32 $0xF780;
	s31 =	simm.s32 $0x9  }
0x189: {  	[spmem:s3] =	stream.indirect.scatter.add.f32 [tilespmem:s30], [sflag:$0x9], $0x10, s28, s29, $0xb8;
	[tilespmem:$0x14200] =	vst v63  }
0x18a: {  	_ =	swait.ge [sflag:s31], $0x800  }
0x18b: {  	[sflag:s31] =	ssyncset.done $0x0  }
0x18c: {  	[sflag:s31] =	ssyncadd.s32 $0xFFFFF800  }
0x18d: {  	_ =	swait.ge [sflag:s31], $0x800  }
0x18e: {  	[sflag:s31] =	ssyncset.done $0x0  }
0x18f: {  	[sflag:s31] =	ssyncadd.s32 $0xFFFFF800  }
0x190: {  	_ =	swait.ge [sflag:s31], $0x800  }
0x191: {  	[sflag:s31] =	ssyncset.done $0x0  }
0x192: {  	[sflag:s31] =	ssyncadd.s32 $0xFFFFF800  }
0x193: {  	_ =	swait.ge [sflag:s31], $0x800  }
0x194: {  	[sflag:s31] =	ssyncset.done $0x0  }
0x195: {  	[sflag:s31] =	ssyncadd.s32 $0xFFFFF800  }
0x196: {  	_ =	swait.ge [sflag:s31], $0x800  }
0x197: {  	[sflag:s31] =	ssyncset.done $0x0  }
0x198: {  	[sflag:s31] =	ssyncadd.s32 $0xFFFFF800  }
0x199: {  	[bflag:$0x0] =	sbarrier.arrive $0xFFFF  }
0x19a: {  	[tilespmem:s19], [sflag:$0xA] =	stream.linear.gather [spmem:s8], $0x280, $0x38;
	[tilespmem:$0x14200] =	vst v63  }
0x19b: {  	_ =	swait.ge [sflag:s26], $0x280  }
0x19c: {  	[sflag:s26] =	ssyncset.done $0x0  }
0x19d: {  	s4 =	simm.s32 $0x40;
	s3 =	simm.s32 $0x0;
	[sflag:s26] =	ssyncadd.s32 $0xFFFFFD80  }
.LBB2_12:
0x19e: {  	p1 =	sne.s32 s4, $0x9C0;
	v3 =	vld [tilespmem:s3+$0xD500];
	_ =	sdelay $0x4  }
0x19f: {  	v4 =	vshra.s32 v3, $0x1;
	v3 =	vmul.f32 $5.000000000e-01, v3  }
0x1a0: {  	v4 =	vsub.s32 $0x5F3759DF, v4  }
0x1a1: {  	v5 =	vmul.f32 v4, v3;
	_ =	sdelay $0x1  }
0x1a2: {  	v5 =	vmul.f32 v4, v5;
	_ =	sdelay $0x1  }
0x1a3: {  	v5 =	vsub.f32 $1.500000000e+00, v5;
	_ =	sdelay $0x1  }
0x1a4: {  	v4 =	vmul.f32 v4, v5;
	_ =	sdelay $0x1  }
0x1a5: {  	v5 =	vmul.f32 v4, v3;
	_ =	sdelay $0x1  }
0x1a6: {  	v5 =	vmul.f32 v5, v4;
	_ =	sdelay $0x1  }
0x1a7: {  	v5 =	vsub.f32 $1.500000000e+00, v5;
	_ =	sdelay $0x1  }
0x1a8: {  	v4 =	vmul.f32 v5, v4;
	_ =	sdelay $0x1  }
0x1a9: {  	v5 =	vmul.f32 v4, v3;
	_ =	sdelay $0x1  }
0x1aa: {  	v5 =	vmul.f32 v5, v4;
	_ =	sdelay $0x1  }
0x1ab: {  	v5 =	vsub.f32 $1.500000000e+00, v5;
	_ =	sdelay $0x1  }
0x1ac: {  	v4 =	vmul.f32 v5, v4;
	_ =	sdelay $0x1  }
0x1ad: {  	v3 =	vmul.f32 v4, v3;
	_ =	sdelay $0x1  }
0x1ae: {  	v3 =	vmul.f32 v3, v4;
	_ =	sdelay $0x1  }
.Ltmp5:
0x1af: {  	v3 =	vsub.f32 $1.500000000e+00, v3;
	(pc) =	sbr.rel @p1 .LBB2_12-.Ltmp5, $3  }
0x1b0: {  	_ = 	snop  }
0x1b1: {  	v3 =	vmul.f32 v3, v4;
	_ =	sdelay $0x1  }
0x1b2: {  	[tilespmem:s3+$0xD500] =	vst v3;
	s3 =	sshra.s32 s4, $0x2;
	s4 =	sadd.s32 $0x40, s4  }
0x1b3: {  	v3 =	vld [tilespmem:s3+$0xD500];
	_ =	sdelay $0x4  }
0x1b4: {  	v4 =	vshra.s32 v3, $0x1;
	v3 =	vmul.f32 $5.000000000e-01, v3  }
0x1b5: {  	v4 =	vsub.s32 $0x5F3759DF, v4  }
0x1b6: {  	v5 =	vmul.f32 v4, v3;
	_ =	sdelay $0x1  }
0x1b7: {  	v5 =	vmul.f32 v4, v5;
	_ =	sdelay $0x1  }
0x1b8: {  	v5 =	vsub.f32 $1.500000000e+00, v5;
	_ =	sdelay $0x1  }
0x1b9: {  	v4 =	vmul.f32 v4, v5;
	_ =	sdelay $0x1  }
0x1ba: {  	v5 =	vmul.f32 v4, v3;
	_ =	sdelay $0x1  }
0x1bb: {  	v5 =	vmul.f32 v5, v4;
	_ =	sdelay $0x1  }
0x1bc: {  	v5 =	vsub.f32 $1.500000000e+00, v5;
	_ =	sdelay $0x1  }
0x1bd: {  	v4 =	vmul.f32 v5, v4;
	_ =	sdelay $0x1  }
0x1be: {  	v5 =	vmul.f32 v4, v3;
	_ =	sdelay $0x1  }
0x1bf: {  	v5 =	vmul.f32 v5, v4;
	_ =	sdelay $0x1  }
0x1c0: {  	v5 =	vsub.f32 $1.500000000e+00, v5;
	_ =	sdelay $0x1  }
0x1c1: {  	v4 =	vmul.f32 v5, v4;
	_ =	sdelay $0x1  }
0x1c2: {  	v3 =	vmul.f32 v4, v3;
	_ =	sdelay $0x1  }
0x1c3: {  	v3 =	vmul.f32 v3, v4;
	_ =	sdelay $0x1  }
0x1c4: {  	v3 =	vsub.f32 $1.500000000e+00, v3;
	_ =	sdelay $0x1  }
0x1c5: {  	v3 =	vmul.f32 v3, v4;
	_ =	sdelay $0x1  }
0x1c6: {  	s30 =	rddreg [dreg:$0x11];
	[tilespmem:s3+$0xD500] =	vst v3  }
0x1c7: {  	[spmem:s30] =	stream.linear.scatter [tilespmem:s19], [sflag:$0xA], $0x280, $0x38;
	[tilespmem:$0x14200] =	vst v63  }
0x1c8: {  	_ =	swait.ge [sflag:s26], $0x280  }
0x1c9: {  	s4 =	simm.s32 @!p0 $0xD500;
	[sflag:s26] =	ssyncset.done $0x0  }
0x1ca: {  	s3 =	simm.s32 @!p0 $0x0;
	s5 =	rddreg [dreg:$0x12];
	[sflag:s26] =	ssyncadd.s32 $0xFFFFFD80  }
0x1cb: {  	[hbm4b:s5+s3] =	stream.linear.scatter @!p0 [tilespmem:s4], [sflag:$0xA], $0x280, $0x38;
	[tilespmem:$0x14200] =	vst v63  }
0x1cc: {  	s3 =	simm.s32 @!p0 $0xA  }
0x1cd: {  	_ =	swait.ge @!p0 [sflag:s3], $0x280  }
0x1ce: {  	[sflag:s3] =	ssyncset.done @!p0 $0x0  }
0x1cf: {  	[sflag:s3] =	ssyncadd.s32 @!p0 $0xFFFFFD80  }
0x1d0: {  	[bflag:$0x0] =	sbarrier.arrive $0xFFFF  }
0x1d1: {  	s31 =	rddreg [dreg:$0x5]  }
0x1d2: {  	[tilespmem:s0], [sflag:$0xA] =	stream.linear.gather [spmem:s31], $0x2800, $0x38;
	[tilespmem:$0x14200] =	vst v63  }
0x1d3: {  	_ =	swait.ge [sflag:s26], $0x2800  }
0x1d4: {  	[sflag:s26] =	ssyncset.done $0x0  }
0x1d5: {  	s3 =	simm.s32 $0x0;
	[sflag:s26] =	ssyncadd.s32 $0xFFFFD800  }
0x1d6: {  	v3 =	vld [tilespmem:s3+$0x5500];
	_ =	sdelay $0x1  }
0x1d7: {  	v4 =	vld [tilespmem:s3+$0x7D00];
	_ =	sdelay $0x4  }
0x1d8: {  	v5 =	vld [tilespmem:s3+$0xA500]  }
0x1d9: {  	v3 =	vld.idx.msk [tilespmem:v3+s0+$0x0], $0xffff  }
0x1da: {  	v6 =	vld [tilespmem:s3+$0x5510]  }
0x1db: {  	v4 =	vld.idx.msk [tilespmem:v4+s0+$0x0], $0xffff  }
0x1dc: {  	v7 =	vld [tilespmem:s3+$0x7D10];
	_ =	sdelay $0x1  }
0x1dd: {  	v3 =	vmul.f32 v5, v3;
	_ =	sdelay $0x1  }
0x1de: {  	v3 =	vmul.f32 v3, v4;
	_ =	sdelay $0x1  }
0x1df: {  	v4 =	vld [tilespmem:s3+$0xA510];
	[tilespmem:s3+$0xA500] =	vst v3  }
0x1e0: {  	v3 =	vld.idx.msk [tilespmem:v6+s0+$0x0], $0xffff  }
0x1e1: {  	v5 =	vld.idx.msk [tilespmem:v7+s0+$0x0], $0xffff  }
0x1e2: {  	v6 =	vld [tilespmem:s3+$0x5520]  }
0x1e3: {  	v7 =	vld [tilespmem:s3+$0x7D20];
	_ =	sdelay $0x1  }
0x1e4: {  	v3 =	vmul.f32 v4, v3;
	_ =	sdelay $0x1  }
0x1e5: {  	v3 =	vmul.f32 v3, v5;
	_ =	sdelay $0x1  }
0x1e6: {  	v4 =	vld [tilespmem:s3+$0xA520];
	[tilespmem:s3+$0xA510] =	vst v3  }
0x1e7: {  	v3 =	vld.idx.msk [tilespmem:v6+s0+$0x0], $0xffff  }
0x1e8: {  	v5 =	vld.idx.msk [tilespmem:v7+s0+$0x0], $0xffff  }
0x1e9: {  	v6 =	vld [tilespmem:s3+$0x5530]  }
0x1ea: {  	v7 =	vld [tilespmem:s3+$0x7D30];
	_ =	sdelay $0x1  }
0x1eb: {  	v3 =	vmul.f32 v4, v3;
	_ =	sdelay $0x1  }
0x1ec: {  	v3 =	vmul.f32 v3, v5;
	_ =	sdelay $0x1  }
0x1ed: {  	v4 =	vld [tilespmem:s3+$0xA530];
	[tilespmem:s3+$0xA520] =	vst v3  }
0x1ee: {  	v3 =	vld.idx.msk [tilespmem:v6+s0+$0x0], $0xffff  }
0x1ef: {  	v5 =	vld.idx.msk [tilespmem:v7+s0+$0x0], $0xffff  }
0x1f0: {  	v6 =	vld [tilespmem:s3+$0x5540]  }
0x1f1: {  	v7 =	vld [tilespmem:s3+$0x7D40];
	_ =	sdelay $0x1  }
0x1f2: {  	v3 =	vmul.f32 v4, v3;
	_ =	sdelay $0x1  }
0x1f3: {  	v3 =	vmul.f32 v3, v5;
	_ =	sdelay $0x1  }
0x1f4: {  	v4 =	vld [tilespmem:s3+$0xA540];
	[tilespmem:s3+$0xA530] =	vst v3  }
0x1f5: {  	v3 =	vld.idx.msk [tilespmem:v6+s0+$0x0], $0xffff  }
0x1f6: {  	v5 =	vld.idx.msk [tilespmem:v7+s0+$0x0], $0xffff  }
0x1f7: {  	v6 =	vld [tilespmem:s3+$0x5550]  }
0x1f8: {  	v7 =	vld [tilespmem:s3+$0x7D50];
	_ =	sdelay $0x1  }
0x1f9: {  	v3 =	vmul.f32 v4, v3;
	_ =	sdelay $0x1  }
0x1fa: {  	v3 =	vmul.f32 v3, v5;
	_ =	sdelay $0x1  }
0x1fb: {  	[tilespmem:s3+$0xA540] =	vst v3;
	v3 =	vld [tilespmem:s3+$0xA550]  }
0x1fc: {  	v4 =	vld.idx.msk [tilespmem:v6+s0+$0x0], $0xffff  }
0x1fd: {  	v5 =	vld.idx.msk [tilespmem:v7+s0+$0x0], $0xffff  }
0x1fe: {  	v6 =	vld [tilespmem:s3+$0x5560]  }
0x1ff: {  	v7 =	vld [tilespmem:s3+$0x7D60];
	_ =	sdelay $0x1  }
0x200: {  	v3 =	vmul.f32 v3, v4;
	_ =	sdelay $0x1  }
0x201: {  	v3 =	vmul.f32 v3, v5;
	_ =	sdelay $0x1  }
0x202: {  	[tilespmem:s3+$0xA550] =	vst v3;
	v3 =	vld [tilespmem:s3+$0xA560]  }
0x203: {  	v4 =	vld.idx.msk [tilespmem:v6+s0+$0x0], $0xffff  }
0x204: {  	v5 =	vld.idx.msk [tilespmem:v7+s0+$0x0], $0xffff  }
0x205: {  	v6 =	vld [tilespmem:s3+$0x5570];
	_ =	sdelay $0x2  }
0x206: {  	v3 =	vmul.f32 v3, v4  }
0x207: {  	v7 =	vld [tilespmem:s3+$0x7D70]  }
0x208: {  	v3 =	vmul.f32 v3, v5;
	_ =	sdelay $0x1  }
0x209: {  	[tilespmem:s3+$0xA560] =	vst v3;
	v3 =	vld [tilespmem:s3+$0xA570]  }
0x20a: {  	v4 =	vld.idx.msk [tilespmem:v6+s0+$0x0], $0xffff;
	_ =	sdelay $0x3  }
0x20b: {  	s7 =	simm.s32 $0x80;
	v5 =	vld.idx.msk [tilespmem:v7+s0+$0x0], $0xffff  }
0x20c: {  	v6 =	vmul.f32 v3, v4;
	v4 =	vld [tilespmem:s7+$0x5500];
	_ =	sdelay $0x1  }
0x20d: {  	v3 =	vld [tilespmem:s7+$0x7D00];
	_ =	sdelay $0x2  }
0x20e: {  	s4 =	simm.s32 $0x400;
	v5 =	vmul.f32 v6, v5  }
.LBB2_14:
0x20f: {  	_ = 	snop  }
0x210: {  	p1 =	sne.s32 s4, $0x9E00;
	s5 =	smov.u32 s4;
	s4 =	sadd.s32 $0x200, s4;
	[tilespmem:s3+$0xA570] =	vst v5  }
0x211: {  	s3 =	smov.u32 s7;
	v4 =	vld.idx.msk [tilespmem:v4+s0+$0x0], $0xffff  }
0x212: {  	v5 =	vld [tilespmem:s3+$0xA500]  }
0x213: {  	v3 =	vld.idx.msk [tilespmem:v3+s0+$0x0], $0xffff  }
0x214: {  	v6 =	vld [tilespmem:s3+$0x5510];
	_ =	sdelay $0x1  }
0x215: {  	v7 =	vld [tilespmem:s3+$0x7D10]  }
0x216: {  	v4 =	vmul.f32 v5, v4;
	_ =	sdelay $0x1  }
0x217: {  	v3 =	vmul.f32 v4, v3;
	_ =	sdelay $0x1  }
0x218: {  	[tilespmem:s3+$0xA500] =	vst v3  }
0x219: {  	v3 =	vld.idx.msk [tilespmem:v6+s0+$0x0], $0xffff  }
0x21a: {  	v4 =	vld [tilespmem:s3+$0xA510]  }
0x21b: {  	v5 =	vld.idx.msk [tilespmem:v7+s0+$0x0], $0xffff  }
0x21c: {  	v6 =	vld [tilespmem:s3+$0x5520];
	_ =	sdelay $0x1  }
0x21d: {  	v7 =	vld [tilespmem:s3+$0x7D20]  }
0x21e: {  	v3 =	vmul.f32 v4, v3;
	_ =	sdelay $0x1  }
0x21f: {  	v3 =	vmul.f32 v3, v5;
	_ =	sdelay $0x1  }
0x220: {  	[tilespmem:s3+$0xA510] =	vst v3  }
0x221: {  	v3 =	vld.idx.msk [tilespmem:v6+s0+$0x0], $0xffff  }
0x222: {  	v4 =	vld [tilespmem:s3+$0xA520]  }
0x223: {  	v5 =	vld.idx.msk [tilespmem:v7+s0+$0x0], $0xffff  }
0x224: {  	v6 =	vld [tilespmem:s3+$0x5530];
	_ =	sdelay $0x1  }
0x225: {  	v7 =	vld [tilespmem:s3+$0x7D30]  }
0x226: {  	v3 =	vmul.f32 v4, v3;
	_ =	sdelay $0x1  }
0x227: {  	v3 =	vmul.f32 v3, v5;
	_ =	sdelay $0x1  }
0x228: {  	[tilespmem:s3+$0xA520] =	vst v3  }
0x229: {  	v3 =	vld.idx.msk [tilespmem:v6+s0+$0x0], $0xffff  }
0x22a: {  	v4 =	vld [tilespmem:s3+$0xA530]  }
0x22b: {  	v5 =	vld.idx.msk [tilespmem:v7+s0+$0x0], $0xffff  }
0x22c: {  	v6 =	vld [tilespmem:s3+$0x5540];
	_ =	sdelay $0x1  }
0x22d: {  	v7 =	vld [tilespmem:s3+$0x7D40]  }
0x22e: {  	v3 =	vmul.f32 v4, v3;
	_ =	sdelay $0x1  }
0x22f: {  	v3 =	vmul.f32 v3, v5;
	_ =	sdelay $0x1  }
0x230: {  	[tilespmem:s3+$0xA530] =	vst v3  }
0x231: {  	v3 =	vld.idx.msk [tilespmem:v6+s0+$0x0], $0xffff  }
0x232: {  	v4 =	vld [tilespmem:s3+$0xA540]  }
0x233: {  	v5 =	vld.idx.msk [tilespmem:v7+s0+$0x0], $0xffff  }
0x234: {  	v6 =	vld [tilespmem:s3+$0x5550]  }
0x235: {  	v7 =	vld [tilespmem:s3+$0x7D50];
	_ =	sdelay $0x1  }
0x236: {  	v3 =	vmul.f32 v4, v3;
	_ =	sdelay $0x1  }
0x237: {  	v3 =	vmul.f32 v3, v5;
	_ =	sdelay $0x1  }
0x238: {  	[tilespmem:s3+$0xA540] =	vst v3;
	v3 =	vld [tilespmem:s3+$0xA550]  }
0x239: {  	v4 =	vld.idx.msk [tilespmem:v6+s0+$0x0], $0xffff  }
0x23a: {  	v5 =	vld.idx.msk [tilespmem:v7+s0+$0x0], $0xffff;
	_ =	sdelay $0x1  }
0x23b: {  	v6 =	vld [tilespmem:s3+$0x5560]  }
0x23c: {  	v7 =	vld [tilespmem:s3+$0x7D60];
	_ =	sdelay $0x1  }
0x23d: {  	v3 =	vmul.f32 v3, v4;
	_ =	sdelay $0x1  }
0x23e: {  	v3 =	vmul.f32 v3, v5;
	_ =	sdelay $0x1  }
0x23f: {  	[tilespmem:s3+$0xA550] =	vst v3;
	v3 =	vld [tilespmem:s3+$0xA560]  }
0x240: {  	v4 =	vld.idx.msk [tilespmem:v6+s0+$0x0], $0xffff  }
0x241: {  	v5 =	vld.idx.msk [tilespmem:v7+s0+$0x0], $0xffff;
	_ =	sdelay $0x1  }
0x242: {  	v6 =	vld [tilespmem:s3+$0x5570]  }
0x243: {  	v7 =	vld [tilespmem:s3+$0x7D70];
	_ =	sdelay $0x1  }
0x244: {  	v3 =	vmul.f32 v3, v4;
	_ =	sdelay $0x1  }
0x245: {  	v3 =	vmul.f32 v3, v5;
	_ =	sdelay $0x1  }
0x246: {  	[tilespmem:s3+$0xA560] =	vst v3;
	v5 =	vld [tilespmem:s3+$0xA570]  }
0x247: {  	v6 =	vld.idx.msk [tilespmem:v6+s0+$0x0], $0xffff  }
0x248: {  	v7 =	vld.idx.msk [tilespmem:v7+s0+$0x0], $0xffff  }
0x249: {  	s7 =	sshra.s32 s5, $0x2  }
0x24a: {  	v4 =	vld [tilespmem:s7+$0x5500]  }
.Ltmp6:
0x24b: {  	v3 =	vld [tilespmem:s7+$0x7D00];
	(pc) =	sbr.rel @p1 .LBB2_14-.Ltmp6, $3  }
0x24c: {  	_ = 	snop  }
0x24d: {  	v5 =	vmul.f32 v5, v6;
	_ =	sdelay $0x1  }
0x24e: {  	v5 =	vmul.f32 v5, v7  }
0x24f: {  	_ =	sdelay $0x2  }
0x250: {  	[tilespmem:s3+$0xA570] =	vst v5  }
0x251: {  	v4 =	vld.idx.msk [tilespmem:v4+s0+$0x0], $0xffff  }
0x252: {  	v5 =	vld [tilespmem:s7+$0xA500]  }
0x253: {  	v3 =	vld.idx.msk [tilespmem:v3+s0+$0x0], $0xffff  }
0x254: {  	v6 =	vld [tilespmem:s7+$0x5510];
	_ =	sdelay $0x1  }
0x255: {  	v7 =	vld [tilespmem:s7+$0x7D10]  }
0x256: {  	v4 =	vmul.f32 v5, v4;
	_ =	sdelay $0x1  }
0x257: {  	v3 =	vmul.f32 v4, v3;
	_ =	sdelay $0x1  }
0x258: {  	v38 =	vld [tilespmem:s7+$0xA510];
	[tilespmem:s7+$0xA500] =	vst v3  }
0x259: {  	v3 =	vld.idx.msk [tilespmem:v6+s0+$0x0], $0xffff  }
0x25a: {  	v40 =	vld [tilespmem:s7+$0x5520]  }
0x25b: {  	v39 =	vld.idx.msk [tilespmem:v7+s0+$0x0], $0xffff;
	_ =	sdelay $0x1  }
0x25c: {  	v41 =	vld [tilespmem:s7+$0x7D20]  }
0x25d: {  	v3 =	vmul.f32 v38, v3;
	_ =	sdelay $0x1  }
0x25e: {  	v3 =	vmul.f32 v3, v39;
	_ =	sdelay $0x1  }
0x25f: {  	v42 =	vld [tilespmem:s7+$0xA520];
	[tilespmem:s7+$0xA510] =	vst v3  }
0x260: {  	v3 =	vld.idx.msk [tilespmem:v40+s0+$0x0], $0xffff  }
0x261: {  	v44 =	vld [tilespmem:s7+$0x5530]  }
0x262: {  	v43 =	vld.idx.msk [tilespmem:v41+s0+$0x0], $0xffff;
	_ =	sdelay $0x1  }
0x263: {  	v45 =	vld [tilespmem:s7+$0x7D30]  }
0x264: {  	v3 =	vmul.f32 v42, v3;
	_ =	sdelay $0x1  }
0x265: {  	v3 =	vmul.f32 v3, v43;
	_ =	sdelay $0x1  }
0x266: {  	v46 =	vld [tilespmem:s7+$0xA530];
	[tilespmem:s7+$0xA520] =	vst v3  }
0x267: {  	v3 =	vld.idx.msk [tilespmem:v44+s0+$0x0], $0xffff  }
0x268: {  	v48 =	vld [tilespmem:s7+$0x5540]  }
0x269: {  	v47 =	vld.idx.msk [tilespmem:v45+s0+$0x0], $0xffff;
	_ =	sdelay $0x1  }
0x26a: {  	v49 =	vld [tilespmem:s7+$0x7D40]  }
0x26b: {  	v3 =	vmul.f32 v46, v3;
	_ =	sdelay $0x1  }
0x26c: {  	v3 =	vmul.f32 v3, v47;
	_ =	sdelay $0x1  }
0x26d: {  	v50 =	vld [tilespmem:s7+$0xA540];
	[tilespmem:s7+$0xA530] =	vst v3  }
0x26e: {  	v3 =	vld.idx.msk [tilespmem:v48+s0+$0x0], $0xffff  }
0x26f: {  	v52 =	vld [tilespmem:s7+$0x5550]  }
0x270: {  	v51 =	vld.idx.msk [tilespmem:v49+s0+$0x0], $0xffff;
	_ =	sdelay $0x1  }
0x271: {  	v53 =	vld [tilespmem:s7+$0x7D50]  }
0x272: {  	v3 =	vmul.f32 v50, v3;
	_ =	sdelay $0x1  }
0x273: {  	v3 =	vmul.f32 v3, v51;
	_ =	sdelay $0x1  }
0x274: {  	[tilespmem:s7+$0xA540] =	vst v3;
	v3 =	vld [tilespmem:s7+$0xA550]  }
0x275: {  	v54 =	vld.idx.msk [tilespmem:v52+s0+$0x0], $0xffff  }
0x276: {  	v56 =	vld [tilespmem:s7+$0x5560]  }
0x277: {  	v55 =	vld.idx.msk [tilespmem:v53+s0+$0x0], $0xffff;
	_ =	sdelay $0x1  }
0x278: {  	v57 =	vld [tilespmem:s7+$0x7D60]  }
0x279: {  	v3 =	vmul.f32 v3, v54;
	_ =	sdelay $0x1  }
0x27a: {  	v3 =	vmul.f32 v3, v55;
	_ =	sdelay $0x1  }
0x27b: {  	[tilespmem:s7+$0xA550] =	vst v3;
	v3 =	vld [tilespmem:s7+$0xA560]  }
0x27c: {  	v58 =	vld.idx.msk [tilespmem:v56+s0+$0x0], $0xffff  }
0x27d: {  	v60 =	vld [tilespmem:s7+$0x5570]  }
0x27e: {  	v59 =	vld.idx.msk [tilespmem:v57+s0+$0x0], $0xffff;
	_ =	sdelay $0x1  }
0x27f: {  	v61 =	vld [tilespmem:s7+$0x7D70]  }
0x280: {  	v3 =	vmul.f32 v3, v58;
	_ =	sdelay $0x1  }
0x281: {  	v3 =	vmul.f32 v3, v59;
	_ =	sdelay $0x1  }
0x282: {  	[tilespmem:s7+$0xA560] =	vst v3;
	v3 =	vld [tilespmem:s7+$0xA570]  }
0x283: {  	v62 =	vld.idx.msk [tilespmem:v60+s0+$0x0], $0xffff;
	_ =	sdelay $0x1  }
0x284: {  	v63 =	vld.idx.msk [tilespmem:v61+s0+$0x0], $0xffff;
	_ =	sdelay $0x2  }
0x285: {  	v3 =	vmul.f32 v3, v62;
	_ =	sdelay $0x1  }
0x286: {  	v3 =	vmul.f32 v3, v63;
	_ =	sdelay $0x1  }
0x287: {  	s31 =	simm.s32 $0x0;
	s19 =	simm.s32 $0xA500;
	s23 =	rddreg [dreg:$0x13];
	[tilespmem:s7+$0xA570] =	vst v3  }
0x288: {  	[hbm4b:s23+s31] =	stream.linear.scatter [tilespmem:s19], [sflag:$0xA], $0x2800, $0x38;
	[tilespmem:$0x14200] =	vst v63  }
0x289: {  	_ =	swait.ge [sflag:s26], $0x2800  }
0x28a: {  	[sflag:s26] =	ssyncset.done $0x0  }
0x28b: {  	s4 =	simm.s32 $0x10A00;
	[sflag:s26] =	ssyncadd.s32 $0xFFFFD800  }
0x28c: {  	[tilespmem:s25], [sflag:$0x1] =	stream.indirect.gather [spmem:s1], $0x10, s18, s29, $0xb8;
	[tilespmem:$0x14200] =	vst v63  }
0x28d: {  	s28 =	simm.s32 $0x5600;
	s30 =	simm.s32 $0x11200;
	s25 =	simm.s32 $0x5580  }
0x28e: {  	[tilespmem:s4], [sflag:$0x2] =	stream.indirect.gather [spmem:s1], $0x10, s25, s29, $0xb8;
	[tilespmem:$0x14200] =	vst v63  }
0x28f: {  	s3 =	simm.s32 $0xA680;
	s7 =	simm.s32 $0xA580;
	s18 =	simm.s32 $0xA600  }
0x290: {  	[tilespmem:s30], [sflag:$0x3] =	stream.indirect.gather [spmem:s1], $0x10, s28, s29, $0xb8;
	[tilespmem:$0x14200] =	vst v63  }
.LBB2_16:
0x291: {  	_ =	swait.ge [sflag:s24], $0x800  }
0x292: {  	s4 =	sshll.u32 s31, $0x9;
	s8 =	simm.s32 $0x11A00;
	[sflag:s24] =	ssyncset.done $0x0  }
0x293: {  	p1 =	seq.s32 s31, $0x0;
	s5 =	sadd.s32 $0x5680, s4;
	[sflag:s24] =	ssyncadd.s32 $0xFFFFF800  }
0x294: {  	[tilespmem:s8], [sflag:$0x4] =	stream.indirect.gather [spmem:s1], $0x10, s5, s29, $0xb8;
	[tilespmem:$0x14200] =	vst v63  }
0x295: {  	s5 =	simm.s32 @!p1 $0x5  }
0x296: {  	_ =	swait.ge @!p1 [sflag:s5], $0x800  }
0x297: {  	[sflag:s5] =	ssyncset.done @!p1 $0x0  }
0x298: {  	s23 =	simm.s32 $0x0;
	[sflag:s5] =	ssyncadd.s32 @!p1 $0xFFFFF800  }
0x299: {  	s25 =	sshll.u32 s31, $0xB;
	v4 =	vld [tilespmem:s23+$0x10200]  }
0x29a: {  	s30 =	sor.u32 $0x180, s4;
	s4 =	simm.s32 $0x400;
	s5 =	smov.u32 s19;
	v3 =	vld [tilespmem:s19+$0x0]  }
.LBB2_17:
0x29b: {  	p1 =	sne.s32 s4, $0x1C00;
	v5 =	vld [tilespmem:s23+$0x10210]  }
0x29c: {  	v6 =	vld [tilespmem:s23+$0x10220]  }
0x29d: {  	v7 =	vld [tilespmem:s23+$0x10230]  }
0x29e: {  	v8 =	vld [tilespmem:s23+$0x10240]  }
0x29f: {  	v9 =	vbroadcast v3, $0x0;
	v10 =	vbroadcast v3, $0x1;
	v11 =	vld [tilespmem:s23+$0x10250]  }
0x2a0: {  	v12 =	vbroadcast v3, $0x2;
	v13 =	vbroadcast v3, $0x3;
	v14 =	vld [tilespmem:s23+$0x10260]  }
0x2a1: {  	v4 =	vmul.f32 v9, v4;
	v5 =	vmul.f32 v5, v10;
	v9 =	vld [tilespmem:s23+$0x10270]  }
0x2a2: {  	v6 =	vmul.f32 v6, v12;
	v7 =	vmul.f32 v7, v13;
	v10 =	vld [tilespmem:s23+$0x10280]  }
0x2a3: {  	v12 =	vbroadcast v3, $0x5;
	[tilespmem:s23+$0x12200] =	vst v4;
	v4 =	vbroadcast v3, $0x4;
	v13 =	vld [tilespmem:s23+$0x10290]  }
0x2a4: {  	v15 =	vbroadcast v3, $0x7;
	[tilespmem:s23+$0x12210] =	vst v5;
	v5 =	vbroadcast v3, $0x6;
	v16 =	vld [tilespmem:s23+$0x102A0]  }
0x2a5: {  	[tilespmem:s23+$0x12220] =	vst v6;
	v4 =	vmul.f32 v8, v4;
	v6 =	vmul.f32 v11, v12;
	v8 =	vld [tilespmem:s23+$0x102B0]  }
0x2a6: {  	[tilespmem:s23+$0x12230] =	vst v7;
	v5 =	vmul.f32 v14, v5;
	v7 =	vmul.f32 v9, v15;
	v9 =	vld [tilespmem:s23+$0x102C0]  }
0x2a7: {  	v11 =	vbroadcast v3, $0x9;
	[tilespmem:s23+$0x12240] =	vst v4;
	v4 =	vbroadcast v3, $0x8;
	v12 =	vld [tilespmem:s23+$0x102D0]  }
0x2a8: {  	v14 =	vbroadcast v3, $0xB;
	[tilespmem:s23+$0x12250] =	vst v6;
	v6 =	vbroadcast v3, $0xA;
	v15 =	vld [tilespmem:s23+$0x102E0]  }
0x2a9: {  	[tilespmem:s23+$0x12260] =	vst v5;
	v4 =	vmul.f32 v10, v4;
	v5 =	vmul.f32 v13, v11;
	v10 =	vld [tilespmem:s23+$0x102F0]  }
0x2aa: {  	[tilespmem:s23+$0x12270] =	vst v7;
	v6 =	vmul.f32 v16, v6;
	v7 =	vmul.f32 v8, v14  }
0x2ab: {  	v8 =	vbroadcast v3, $0xD;
	[tilespmem:s23+$0x12280] =	vst v4;
	v4 =	vbroadcast v3, $0xC  }
0x2ac: {  	[tilespmem:s23+$0x12290] =	vst v5;
	v5 =	vbroadcast v3, $0xE;
	v3 =	vbroadcast v3, $0xF  }
0x2ad: {  	[tilespmem:s23+$0x122A0] =	vst v6;
	v4 =	vmul.f32 v9, v4;
	v6 =	vmul.f32 v12, v8  }
0x2ae: {  	[tilespmem:s23+$0x122B0] =	vst v7;
	v5 =	vmul.f32 v15, v5;
	v3 =	vmul.f32 v10, v3  }
.Ltmp7:
0x2af: {  	[tilespmem:s23+$0x122C0] =	vst v4;
	(pc) =	sbr.rel @p1 .LBB2_17-.Ltmp7, $4  }
0x2b0: {  	[tilespmem:s23+$0x122D0] =	vst v6  }
0x2b1: {  	s11 =	sshra.s32 s4, $0x2;
	[tilespmem:s23+$0x122E0] =	vst v5  }
0x2b2: {  	s5 =	sadd.s32 $0x10, s5;
	v4 =	vld [tilespmem:s11+$0x10200];
	[tilespmem:s23+$0x122F0] =	vst v3;
	s23 =	smov.u32 s11  }
0x2b3: {  	s4 =	sadd.s32 $0x400, s4;
	v3 =	vld [tilespmem:s5+$0x0]  }
0x2b4: {  	_ =	sdelay $0x1  }
0x2b5: {  	v5 =	vld [tilespmem:s23+$0x10210]  }
0x2b6: {  	v6 =	vld [tilespmem:s23+$0x10220]  }
0x2b7: {  	v7 =	vld [tilespmem:s23+$0x10230];
	v9 =	vbroadcast v3, $0x0  }
0x2b8: {  	v8 =	vld [tilespmem:s23+$0x10240];
	v12 =	vbroadcast v3, $0x1  }
0x2b9: {  	v10 =	vld [tilespmem:s23+$0x10250];
	v14 =	vbroadcast v3, $0x2;
	v4 =	vmul.f32 v9, v4  }
0x2ba: {  	v11 =	vld [tilespmem:s23+$0x10260];
	v51 =	vbroadcast v3, $0x3;
	v5 =	vmul.f32 v5, v12  }
0x2bb: {  	v50 =	vld [tilespmem:s23+$0x10270];
	v52 =	vbroadcast v3, $0x4;
	v6 =	vmul.f32 v6, v14;
	[tilespmem:s23+$0x12200] =	vst v4  }
0x2bc: {  	v13 =	vld [tilespmem:s23+$0x10280];
	v53 =	vbroadcast v3, $0x5;
	v7 =	vmul.f32 v7, v51;
	[tilespmem:s23+$0x12210] =	vst v5  }
0x2bd: {  	v54 =	vbroadcast v3, $0x6;
	v8 =	vmul.f32 v8, v52;
	v4 =	vld [tilespmem:s23+$0x10290];
	[tilespmem:s23+$0x12220] =	vst v6  }
0x2be: {  	v56 =	vbroadcast v3, $0x7;
	v10 =	vmul.f32 v10, v53;
	v5 =	vld [tilespmem:s23+$0x102A0];
	[tilespmem:s23+$0x12230] =	vst v7  }
0x2bf: {  	v57 =	vbroadcast v3, $0x8;
	v11 =	vmul.f32 v11, v54;
	v6 =	vld [tilespmem:s23+$0x102B0];
	[tilespmem:s23+$0x12240] =	vst v8  }
0x2c0: {  	v59 =	vbroadcast v3, $0x9;
	v9 =	vmul.f32 v50, v56;
	v7 =	vld [tilespmem:s23+$0x102C0];
	[tilespmem:s23+$0x12250] =	vst v10  }
0x2c1: {  	v55 =	vld [tilespmem:s23+$0x102D0];
	v60 =	vbroadcast v3, $0xA;
	[tilespmem:s23+$0x12260] =	vst v11;
	v10 =	vmul.f32 v13, v57  }
0x2c2: {  	v58 =	vld [tilespmem:s23+$0x102E0];
	v15 =	vbroadcast v3, $0xB;
	[tilespmem:s23+$0x12270] =	vst v9;
	v4 =	vmul.f32 v4, v59  }
0x2c3: {  	v61 =	vld [tilespmem:s23+$0x102F0];
	v62 =	vbroadcast v3, $0xC;
	[tilespmem:s23+$0x12280] =	vst v10;
	v5 =	vmul.f32 v5, v60  }
0x2c4: {  	v63 =	vbroadcast v3, $0xD;
	v6 =	vmul.f32 v6, v15;
	[tilespmem:s23+$0x12290] =	vst v4  }
0x2c5: {  	v4 =	vbroadcast v3, $0xE;
	[tilespmem:s23+$0x122A0] =	vst v5;
	v5 =	vmul.f32 v7, v62  }
0x2c6: {  	v3 =	vbroadcast v3, $0xF;
	v7 =	vmul.f32 v55, v63;
	[tilespmem:s23+$0x122B0] =	vst v6  }
0x2c7: {  	v4 =	vmul.f32 v58, v4;
	[tilespmem:s23+$0x122C0] =	vst v5  }
0x2c8: {  	v3 =	vmul.f32 v61, v3;
	[tilespmem:s23+$0x122D0] =	vst v7  }
0x2c9: {  	s4 =	sshra.s32 s25, $0x2;
	[tilespmem:s23+$0x122E0] =	vst v4  }
0x2ca: {  	s5 =	simm.s32 $0x12200;
	p1 =	seq.s32 s31, $0x13;
	s4 =	sadd.s32 $0x7D00, s4;
	[tilespmem:s23+$0x122F0] =	vst v3  }
0x2cb: {  	[spmem:s2] =	stream.indirect.scatter.add.f32 [tilespmem:s5], [sflag:$0x5], $0x10, s4, s29, $0xb8;
	[tilespmem:$0x14200] =	vst v63  }
0x2cc: {  	p2 =	seq.s32 @!p1 s31, $0x0;
	s11 =	simm.s32 @!p1 $0x10200;
	_ =	swait.ge [sflag:s9], $0x800  }
0x2cd: {  	p2 =	por p1, !p2;
	s23 =	sshra.s32 @!p1 s25, $0x2;
	[sflag:s9] =	ssyncset.done $0x0  }
0x2ce: {  	s4 =	sadd.s32 @!p1 $0x5700, s23;
	s5 =	simm.s32 @!p1 $0x80;
	[sflag:s9] =	ssyncadd.s32 $0xFFFFF800  }
0x2cf: {  	[tilespmem:s11], [sflag:$0x1] =	stream.indirect.gather @!p1 [spmem:s1], $0x10, s4, s5, $0xb8;
	[tilespmem:$0x14200] =	vst v63  }
0x2d0: {  	_ =	swait.ge @p2 [sflag:s20], $0x800  }
0x2d1: {  	[sflag:s20] =	ssyncset.done @p2 $0x0  }
0x2d2: {  	s5 =	simm.s32 $0x0;
	[sflag:s20] =	ssyncadd.s32 @p2 $0xFFFFF800  }
0x2d3: {  	v4 =	vld [tilespmem:s5+$0x10A00]  }
0x2d4: {  	s28 =	simm.s32 $0x400;
	s4 =	sor.u32 $0x200, s25;
	s11 =	smov.u32 s7;
	v3 =	vld [tilespmem:s7+$0x0]  }
.LBB2_19:
0x2d5: {  	p3 =	sne.s32 s28, $0x1C00;
	v5 =	vld [tilespmem:s5+$0x10A10]  }
0x2d6: {  	v6 =	vld [tilespmem:s5+$0x10A20]  }
0x2d7: {  	v7 =	vld [tilespmem:s5+$0x10A30]  }
0x2d8: {  	v8 =	vld [tilespmem:s5+$0x10A40]  }
0x2d9: {  	v9 =	vbroadcast v3, $0x0;
	v10 =	vbroadcast v3, $0x1;
	v11 =	vld [tilespmem:s5+$0x10A50]  }
0x2da: {  	v12 =	vbroadcast v3, $0x2;
	v13 =	vbroadcast v3, $0x3;
	v14 =	vld [tilespmem:s5+$0x10A60]  }
0x2db: {  	v4 =	vmul.f32 v9, v4;
	v5 =	vmul.f32 v5, v10;
	v9 =	vld [tilespmem:s5+$0x10A70]  }
0x2dc: {  	v6 =	vmul.f32 v6, v12;
	v7 =	vmul.f32 v7, v13;
	v10 =	vld [tilespmem:s5+$0x10A80]  }
0x2dd: {  	v12 =	vbroadcast v3, $0x5;
	[tilespmem:s5+$0x12A00] =	vst v4;
	v4 =	vbroadcast v3, $0x4;
	v13 =	vld [tilespmem:s5+$0x10A90]  }
0x2de: {  	v15 =	vbroadcast v3, $0x7;
	[tilespmem:s5+$0x12A10] =	vst v5;
	v5 =	vbroadcast v3, $0x6;
	v16 =	vld [tilespmem:s5+$0x10AA0]  }
0x2df: {  	[tilespmem:s5+$0x12A20] =	vst v6;
	v4 =	vmul.f32 v8, v4;
	v6 =	vmul.f32 v11, v12;
	v8 =	vld [tilespmem:s5+$0x10AB0]  }
0x2e0: {  	[tilespmem:s5+$0x12A30] =	vst v7;
	v5 =	vmul.f32 v14, v5;
	v7 =	vmul.f32 v9, v15;
	v9 =	vld [tilespmem:s5+$0x10AC0]  }
0x2e1: {  	v11 =	vbroadcast v3, $0x9;
	[tilespmem:s5+$0x12A40] =	vst v4;
	v4 =	vbroadcast v3, $0x8;
	v12 =	vld [tilespmem:s5+$0x10AD0]  }
0x2e2: {  	v14 =	vbroadcast v3, $0xB;
	[tilespmem:s5+$0x12A50] =	vst v6;
	v6 =	vbroadcast v3, $0xA;
	v15 =	vld [tilespmem:s5+$0x10AE0]  }
0x2e3: {  	[tilespmem:s5+$0x12A60] =	vst v5;
	v4 =	vmul.f32 v10, v4;
	v5 =	vmul.f32 v13, v11;
	v10 =	vld [tilespmem:s5+$0x10AF0]  }
0x2e4: {  	[tilespmem:s5+$0x12A70] =	vst v7;
	v6 =	vmul.f32 v16, v6;
	v7 =	vmul.f32 v8, v14  }
0x2e5: {  	v8 =	vbroadcast v3, $0xD;
	[tilespmem:s5+$0x12A80] =	vst v4;
	v4 =	vbroadcast v3, $0xC  }
0x2e6: {  	[tilespmem:s5+$0x12A90] =	vst v5;
	v5 =	vbroadcast v3, $0xE;
	v3 =	vbroadcast v3, $0xF  }
0x2e7: {  	[tilespmem:s5+$0x12AA0] =	vst v6;
	v4 =	vmul.f32 v9, v4;
	v6 =	vmul.f32 v12, v8  }
0x2e8: {  	[tilespmem:s5+$0x12AB0] =	vst v7;
	v5 =	vmul.f32 v15, v5;
	v3 =	vmul.f32 v10, v3  }
.Ltmp8:
0x2e9: {  	[tilespmem:s5+$0x12AC0] =	vst v4;
	(pc) =	sbr.rel @p3 .LBB2_19-.Ltmp8, $4  }
0x2ea: {  	[tilespmem:s5+$0x12AD0] =	vst v6  }
0x2eb: {  	s8 =	sshra.s32 s28, $0x2;
	[tilespmem:s5+$0x12AE0] =	vst v5  }
0x2ec: {  	s11 =	sadd.s32 $0x10, s11;
	v4 =	vld [tilespmem:s8+$0x10A00];
	[tilespmem:s5+$0x12AF0] =	vst v3;
	s5 =	smov.u32 s8  }
0x2ed: {  	s28 =	sadd.s32 $0x400, s28;
	v3 =	vld [tilespmem:s11+$0x0]  }
0x2ee: {  	_ =	sdelay $0x1  }
0x2ef: {  	v5 =	vld [tilespmem:s5+$0x10A10]  }
0x2f0: {  	v6 =	vld [tilespmem:s5+$0x10A20]  }
0x2f1: {  	v7 =	vld [tilespmem:s5+$0x10A30];
	v9 =	vbroadcast v3, $0x0  }
0x2f2: {  	v8 =	vld [tilespmem:s5+$0x10A40];
	v12 =	vbroadcast v3, $0x1  }
0x2f3: {  	v10 =	vld [tilespmem:s5+$0x10A50];
	v14 =	vbroadcast v3, $0x2;
	v4 =	vmul.f32 v9, v4  }
0x2f4: {  	v11 =	vld [tilespmem:s5+$0x10A60];
	v51 =	vbroadcast v3, $0x3;
	v5 =	vmul.f32 v5, v12  }
0x2f5: {  	v50 =	vld [tilespmem:s5+$0x10A70];
	v52 =	vbroadcast v3, $0x4;
	v6 =	vmul.f32 v6, v14;
	[tilespmem:s5+$0x12A00] =	vst v4  }
0x2f6: {  	v13 =	vld [tilespmem:s5+$0x10A80];
	v53 =	vbroadcast v3, $0x5;
	v7 =	vmul.f32 v7, v51;
	[tilespmem:s5+$0x12A10] =	vst v5  }
0x2f7: {  	v54 =	vbroadcast v3, $0x6;
	v8 =	vmul.f32 v8, v52;
	v4 =	vld [tilespmem:s5+$0x10A90];
	[tilespmem:s5+$0x12A20] =	vst v6  }
0x2f8: {  	v56 =	vbroadcast v3, $0x7;
	v10 =	vmul.f32 v10, v53;
	v5 =	vld [tilespmem:s5+$0x10AA0];
	[tilespmem:s5+$0x12A30] =	vst v7  }
0x2f9: {  	v57 =	vbroadcast v3, $0x8;
	v11 =	vmul.f32 v11, v54;
	v6 =	vld [tilespmem:s5+$0x10AB0];
	[tilespmem:s5+$0x12A40] =	vst v8  }
0x2fa: {  	v59 =	vbroadcast v3, $0x9;
	v9 =	vmul.f32 v50, v56;
	v7 =	vld [tilespmem:s5+$0x10AC0];
	[tilespmem:s5+$0x12A50] =	vst v10  }
0x2fb: {  	v55 =	vld [tilespmem:s5+$0x10AD0];
	v60 =	vbroadcast v3, $0xA;
	[tilespmem:s5+$0x12A60] =	vst v11;
	v10 =	vmul.f32 v13, v57  }
0x2fc: {  	v58 =	vld [tilespmem:s5+$0x10AE0];
	v15 =	vbroadcast v3, $0xB;
	[tilespmem:s5+$0x12A70] =	vst v9;
	v4 =	vmul.f32 v4, v59  }
0x2fd: {  	v61 =	vld [tilespmem:s5+$0x10AF0];
	v62 =	vbroadcast v3, $0xC;
	[tilespmem:s5+$0x12A80] =	vst v10;
	v5 =	vmul.f32 v5, v60  }
0x2fe: {  	v63 =	vbroadcast v3, $0xD;
	v6 =	vmul.f32 v6, v15;
	[tilespmem:s5+$0x12A90] =	vst v4  }
0x2ff: {  	v4 =	vbroadcast v3, $0xE;
	[tilespmem:s5+$0x12AA0] =	vst v5;
	v5 =	vmul.f32 v7, v62  }
0x300: {  	v3 =	vbroadcast v3, $0xF;
	v7 =	vmul.f32 v55, v63;
	[tilespmem:s5+$0x12AB0] =	vst v6  }
0x301: {  	v4 =	vmul.f32 v58, v4;
	[tilespmem:s5+$0x12AC0] =	vst v5  }
0x302: {  	v3 =	vmul.f32 v61, v3;
	[tilespmem:s5+$0x12AD0] =	vst v7  }
0x303: {  	s4 =	sshra.s32 s4, $0x2;
	[tilespmem:s5+$0x12AE0] =	vst v4  }
0x304: {  	s4 =	sadd.s32 $0x7D00, s4;
	[tilespmem:s5+$0x12AF0] =	vst v3  }
0x305: {  	[spmem:s2] =	stream.indirect.scatter.add.f32 [tilespmem:s10], [sflag:$0x6], $0x10, s4, s29, $0xb8;
	[tilespmem:$0x14200] =	vst v63  }
0x306: {  	_ =	swait.ge [sflag:s12], $0x800  }
0x307: {  	s8 =	simm.s32 @!p1 $0x10A00;
	[sflag:s12] =	ssyncset.done $0x0  }
0x308: {  	s5 =	simm.s32 @!p1 $0x80;
	s4 =	sadd.s32 @!p1 $0x5780, s23;
	[sflag:s12] =	ssyncadd.s32 $0xFFFFF800  }
0x309: {  	[tilespmem:s8], [sflag:$0x2] =	stream.indirect.gather @!p1 [spmem:s1], $0x10, s4, s5, $0xb8;
	[tilespmem:$0x14200] =	vst v63  }
0x30a: {  	_ =	swait.ge @p2 [sflag:s21], $0x800  }
0x30b: {  	[sflag:s21] =	ssyncset.done @p2 $0x0  }
0x30c: {  	s5 =	simm.s32 $0x0;
	[sflag:s21] =	ssyncadd.s32 @p2 $0xFFFFF800  }
0x30d: {  	v4 =	vld [tilespmem:s5+$0x11200]  }
0x30e: {  	s11 =	smov.u32 s18;
	s4 =	sor.u32 $0x400, s25;
	s25 =	simm.s32 $0x400;
	v3 =	vld [tilespmem:s18+$0x0]  }
.LBB2_21:
0x30f: {  	p3 =	sne.s32 s25, $0x1C00;
	v5 =	vld [tilespmem:s5+$0x11210]  }
0x310: {  	v6 =	vld [tilespmem:s5+$0x11220]  }
0x311: {  	v7 =	vld [tilespmem:s5+$0x11230]  }
0x312: {  	v8 =	vld [tilespmem:s5+$0x11240]  }
0x313: {  	v9 =	vbroadcast v3, $0x0;
	v10 =	vbroadcast v3, $0x1;
	v11 =	vld [tilespmem:s5+$0x11250]  }
0x314: {  	v12 =	vbroadcast v3, $0x2;
	v13 =	vbroadcast v3, $0x3;
	v14 =	vld [tilespmem:s5+$0x11260]  }
0x315: {  	v4 =	vmul.f32 v9, v4;
	v5 =	vmul.f32 v5, v10;
	v9 =	vld [tilespmem:s5+$0x11270]  }
0x316: {  	v6 =	vmul.f32 v6, v12;
	v7 =	vmul.f32 v7, v13;
	v10 =	vld [tilespmem:s5+$0x11280]  }
0x317: {  	v12 =	vbroadcast v3, $0x5;
	[tilespmem:s5+$0x13200] =	vst v4;
	v4 =	vbroadcast v3, $0x4;
	v13 =	vld [tilespmem:s5+$0x11290]  }
0x318: {  	v15 =	vbroadcast v3, $0x7;
	[tilespmem:s5+$0x13210] =	vst v5;
	v5 =	vbroadcast v3, $0x6;
	v16 =	vld [tilespmem:s5+$0x112A0]  }
0x319: {  	[tilespmem:s5+$0x13220] =	vst v6;
	v4 =	vmul.f32 v8, v4;
	v6 =	vmul.f32 v11, v12;
	v8 =	vld [tilespmem:s5+$0x112B0]  }
0x31a: {  	[tilespmem:s5+$0x13230] =	vst v7;
	v5 =	vmul.f32 v14, v5;
	v7 =	vmul.f32 v9, v15;
	v9 =	vld [tilespmem:s5+$0x112C0]  }
0x31b: {  	v11 =	vbroadcast v3, $0x9;
	[tilespmem:s5+$0x13240] =	vst v4;
	v4 =	vbroadcast v3, $0x8;
	v12 =	vld [tilespmem:s5+$0x112D0]  }
0x31c: {  	v14 =	vbroadcast v3, $0xB;
	[tilespmem:s5+$0x13250] =	vst v6;
	v6 =	vbroadcast v3, $0xA;
	v15 =	vld [tilespmem:s5+$0x112E0]  }
0x31d: {  	[tilespmem:s5+$0x13260] =	vst v5;
	v4 =	vmul.f32 v10, v4;
	v5 =	vmul.f32 v13, v11;
	v10 =	vld [tilespmem:s5+$0x112F0]  }
0x31e: {  	[tilespmem:s5+$0x13270] =	vst v7;
	v6 =	vmul.f32 v16, v6;
	v7 =	vmul.f32 v8, v14  }
0x31f: {  	v8 =	vbroadcast v3, $0xD;
	[tilespmem:s5+$0x13280] =	vst v4;
	v4 =	vbroadcast v3, $0xC  }
0x320: {  	[tilespmem:s5+$0x13290] =	vst v5;
	v5 =	vbroadcast v3, $0xE;
	v3 =	vbroadcast v3, $0xF  }
0x321: {  	[tilespmem:s5+$0x132A0] =	vst v6;
	v4 =	vmul.f32 v9, v4;
	v6 =	vmul.f32 v12, v8  }
0x322: {  	[tilespmem:s5+$0x132B0] =	vst v7;
	v5 =	vmul.f32 v15, v5;
	v3 =	vmul.f32 v10, v3  }
.Ltmp9:
0x323: {  	[tilespmem:s5+$0x132C0] =	vst v4;
	(pc) =	sbr.rel @p3 .LBB2_21-.Ltmp9, $4  }
0x324: {  	[tilespmem:s5+$0x132D0] =	vst v6  }
0x325: {  	s8 =	sshra.s32 s25, $0x2;
	[tilespmem:s5+$0x132E0] =	vst v5  }
0x326: {  	s11 =	sadd.s32 $0x10, s11;
	v4 =	vld [tilespmem:s8+$0x11200];
	[tilespmem:s5+$0x132F0] =	vst v3;
	s5 =	smov.u32 s8  }
0x327: {  	s25 =	sadd.s32 $0x400, s25;
	v3 =	vld [tilespmem:s11+$0x0]  }
0x328: {  	_ =	sdelay $0x1  }
0x329: {  	v5 =	vld [tilespmem:s5+$0x11210]  }
0x32a: {  	v6 =	vld [tilespmem:s5+$0x11220]  }
0x32b: {  	v7 =	vld [tilespmem:s5+$0x11230];
	v9 =	vbroadcast v3, $0x0  }
0x32c: {  	v8 =	vld [tilespmem:s5+$0x11240];
	v12 =	vbroadcast v3, $0x1  }
0x32d: {  	v10 =	vld [tilespmem:s5+$0x11250];
	v14 =	vbroadcast v3, $0x2;
	v4 =	vmul.f32 v9, v4  }
0x32e: {  	v11 =	vld [tilespmem:s5+$0x11260];
	v51 =	vbroadcast v3, $0x3;
	v5 =	vmul.f32 v5, v12  }
0x32f: {  	v50 =	vld [tilespmem:s5+$0x11270];
	v52 =	vbroadcast v3, $0x4;
	v6 =	vmul.f32 v6, v14;
	[tilespmem:s5+$0x13200] =	vst v4  }
0x330: {  	v13 =	vld [tilespmem:s5+$0x11280];
	v53 =	vbroadcast v3, $0x5;
	v7 =	vmul.f32 v7, v51;
	[tilespmem:s5+$0x13210] =	vst v5  }
0x331: {  	v54 =	vbroadcast v3, $0x6;
	v8 =	vmul.f32 v8, v52;
	v4 =	vld [tilespmem:s5+$0x11290];
	[tilespmem:s5+$0x13220] =	vst v6  }
0x332: {  	v56 =	vbroadcast v3, $0x7;
	v10 =	vmul.f32 v10, v53;
	v5 =	vld [tilespmem:s5+$0x112A0];
	[tilespmem:s5+$0x13230] =	vst v7  }
0x333: {  	v57 =	vbroadcast v3, $0x8;
	v11 =	vmul.f32 v11, v54;
	v6 =	vld [tilespmem:s5+$0x112B0];
	[tilespmem:s5+$0x13240] =	vst v8  }
0x334: {  	v59 =	vbroadcast v3, $0x9;
	v9 =	vmul.f32 v50, v56;
	v7 =	vld [tilespmem:s5+$0x112C0];
	[tilespmem:s5+$0x13250] =	vst v10  }
0x335: {  	v55 =	vld [tilespmem:s5+$0x112D0];
	v60 =	vbroadcast v3, $0xA;
	[tilespmem:s5+$0x13260] =	vst v11;
	v10 =	vmul.f32 v13, v57  }
0x336: {  	v58 =	vld [tilespmem:s5+$0x112E0];
	v15 =	vbroadcast v3, $0xB;
	[tilespmem:s5+$0x13270] =	vst v9;
	v4 =	vmul.f32 v4, v59  }
0x337: {  	v61 =	vld [tilespmem:s5+$0x112F0];
	v62 =	vbroadcast v3, $0xC;
	[tilespmem:s5+$0x13280] =	vst v10;
	v5 =	vmul.f32 v5, v60  }
0x338: {  	v63 =	vbroadcast v3, $0xD;
	v6 =	vmul.f32 v6, v15;
	[tilespmem:s5+$0x13290] =	vst v4  }
0x339: {  	v4 =	vbroadcast v3, $0xE;
	[tilespmem:s5+$0x132A0] =	vst v5;
	v5 =	vmul.f32 v7, v62  }
0x33a: {  	v3 =	vbroadcast v3, $0xF;
	v7 =	vmul.f32 v55, v63;
	[tilespmem:s5+$0x132B0] =	vst v6  }
0x33b: {  	v4 =	vmul.f32 v58, v4;
	[tilespmem:s5+$0x132C0] =	vst v5  }
0x33c: {  	v3 =	vmul.f32 v61, v3;
	[tilespmem:s5+$0x132D0] =	vst v7  }
0x33d: {  	s4 =	sshra.s32 s4, $0x2;
	[tilespmem:s5+$0x132E0] =	vst v4  }
0x33e: {  	s4 =	sadd.s32 $0x7D00, s4;
	[tilespmem:s5+$0x132F0] =	vst v3  }
0x33f: {  	[spmem:s2] =	stream.indirect.scatter.add.f32 [tilespmem:s13], [sflag:$0x7], $0x10, s4, s29, $0xb8;
	[tilespmem:$0x14200] =	vst v63  }
0x340: {  	_ =	swait.ge [sflag:s16], $0x800  }
0x341: {  	s8 =	simm.s32 @!p1 $0x11200;
	[sflag:s16] =	ssyncset.done $0x0  }
0x342: {  	s5 =	simm.s32 @!p1 $0x80;
	s4 =	sadd.s32 @!p1 $0x5800, s23;
	[sflag:s16] =	ssyncadd.s32 $0xFFFFF800  }
0x343: {  	[tilespmem:s8], [sflag:$0x3] =	stream.indirect.gather @!p1 [spmem:s1], $0x10, s4, s5, $0xb8;
	[tilespmem:$0x14200] =	vst v63  }
0x344: {  	_ =	swait.ge @p2 [sflag:s22], $0x800  }
0x345: {  	[sflag:s22] =	ssyncset.done @p2 $0x0  }
0x346: {  	s4 =	simm.s32 $0x0;
	[sflag:s22] =	ssyncadd.s32 @p2 $0xFFFFF800  }
0x347: {  	v4 =	vld [tilespmem:s4+$0x11A00]  }
0x348: {  	s11 =	smov.u32 s3;
	s5 =	simm.s32 $0x400;
	v3 =	vld [tilespmem:s3+$0x0]  }
.LBB2_23:
0x349: {  	p1 =	sne.s32 s5, $0x1C00;
	v5 =	vld [tilespmem:s4+$0x11A10]  }
0x34a: {  	v6 =	vld [tilespmem:s4+$0x11A20]  }
0x34b: {  	v7 =	vld [tilespmem:s4+$0x11A30]  }
0x34c: {  	v8 =	vld [tilespmem:s4+$0x11A40]  }
0x34d: {  	v9 =	vbroadcast v3, $0x0;
	v10 =	vbroadcast v3, $0x1;
	v11 =	vld [tilespmem:s4+$0x11A50]  }
0x34e: {  	v12 =	vbroadcast v3, $0x2;
	v13 =	vbroadcast v3, $0x3;
	v14 =	vld [tilespmem:s4+$0x11A60]  }
0x34f: {  	v4 =	vmul.f32 v9, v4;
	v5 =	vmul.f32 v5, v10;
	v9 =	vld [tilespmem:s4+$0x11A70]  }
0x350: {  	v6 =	vmul.f32 v6, v12;
	v7 =	vmul.f32 v7, v13;
	v10 =	vld [tilespmem:s4+$0x11A80]  }
0x351: {  	v12 =	vbroadcast v3, $0x5;
	[tilespmem:s4+$0x13A00] =	vst v4;
	v4 =	vbroadcast v3, $0x4;
	v13 =	vld [tilespmem:s4+$0x11A90]  }
0x352: {  	v15 =	vbroadcast v3, $0x7;
	[tilespmem:s4+$0x13A10] =	vst v5;
	v5 =	vbroadcast v3, $0x6;
	v16 =	vld [tilespmem:s4+$0x11AA0]  }
0x353: {  	[tilespmem:s4+$0x13A20] =	vst v6;
	v4 =	vmul.f32 v8, v4;
	v6 =	vmul.f32 v11, v12;
	v8 =	vld [tilespmem:s4+$0x11AB0]  }
0x354: {  	[tilespmem:s4+$0x13A30] =	vst v7;
	v5 =	vmul.f32 v14, v5;
	v7 =	vmul.f32 v9, v15;
	v9 =	vld [tilespmem:s4+$0x11AC0]  }
0x355: {  	v11 =	vbroadcast v3, $0x9;
	[tilespmem:s4+$0x13A40] =	vst v4;
	v4 =	vbroadcast v3, $0x8;
	v12 =	vld [tilespmem:s4+$0x11AD0]  }
0x356: {  	v14 =	vbroadcast v3, $0xB;
	[tilespmem:s4+$0x13A50] =	vst v6;
	v6 =	vbroadcast v3, $0xA;
	v15 =	vld [tilespmem:s4+$0x11AE0]  }
0x357: {  	[tilespmem:s4+$0x13A60] =	vst v5;
	v4 =	vmul.f32 v10, v4;
	v5 =	vmul.f32 v13, v11;
	v10 =	vld [tilespmem:s4+$0x11AF0]  }
0x358: {  	[tilespmem:s4+$0x13A70] =	vst v7;
	v6 =	vmul.f32 v16, v6;
	v7 =	vmul.f32 v8, v14  }
0x359: {  	v8 =	vbroadcast v3, $0xD;
	[tilespmem:s4+$0x13A80] =	vst v4;
	v4 =	vbroadcast v3, $0xC  }
0x35a: {  	[tilespmem:s4+$0x13A90] =	vst v5;
	v5 =	vbroadcast v3, $0xE;
	v3 =	vbroadcast v3, $0xF  }
0x35b: {  	[tilespmem:s4+$0x13AA0] =	vst v6;
	v4 =	vmul.f32 v9, v4;
	v6 =	vmul.f32 v12, v8  }
0x35c: {  	[tilespmem:s4+$0x13AB0] =	vst v7;
	v5 =	vmul.f32 v15, v5;
	v3 =	vmul.f32 v10, v3  }
.Ltmp10:
0x35d: {  	[tilespmem:s4+$0x13AC0] =	vst v4;
	(pc) =	sbr.rel @p1 .LBB2_23-.Ltmp10, $4  }
0x35e: {  	[tilespmem:s4+$0x13AD0] =	vst v6  }
0x35f: {  	s8 =	sshra.s32 s5, $0x2;
	[tilespmem:s4+$0x13AE0] =	vst v5  }
0x360: {  	s11 =	sadd.s32 $0x10, s11;
	v4 =	vld [tilespmem:s8+$0x11A00];
	[tilespmem:s4+$0x13AF0] =	vst v3;
	s4 =	smov.u32 s8  }
0x361: {  	s5 =	sadd.s32 $0x400, s5;
	v3 =	vld [tilespmem:s11+$0x0]  }
0x362: {  	_ =	sdelay $0x3  }
0x363: {  	v5 =	vld [tilespmem:s4+$0x11A10];
	v9 =	vbroadcast v3, $0x0  }
0x364: {  	v6 =	vld [tilespmem:s4+$0x11A20];
	v12 =	vbroadcast v3, $0x1;
	v14 =	vbroadcast v3, $0x2  }
0x365: {  	v7 =	vld [tilespmem:s4+$0x11A30];
	v45 =	vbroadcast v3, $0x3;
	v47 =	vbroadcast v3, $0x4  }
0x366: {  	v8 =	vld [tilespmem:s4+$0x11A40];
	v49 =	vbroadcast v3, $0x5;
	v51 =	vbroadcast v3, $0x6  }
0x367: {  	v10 =	vld [tilespmem:s4+$0x11A50];
	v53 =	vbroadcast v3, $0x7;
	v4 =	vmul.f32 v9, v4  }
0x368: {  	v11 =	vld [tilespmem:s4+$0x11A60];
	v54 =	vbroadcast v3, $0x8;
	v5 =	vmul.f32 v5, v12  }
0x369: {  	v43 =	vld [tilespmem:s4+$0x11A70];
	v56 =	vbroadcast v3, $0x9;
	v6 =	vmul.f32 v6, v14;
	[tilespmem:s4+$0x13A00] =	vst v4  }
0x36a: {  	v50 =	vld [tilespmem:s4+$0x11AC0];
	v57 =	vbroadcast v3, $0xA;
	v7 =	vmul.f32 v7, v45;
	[tilespmem:s4+$0x13A10] =	vst v5  }
0x36b: {  	v52 =	vld [tilespmem:s4+$0x11AD0];
	v15 =	vbroadcast v3, $0xB;
	v8 =	vmul.f32 v8, v47;
	[tilespmem:s4+$0x13A20] =	vst v6  }
0x36c: {  	v58 =	vld [tilespmem:s4+$0x11AF0];
	v59 =	vbroadcast v3, $0xC;
	v10 =	vmul.f32 v10, v49;
	[tilespmem:s4+$0x13A30] =	vst v7  }
0x36d: {  	v13 =	vld [tilespmem:s4+$0x11A80];
	v60 =	vbroadcast v3, $0xD;
	v11 =	vmul.f32 v11, v51;
	[tilespmem:s4+$0x13A40] =	vst v8  }
0x36e: {  	v44 =	vld [tilespmem:s4+$0x11A90];
	v61 =	vbroadcast v3, $0xE;
	v9 =	vmul.f32 v43, v53;
	[tilespmem:s4+$0x13A50] =	vst v10  }
0x36f: {  	v46 =	vld [tilespmem:s4+$0x11AA0];
	v3 =	vbroadcast v3, $0xF;
	v62 =	vmul.f32 v50, v59;
	[tilespmem:s4+$0x13A60] =	vst v11  }
0x370: {  	v48 =	vld [tilespmem:s4+$0x11AB0];
	v63 =	vmul.f32 v52, v60;
	[tilespmem:s4+$0x13A70] =	vst v9  }
0x371: {  	v55 =	vld [tilespmem:s4+$0x11AE0];
	v3 =	vmul.f32 v58, v3;
	[tilespmem:s4+$0x13AC0] =	vst v62  }
0x372: {  	v10 =	vmul.f32 v13, v54;
	[tilespmem:s4+$0x13AD0] =	vst v63  }
0x373: {  	s31 =	sadd.s32 $0x1, s31;
	v4 =	vmul.f32 v44, v56;
	[tilespmem:s4+$0x13AF0] =	vst v3  }
0x374: {  	p1 =	sne.s32 s31, $0x14;
	v5 =	vmul.f32 v46, v57;
	[tilespmem:s4+$0x13A80] =	vst v10  }
.Ltmp11:
0x375: {  	v6 =	vmul.f32 v48, v15;
	[tilespmem:s4+$0x13A90] =	vst v4;
	(pc) =	sbr.rel @p1 .LBB2_16-.Ltmp11, $4  }
0x376: {  	[tilespmem:s4+$0x13AA0] =	vst v5;
	v4 =	vmul.f32 v55, v61  }
0x377: {  	s30 =	sadd.s32 $0x7D00, s30;
	s19 =	sadd.s32 $0x200, s19;
	[tilespmem:s4+$0x13AB0] =	vst v6  }
0x378: {  	s7 =	sadd.s32 $0x200, s7;
	s18 =	sadd.s32 $0x200, s18;
	s3 =	sadd.s32 $0x200, s3;
	[tilespmem:s4+$0x13AE0] =	vst v4  }
0x379: {  	[spmem:s2] =	stream.indirect.scatter.add.f32 [tilespmem:s17], [sflag:$0x8], $0x10, s30, s29, $0xb8;
	[tilespmem:$0x14200] =	vst v63  }
0x37a: {  	s3 =	simm.s32 $0x5  }
0x37b: {  	_ =	swait.ge [sflag:s3], $0x800  }
0x37c: {  	[sflag:s3] =	ssyncset.done $0x0  }
0x37d: {  	[sflag:s3] =	ssyncadd.s32 $0xFFFFF800  }
0x37e: {  	_ =	swait.ge [sflag:s20], $0x800  }
0x37f: {  	[sflag:s20] =	ssyncset.done $0x0  }
0x380: {  	[sflag:s20] =	ssyncadd.s32 $0xFFFFF800  }
0x381: {  	_ =	swait.ge [sflag:s21], $0x800  }
0x382: {  	[sflag:s21] =	ssyncset.done $0x0  }
0x383: {  	[sflag:s21] =	ssyncadd.s32 $0xFFFFF800  }
0x384: {  	_ =	swait.ge [sflag:s22], $0x800  }
0x385: {  	[sflag:s22] =	ssyncset.done $0x0  }
0x386: {  	[sflag:s22] =	ssyncadd.s32 $0xFFFFF800  }
0x387: {  	[bflag:$0x0] =	sbarrier.arrive $0xFFFF  }
0x388: {  	s23 =	rddreg [dreg:$0xb]  }
0x389: {  	s4 =	rddreg [dreg:$0x15]  }
0x38a: {  	s5 =	rddreg [dreg:$0x18];
	s19 =	sshrl.u32 s23, $0x3  }
0x38b: {  	[hbm:s4], [sflag:s5] =	dma.local [spmem:s19], $0x500  }
0x38c: {  	_ =	swait.ge [sflag:s26], $0x500  }
0x38d: {  	s25 =	rddreg [dreg:$0x17]  }
0x38e: {  	s31 =	rddreg [dreg:$0x14];
	s4 =	sadd.s32 $0x1, s25  }
0x38f: {  	p1 =	sne.s32 s4, s31  }
.Ltmp12:
0x390: {  	_ = 	snop;
	(pc) =	sbr.rel @p1 .LBB2_1-.Ltmp12, $4  }
0x391: {  	_ = 	snop  }
0x392: {  	s18 =	simm.s32 $0x5500;
	s28 =	simm.s32 $0xCD00  }
0x393: {  	s30 =	simm.s32 $0xD100;
	s19 =	simm.s32 $0xD500;
	[sflag:s26] =	ssyncset.done $0x0  }
0x394: {  	s8 =	rddreg [dreg:$0x10];
	[sflag:s26] =	ssyncadd.s32 $0xFFFFFB00;
	s25 =	simm.s32 $0x10200  }
0x395: {  	_ =	sfence.sel $0x180000  }
0x396: {  	[bflag:$0x0] =	sbarrier.arrive $0xFFFF  }
0x397: {  	_ =	strace $0x90000047  }
0x398: {  	s0 =	stileid.u32;
	[bflag:$0x2] =	sbarrier.arrive $0xFFFF  }
0x399: {  	p0 =	sne.s32 s0, $0x0;
	s0 =	rddreg [dreg:$0x6]  }
0x39a: {  	s0 =	sadd.s32 @!p0 $0x100000, s0  }
0x39b: {  	[sflag:s0] =	ssyncadd.tile.s32 @!p0 $0x1;
	_ =	shalt  }
.Lfunc_end2:
_tile_overlayer_lowered:
.L_overlay_start_2:
0x39c: {  	(tag) =	ssettag $0x2  }
0x39d: {  	s0 =	rddreg [dreg:$0x0];
	s2 =	stileid.u32  }
0x39e: {  	s1 =	rddreg [dreg:$0x1];
	p0 =	sne.s32 s2, $0x0  }
0x39f: {  	s3 =	rddreg [dreg:$0x2];
	[bflag:$0x3] =	sbarrier.arrive $0xFFFF;
	s2 =	simm.s32 @!p0 $0x1C0A  }
0x3a0: {  	[timem:s3], [sflag:s2] =	dma.local @!p0 [hbm:s0], s1  }
0x3a1: {  	s0 =	simm.s32 @!p0 $0xA  }
0x3a2: {  	_ =	swait.ge @!p0 [sflag:s0], s1  }
0x3a3: {  	s1 =	ssub.s32 @!p0 $0x0, s1;
	[sflag:s0] =	ssyncset.done @!p0 $0x0  }
0x3a4: {  	[sflag:s0] =	ssyncadd.s32 @!p0 s1  }
0x3a5: {  	[bflag:$0x3] =	sbarrier.arrive $0xFFFF  }
0x3a6: {  	_ =	shalt  }

</sc_bundles>
